<compile_context>
chip_gen: v7x
topology: tpu7x:2x2x1
jax: 0.10.2.dev20260603
libtpu: 0.0.44.dev20260713+nightly
codegen_flags: <defaults>
</compile_context>

<pallas_src>
import jax
import jax.numpy as jnp
from jax import lax
from jax.experimental import pallas as pl
from jax.experimental.pallas import tpu as pltpu
from jax.experimental.pallas import tpu_sc as plsc

F = 16
P = 196
N = F * P
LANES = 16
K = 8
NUM_DMAS = 12


def _body(table_hbm, out_hbm, table_v, rows_v, mixed_v, sem, msem):
    c = lax.axis_index("c")
    s = lax.axis_index("s")
    start = 392 * (s // 2) + 96 * (2 * (s % 2) + c) + 8 * (s % 2)

    pltpu.sync_copy(table_hbm, table_v)

    lane = lax.iota(jnp.int32, LANES)
    zero = lane * 0
    hi = s + (F - 1)
    bnd = [(49 * g + 12 * t + 12, 4 * g + t, 4 * (t + 1))
           for g in range(4) for t in range(3)]

    @plsc.parallel_loop(0, F)
    def _build(jf):
        vals = plsc.load_gather(table_v, [zero + (hi - jf)])
        base = ((49 * jf + 3) // 4) * LANES
        for k in range(K):
            for t in range(12):
                rows_v[k, pl.ds(base + t * LANES, LANES)] = vals

    for cb, jfa, split in bnd:
        idx = (hi - jfa) - (lane >= split).astype(jnp.int32)
        vals = plsc.load_gather(table_v, [idx])
        for k in range(K):
            rows_v[k, pl.ds(cb * LANES, LANES)] = vals

    copies = [
        pltpu.async_copy(rows_v, out_hbm.at[pl.ds(start + j * K, K)], sem)
        for j in range(NUM_DMAS)
    ]

    @pl.when(s < 4)
    def _mixed():
        m = 2 * s + c
        hia = 2 * m + (F - 1)

        @plsc.parallel_loop(0, F)
        def _mbuild(jf):
            va = plsc.load_gather(table_v, [zero + (hia - jf)])
            vb = plsc.load_gather(table_v, [zero + (hia + 1 - jf)])
            base = ((49 * jf + 3) // 4) * LANES
            for k in range(K // 2):
                for t in range(12):
                    mixed_v[k, pl.ds(base + t * LANES, LANES)] = va
            for k in range(K // 2, K):
                for t in range(12):
                    mixed_v[k, pl.ds(base + t * LANES, LANES)] = vb

        for cb, jfa, split in bnd:
            stepv = (lane >= split).astype(jnp.int32)
            va = plsc.load_gather(table_v, [(hia - jfa) - stepv])
            vb = plsc.load_gather(table_v, [(hia + 1 - jfa) - stepv])
            for k in range(K // 2):
                mixed_v[k, pl.ds(cb * LANES, LANES)] = va
            for k in range(K // 2, K):
                mixed_v[k, pl.ds(cb * LANES, LANES)] = vb

        pltpu.async_copy(
            mixed_v, out_hbm.at[pl.ds(392 * m + 192, K)], msem
        ).wait()

    for cp in copies:
        cp.wait()


@jax.jit
def _fill(table):
    run = pl.kernel(
        _body,
        out_type=jax.ShapeDtypeStruct((N, N), jnp.float32),
        mesh=plsc.VectorSubcoreMesh(core_axis_name="c", subcore_axis_name="s"),
        compiler_params=pltpu.CompilerParams(needs_layout_passes=False),
        scratch_types=[
            pltpu.VMEM((2 * F - 1,), jnp.float32),
            pltpu.VMEM((K, N), jnp.float32),
            pltpu.VMEM((K, N), jnp.float32),
            pltpu.SemaphoreType.DMA,
            pltpu.SemaphoreType.DMA,
        ],
    )
    return run(table)


def kernel(temporal_embedding):
    return _fill(temporal_embedding.reshape(-1))

# --- scband reference (transcript-rebuilt; emitter-appended) ---
"""Pipeline reference for scband-temporal-relative-pos-emb-45758581571641 (READ-ONLY COPY).

The authoritative reference and input builder live on the scoring server;
editing this copy changes nothing except your own understanding.
"""

import jax, jax.numpy as jnp
import numpy as np

NUM_FRAMES = 16
NUM_PATCHES = 196
EMBED_DIM = 1
REL_RANGE = 2 * NUM_FRAMES - 1  # 31


def setup_inputs(seed: int = 0) -> dict:
    key = jax.random.key(seed)
    temporal_embedding = jax.random.normal(key, (REL_RANGE, EMBED_DIM), dtype=jnp.float32)
    return {"temporal_embedding": temporal_embedding}


def reference(temporal_embedding):
    frame_indices = jnp.arange(NUM_FRAMES)
    gi, gj = jnp.meshgrid(frame_indices, frame_indices, indexing='ij')
    relative_pos = gi - gj + NUM_FRAMES - 1  # values in [0, 2F-2]
    # embedding lookup: gather rows of the table
    pos_embeddings = jnp.take(temporal_embedding, relative_pos, axis=0).squeeze()  # [F, F]
    # block-fill: each (t1, t2) scalar is broadcast over a P x P block.
    # Equivalent to the original double loop writing constant blocks into bias_map.
    bias_map = jnp.repeat(jnp.repeat(pos_embeddings, NUM_PATCHES, axis=0), NUM_PATCHES, axis=1)
    return bias_map  # [F*P, F*P] = [3136, 3136]

if __name__ == "__main__":
    import jax
    _d = setup_inputs()
    print(jax.jit(kernel)(*tuple(_d.values())))

</pallas_src>

<mosaic_0001>
#map = affine_map<(d0, d1) -> (0)>
#map1 = affine_map<(d0, d1) -> (0, 0)>
module attributes {stable_mosaic.version = 14 : i64} {
  func.func @_body(%arg0: i32, %arg1: i32, %arg2: memref<31xf32, #tpu.memory_space<hbm>>, %arg3: memref<3136x3136xf32, #tpu.memory_space<hbm>>, %arg4: memref<31xf32, #tpu.memory_space<vmem>>, %arg5: memref<8x3136xf32, #tpu.memory_space<vmem>>, %arg6: memref<8x3136xf32, #tpu.memory_space<vmem>>, %arg7: memref<!tpu.dma_semaphore, #tpu.memory_space<semaphore_mem>>, %arg8: memref<!tpu.dma_semaphore, #tpu.memory_space<semaphore_mem>>) attributes {dimension_semantics = [#tpu.dimension_semantics<core_parallel>, #tpu.dimension_semantics<subcore_parallel>], iteration_bounds = array<i64: 2, 16>, scalar_prefetch = 0 : i64, scratch_operands = 5 : i64, tpu.core_type = #tpu.core_type<sc_vector_subcore>, window_params = [{transform_indices = #map}, {transform_indices = #map1}]} {
    %jit3A = arith.constant 2 : i32
    %div3A = arith.divsi %arg1, %jit3A : i32
    %sign3A = arith.constant 0 : i32
    %sign3A_0 = arith.cmpi sgt, %arg1, %sign3A : i32
    %sign3A_1 = arith.extui %sign3A_0 : i1 to i32
    %sign3A_2 = arith.constant 0 : i32
    %sign3A_3 = arith.cmpi slt, %arg1, %sign3A_2 : i32
    %sign3A_4 = arith.extui %sign3A_3 : i1 to i32
    %sign3A_5 = arith.subi %sign3A_1, %sign3A_4 : i32
    %sign3A_6 = arith.constant 0 : i32
    %sign3A_7 = arith.cmpi sgt, %jit3A, %sign3A_6 : i32
    %sign3A_8 = arith.extui %sign3A_7 : i1 to i32
    %sign3A_9 = arith.constant 0 : i32
    %sign3A_10 = arith.cmpi slt, %jit3A, %sign3A_9 : i32
    %sign3A_11 = arith.extui %sign3A_10 : i1 to i32
    %sign3A_12 = arith.subi %sign3A_8, %sign3A_11 : i32
    %ne3A = arith.cmpi ne, %sign3A_5, %sign3A_12 : i32
    %rem3A = arith.remsi %arg1, %jit3A : i32
    %ne3A_13 = arith.constant 0 : i32
    %ne3A_14 = arith.cmpi ne, %rem3A, %ne3A_13 : i32
    %and3A = arith.andi %ne3A, %ne3A_14 : i1
    %sub3A = arith.constant 1 : i32
    %sub3A_15 = arith.subi %div3A, %sub3A : i32
    %select_n3A = arith.select %and3A, %sub3A_15, %div3A : i32
    %mul3A = arith.constant 392 : i32
    %mul3A_16 = arith.muli %mul3A, %select_n3A : i32
    %jit3A_17 = arith.constant 2 : i32
    %eq3A = arith.constant 0 : i32
    %eq3A_18 = arith.cmpi eq, %jit3A_17, %eq3A : i32
    %jit3A_19 = arith.constant 1 : i32
    %select_n3A_20 = arith.select %eq3A_18, %jit3A_19, %jit3A_17 : i32
    %rem3A_21 = arith.remsi %arg1, %select_n3A_20 : i32
    %ne3A_22 = arith.constant 0 : i32
    %ne3A_23 = arith.cmpi ne, %rem3A_21, %ne3A_22 : i32
    %lt3A = arith.constant 0 : i32
    %lt3A_24 = arith.cmpi slt, %rem3A_21, %lt3A : i32
    %lt3A_25 = arith.constant 0 : i32
    %lt3A_26 = arith.cmpi slt, %select_n3A_20, %lt3A_25 : i32
    %ne3A_27 = arith.xori %lt3A_24, %lt3A_26 : i1
    %and3A_28 = arith.andi %ne3A_27, %ne3A_23 : i1
    %add3A = arith.addi %rem3A_21, %select_n3A_20 : i32
    %select_n3A_29 = arith.select %and3A_28, %add3A, %rem3A_21 : i32
    %mul3A_30 = arith.constant 2 : i32
    %mul3A_31 = arith.muli %mul3A_30, %select_n3A_29 : i32
    %add3A_32 = arith.addi %mul3A_31, %arg0 : i32
    %mul3A_33 = arith.constant 96 : i32
    %mul3A_34 = arith.muli %mul3A_33, %add3A_32 : i32
    %add3A_35 = arith.addi %mul3A_16, %mul3A_34 : i32
    %jit3A_36 = arith.constant 2 : i32
    %eq3A_37 = arith.constant 0 : i32
    %eq3A_38 = arith.cmpi eq, %jit3A_36, %eq3A_37 : i32
    %jit3A_39 = arith.constant 1 : i32
    %select_n3A_40 = arith.select %eq3A_38, %jit3A_39, %jit3A_36 : i32
    %rem3A_41 = arith.remsi %arg1, %select_n3A_40 : i32
    %ne3A_42 = arith.constant 0 : i32
    %ne3A_43 = arith.cmpi ne, %rem3A_41, %ne3A_42 : i32
    %lt3A_44 = arith.constant 0 : i32
    %lt3A_45 = arith.cmpi slt, %rem3A_41, %lt3A_44 : i32
    %lt3A_46 = arith.constant 0 : i32
    %lt3A_47 = arith.cmpi slt, %select_n3A_40, %lt3A_46 : i32
    %ne3A_48 = arith.xori %lt3A_45, %lt3A_47 : i1
    %and3A_49 = arith.andi %ne3A_48, %ne3A_43 : i1
    %add3A_50 = arith.addi %rem3A_41, %select_n3A_40 : i32
    %select_n3A_51 = arith.select %and3A_49, %add3A_50, %rem3A_41 : i32
    %mul3A_52 = arith.constant 8 : i32
    %mul3A_53 = arith.muli %mul3A_52, %select_n3A_51 : i32
    %add3A_54 = arith.addi %add3A_35, %mul3A_53 : i32
    "tpu.region"() ({
      %run_scoped3A = tpu.sem_alloc : memref<!tpu.dma_semaphore, #tpu.memory_space<semaphore_mem>>
      tpu.enqueue_dma source(%arg2 : memref<31xf32, #tpu.memory_space<hbm>>) target(%arg4 : memref<31xf32, #tpu.memory_space<vmem>>) target_semaphore(%run_scoped3A : memref<!tpu.dma_semaphore, #tpu.memory_space<semaphore_mem>>)
      tpu.wait_dma2 semaphore(%run_scoped3A : memref<!tpu.dma_semaphore, #tpu.memory_space<semaphore_mem>>) src(%arg2 : memref<31xf32, #tpu.memory_space<hbm>>) dst(%arg4 : memref<31xf32, #tpu.memory_space<vmem>>)
      tpu.yield
    }) : () -> ()
    %iota3A = tpu.iota {dimensions = array<i32: 0>} : vector<16xi32>
    %mul3A_55 = arith.constant 0 : i32
    %mul3A_56 = vector.broadcast %mul3A_55 : i32 to vector<16xi32>
    %mul3A_57 = arith.muli %iota3A, %mul3A_56 : vector<16xi32>
    %add3A_58 = arith.constant 15 : i32
    %add3A_59 = arith.addi %arg1, %add3A_58 : i32
    %parallel_loop3A = arith.constant 0 : i32
    %parallel_loop3A_60 = arith.constant 16 : i32
    %parallel_loop3A_61 = arith.constant 1 : i32
    scf.for %parallel_loop3A_672 = %parallel_loop3A to %parallel_loop3A_60 step %parallel_loop3A_61  : i32 {
      %parallel_loop3A_673 = arith.subi %add3A_59, %parallel_loop3A_672 : i32
      %parallel_loop3A_674 = vector.broadcast %parallel_loop3A_673 : i32 to vector<16xi32>
      %parallel_loop3A_675 = arith.addi %mul3A_57, %parallel_loop3A_674 : vector<16xi32>
      %parallel_loop3A_676 = tpu.vector_load_idx %arg4[%parallel_loop3A_675] : memref<31xf32, #tpu.memory_space<vmem>>[vector<16xi32>], vector<16xf32>,
      %parallel_loop3A_677 = arith.constant 49 : i32
      %parallel_loop3A_678 = arith.muli %parallel_loop3A_677, %parallel_loop3A_672 : i32
      %parallel_loop3A_679 = arith.constant 3 : i32
      %parallel_loop3A_680 = arith.addi %parallel_loop3A_678, %parallel_loop3A_679 : i32
      %parallel_loop3A_681 = arith.constant 4 : i32
      %parallel_loop3A_682 = arith.divsi %parallel_loop3A_680, %parallel_loop3A_681 : i32
      %parallel_loop3A_683 = arith.constant 0 : i32
      %parallel_loop3A_684 = arith.cmpi sgt, %parallel_loop3A_680, %parallel_loop3A_683 : i32
      %parallel_loop3A_685 = arith.extui %parallel_loop3A_684 : i1 to i32
      %parallel_loop3A_686 = arith.constant 0 : i32
      %parallel_loop3A_687 = arith.cmpi slt, %parallel_loop3A_680, %parallel_loop3A_686 : i32
      %parallel_loop3A_688 = arith.extui %parallel_loop3A_687 : i1 to i32
      %parallel_loop3A_689 = arith.subi %parallel_loop3A_685, %parallel_loop3A_688 : i32
      %parallel_loop3A_690 = arith.constant 0 : i32
      %parallel_loop3A_691 = arith.cmpi sgt, %parallel_loop3A_681, %parallel_loop3A_690 : i32
      %parallel_loop3A_692 = arith.extui %parallel_loop3A_691 : i1 to i32
      %parallel_loop3A_693 = arith.constant 0 : i32
      %parallel_loop3A_694 = arith.cmpi slt, %parallel_loop3A_681, %parallel_loop3A_693 : i32
      %parallel_loop3A_695 = arith.extui %parallel_loop3A_694 : i1 to i32
      %parallel_loop3A_696 = arith.subi %parallel_loop3A_692, %parallel_loop3A_695 : i32
      %parallel_loop3A_697 = arith.cmpi ne, %parallel_loop3A_689, %parallel_loop3A_696 : i32
      %parallel_loop3A_698 = arith.remsi %parallel_loop3A_680, %parallel_loop3A_681 : i32
      %parallel_loop3A_699 = arith.constant 0 : i32
      %parallel_loop3A_700 = arith.cmpi ne, %parallel_loop3A_698, %parallel_loop3A_699 : i32
      %parallel_loop3A_701 = arith.andi %parallel_loop3A_697, %parallel_loop3A_700 : i1
      %parallel_loop3A_702 = arith.constant 1 : i32
      %parallel_loop3A_703 = arith.subi %parallel_loop3A_682, %parallel_loop3A_702 : i32
      %parallel_loop3A_704 = arith.select %parallel_loop3A_701, %parallel_loop3A_703, %parallel_loop3A_682 : i32
      %parallel_loop3A_705 = arith.constant 16 : i32
      %parallel_loop3A_706 = arith.muli %parallel_loop3A_704, %parallel_loop3A_705 : i32
      %parallel_loop3A_707 = arith.constant 0 : i32
      %parallel_loop3A_708 = arith.addi %parallel_loop3A_706, %parallel_loop3A_707 : i32
      %parallel_loop3A_709 = arith.constant 0 : i32
      %parallel_loop3A_710 = arith.index_cast %parallel_loop3A_709 : i32 to index
      %parallel_loop3A_711 = arith.index_cast %parallel_loop3A_708 : i32 to index
      %parallel_loop3A_712 = tpu.vector_load %arg5[%parallel_loop3A_710, %parallel_loop3A_711] {strides = array<i32>} : memref<8x3136xf32, #tpu.memory_space<vmem>>, vector<16xf32>,
      tpu.vector_store %arg5[%parallel_loop3A_710, %parallel_loop3A_711], %parallel_loop3A_676 {strides = array<i32>} : memref<8x3136xf32, #tpu.memory_space<vmem>>, vector<16xf32>,
      %parallel_loop3A_713 = arith.constant 16 : i32
      %parallel_loop3A_714 = arith.addi %parallel_loop3A_706, %parallel_loop3A_713 : i32
      %parallel_loop3A_715 = arith.constant 0 : i32
      %parallel_loop3A_716 = arith.index_cast %parallel_loop3A_715 : i32 to index
      %parallel_loop3A_717 = arith.index_cast %parallel_loop3A_714 : i32 to index
      %parallel_loop3A_718 = tpu.vector_load %arg5[%parallel_loop3A_716, %parallel_loop3A_717] {strides = array<i32>} : memref<8x3136xf32, #tpu.memory_space<vmem>>, vector<16xf32>,
      tpu.vector_store %arg5[%parallel_loop3A_716, %parallel_loop3A_717], %parallel_loop3A_676 {strides = array<i32>} : memref<8x3136xf32, #tpu.memory_space<vmem>>, vector<16xf32>,
      %parallel_loop3A_719 = arith.constant 32 : i32
      %parallel_loop3A_720 = arith.addi %parallel_loop3A_706, %parallel_loop3A_719 : i32
      %parallel_loop3A_721 = arith.constant 0 : i32
      %parallel_loop3A_722 = arith.index_cast %parallel_loop3A_721 : i32 to index
      %parallel_loop3A_723 = arith.index_cast %parallel_loop3A_720 : i32 to index
      %parallel_loop3A_724 = tpu.vector_load %arg5[%parallel_loop3A_722, %parallel_loop3A_723] {strides = array<i32>} : memref<8x3136xf32, #tpu.memory_space<vmem>>, vector<16xf32>,
      tpu.vector_store %arg5[%parallel_loop3A_722, %parallel_loop3A_723], %parallel_loop3A_676 {strides = array<i32>} : memref<8x3136xf32, #tpu.memory_space<vmem>>, vector<16xf32>,
      %parallel_loop3A_725 = arith.constant 48 : i32
      %parallel_loop3A_726 = arith.addi %parallel_loop3A_706, %parallel_loop3A_725 : i32
      %parallel_loop3A_727 = arith.constant 0 : i32
      %parallel_loop3A_728 = arith.index_cast %parallel_loop3A_727 : i32 to index
      %parallel_loop3A_729 = arith.index_cast %parallel_loop3A_726 : i32 to index
      %parallel_loop3A_730 = tpu.vector_load %arg5[%parallel_loop3A_728, %parallel_loop3A_729] {strides = array<i32>} : memref<8x3136xf32, #tpu.memory_space<vmem>>, vector<16xf32>,
      tpu.vector_store %arg5[%parallel_loop3A_728, %parallel_loop3A_729], %parallel_loop3A_676 {strides = array<i32>} : memref<8x3136xf32, #tpu.memory_space<vmem>>, vector<16xf32>,
      %parallel_loop3A_731 = arith.constant 64 : i32
      %parallel_loop3A_732 = arith.addi %parallel_loop3A_706, %parallel_loop3A_731 : i32
      %parallel_loop3A_733 = arith.constant 0 : i32
      %parallel_loop3A_734 = arith.index_cast %parallel_loop3A_733 : i32 to index
      %parallel_loop3A_735 = arith.index_cast %parallel_loop3A_732 : i32 to index
      %parallel_loop3A_736 = tpu.vector_load %arg5[%parallel_loop3A_734, %parallel_loop3A_735] {strides = array<i32>} : memref<8x3136xf32, #tpu.memory_space<vmem>>, vector<16xf32>,
      tpu.vector_store %arg5[%parallel_loop3A_734, %parallel_loop3A_735], %parallel_loop3A_676 {strides = array<i32>} : memref<8x3136xf32, #tpu.memory_space<vmem>>, vector<16xf32>,
      %parallel_loop3A_737 = arith.constant 80 : i32
      %parallel_loop3A_738 = arith.addi %parallel_loop3A_706, %parallel_loop3A_737 : i32
      %parallel_loop3A_739 = arith.constant 0 : i32
      %parallel_loop3A_740 = arith.index_cast %parallel_loop3A_739 : i32 to index
      %parallel_loop3A_741 = arith.index_cast %parallel_loop3A_738 : i32 to index
      %parallel_loop3A_742 = tpu.vector_load %arg5[%parallel_loop3A_740, %parallel_loop3A_741] {strides = array<i32>} : memref<8x3136xf32, #tpu.memory_space<vmem>>, vector<16xf32>,
      tpu.vector_store %arg5[%parallel_loop3A_740, %parallel_loop3A_741], %parallel_loop3A_676 {strides = array<i32>} : memref<8x3136xf32, #tpu.memory_space<vmem>>, vector<16xf32>,
      %parallel_loop3A_743 = arith.constant 96 : i32
      %parallel_loop3A_744 = arith.addi %parallel_loop3A_706, %parallel_loop3A_743 : i32
      %parallel_loop3A_745 = arith.constant 0 : i32
      %parallel_loop3A_746 = arith.index_cast %parallel_loop3A_745 : i32 to index
      %parallel_loop3A_747 = arith.index_cast %parallel_loop3A_744 : i32 to index
      %parallel_loop3A_748 = tpu.vector_load %arg5[%parallel_loop3A_746, %parallel_loop3A_747] {strides = array<i32>} : memref<8x3136xf32, #tpu.memory_space<vmem>>, vector<16xf32>,
      tpu.vector_store %arg5[%parallel_loop3A_746, %parallel_loop3A_747], %parallel_loop3A_676 {strides = array<i32>} : memref<8x3136xf32, #tpu.memory_space<vmem>>, vector<16xf32>,
      %parallel_loop3A_749 = arith.constant 112 : i32
      %parallel_loop3A_750 = arith.addi %parallel_loop3A_706, %parallel_loop3A_749 : i32
      %parallel_loop3A_751 = arith.constant 0 : i32
      %parallel_loop3A_752 = arith.index_cast %parallel_loop3A_751 : i32 to index
      %parallel_loop3A_753 = arith.index_cast %parallel_loop3A_750 : i32 to index
      %parallel_loop3A_754 = tpu.vector_load %arg5[%parallel_loop3A_752, %parallel_loop3A_753] {strides = array<i32>} : memref<8x3136xf32, #tpu.memory_space<vmem>>, vector<16xf32>,
      tpu.vector_store %arg5[%parallel_loop3A_752, %parallel_loop3A_753], %parallel_loop3A_676 {strides = array<i32>} : memref<8x3136xf32, #tpu.memory_space<vmem>>, vector<16xf32>,
      %parallel_loop3A_755 = arith.constant 128 : i32
      %parallel_loop3A_756 = arith.addi %parallel_loop3A_706, %parallel_loop3A_755 : i32
      %parallel_loop3A_757 = arith.constant 0 : i32
      %parallel_loop3A_758 = arith.index_cast %parallel_loop3A_757 : i32 to index
      %parallel_loop3A_759 = arith.index_cast %parallel_loop3A_756 : i32 to index
      %parallel_loop3A_760 = tpu.vector_load %arg5[%parallel_loop3A_758, %parallel_loop3A_759] {strides = array<i32>} : memref<8x3136xf32, #tpu.memory_space<vmem>>, vector<16xf32>,
      tpu.vector_store %arg5[%parallel_loop3A_758, %parallel_loop3A_759], %parallel_loop3A_676 {strides = array<i32>} : memref<8x3136xf32, #tpu.memory_space<vmem>>, vector<16xf32>,
      %parallel_loop3A_761 = arith.constant 144 : i32
      %parallel_loop3A_762 = arith.addi %parallel_loop3A_706, %parallel_loop3A_761 : i32
      %parallel_loop3A_763 = arith.constant 0 : i32
      %parallel_loop3A_764 = arith.index_cast %parallel_loop3A_763 : i32 to index
      %parallel_loop3A_765 = arith.index_cast %parallel_loop3A_762 : i32 to index
      %parallel_loop3A_766 = tpu.vector_load %arg5[%parallel_loop3A_764, %parallel_loop3A_765] {strides = array<i32>} : memref<8x3136xf32, #tpu.memory_space<vmem>>, vector<16xf32>,
      tpu.vector_store %arg5[%parallel_loop3A_764, %parallel_loop3A_765], %parallel_loop3A_676 {strides = array<i32>} : memref<8x3136xf32, #tpu.memory_space<vmem>>, vector<16xf32>,
      %parallel_loop3A_767 = arith.constant 160 : i32
      %parallel_loop3A_768 = arith.addi %parallel_loop3A_706, %parallel_loop3A_767 : i32
      %parallel_loop3A_769 = arith.constant 0 : i32
      %parallel_loop3A_770 = arith.index_cast %parallel_loop3A_769 : i32 to index
      %parallel_loop3A_771 = arith.index_cast %parallel_loop3A_768 : i32 to index
      %parallel_loop3A_772 = tpu.vector_load %arg5[%parallel_loop3A_770, %parallel_loop3A_771] {strides = array<i32>} : memref<8x3136xf32, #tpu.memory_space<vmem>>, vector<16xf32>,
      tpu.vector_store %arg5[%parallel_loop3A_770, %parallel_loop3A_771], %parallel_loop3A_676 {strides = array<i32>} : memref<8x3136xf32, #tpu.memory_space<vmem>>, vector<16xf32>,
      %parallel_loop3A_773 = arith.constant 176 : i32
      %parallel_loop3A_774 = arith.addi %parallel_loop3A_706, %parallel_loop3A_773 : i32
      %parallel_loop3A_775 = arith.constant 0 : i32
      %parallel_loop3A_776 = arith.index_cast %parallel_loop3A_775 : i32 to index
      %parallel_loop3A_777 = arith.index_cast %parallel_loop3A_774 : i32 to index
      %parallel_loop3A_778 = tpu.vector_load %arg5[%parallel_loop3A_776, %parallel_loop3A_777] {strides = array<i32>} : memref<8x3136xf32, #tpu.memory_space<vmem>>, vector<16xf32>,
      tpu.vector_store %arg5[%parallel_loop3A_776, %parallel_loop3A_777], %parallel_loop3A_676 {strides = array<i32>} : memref<8x3136xf32, #tpu.memory_space<vmem>>, vector<16xf32>,
      %parallel_loop3A_779 = arith.constant 0 : i32
      %parallel_loop3A_780 = arith.addi %parallel_loop3A_706, %parallel_loop3A_779 : i32
      %parallel_loop3A_781 = arith.constant 1 : i32
      %parallel_loop3A_782 = arith.index_cast %parallel_loop3A_781 : i32 to index
      %parallel_loop3A_783 = arith.index_cast %parallel_loop3A_780 : i32 to index
      %parallel_loop3A_784 = tpu.vector_load %arg5[%parallel_loop3A_782, %parallel_loop3A_783] {strides = array<i32>} : memref<8x3136xf32, #tpu.memory_space<vmem>>, vector<16xf32>,
      tpu.vector_store %arg5[%parallel_loop3A_782, %parallel_loop3A_783], %parallel_loop3A_676 {strides = array<i32>} : memref<8x3136xf32, #tpu.memory_space<vmem>>, vector<16xf32>,
      %parallel_loop3A_785 = arith.constant 16 : i32
      %parallel_loop3A_786 = arith.addi %parallel_loop3A_706, %parallel_loop3A_785 : i32
      %parallel_loop3A_787 = arith.constant 1 : i32
      %parallel_loop3A_788 = arith.index_cast %parallel_loop3A_787 : i32 to index
      %parallel_loop3A_789 = arith.index_cast %parallel_loop3A_786 : i32 to index
      %parallel_loop3A_790 = tpu.vector_load %arg5[%parallel_loop3A_788, %parallel_loop3A_789] {strides = array<i32>} : memref<8x3136xf32, #tpu.memory_space<vmem>>, vector<16xf32>,
      tpu.vector_store %arg5[%parallel_loop3A_788, %parallel_loop3A_789], %parallel_loop3A_676 {strides = array<i32>} : memref<8x3136xf32, #tpu.memory_space<vmem>>, vector<16xf32>,
      %parallel_loop3A_791 = arith.constant 32 : i32
      %parallel_loop3A_792 = arith.addi %parallel_loop3A_706, %parallel_loop3A_791 : i32
      %parallel_loop3A_793 = arith.constant 1 : i32
      %parallel_loop3A_794 = arith.index_cast %parallel_loop3A_793 : i32 to index
      %parallel_loop3A_795 = arith.index_cast %parallel_loop3A_792 : i32 to index
      %parallel_loop3A_796 = tpu.vector_load %arg5[%parallel_loop3A_794, %parallel_loop3A_795] {strides = array<i32>} : memref<8x3136xf32, #tpu.memory_space<vmem>>, vector<16xf32>,
      tpu.vector_store %arg5[%parallel_loop3A_794, %parallel_loop3A_795], %parallel_loop3A_676 {strides = array<i32>} : memref<8x3136xf32, #tpu.memory_space<vmem>>, vector<16xf32>,
      %parallel_loop3A_797 = arith.constant 48 : i32
      %parallel_loop3A_798 = arith.addi %parallel_loop3A_706, %parallel_loop3A_797 : i32
      %parallel_loop3A_799 = arith.constant 1 : i32
      %parallel_loop3A_800 = arith.index_cast %parallel_loop3A_799 : i32 to index
      %parallel_loop3A_801 = arith.index_cast %parallel_loop3A_798 : i32 to index
      %parallel_loop3A_802 = tpu.vector_load %arg5[%parallel_loop3A_800, %parallel_loop3A_801] {strides = array<i32>} : memref<8x3136xf32, #tpu.memory_space<vmem>>, vector<16xf32>,
      tpu.vector_store %arg5[%parallel_loop3A_800, %parallel_loop3A_801], %parallel_loop3A_676 {strides = array<i32>} : memref<8x3136xf32, #tpu.memory_space<vmem>>, vector<16xf32>,
      %parallel_loop3A_803 = arith.constant 64 : i32
      %parallel_loop3A_804 = arith.addi %parallel_loop3A_706, %parallel_loop3A_803 : i32
      %parallel_loop3A_805 = arith.constant 1 : i32
      %parallel_loop3A_806 = arith.index_cast %parallel_loop3A_805 : i32 to index
      %parallel_loop3A_807 = arith.index_cast %parallel_loop3A_804 : i32 to index
      %parallel_loop3A_808 = tpu.vector_load %arg5[%parallel_loop3A_806, %parallel_loop3A_807] {strides = array<i32>} : memref<8x3136xf32, #tpu.memory_space<vmem>>, vector<16xf32>,
      tpu.vector_store %arg5[%parallel_loop3A_806, %parallel_loop3A_807], %parallel_loop3A_676 {strides = array<i32>} : memref<8x3136xf32, #tpu.memory_space<vmem>>, vector<16xf32>,
      %parallel_loop3A_809 = arith.constant 80 : i32
      %parallel_loop3A_810 = arith.addi %parallel_loop3A_706, %parallel_loop3A_809 : i32
      %parallel_loop3A_811 = arith.constant 1 : i32
      %parallel_loop3A_812 = arith.index_cast %parallel_loop3A_811 : i32 to index
      %parallel_loop3A_813 = arith.index_cast %parallel_loop3A_810 : i32 to index
      %parallel_loop3A_814 = tpu.vector_load %arg5[%parallel_loop3A_812, %parallel_loop3A_813] {strides = array<i32>} : memref<8x3136xf32, #tpu.memory_space<vmem>>, vector<16xf32>,
      tpu.vector_store %arg5[%parallel_loop3A_812, %parallel_loop3A_813], %parallel_loop3A_676 {strides = array<i32>} : memref<8x3136xf32, #tpu.memory_space<vmem>>, vector<16xf32>,
      %parallel_loop3A_815 = arith.constant 96 : i32
      %parallel_loop3A_816 = arith.addi %parallel_loop3A_706, %parallel_loop3A_815 : i32
      %parallel_loop3A_817 = arith.constant 1 : i32
      %parallel_loop3A_818 = arith.index_cast %parallel_loop3A_817 : i32 to index
      %parallel_loop3A_819 = arith.index_cast %parallel_loop3A_816 : i32 to index
      %parallel_loop3A_820 = tpu.vector_load %arg5[%parallel_loop3A_818, %parallel_loop3A_819] {strides = array<i32>} : memref<8x3136xf32, #tpu.memory_space<vmem>>, vector<16xf32>,
      tpu.vector_store %arg5[%parallel_loop3A_818, %parallel_loop3A_819], %parallel_loop3A_676 {strides = array<i32>} : memref<8x3136xf32, #tpu.memory_space<vmem>>, vector<16xf32>,
      %parallel_loop3A_821 = arith.constant 112 : i32
      %parallel_loop3A_822 = arith.addi %parallel_loop3A_706, %parallel_loop3A_821 : i32
      %parallel_loop3A_823 = arith.constant 1 : i32
      %parallel_loop3A_824 = arith.index_cast %parallel_loop3A_823 : i32 to index
      %parallel_loop3A_825 = arith.index_cast %parallel_loop3A_822 : i32 to index
      %parallel_loop3A_826 = tpu.vector_load %arg5[%parallel_loop3A_824, %parallel_loop3A_825] {strides = array<i32>} : memref<8x3136xf32, #tpu.memory_space<vmem>>, vector<16xf32>,
      tpu.vector_store %arg5[%parallel_loop3A_824, %parallel_loop3A_825], %parallel_loop3A_676 {strides = array<i32>} : memref<8x3136xf32, #tpu.memory_space<vmem>>, vector<16xf32>,
      %parallel_loop3A_827 = arith.constant 128 : i32
      %parallel_loop3A_828 = arith.addi %parallel_loop3A_706, %parallel_loop3A_827 : i32
      %parallel_loop3A_829 = arith.constant 1 : i32
      %parallel_loop3A_830 = arith.index_cast %parallel_loop3A_829 : i32 to index
      %parallel_loop3A_831 = arith.index_cast %parallel_loop3A_828 : i32 to index
      %parallel_loop3A_832 = tpu.vector_load %arg5[%parallel_loop3A_830, %parallel_loop3A_831] {strides = array<i32>} : memref<8x3136xf32, #tpu.memory_space<vmem>>, vector<16xf32>,
      tpu.vector_store %arg5[%parallel_loop3A_830, %parallel_loop3A_831], %parallel_loop3A_676 {strides = array<i32>} : memref<8x3136xf32, #tpu.memory_space<vmem>>, vector<16xf32>,
      %parallel_loop3A_833 = arith.constant 144 : i32
      %parallel_loop3A_834 = arith.addi %parallel_loop3A_706, %parallel_loop3A_833 : i32
      %parallel_loop3A_835 = arith.constant 1 : i32
      %parallel_loop3A_836 = arith.index_cast %parallel_loop3A_835 : i32 to index
      %parallel_loop3A_837 = arith.index_cast %parallel_loop3A_834 : i32 to index
      %parallel_loop3A_838 = tpu.vector_load %arg5[%parallel_loop3A_836, %parallel_loop3A_837] {strides = array<i32>} : memref<8x3136xf32, #tpu.memory_space<vmem>>, vector<16xf32>,
      tpu.vector_store %arg5[%parallel_loop3A_836, %parallel_loop3A_837], %parallel_loop3A_676 {strides = array<i32>} : memref<8x3136xf32, #tpu.memory_space<vmem>>, vector<16xf32>,
      %parallel_loop3A_839 = arith.constant 160 : i32
      %parallel_loop3A_840 = arith.addi %parallel_loop3A_706, %parallel_loop3A_839 : i32
      %parallel_loop3A_841 = arith.constant 1 : i32
      %parallel_loop3A_842 = arith.index_cast %parallel_loop3A_841 : i32 to index
      %parallel_loop3A_843 = arith.index_cast %parallel_loop3A_840 : i32 to index
      %parallel_loop3A_844 = tpu.vector_load %arg5[%parallel_loop3A_842, %parallel_loop3A_843] {strides = array<i32>} : memref<8x3136xf32, #tpu.memory_space<vmem>>, vector<16xf32>,
      tpu.vector_store %arg5[%parallel_loop3A_842, %parallel_loop3A_843], %parallel_loop3A_676 {strides = array<i32>} : memref<8x3136xf32, #tpu.memory_space<vmem>>, vector<16xf32>,
      %parallel_loop3A_845 = arith.constant 176 : i32
      %parallel_loop3A_846 = arith.addi %parallel_loop3A_706, %parallel_loop3A_845 : i32
      %parallel_loop3A_847 = arith.constant 1 : i32
      %parallel_loop3A_848 = arith.index_cast %parallel_loop3A_847 : i32 to index
      %parallel_loop3A_849 = arith.index_cast %parallel_loop3A_846 : i32 to index
      %parallel_loop3A_850 = tpu.vector_load %arg5[%parallel_loop3A_848, %parallel_loop3A_849] {strides = array<i32>} : memref<8x3136xf32, #tpu.memory_space<vmem>>, vector<16xf32>,
      tpu.vector_store %arg5[%parallel_loop3A_848, %parallel_loop3A_849], %parallel_loop3A_676 {strides = array<i32>} : memref<8x3136xf32, #tpu.memory_space<vmem>>, vector<16xf32>,
      %parallel_loop3A_851 = arith.constant 0 : i32
      %parallel_loop3A_852 = arith.addi %parallel_loop3A_706, %parallel_loop3A_851 : i32
      %parallel_loop3A_853 = arith.constant 2 : i32
      %parallel_loop3A_854 = arith.index_cast %parallel_loop3A_853 : i32 to index
      %parallel_loop3A_855 = arith.index_cast %parallel_loop3A_852 : i32 to index
      %parallel_loop3A_856 = tpu.vector_load %arg5[%parallel_loop3A_854, %parallel_loop3A_855] {strides = array<i32>} : memref<8x3136xf32, #tpu.memory_space<vmem>>, vector<16xf32>,
      tpu.vector_store %arg5[%parallel_loop3A_854, %parallel_loop3A_855], %parallel_loop3A_676 {strides = array<i32>} : memref<8x3136xf32, #tpu.memory_space<vmem>>, vector<16xf32>,
      %parallel_loop3A_857 = arith.constant 16 : i32
      %parallel_loop3A_858 = arith.addi %parallel_loop3A_706, %parallel_loop3A_857 : i32
      %parallel_loop3A_859 = arith.constant 2 : i32
      %parallel_loop3A_860 = arith.index_cast %parallel_loop3A_859 : i32 to index
      %parallel_loop3A_861 = arith.index_cast %parallel_loop3A_858 : i32 to index
      %parallel_loop3A_862 = tpu.vector_load %arg5[%parallel_loop3A_860, %parallel_loop3A_861] {strides = array<i32>} : memref<8x3136xf32, #tpu.memory_space<vmem>>, vector<16xf32>,
      tpu.vector_store %arg5[%parallel_loop3A_860, %parallel_loop3A_861], %parallel_loop3A_676 {strides = array<i32>} : memref<8x3136xf32, #tpu.memory_space<vmem>>, vector<16xf32>,
      %parallel_loop3A_863 = arith.constant 32 : i32
      %parallel_loop3A_864 = arith.addi %parallel_loop3A_706, %parallel_loop3A_863 : i32
      %parallel_loop3A_865 = arith.constant 2 : i32
      %parallel_loop3A_866 = arith.index_cast %parallel_loop3A_865 : i32 to index
      %parallel_loop3A_867 = arith.index_cast %parallel_loop3A_864 : i32 to index
      %parallel_loop3A_868 = tpu.vector_load %arg5[%parallel_loop3A_866, %parallel_loop3A_867] {strides = array<i32>} : memref<8x3136xf32, #tpu.memory_space<vmem>>, vector<16xf32>,
      tpu.vector_store %arg5[%parallel_loop3A_866, %parallel_loop3A_867], %parallel_loop3A_676 {strides = array<i32>} : memref<8x3136xf32, #tpu.memory_space<vmem>>, vector<16xf32>,
      %parallel_loop3A_869 = arith.constant 48 : i32
      %parallel_loop3A_870 = arith.addi %parallel_loop3A_706, %parallel_loop3A_869 : i32
      %parallel_loop3A_871 = arith.constant 2 : i32
      %parallel_loop3A_872 = arith.index_cast %parallel_loop3A_871 : i32 to index
      %parallel_loop3A_873 = arith.index_cast %parallel_loop3A_870 : i32 to index
      %parallel_loop3A_874 = tpu.vector_load %arg5[%parallel_loop3A_872, %parallel_loop3A_873] {strides = array<i32>} : memref<8x3136xf32, #tpu.memory_space<vmem>>, vector<16xf32>,
      tpu.vector_store %arg5[%parallel_loop3A_872, %parallel_loop3A_873], %parallel_loop3A_676 {strides = array<i32>} : memref<8x3136xf32, #tpu.memory_space<vmem>>, vector<16xf32>,
      %parallel_loop3A_875 = arith.constant 64 : i32
      %parallel_loop3A_876 = arith.addi %parallel_loop3A_706, %parallel_loop3A_875 : i32
      %parallel_loop3A_877 = arith.constant 2 : i32
      %parallel_loop3A_878 = arith.index_cast %parallel_loop3A_877 : i32 to index
      %parallel_loop3A_879 = arith.index_cast %parallel_loop3A_876 : i32 to index
      %parallel_loop3A_880 = tpu.vector_load %arg5[%parallel_loop3A_878, %parallel_loop3A_879] {strides = array<i32>} : memref<8x3136xf32, #tpu.memory_space<vmem>>, vector<16xf32>,
      tpu.vector_store %arg5[%parallel_loop3A_878, %parallel_loop3A_879], %parallel_loop3A_676 {strides = array<i32>} : memref<8x3136xf32, #tpu.memory_space<vmem>>, vector<16xf32>,
      %parallel_loop3A_881 = arith.constant 80 : i32
      %parallel_loop3A_882 = arith.addi %parallel_loop3A_706, %parallel_loop3A_881 : i32
      %parallel_loop3A_883 = arith.constant 2 : i32
      %parallel_loop3A_884 = arith.index_cast %parallel_loop3A_883 : i32 to index
      %parallel_loop3A_885 = arith.index_cast %parallel_loop3A_882 : i32 to index
      %parallel_loop3A_886 = tpu.vector_load %arg5[%parallel_loop3A_884, %parallel_loop3A_885] {strides = array<i32>} : memref<8x3136xf32, #tpu.memory_space<vmem>>, vector<16xf32>,
      tpu.vector_store %arg5[%parallel_loop3A_884, %parallel_loop3A_885], %parallel_loop3A_676 {strides = array<i32>} : memref<8x3136xf32, #tpu.memory_space<vmem>>, vector<16xf32>,
      %parallel_loop3A_887 = arith.constant 96 : i32
      %parallel_loop3A_888 = arith.addi %parallel_loop3A_706, %parallel_loop3A_887 : i32
      %parallel_loop3A_889 = arith.constant 2 : i32
      %parallel_loop3A_890 = arith.index_cast %parallel_loop3A_889 : i32 to index
      %parallel_loop3A_891 = arith.index_cast %parallel_loop3A_888 : i32 to index
      %parallel_loop3A_892 = tpu.vector_load %arg5[%parallel_loop3A_890, %parallel_loop3A_891] {strides = array<i32>} : memref<8x3136xf32, #tpu.memory_space<vmem>>, vector<16xf32>,
      tpu.vector_store %arg5[%parallel_loop3A_890, %parallel_loop3A_891], %parallel_loop3A_676 {strides = array<i32>} : memref<8x3136xf32, #tpu.memory_space<vmem>>, vector<16xf32>,
      %parallel_loop3A_893 = arith.constant 112 : i32
      %parallel_loop3A_894 = arith.addi %parallel_loop3A_706, %parallel_loop3A_893 : i32
      %parallel_loop3A_895 = arith.constant 2 : i32
      %parallel_loop3A_896 = arith.index_cast %parallel_loop3A_895 : i32 to index
      %parallel_loop3A_897 = arith.index_cast %parallel_loop3A_894 : i32 to index
      %parallel_loop3A_898 = tpu.vector_load %arg5[%parallel_loop3A_896, %parallel_loop3A_897] {strides = array<i32>} : memref<8x3136xf32, #tpu.memory_space<vmem>>, vector<16xf32>,
      tpu.vector_store %arg5[%parallel_loop3A_896, %parallel_loop3A_897], %parallel_loop3A_676 {strides = array<i32>} : memref<8x3136xf32, #tpu.memory_space<vmem>>, vector<16xf32>,
      %parallel_loop3A_899 = arith.constant 128 : i32
      %parallel_loop3A_900 = arith.addi %parallel_loop3A_706, %parallel_loop3A_899 : i32
      %parallel_loop3A_901 = arith.constant 2 : i32
      %parallel_loop3A_902 = arith.index_cast %parallel_loop3A_901 : i32 to index
      %parallel_loop3A_903 = arith.index_cast %parallel_loop3A_900 : i32 to index
      %parallel_loop3A_904 = tpu.vector_load %arg5[%parallel_loop3A_902, %parallel_loop3A_903] {strides = array<i32>} : memref<8x3136xf32, #tpu.memory_space<vmem>>, vector<16xf32>,
      tpu.vector_store %arg5[%parallel_loop3A_902, %parallel_loop3A_903], %parallel_loop3A_676 {strides = array<i32>} : memref<8x3136xf32, #tpu.memory_space<vmem>>, vector<16xf32>,
      %parallel_loop3A_905 = arith.constant 144 : i32
      %parallel_loop3A_906 = arith.addi %parallel_loop3A_706, %parallel_loop3A_905 : i32
      %parallel_loop3A_907 = arith.constant 2 : i32
      %parallel_loop3A_908 = arith.index_cast %parallel_loop3A_907 : i32 to index
      %parallel_loop3A_909 = arith.index_cast %parallel_loop3A_906 : i32 to index
      %parallel_loop3A_910 = tpu.vector_load %arg5[%parallel_loop3A_908, %parallel_loop3A_909] {strides = array<i32>} : memref<8x3136xf32, #tpu.memory_space<vmem>>, vector<16xf32>,
      tpu.vector_store %arg5[%parallel_loop3A_908, %parallel_loop3A_909], %parallel_loop3A_676 {strides = array<i32>} : memref<8x3136xf32, #tpu.memory_space<vmem>>, vector<16xf32>,
      %parallel_loop3A_911 = arith.constant 160 : i32
      %parallel_loop3A_912 = arith.addi %parallel_loop3A_706, %parallel_loop3A_911 : i32
      %parallel_loop3A_913 = arith.constant 2 : i32
      %parallel_loop3A_914 = arith.index_cast %parallel_loop3A_913 : i32 to index
      %parallel_loop3A_915 = arith.index_cast %parallel_loop3A_912 : i32 to index
      %parallel_loop3A_916 = tpu.vector_load %arg5[%parallel_loop3A_914, %parallel_loop3A_915] {strides = array<i32>} : memref<8x3136xf32, #tpu.memory_space<vmem>>, vector<16xf32>,
      tpu.vector_store %arg5[%parallel_loop3A_914, %parallel_loop3A_915], %parallel_loop3A_676 {strides = array<i32>} : memref<8x3136xf32, #tpu.memory_space<vmem>>, vector<16xf32>,
      %parallel_loop3A_917 = arith.constant 176 : i32
      %parallel_loop3A_918 = arith.addi %parallel_loop3A_706, %parallel_loop3A_917 : i32
      %parallel_loop3A_919 = arith.constant 2 : i32
      %parallel_loop3A_920 = arith.index_cast %parallel_loop3A_919 : i32 to index
      %parallel_loop3A_921 = arith.index_cast %parallel_loop3A_918 : i32 to index
      %parallel_loop3A_922 = tpu.vector_load %arg5[%parallel_loop3A_920, %parallel_loop3A_921] {strides = array<i32>} : memref<8x3136xf32, #tpu.memory_space<vmem>>, vector<16xf32>,
      tpu.vector_store %arg5[%parallel_loop3A_920, %parallel_loop3A_921], %parallel_loop3A_676 {strides = array<i32>} : memref<8x3136xf32, #tpu.memory_space<vmem>>, vector<16xf32>,
      %parallel_loop3A_923 = arith.constant 0 : i32
      %parallel_loop3A_924 = arith.addi %parallel_loop3A_706, %parallel_loop3A_923 : i32
      %parallel_loop3A_925 = arith.constant 3 : i32
      %parallel_loop3A_926 = arith.index_cast %parallel_loop3A_925 : i32 to index
      %parallel_loop3A_927 = arith.index_cast %parallel_loop3A_924 : i32 to index
      %parallel_loop3A_928 = tpu.vector_load %arg5[%parallel_loop3A_926, %parallel_loop3A_927] {strides = array<i32>} : memref<8x3136xf32, #tpu.memory_space<vmem>>, vector<16xf32>,
      tpu.vector_store %arg5[%parallel_loop3A_926, %parallel_loop3A_927], %parallel_loop3A_676 {strides = array<i32>} : memref<8x3136xf32, #tpu.memory_space<vmem>>, vector<16xf32>,
      %parallel_loop3A_929 = arith.constant 16 : i32
      %parallel_loop3A_930 = arith.addi %parallel_loop3A_706, %parallel_loop3A_929 : i32
      %parallel_loop3A_931 = arith.constant 3 : i32
      %parallel_loop3A_932 = arith.index_cast %parallel_loop3A_931 : i32 to index
      %parallel_loop3A_933 = arith.index_cast %parallel_loop3A_930 : i32 to index
      %parallel_loop3A_934 = tpu.vector_load %arg5[%parallel_loop3A_932, %parallel_loop3A_933] {strides = array<i32>} : memref<8x3136xf32, #tpu.memory_space<vmem>>, vector<16xf32>,
      tpu.vector_store %arg5[%parallel_loop3A_932, %parallel_loop3A_933], %parallel_loop3A_676 {strides = array<i32>} : memref<8x3136xf32, #tpu.memory_space<vmem>>, vector<16xf32>,
      %parallel_loop3A_935 = arith.constant 32 : i32
      %parallel_loop3A_936 = arith.addi %parallel_loop3A_706, %parallel_loop3A_935 : i32
      %parallel_loop3A_937 = arith.constant 3 : i32
      %parallel_loop3A_938 = arith.index_cast %parallel_loop3A_937 : i32 to index
      %parallel_loop3A_939 = arith.index_cast %parallel_loop3A_936 : i32 to index
      %parallel_loop3A_940 = tpu.vector_load %arg5[%parallel_loop3A_938, %parallel_loop3A_939] {strides = array<i32>} : memref<8x3136xf32, #tpu.memory_space<vmem>>, vector<16xf32>,
      tpu.vector_store %arg5[%parallel_loop3A_938, %parallel_loop3A_939], %parallel_loop3A_676 {strides = array<i32>} : memref<8x3136xf32, #tpu.memory_space<vmem>>, vector<16xf32>,
      %parallel_loop3A_941 = arith.constant 48 : i32
      %parallel_loop3A_942 = arith.addi %parallel_loop3A_706, %parallel_loop3A_941 : i32
      %parallel_loop3A_943 = arith.constant 3 : i32
      %parallel_loop3A_944 = arith.index_cast %parallel_loop3A_943 : i32 to index
      %parallel_loop3A_945 = arith.index_cast %parallel_loop3A_942 : i32 to index
      %parallel_loop3A_946 = tpu.vector_load %arg5[%parallel_loop3A_944, %parallel_loop3A_945] {strides = array<i32>} : memref<8x3136xf32, #tpu.memory_space<vmem>>, vector<16xf32>,
      tpu.vector_store %arg5[%parallel_loop3A_944, %parallel_loop3A_945], %parallel_loop3A_676 {strides = array<i32>} : memref<8x3136xf32, #tpu.memory_space<vmem>>, vector<16xf32>,
      %parallel_loop3A_947 = arith.constant 64 : i32
      %parallel_loop3A_948 = arith.addi %parallel_loop3A_706, %parallel_loop3A_947 : i32
      %parallel_loop3A_949 = arith.constant 3 : i32
      %parallel_loop3A_950 = arith.index_cast %parallel_loop3A_949 : i32 to index
      %parallel_loop3A_951 = arith.index_cast %parallel_loop3A_948 : i32 to index
      %parallel_loop3A_952 = tpu.vector_load %arg5[%parallel_loop3A_950, %parallel_loop3A_951] {strides = array<i32>} : memref<8x3136xf32, #tpu.memory_space<vmem>>, vector<16xf32>,
      tpu.vector_store %arg5[%parallel_loop3A_950, %parallel_loop3A_951], %parallel_loop3A_676 {strides = array<i32>} : memref<8x3136xf32, #tpu.memory_space<vmem>>, vector<16xf32>,
      %parallel_loop3A_953 = arith.constant 80 : i32
      %parallel_loop3A_954 = arith.addi %parallel_loop3A_706, %parallel_loop3A_953 : i32
      %parallel_loop3A_955 = arith.constant 3 : i32
      %parallel_loop3A_956 = arith.index_cast %parallel_loop3A_955 : i32 to index
      %parallel_loop3A_957 = arith.index_cast %parallel_loop3A_954 : i32 to index
      %parallel_loop3A_958 = tpu.vector_load %arg5[%parallel_loop3A_956, %parallel_loop3A_957] {strides = array<i32>} : memref<8x3136xf32, #tpu.memory_space<vmem>>, vector<16xf32>,
      tpu.vector_store %arg5[%parallel_loop3A_956, %parallel_loop3A_957], %parallel_loop3A_676 {strides = array<i32>} : memref<8x3136xf32, #tpu.memory_space<vmem>>, vector<16xf32>,
      %parallel_loop3A_959 = arith.constant 96 : i32
      %parallel_loop3A_960 = arith.addi %parallel_loop3A_706, %parallel_loop3A_959 : i32
      %parallel_loop3A_961 = arith.constant 3 : i32
      %parallel_loop3A_962 = arith.index_cast %parallel_loop3A_961 : i32 to index
      %parallel_loop3A_963 = arith.index_cast %parallel_loop3A_960 : i32 to index
      %parallel_loop3A_964 = tpu.vector_load %arg5[%parallel_loop3A_962, %parallel_loop3A_963] {strides = array<i32>} : memref<8x3136xf32, #tpu.memory_space<vmem>>, vector<16xf32>,
      tpu.vector_store %arg5[%parallel_loop3A_962, %parallel_loop3A_963], %parallel_loop3A_676 {strides = array<i32>} : memref<8x3136xf32, #tpu.memory_space<vmem>>, vector<16xf32>,
      %parallel_loop3A_965 = arith.constant 112 : i32
      %parallel_loop3A_966 = arith.addi %parallel_loop3A_706, %parallel_loop3A_965 : i32
      %parallel_loop3A_967 = arith.constant 3 : i32
      %parallel_loop3A_968 = arith.index_cast %parallel_loop3A_967 : i32 to index
      %parallel_loop3A_969 = arith.index_cast %parallel_loop3A_966 : i32 to index
      %parallel_loop3A_970 = tpu.vector_load %arg5[%parallel_loop3A_968, %parallel_loop3A_969] {strides = array<i32>} : memref<8x3136xf32, #tpu.memory_space<vmem>>, vector<16xf32>,
      tpu.vector_store %arg5[%parallel_loop3A_968, %parallel_loop3A_969], %parallel_loop3A_676 {strides = array<i32>} : memref<8x3136xf32, #tpu.memory_space<vmem>>, vector<16xf32>,
      %parallel_loop3A_971 = arith.constant 128 : i32
      %parallel_loop3A_972 = arith.addi %parallel_loop3A_706, %parallel_loop3A_971 : i32
      %parallel_loop3A_973 = arith.constant 3 : i32
      %parallel_loop3A_974 = arith.index_cast %parallel_loop3A_973 : i32 to index
      %parallel_loop3A_975 = arith.index_cast %parallel_loop3A_972 : i32 to index
      %parallel_loop3A_976 = tpu.vector_load %arg5[%parallel_loop3A_974, %parallel_loop3A_975] {strides = array<i32>} : memref<8x3136xf32, #tpu.memory_space<vmem>>, vector<16xf32>,
      tpu.vector_store %arg5[%parallel_loop3A_974, %parallel_loop3A_975], %parallel_loop3A_676 {strides = array<i32>} : memref<8x3136xf32, #tpu.memory_space<vmem>>, vector<16xf32>,
      %parallel_loop3A_977 = arith.constant 144 : i32
      %parallel_loop3A_978 = arith.addi %parallel_loop3A_706, %parallel_loop3A_977 : i32
      %parallel_loop3A_979 = arith.constant 3 : i32
      %parallel_loop3A_980 = arith.index_cast %parallel_loop3A_979 : i32 to index
      %parallel_loop3A_981 = arith.index_cast %parallel_loop3A_978 : i32 to index
      %parallel_loop3A_982 = tpu.vector_load %arg5[%parallel_loop3A_980, %parallel_loop3A_981] {strides = array<i32>} : memref<8x3136xf32, #tpu.memory_space<vmem>>, vector<16xf32>,
      tpu.vector_store %arg5[%parallel_loop3A_980, %parallel_loop3A_981], %parallel_loop3A_676 {strides = array<i32>} : memref<8x3136xf32, #tpu.memory_space<vmem>>, vector<16xf32>,
      %parallel_loop3A_983 = arith.constant 160 : i32
      %parallel_loop3A_984 = arith.addi %parallel_loop3A_706, %parallel_loop3A_983 : i32
      %parallel_loop3A_985 = arith.constant 3 : i32
      %parallel_loop3A_986 = arith.index_cast %parallel_loop3A_985 : i32 to index
      %parallel_loop3A_987 = arith.index_cast %parallel_loop3A_984 : i32 to index
      %parallel_loop3A_988 = tpu.vector_load %arg5[%parallel_loop3A_986, %parallel_loop3A_987] {strides = array<i32>} : memref<8x3136xf32, #tpu.memory_space<vmem>>, vector<16xf32>,
      tpu.vector_store %arg5[%parallel_loop3A_986, %parallel_loop3A_987], %parallel_loop3A_676 {strides = array<i32>} : memref<8x3136xf32, #tpu.memory_space<vmem>>, vector<16xf32>,
      %parallel_loop3A_989 = arith.constant 176 : i32
      %parallel_loop3A_990 = arith.addi %parallel_loop3A_706, %parallel_loop3A_989 : i32
      %parallel_loop3A_991 = arith.constant 3 : i32
      %parallel_loop3A_992 = arith.index_cast %parallel_loop3A_991 : i32 to index
      %parallel_loop3A_993 = arith.index_cast %parallel_loop3A_990 : i32 to index
      %parallel_loop3A_994 = tpu.vector_load %arg5[%parallel_loop3A_992, %parallel_loop3A_993] {strides = array<i32>} : memref<8x3136xf32, #tpu.memory_space<vmem>>, vector<16xf32>,
      tpu.vector_store %arg5[%parallel_loop3A_992, %parallel_loop3A_993], %parallel_loop3A_676 {strides = array<i32>} : memref<8x3136xf32, #tpu.memory_space<vmem>>, vector<16xf32>,
      %parallel_loop3A_995 = arith.constant 0 : i32
      %parallel_loop3A_996 = arith.addi %parallel_loop3A_706, %parallel_loop3A_995 : i32
      %parallel_loop3A_997 = arith.constant 4 : i32
      %parallel_loop3A_998 = arith.index_cast %parallel_loop3A_997 : i32 to index
      %parallel_loop3A_999 = arith.index_cast %parallel_loop3A_996 : i32 to index
      %parallel_loop3A_1000 = tpu.vector_load %arg5[%parallel_loop3A_998, %parallel_loop3A_999] {strides = array<i32>} : memref<8x3136xf32, #tpu.memory_space<vmem>>, vector<16xf32>,
      tpu.vector_store %arg5[%parallel_loop3A_998, %parallel_loop3A_999], %parallel_loop3A_676 {strides = array<i32>} : memref<8x3136xf32, #tpu.memory_space<vmem>>, vector<16xf32>,
      %parallel_loop3A_1001 = arith.constant 16 : i32
      %parallel_loop3A_1002 = arith.addi %parallel_loop3A_706, %parallel_loop3A_1001 : i32
      %parallel_loop3A_1003 = arith.constant 4 : i32
      %parallel_loop3A_1004 = arith.index_cast %parallel_loop3A_1003 : i32 to index
      %parallel_loop3A_1005 = arith.index_cast %parallel_loop3A_1002 : i32 to index
      %parallel_loop3A_1006 = tpu.vector_load %arg5[%parallel_loop3A_1004, %parallel_loop3A_1005] {strides = array<i32>} : memref<8x3136xf32, #tpu.memory_space<vmem>>, vector<16xf32>,
      tpu.vector_store %arg5[%parallel_loop3A_1004, %parallel_loop3A_1005], %parallel_loop3A_676 {strides = array<i32>} : memref<8x3136xf32, #tpu.memory_space<vmem>>, vector<16xf32>,
      %parallel_loop3A_1007 = arith.constant 32 : i32
      %parallel_loop3A_1008 = arith.addi %parallel_loop3A_706, %parallel_loop3A_1007 : i32
      %parallel_loop3A_1009 = arith.constant 4 : i32
      %parallel_loop3A_1010 = arith.index_cast %parallel_loop3A_1009 : i32 to index
      %parallel_loop3A_1011 = arith.index_cast %parallel_loop3A_1008 : i32 to index
      %parallel_loop3A_1012 = tpu.vector_load %arg5[%parallel_loop3A_1010, %parallel_loop3A_1011] {strides = array<i32>} : memref<8x3136xf32, #tpu.memory_space<vmem>>, vector<16xf32>,
      tpu.vector_store %arg5[%parallel_loop3A_1010, %parallel_loop3A_1011], %parallel_loop3A_676 {strides = array<i32>} : memref<8x3136xf32, #tpu.memory_space<vmem>>, vector<16xf32>,
      %parallel_loop3A_1013 = arith.constant 48 : i32
      %parallel_loop3A_1014 = arith.addi %parallel_loop3A_706, %parallel_loop3A_1013 : i32
      %parallel_loop3A_1015 = arith.constant 4 : i32
      %parallel_loop3A_1016 = arith.index_cast %parallel_loop3A_1015 : i32 to index
      %parallel_loop3A_1017 = arith.index_cast %parallel_loop3A_1014 : i32 to index
      %parallel_loop3A_1018 = tpu.vector_load %arg5[%parallel_loop3A_1016, %parallel_loop3A_1017] {strides = array<i32>} : memref<8x3136xf32, #tpu.memory_space<vmem>>, vector<16xf32>,
      tpu.vector_store %arg5[%parallel_loop3A_1016, %parallel_loop3A_1017], %parallel_loop3A_676 {strides = array<i32>} : memref<8x3136xf32, #tpu.memory_space<vmem>>, vector<16xf32>,
      %parallel_loop3A_1019 = arith.constant 64 : i32
      %parallel_loop3A_1020 = arith.addi %parallel_loop3A_706, %parallel_loop3A_1019 : i32
      %parallel_loop3A_1021 = arith.constant 4 : i32
      %parallel_loop3A_1022 = arith.index_cast %parallel_loop3A_1021 : i32 to index
      %parallel_loop3A_1023 = arith.index_cast %parallel_loop3A_1020 : i32 to index
      %parallel_loop3A_1024 = tpu.vector_load %arg5[%parallel_loop3A_1022, %parallel_loop3A_1023] {strides = array<i32>} : memref<8x3136xf32, #tpu.memory_space<vmem>>, vector<16xf32>,
      tpu.vector_store %arg5[%parallel_loop3A_1022, %parallel_loop3A_1023], %parallel_loop3A_676 {strides = array<i32>} : memref<8x3136xf32, #tpu.memory_space<vmem>>, vector<16xf32>,
      %parallel_loop3A_1025 = arith.constant 80 : i32
      %parallel_loop3A_1026 = arith.addi %parallel_loop3A_706, %parallel_loop3A_1025 : i32
      %parallel_loop3A_1027 = arith.constant 4 : i32
      %parallel_loop3A_1028 = arith.index_cast %parallel_loop3A_1027 : i32 to index
      %parallel_loop3A_1029 = arith.index_cast %parallel_loop3A_1026 : i32 to index
      %parallel_loop3A_1030 = tpu.vector_load %arg5[%parallel_loop3A_1028, %parallel_loop3A_1029] {strides = array<i32>} : memref<8x3136xf32, #tpu.memory_space<vmem>>, vector<16xf32>,
      tpu.vector_store %arg5[%parallel_loop3A_1028, %parallel_loop3A_1029], %parallel_loop3A_676 {strides = array<i32>} : memref<8x3136xf32, #tpu.memory_space<vmem>>, vector<16xf32>,
      %parallel_loop3A_1031 = arith.constant 96 : i32
      %parallel_loop3A_1032 = arith.addi %parallel_loop3A_706, %parallel_loop3A_1031 : i32
      %parallel_loop3A_1033 = arith.constant 4 : i32
      %parallel_loop3A_1034 = arith.index_cast %parallel_loop3A_1033 : i32 to index
      %parallel_loop3A_1035 = arith.index_cast %parallel_loop3A_1032 : i32 to index
      %parallel_loop3A_1036 = tpu.vector_load %arg5[%parallel_loop3A_1034, %parallel_loop3A_1035] {strides = array<i32>} : memref<8x3136xf32, #tpu.memory_space<vmem>>, vector<16xf32>,
      tpu.vector_store %arg5[%parallel_loop3A_1034, %parallel_loop3A_1035], %parallel_loop3A_676 {strides = array<i32>} : memref<8x3136xf32, #tpu.memory_space<vmem>>, vector<16xf32>,
      %parallel_loop3A_1037 = arith.constant 112 : i32
      %parallel_loop3A_1038 = arith.addi %parallel_loop3A_706, %parallel_loop3A_1037 : i32
      %parallel_loop3A_1039 = arith.constant 4 : i32
      %parallel_loop3A_1040 = arith.index_cast %parallel_loop3A_1039 : i32 to index
      %parallel_loop3A_1041 = arith.index_cast %parallel_loop3A_1038 : i32 to index
      %parallel_loop3A_1042 = tpu.vector_load %arg5[%parallel_loop3A_1040, %parallel_loop3A_1041] {strides = array<i32>} : memref<8x3136xf32, #tpu.memory_space<vmem>>, vector<16xf32>,
      tpu.vector_store %arg5[%parallel_loop3A_1040, %parallel_loop3A_1041], %parallel_loop3A_676 {strides = array<i32>} : memref<8x3136xf32, #tpu.memory_space<vmem>>, vector<16xf32>,
      %parallel_loop3A_1043 = arith.constant 128 : i32
      %parallel_loop3A_1044 = arith.addi %parallel_loop3A_706, %parallel_loop3A_1043 : i32
      %parallel_loop3A_1045 = arith.constant 4 : i32
      %parallel_loop3A_1046 = arith.index_cast %parallel_loop3A_1045 : i32 to index
      %parallel_loop3A_1047 = arith.index_cast %parallel_loop3A_1044 : i32 to index
      %parallel_loop3A_1048 = tpu.vector_load %arg5[%parallel_loop3A_1046, %parallel_loop3A_1047] {strides = array<i32>} : memref<8x3136xf32, #tpu.memory_space<vmem>>, vector<16xf32>,
      tpu.vector_store %arg5[%parallel_loop3A_1046, %parallel_loop3A_1047], %parallel_loop3A_676 {strides = array<i32>} : memref<8x3136xf32, #tpu.memory_space<vmem>>, vector<16xf32>,
      %parallel_loop3A_1049 = arith.constant 144 : i32
      %parallel_loop3A_1050 = arith.addi %parallel_loop3A_706, %parallel_loop3A_1049 : i32
      %parallel_loop3A_1051 = arith.constant 4 : i32
      %parallel_loop3A_1052 = arith.index_cast %parallel_loop3A_1051 : i32 to index
      %parallel_loop3A_1053 = arith.index_cast %parallel_loop3A_1050 : i32 to index
      %parallel_loop3A_1054 = tpu.vector_load %arg5[%parallel_loop3A_1052, %parallel_loop3A_1053] {strides = array<i32>} : memref<8x3136xf32, #tpu.memory_space<vmem>>, vector<16xf32>,
      tpu.vector_store %arg5[%parallel_loop3A_1052, %parallel_loop3A_1053], %parallel_loop3A_676 {strides = array<i32>} : memref<8x3136xf32, #tpu.memory_space<vmem>>, vector<16xf32>,
      %parallel_loop3A_1055 = arith.constant 160 : i32
      %parallel_loop3A_1056 = arith.addi %parallel_loop3A_706, %parallel_loop3A_1055 : i32
      %parallel_loop3A_1057 = arith.constant 4 : i32
      %parallel_loop3A_1058 = arith.index_cast %parallel_loop3A_1057 : i32 to index
      %parallel_loop3A_1059 = arith.index_cast %parallel_loop3A_1056 : i32 to index
      %parallel_loop3A_1060 = tpu.vector_load %arg5[%parallel_loop3A_1058, %parallel_loop3A_1059] {strides = array<i32>} : memref<8x3136xf32, #tpu.memory_space<vmem>>, vector<16xf32>,
      tpu.vector_store %arg5[%parallel_loop3A_1058, %parallel_loop3A_1059], %parallel_loop3A_676 {strides = array<i32>} : memref<8x3136xf32, #tpu.memory_space<vmem>>, vector<16xf32>,
      %parallel_loop3A_1061 = arith.constant 176 : i32
      %parallel_loop3A_1062 = arith.addi %parallel_loop3A_706, %parallel_loop3A_1061 : i32
      %parallel_loop3A_1063 = arith.constant 4 : i32
      %parallel_loop3A_1064 = arith.index_cast %parallel_loop3A_1063 : i32 to index
      %parallel_loop3A_1065 = arith.index_cast %parallel_loop3A_1062 : i32 to index
      %parallel_loop3A_1066 = tpu.vector_load %arg5[%parallel_loop3A_1064, %parallel_loop3A_1065] {strides = array<i32>} : memref<8x3136xf32, #tpu.memory_space<vmem>>, vector<16xf32>,
      tpu.vector_store %arg5[%parallel_loop3A_1064, %parallel_loop3A_1065], %parallel_loop3A_676 {strides = array<i32>} : memref<8x3136xf32, #tpu.memory_space<vmem>>, vector<16xf32>,
      %parallel_loop3A_1067 = arith.constant 0 : i32
      %parallel_loop3A_1068 = arith.addi %parallel_loop3A_706, %parallel_loop3A_1067 : i32
      %parallel_loop3A_1069 = arith.constant 5 : i32
      %parallel_loop3A_1070 = arith.index_cast %parallel_loop3A_1069 : i32 to index
      %parallel_loop3A_1071 = arith.index_cast %parallel_loop3A_1068 : i32 to index
      %parallel_loop3A_1072 = tpu.vector_load %arg5[%parallel_loop3A_1070, %parallel_loop3A_1071] {strides = array<i32>} : memref<8x3136xf32, #tpu.memory_space<vmem>>, vector<16xf32>,
      tpu.vector_store %arg5[%parallel_loop3A_1070, %parallel_loop3A_1071], %parallel_loop3A_676 {strides = array<i32>} : memref<8x3136xf32, #tpu.memory_space<vmem>>, vector<16xf32>,
      %parallel_loop3A_1073 = arith.constant 16 : i32
      %parallel_loop3A_1074 = arith.addi %parallel_loop3A_706, %parallel_loop3A_1073 : i32
      %parallel_loop3A_1075 = arith.constant 5 : i32
      %parallel_loop3A_1076 = arith.index_cast %parallel_loop3A_1075 : i32 to index
      %parallel_loop3A_1077 = arith.index_cast %parallel_loop3A_1074 : i32 to index
      %parallel_loop3A_1078 = tpu.vector_load %arg5[%parallel_loop3A_1076, %parallel_loop3A_1077] {strides = array<i32>} : memref<8x3136xf32, #tpu.memory_space<vmem>>, vector<16xf32>,
      tpu.vector_store %arg5[%parallel_loop3A_1076, %parallel_loop3A_1077], %parallel_loop3A_676 {strides = array<i32>} : memref<8x3136xf32, #tpu.memory_space<vmem>>, vector<16xf32>,
      %parallel_loop3A_1079 = arith.constant 32 : i32
      %parallel_loop3A_1080 = arith.addi %parallel_loop3A_706, %parallel_loop3A_1079 : i32
      %parallel_loop3A_1081 = arith.constant 5 : i32
      %parallel_loop3A_1082 = arith.index_cast %parallel_loop3A_1081 : i32 to index
      %parallel_loop3A_1083 = arith.index_cast %parallel_loop3A_1080 : i32 to index
      %parallel_loop3A_1084 = tpu.vector_load %arg5[%parallel_loop3A_1082, %parallel_loop3A_1083] {strides = array<i32>} : memref<8x3136xf32, #tpu.memory_space<vmem>>, vector<16xf32>,
      tpu.vector_store %arg5[%parallel_loop3A_1082, %parallel_loop3A_1083], %parallel_loop3A_676 {strides = array<i32>} : memref<8x3136xf32, #tpu.memory_space<vmem>>, vector<16xf32>,
      %parallel_loop3A_1085 = arith.constant 48 : i32
      %parallel_loop3A_1086 = arith.addi %parallel_loop3A_706, %parallel_loop3A_1085 : i32
      %parallel_loop3A_1087 = arith.constant 5 : i32
      %parallel_loop3A_1088 = arith.index_cast %parallel_loop3A_1087 : i32 to index
      %parallel_loop3A_1089 = arith.index_cast %parallel_loop3A_1086 : i32 to index
      %parallel_loop3A_1090 = tpu.vector_load %arg5[%parallel_loop3A_1088, %parallel_loop3A_1089] {strides = array<i32>} : memref<8x3136xf32, #tpu.memory_space<vmem>>, vector<16xf32>,
      tpu.vector_store %arg5[%parallel_loop3A_1088, %parallel_loop3A_1089], %parallel_loop3A_676 {strides = array<i32>} : memref<8x3136xf32, #tpu.memory_space<vmem>>, vector<16xf32>,
      %parallel_loop3A_1091 = arith.constant 64 : i32
      %parallel_loop3A_1092 = arith.addi %parallel_loop3A_706, %parallel_loop3A_1091 : i32
      %parallel_loop3A_1093 = arith.constant 5 : i32
      %parallel_loop3A_1094 = arith.index_cast %parallel_loop3A_1093 : i32 to index
      %parallel_loop3A_1095 = arith.index_cast %parallel_loop3A_1092 : i32 to index
      %parallel_loop3A_1096 = tpu.vector_load %arg5[%parallel_loop3A_1094, %parallel_loop3A_1095] {strides = array<i32>} : memref<8x3136xf32, #tpu.memory_space<vmem>>, vector<16xf32>,
      tpu.vector_store %arg5[%parallel_loop3A_1094, %parallel_loop3A_1095], %parallel_loop3A_676 {strides = array<i32>} : memref<8x3136xf32, #tpu.memory_space<vmem>>, vector<16xf32>,
      %parallel_loop3A_1097 = arith.constant 80 : i32
      %parallel_loop3A_1098 = arith.addi %parallel_loop3A_706, %parallel_loop3A_1097 : i32
      %parallel_loop3A_1099 = arith.constant 5 : i32
      %parallel_loop3A_1100 = arith.index_cast %parallel_loop3A_1099 : i32 to index
      %parallel_loop3A_1101 = arith.index_cast %parallel_loop3A_1098 : i32 to index
      %parallel_loop3A_1102 = tpu.vector_load %arg5[%parallel_loop3A_1100, %parallel_loop3A_1101] {strides = array<i32>} : memref<8x3136xf32, #tpu.memory_space<vmem>>, vector<16xf32>,
      tpu.vector_store %arg5[%parallel_loop3A_1100, %parallel_loop3A_1101], %parallel_loop3A_676 {strides = array<i32>} : memref<8x3136xf32, #tpu.memory_space<vmem>>, vector<16xf32>,
      %parallel_loop3A_1103 = arith.constant 96 : i32
      %parallel_loop3A_1104 = arith.addi %parallel_loop3A_706, %parallel_loop3A_1103 : i32
      %parallel_loop3A_1105 = arith.constant 5 : i32
      %parallel_loop3A_1106 = arith.index_cast %parallel_loop3A_1105 : i32 to index
      %parallel_loop3A_1107 = arith.index_cast %parallel_loop3A_1104 : i32 to index
      %parallel_loop3A_1108 = tpu.vector_load %arg5[%parallel_loop3A_1106, %parallel_loop3A_1107] {strides = array<i32>} : memref<8x3136xf32, #tpu.memory_space<vmem>>, vector<16xf32>,
      tpu.vector_store %arg5[%parallel_loop3A_1106, %parallel_loop3A_1107], %parallel_loop3A_676 {strides = array<i32>} : memref<8x3136xf32, #tpu.memory_space<vmem>>, vector<16xf32>,
      %parallel_loop3A_1109 = arith.constant 112 : i32
      %parallel_loop3A_1110 = arith.addi %parallel_loop3A_706, %parallel_loop3A_1109 : i32
      %parallel_loop3A_1111 = arith.constant 5 : i32
      %parallel_loop3A_1112 = arith.index_cast %parallel_loop3A_1111 : i32 to index
      %parallel_loop3A_1113 = arith.index_cast %parallel_loop3A_1110 : i32 to index
      %parallel_loop3A_1114 = tpu.vector_load %arg5[%parallel_loop3A_1112, %parallel_loop3A_1113] {strides = array<i32>} : memref<8x3136xf32, #tpu.memory_space<vmem>>, vector<16xf32>,
      tpu.vector_store %arg5[%parallel_loop3A_1112, %parallel_loop3A_1113], %parallel_loop3A_676 {strides = array<i32>} : memref<8x3136xf32, #tpu.memory_space<vmem>>, vector<16xf32>,
      %parallel_loop3A_1115 = arith.constant 128 : i32
      %parallel_loop3A_1116 = arith.addi %parallel_loop3A_706, %parallel_loop3A_1115 : i32
      %parallel_loop3A_1117 = arith.constant 5 : i32
      %parallel_loop3A_1118 = arith.index_cast %parallel_loop3A_1117 : i32 to index
      %parallel_loop3A_1119 = arith.index_cast %parallel_loop3A_1116 : i32 to index
      %parallel_loop3A_1120 = tpu.vector_load %arg5[%parallel_loop3A_1118, %parallel_loop3A_1119] {strides = array<i32>} : memref<8x3136xf32, #tpu.memory_space<vmem>>, vector<16xf32>,
      tpu.vector_store %arg5[%parallel_loop3A_1118, %parallel_loop3A_1119], %parallel_loop3A_676 {strides = array<i32>} : memref<8x3136xf32, #tpu.memory_space<vmem>>, vector<16xf32>,
      %parallel_loop3A_1121 = arith.constant 144 : i32
      %parallel_loop3A_1122 = arith.addi %parallel_loop3A_706, %parallel_loop3A_1121 : i32
      %parallel_loop3A_1123 = arith.constant 5 : i32
      %parallel_loop3A_1124 = arith.index_cast %parallel_loop3A_1123 : i32 to index
      %parallel_loop3A_1125 = arith.index_cast %parallel_loop3A_1122 : i32 to index
      %parallel_loop3A_1126 = tpu.vector_load %arg5[%parallel_loop3A_1124, %parallel_loop3A_1125] {strides = array<i32>} : memref<8x3136xf32, #tpu.memory_space<vmem>>, vector<16xf32>,
      tpu.vector_store %arg5[%parallel_loop3A_1124, %parallel_loop3A_1125], %parallel_loop3A_676 {strides = array<i32>} : memref<8x3136xf32, #tpu.memory_space<vmem>>, vector<16xf32>,
      %parallel_loop3A_1127 = arith.constant 160 : i32
      %parallel_loop3A_1128 = arith.addi %parallel_loop3A_706, %parallel_loop3A_1127 : i32
      %parallel_loop3A_1129 = arith.constant 5 : i32
      %parallel_loop3A_1130 = arith.index_cast %parallel_loop3A_1129 : i32 to index
      %parallel_loop3A_1131 = arith.index_cast %parallel_loop3A_1128 : i32 to index
      %parallel_loop3A_1132 = tpu.vector_load %arg5[%parallel_loop3A_1130, %parallel_loop3A_1131] {strides = array<i32>} : memref<8x3136xf32, #tpu.memory_space<vmem>>, vector<16xf32>,
      tpu.vector_store %arg5[%parallel_loop3A_1130, %parallel_loop3A_1131], %parallel_loop3A_676 {strides = array<i32>} : memref<8x3136xf32, #tpu.memory_space<vmem>>, vector<16xf32>,
      %parallel_loop3A_1133 = arith.constant 176 : i32
      %parallel_loop3A_1134 = arith.addi %parallel_loop3A_706, %parallel_loop3A_1133 : i32
      %parallel_loop3A_1135 = arith.constant 5 : i32
      %parallel_loop3A_1136 = arith.index_cast %parallel_loop3A_1135 : i32 to index
      %parallel_loop3A_1137 = arith.index_cast %parallel_loop3A_1134 : i32 to index
      %parallel_loop3A_1138 = tpu.vector_load %arg5[%parallel_loop3A_1136, %parallel_loop3A_1137] {strides = array<i32>} : memref<8x3136xf32, #tpu.memory_space<vmem>>, vector<16xf32>,
      tpu.vector_store %arg5[%parallel_loop3A_1136, %parallel_loop3A_1137], %parallel_loop3A_676 {strides = array<i32>} : memref<8x3136xf32, #tpu.memory_space<vmem>>, vector<16xf32>,
      %parallel_loop3A_1139 = arith.constant 0 : i32
      %parallel_loop3A_1140 = arith.addi %parallel_loop3A_706, %parallel_loop3A_1139 : i32
      %parallel_loop3A_1141 = arith.constant 6 : i32
      %parallel_loop3A_1142 = arith.index_cast %parallel_loop3A_1141 : i32 to index
      %parallel_loop3A_1143 = arith.index_cast %parallel_loop3A_1140 : i32 to index
      %parallel_loop3A_1144 = tpu.vector_load %arg5[%parallel_loop3A_1142, %parallel_loop3A_1143] {strides = array<i32>} : memref<8x3136xf32, #tpu.memory_space<vmem>>, vector<16xf32>,
      tpu.vector_store %arg5[%parallel_loop3A_1142, %parallel_loop3A_1143], %parallel_loop3A_676 {strides = array<i32>} : memref<8x3136xf32, #tpu.memory_space<vmem>>, vector<16xf32>,
      %parallel_loop3A_1145 = arith.constant 16 : i32
      %parallel_loop3A_1146 = arith.addi %parallel_loop3A_706, %parallel_loop3A_1145 : i32
      %parallel_loop3A_1147 = arith.constant 6 : i32
      %parallel_loop3A_1148 = arith.index_cast %parallel_loop3A_1147 : i32 to index
      %parallel_loop3A_1149 = arith.index_cast %parallel_loop3A_1146 : i32 to index
      %parallel_loop3A_1150 = tpu.vector_load %arg5[%parallel_loop3A_1148, %parallel_loop3A_1149] {strides = array<i32>} : memref<8x3136xf32, #tpu.memory_space<vmem>>, vector<16xf32>,
      tpu.vector_store %arg5[%parallel_loop3A_1148, %parallel_loop3A_1149], %parallel_loop3A_676 {strides = array<i32>} : memref<8x3136xf32, #tpu.memory_space<vmem>>, vector<16xf32>,
      %parallel_loop3A_1151 = arith.constant 32 : i32
      %parallel_loop3A_1152 = arith.addi %parallel_loop3A_706, %parallel_loop3A_1151 : i32
      %parallel_loop3A_1153 = arith.constant 6 : i32
      %parallel_loop3A_1154 = arith.index_cast %parallel_loop3A_1153 : i32 to index
      %parallel_loop3A_1155 = arith.index_cast %parallel_loop3A_1152 : i32 to index
      %parallel_loop3A_1156 = tpu.vector_load %arg5[%parallel_loop3A_1154, %parallel_loop3A_1155] {strides = array<i32>} : memref<8x3136xf32, #tpu.memory_space<vmem>>, vector<16xf32>,
      tpu.vector_store %arg5[%parallel_loop3A_1154, %parallel_loop3A_1155], %parallel_loop3A_676 {strides = array<i32>} : memref<8x3136xf32, #tpu.memory_space<vmem>>, vector<16xf32>,
      %parallel_loop3A_1157 = arith.constant 48 : i32
      %parallel_loop3A_1158 = arith.addi %parallel_loop3A_706, %parallel_loop3A_1157 : i32
      %parallel_loop3A_1159 = arith.constant 6 : i32
      %parallel_loop3A_1160 = arith.index_cast %parallel_loop3A_1159 : i32 to index
      %parallel_loop3A_1161 = arith.index_cast %parallel_loop3A_1158 : i32 to index
      %parallel_loop3A_1162 = tpu.vector_load %arg5[%parallel_loop3A_1160, %parallel_loop3A_1161] {strides = array<i32>} : memref<8x3136xf32, #tpu.memory_space<vmem>>, vector<16xf32>,
      tpu.vector_store %arg5[%parallel_loop3A_1160, %parallel_loop3A_1161], %parallel_loop3A_676 {strides = array<i32>} : memref<8x3136xf32, #tpu.memory_space<vmem>>, vector<16xf32>,
      %parallel_loop3A_1163 = arith.constant 64 : i32
      %parallel_loop3A_1164 = arith.addi %parallel_loop3A_706, %parallel_loop3A_1163 : i32
      %parallel_loop3A_1165 = arith.constant 6 : i32
      %parallel_loop3A_1166 = arith.index_cast %parallel_loop3A_1165 : i32 to index
      %parallel_loop3A_1167 = arith.index_cast %parallel_loop3A_1164 : i32 to index
      %parallel_loop3A_1168 = tpu.vector_load %arg5[%parallel_loop3A_1166, %parallel_loop3A_1167] {strides = array<i32>} : memref<8x3136xf32, #tpu.memory_space<vmem>>, vector<16xf32>,
      tpu.vector_store %arg5[%parallel_loop3A_1166, %parallel_loop3A_1167], %parallel_loop3A_676 {strides = array<i32>} : memref<8x3136xf32, #tpu.memory_space<vmem>>, vector<16xf32>,
      %parallel_loop3A_1169 = arith.constant 80 : i32
      %parallel_loop3A_1170 = arith.addi %parallel_loop3A_706, %parallel_loop3A_1169 : i32
      %parallel_loop3A_1171 = arith.constant 6 : i32
      %parallel_loop3A_1172 = arith.index_cast %parallel_loop3A_1171 : i32 to index
      %parallel_loop3A_1173 = arith.index_cast %parallel_loop3A_1170 : i32 to index
      %parallel_loop3A_1174 = tpu.vector_load %arg5[%parallel_loop3A_1172, %parallel_loop3A_1173] {strides = array<i32>} : memref<8x3136xf32, #tpu.memory_space<vmem>>, vector<16xf32>,
      tpu.vector_store %arg5[%parallel_loop3A_1172, %parallel_loop3A_1173], %parallel_loop3A_676 {strides = array<i32>} : memref<8x3136xf32, #tpu.memory_space<vmem>>, vector<16xf32>,
      %parallel_loop3A_1175 = arith.constant 96 : i32
      %parallel_loop3A_1176 = arith.addi %parallel_loop3A_706, %parallel_loop3A_1175 : i32
      %parallel_loop3A_1177 = arith.constant 6 : i32
      %parallel_loop3A_1178 = arith.index_cast %parallel_loop3A_1177 : i32 to index
      %parallel_loop3A_1179 = arith.index_cast %parallel_loop3A_1176 : i32 to index
      %parallel_loop3A_1180 = tpu.vector_load %arg5[%parallel_loop3A_1178, %parallel_loop3A_1179] {strides = array<i32>} : memref<8x3136xf32, #tpu.memory_space<vmem>>, vector<16xf32>,
      tpu.vector_store %arg5[%parallel_loop3A_1178, %parallel_loop3A_1179], %parallel_loop3A_676 {strides = array<i32>} : memref<8x3136xf32, #tpu.memory_space<vmem>>, vector<16xf32>,
      %parallel_loop3A_1181 = arith.constant 112 : i32
      %parallel_loop3A_1182 = arith.addi %parallel_loop3A_706, %parallel_loop3A_1181 : i32
      %parallel_loop3A_1183 = arith.constant 6 : i32
      %parallel_loop3A_1184 = arith.index_cast %parallel_loop3A_1183 : i32 to index
      %parallel_loop3A_1185 = arith.index_cast %parallel_loop3A_1182 : i32 to index
      %parallel_loop3A_1186 = tpu.vector_load %arg5[%parallel_loop3A_1184, %parallel_loop3A_1185] {strides = array<i32>} : memref<8x3136xf32, #tpu.memory_space<vmem>>, vector<16xf32>,
      tpu.vector_store %arg5[%parallel_loop3A_1184, %parallel_loop3A_1185], %parallel_loop3A_676 {strides = array<i32>} : memref<8x3136xf32, #tpu.memory_space<vmem>>, vector<16xf32>,
      %parallel_loop3A_1187 = arith.constant 128 : i32
      %parallel_loop3A_1188 = arith.addi %parallel_loop3A_706, %parallel_loop3A_1187 : i32
      %parallel_loop3A_1189 = arith.constant 6 : i32
      %parallel_loop3A_1190 = arith.index_cast %parallel_loop3A_1189 : i32 to index
      %parallel_loop3A_1191 = arith.index_cast %parallel_loop3A_1188 : i32 to index
      %parallel_loop3A_1192 = tpu.vector_load %arg5[%parallel_loop3A_1190, %parallel_loop3A_1191] {strides = array<i32>} : memref<8x3136xf32, #tpu.memory_space<vmem>>, vector<16xf32>,
      tpu.vector_store %arg5[%parallel_loop3A_1190, %parallel_loop3A_1191], %parallel_loop3A_676 {strides = array<i32>} : memref<8x3136xf32, #tpu.memory_space<vmem>>, vector<16xf32>,
      %parallel_loop3A_1193 = arith.constant 144 : i32
      %parallel_loop3A_1194 = arith.addi %parallel_loop3A_706, %parallel_loop3A_1193 : i32
      %parallel_loop3A_1195 = arith.constant 6 : i32
      %parallel_loop3A_1196 = arith.index_cast %parallel_loop3A_1195 : i32 to index
      %parallel_loop3A_1197 = arith.index_cast %parallel_loop3A_1194 : i32 to index
      %parallel_loop3A_1198 = tpu.vector_load %arg5[%parallel_loop3A_1196, %parallel_loop3A_1197] {strides = array<i32>} : memref<8x3136xf32, #tpu.memory_space<vmem>>, vector<16xf32>,
      tpu.vector_store %arg5[%parallel_loop3A_1196, %parallel_loop3A_1197], %parallel_loop3A_676 {strides = array<i32>} : memref<8x3136xf32, #tpu.memory_space<vmem>>, vector<16xf32>,
      %parallel_loop3A_1199 = arith.constant 160 : i32
      %parallel_loop3A_1200 = arith.addi %parallel_loop3A_706, %parallel_loop3A_1199 : i32
      %parallel_loop3A_1201 = arith.constant 6 : i32
      %parallel_loop3A_1202 = arith.index_cast %parallel_loop3A_1201 : i32 to index
      %parallel_loop3A_1203 = arith.index_cast %parallel_loop3A_1200 : i32 to index
      %parallel_loop3A_1204 = tpu.vector_load %arg5[%parallel_loop3A_1202, %parallel_loop3A_1203] {strides = array<i32>} : memref<8x3136xf32, #tpu.memory_space<vmem>>, vector<16xf32>,
      tpu.vector_store %arg5[%parallel_loop3A_1202, %parallel_loop3A_1203], %parallel_loop3A_676 {strides = array<i32>} : memref<8x3136xf32, #tpu.memory_space<vmem>>, vector<16xf32>,
      %parallel_loop3A_1205 = arith.constant 176 : i32
      %parallel_loop3A_1206 = arith.addi %parallel_loop3A_706, %parallel_loop3A_1205 : i32
      %parallel_loop3A_1207 = arith.constant 6 : i32
      %parallel_loop3A_1208 = arith.index_cast %parallel_loop3A_1207 : i32 to index
      %parallel_loop3A_1209 = arith.index_cast %parallel_loop3A_1206 : i32 to index
      %parallel_loop3A_1210 = tpu.vector_load %arg5[%parallel_loop3A_1208, %parallel_loop3A_1209] {strides = array<i32>} : memref<8x3136xf32, #tpu.memory_space<vmem>>, vector<16xf32>,
      tpu.vector_store %arg5[%parallel_loop3A_1208, %parallel_loop3A_1209], %parallel_loop3A_676 {strides = array<i32>} : memref<8x3136xf32, #tpu.memory_space<vmem>>, vector<16xf32>,
      %parallel_loop3A_1211 = arith.constant 0 : i32
      %parallel_loop3A_1212 = arith.addi %parallel_loop3A_706, %parallel_loop3A_1211 : i32
      %parallel_loop3A_1213 = arith.constant 7 : i32
      %parallel_loop3A_1214 = arith.index_cast %parallel_loop3A_1213 : i32 to index
      %parallel_loop3A_1215 = arith.index_cast %parallel_loop3A_1212 : i32 to index
      %parallel_loop3A_1216 = tpu.vector_load %arg5[%parallel_loop3A_1214, %parallel_loop3A_1215] {strides = array<i32>} : memref<8x3136xf32, #tpu.memory_space<vmem>>, vector<16xf32>,
      tpu.vector_store %arg5[%parallel_loop3A_1214, %parallel_loop3A_1215], %parallel_loop3A_676 {strides = array<i32>} : memref<8x3136xf32, #tpu.memory_space<vmem>>, vector<16xf32>,
      %parallel_loop3A_1217 = arith.constant 16 : i32
      %parallel_loop3A_1218 = arith.addi %parallel_loop3A_706, %parallel_loop3A_1217 : i32
      %parallel_loop3A_1219 = arith.constant 7 : i32
      %parallel_loop3A_1220 = arith.index_cast %parallel_loop3A_1219 : i32 to index
      %parallel_loop3A_1221 = arith.index_cast %parallel_loop3A_1218 : i32 to index
      %parallel_loop3A_1222 = tpu.vector_load %arg5[%parallel_loop3A_1220, %parallel_loop3A_1221] {strides = array<i32>} : memref<8x3136xf32, #tpu.memory_space<vmem>>, vector<16xf32>,
      tpu.vector_store %arg5[%parallel_loop3A_1220, %parallel_loop3A_1221], %parallel_loop3A_676 {strides = array<i32>} : memref<8x3136xf32, #tpu.memory_space<vmem>>, vector<16xf32>,
      %parallel_loop3A_1223 = arith.constant 32 : i32
      %parallel_loop3A_1224 = arith.addi %parallel_loop3A_706, %parallel_loop3A_1223 : i32
      %parallel_loop3A_1225 = arith.constant 7 : i32
      %parallel_loop3A_1226 = arith.index_cast %parallel_loop3A_1225 : i32 to index
      %parallel_loop3A_1227 = arith.index_cast %parallel_loop3A_1224 : i32 to index
      %parallel_loop3A_1228 = tpu.vector_load %arg5[%parallel_loop3A_1226, %parallel_loop3A_1227] {strides = array<i32>} : memref<8x3136xf32, #tpu.memory_space<vmem>>, vector<16xf32>,
      tpu.vector_store %arg5[%parallel_loop3A_1226, %parallel_loop3A_1227], %parallel_loop3A_676 {strides = array<i32>} : memref<8x3136xf32, #tpu.memory_space<vmem>>, vector<16xf32>,
      %parallel_loop3A_1229 = arith.constant 48 : i32
      %parallel_loop3A_1230 = arith.addi %parallel_loop3A_706, %parallel_loop3A_1229 : i32
      %parallel_loop3A_1231 = arith.constant 7 : i32
      %parallel_loop3A_1232 = arith.index_cast %parallel_loop3A_1231 : i32 to index
      %parallel_loop3A_1233 = arith.index_cast %parallel_loop3A_1230 : i32 to index
      %parallel_loop3A_1234 = tpu.vector_load %arg5[%parallel_loop3A_1232, %parallel_loop3A_1233] {strides = array<i32>} : memref<8x3136xf32, #tpu.memory_space<vmem>>, vector<16xf32>,
      tpu.vector_store %arg5[%parallel_loop3A_1232, %parallel_loop3A_1233], %parallel_loop3A_676 {strides = array<i32>} : memref<8x3136xf32, #tpu.memory_space<vmem>>, vector<16xf32>,
      %parallel_loop3A_1235 = arith.constant 64 : i32
      %parallel_loop3A_1236 = arith.addi %parallel_loop3A_706, %parallel_loop3A_1235 : i32
      %parallel_loop3A_1237 = arith.constant 7 : i32
      %parallel_loop3A_1238 = arith.index_cast %parallel_loop3A_1237 : i32 to index
      %parallel_loop3A_1239 = arith.index_cast %parallel_loop3A_1236 : i32 to index
      %parallel_loop3A_1240 = tpu.vector_load %arg5[%parallel_loop3A_1238, %parallel_loop3A_1239] {strides = array<i32>} : memref<8x3136xf32, #tpu.memory_space<vmem>>, vector<16xf32>,
      tpu.vector_store %arg5[%parallel_loop3A_1238, %parallel_loop3A_1239], %parallel_loop3A_676 {strides = array<i32>} : memref<8x3136xf32, #tpu.memory_space<vmem>>, vector<16xf32>,
      %parallel_loop3A_1241 = arith.constant 80 : i32
      %parallel_loop3A_1242 = arith.addi %parallel_loop3A_706, %parallel_loop3A_1241 : i32
      %parallel_loop3A_1243 = arith.constant 7 : i32
      %parallel_loop3A_1244 = arith.index_cast %parallel_loop3A_1243 : i32 to index
      %parallel_loop3A_1245 = arith.index_cast %parallel_loop3A_1242 : i32 to index
      %parallel_loop3A_1246 = tpu.vector_load %arg5[%parallel_loop3A_1244, %parallel_loop3A_1245] {strides = array<i32>} : memref<8x3136xf32, #tpu.memory_space<vmem>>, vector<16xf32>,
      tpu.vector_store %arg5[%parallel_loop3A_1244, %parallel_loop3A_1245], %parallel_loop3A_676 {strides = array<i32>} : memref<8x3136xf32, #tpu.memory_space<vmem>>, vector<16xf32>,
      %parallel_loop3A_1247 = arith.constant 96 : i32
      %parallel_loop3A_1248 = arith.addi %parallel_loop3A_706, %parallel_loop3A_1247 : i32
      %parallel_loop3A_1249 = arith.constant 7 : i32
      %parallel_loop3A_1250 = arith.index_cast %parallel_loop3A_1249 : i32 to index
      %parallel_loop3A_1251 = arith.index_cast %parallel_loop3A_1248 : i32 to index
      %parallel_loop3A_1252 = tpu.vector_load %arg5[%parallel_loop3A_1250, %parallel_loop3A_1251] {strides = array<i32>} : memref<8x3136xf32, #tpu.memory_space<vmem>>, vector<16xf32>,
      tpu.vector_store %arg5[%parallel_loop3A_1250, %parallel_loop3A_1251], %parallel_loop3A_676 {strides = array<i32>} : memref<8x3136xf32, #tpu.memory_space<vmem>>, vector<16xf32>,
      %parallel_loop3A_1253 = arith.constant 112 : i32
      %parallel_loop3A_1254 = arith.addi %parallel_loop3A_706, %parallel_loop3A_1253 : i32
      %parallel_loop3A_1255 = arith.constant 7 : i32
      %parallel_loop3A_1256 = arith.index_cast %parallel_loop3A_1255 : i32 to index
      %parallel_loop3A_1257 = arith.index_cast %parallel_loop3A_1254 : i32 to index
      %parallel_loop3A_1258 = tpu.vector_load %arg5[%parallel_loop3A_1256, %parallel_loop3A_1257] {strides = array<i32>} : memref<8x3136xf32, #tpu.memory_space<vmem>>, vector<16xf32>,
      tpu.vector_store %arg5[%parallel_loop3A_1256, %parallel_loop3A_1257], %parallel_loop3A_676 {strides = array<i32>} : memref<8x3136xf32, #tpu.memory_space<vmem>>, vector<16xf32>,
      %parallel_loop3A_1259 = arith.constant 128 : i32
      %parallel_loop3A_1260 = arith.addi %parallel_loop3A_706, %parallel_loop3A_1259 : i32
      %parallel_loop3A_1261 = arith.constant 7 : i32
      %parallel_loop3A_1262 = arith.index_cast %parallel_loop3A_1261 : i32 to index
      %parallel_loop3A_1263 = arith.index_cast %parallel_loop3A_1260 : i32 to index
      %parallel_loop3A_1264 = tpu.vector_load %arg5[%parallel_loop3A_1262, %parallel_loop3A_1263] {strides = array<i32>} : memref<8x3136xf32, #tpu.memory_space<vmem>>, vector<16xf32>,
      tpu.vector_store %arg5[%parallel_loop3A_1262, %parallel_loop3A_1263], %parallel_loop3A_676 {strides = array<i32>} : memref<8x3136xf32, #tpu.memory_space<vmem>>, vector<16xf32>,
      %parallel_loop3A_1265 = arith.constant 144 : i32
      %parallel_loop3A_1266 = arith.addi %parallel_loop3A_706, %parallel_loop3A_1265 : i32
      %parallel_loop3A_1267 = arith.constant 7 : i32
      %parallel_loop3A_1268 = arith.index_cast %parallel_loop3A_1267 : i32 to index
      %parallel_loop3A_1269 = arith.index_cast %parallel_loop3A_1266 : i32 to index
      %parallel_loop3A_1270 = tpu.vector_load %arg5[%parallel_loop3A_1268, %parallel_loop3A_1269] {strides = array<i32>} : memref<8x3136xf32, #tpu.memory_space<vmem>>, vector<16xf32>,
      tpu.vector_store %arg5[%parallel_loop3A_1268, %parallel_loop3A_1269], %parallel_loop3A_676 {strides = array<i32>} : memref<8x3136xf32, #tpu.memory_space<vmem>>, vector<16xf32>,
      %parallel_loop3A_1271 = arith.constant 160 : i32
      %parallel_loop3A_1272 = arith.addi %parallel_loop3A_706, %parallel_loop3A_1271 : i32
      %parallel_loop3A_1273 = arith.constant 7 : i32
      %parallel_loop3A_1274 = arith.index_cast %parallel_loop3A_1273 : i32 to index
      %parallel_loop3A_1275 = arith.index_cast %parallel_loop3A_1272 : i32 to index
      %parallel_loop3A_1276 = tpu.vector_load %arg5[%parallel_loop3A_1274, %parallel_loop3A_1275] {strides = array<i32>} : memref<8x3136xf32, #tpu.memory_space<vmem>>, vector<16xf32>,
      tpu.vector_store %arg5[%parallel_loop3A_1274, %parallel_loop3A_1275], %parallel_loop3A_676 {strides = array<i32>} : memref<8x3136xf32, #tpu.memory_space<vmem>>, vector<16xf32>,
      %parallel_loop3A_1277 = arith.constant 176 : i32
      %parallel_loop3A_1278 = arith.addi %parallel_loop3A_706, %parallel_loop3A_1277 : i32
      %parallel_loop3A_1279 = arith.constant 7 : i32
      %parallel_loop3A_1280 = arith.index_cast %parallel_loop3A_1279 : i32 to index
      %parallel_loop3A_1281 = arith.index_cast %parallel_loop3A_1278 : i32 to index
      %parallel_loop3A_1282 = tpu.vector_load %arg5[%parallel_loop3A_1280, %parallel_loop3A_1281] {strides = array<i32>} : memref<8x3136xf32, #tpu.memory_space<vmem>>, vector<16xf32>,
      tpu.vector_store %arg5[%parallel_loop3A_1280, %parallel_loop3A_1281], %parallel_loop3A_676 {strides = array<i32>} : memref<8x3136xf32, #tpu.memory_space<vmem>>, vector<16xf32>,
    } {sc.loop_unroll_factor = 1 : i64, sc.parallel_access}
    %sub3A_62 = arith.constant 0 : i32
    %sub3A_63 = arith.subi %add3A_59, %sub3A_62 : i32
    %ge3A = arith.constant 4 : i32
    %ge3A_64 = vector.broadcast %ge3A : i32 to vector<16xi32>
    %ge3A_65 = arith.cmpi sge, %iota3A, %ge3A_64 : vector<16xi32>
    %convert_element_type3A = arith.extui %ge3A_65 : vector<16xi1> to vector<16xi32>
    %sub3A_66 = vector.broadcast %sub3A_63 : i32 to vector<16xi32>
    %sub3A_67 = arith.subi %sub3A_66, %convert_element_type3A : vector<16xi32>
    %gather3A = tpu.vector_load_idx %arg4[%sub3A_67] : memref<31xf32, #tpu.memory_space<vmem>>[vector<16xi32>], vector<16xf32>,
    %swap3A = arith.constant 0 : i32
    %swap3A_68 = arith.index_cast %swap3A : i32 to index
    %swap3A_69 = arith.constant 192 : index
    %swap3A_70 = tpu.vector_load %arg5[%swap3A_68, %swap3A_69] {strides = array<i32>} : memref<8x3136xf32, #tpu.memory_space<vmem>>, vector<16xf32>,
    tpu.vector_store %arg5[%swap3A_68, %swap3A_69], %gather3A {strides = array<i32>} : memref<8x3136xf32, #tpu.memory_space<vmem>>, vector<16xf32>,
    %swap3A_71 = arith.constant 1 : i32
    %swap3A_72 = arith.index_cast %swap3A_71 : i32 to index
    %swap3A_73 = arith.constant 192 : index
    %swap3A_74 = tpu.vector_load %arg5[%swap3A_72, %swap3A_73] {strides = array<i32>} : memref<8x3136xf32, #tpu.memory_space<vmem>>, vector<16xf32>,
    tpu.vector_store %arg5[%swap3A_72, %swap3A_73], %gather3A {strides = array<i32>} : memref<8x3136xf32, #tpu.memory_space<vmem>>, vector<16xf32>,
    %swap3A_75 = arith.constant 2 : i32
    %swap3A_76 = arith.index_cast %swap3A_75 : i32 to index
    %swap3A_77 = arith.constant 192 : index
    %swap3A_78 = tpu.vector_load %arg5[%swap3A_76, %swap3A_77] {strides = array<i32>} : memref<8x3136xf32, #tpu.memory_space<vmem>>, vector<16xf32>,
    tpu.vector_store %arg5[%swap3A_76, %swap3A_77], %gather3A {strides = array<i32>} : memref<8x3136xf32, #tpu.memory_space<vmem>>, vector<16xf32>,
    %swap3A_79 = arith.constant 3 : i32
    %swap3A_80 = arith.index_cast %swap3A_79 : i32 to index
    %swap3A_81 = arith.constant 192 : index
    %swap3A_82 = tpu.vector_load %arg5[%swap3A_80, %swap3A_81] {strides = array<i32>} : memref<8x3136xf32, #tpu.memory_space<vmem>>, vector<16xf32>,
    tpu.vector_store %arg5[%swap3A_80, %swap3A_81], %gather3A {strides = array<i32>} : memref<8x3136xf32, #tpu.memory_space<vmem>>, vector<16xf32>,
    %swap3A_83 = arith.constant 4 : i32
    %swap3A_84 = arith.index_cast %swap3A_83 : i32 to index
    %swap3A_85 = arith.constant 192 : index
    %swap3A_86 = tpu.vector_load %arg5[%swap3A_84, %swap3A_85] {strides = array<i32>} : memref<8x3136xf32, #tpu.memory_space<vmem>>, vector<16xf32>,
    tpu.vector_store %arg5[%swap3A_84, %swap3A_85], %gather3A {strides = array<i32>} : memref<8x3136xf32, #tpu.memory_space<vmem>>, vector<16xf32>,
    %swap3A_87 = arith.constant 5 : i32
    %swap3A_88 = arith.index_cast %swap3A_87 : i32 to index
    %swap3A_89 = arith.constant 192 : index
    %swap3A_90 = tpu.vector_load %arg5[%swap3A_88, %swap3A_89] {strides = array<i32>} : memref<8x3136xf32, #tpu.memory_space<vmem>>, vector<16xf32>,
    tpu.vector_store %arg5[%swap3A_88, %swap3A_89], %gather3A {strides = array<i32>} : memref<8x3136xf32, #tpu.memory_space<vmem>>, vector<16xf32>,
    %swap3A_91 = arith.constant 6 : i32
    %swap3A_92 = arith.index_cast %swap3A_91 : i32 to index
    %swap3A_93 = arith.constant 192 : index
    %swap3A_94 = tpu.vector_load %arg5[%swap3A_92, %swap3A_93] {strides = array<i32>} : memref<8x3136xf32, #tpu.memory_space<vmem>>, vector<16xf32>,
    tpu.vector_store %arg5[%swap3A_92, %swap3A_93], %gather3A {strides = array<i32>} : memref<8x3136xf32, #tpu.memory_space<vmem>>, vector<16xf32>,
    %swap3A_95 = arith.constant 7 : i32
    %swap3A_96 = arith.index_cast %swap3A_95 : i32 to index
    %swap3A_97 = arith.constant 192 : index
    %swap3A_98 = tpu.vector_load %arg5[%swap3A_96, %swap3A_97] {strides = array<i32>} : memref<8x3136xf32, #tpu.memory_space<vmem>>, vector<16xf32>,
    tpu.vector_store %arg5[%swap3A_96, %swap3A_97], %gather3A {strides = array<i32>} : memref<8x3136xf32, #tpu.memory_space<vmem>>, vector<16xf32>,
    %sub3A_99 = arith.constant 1 : i32
    %sub3A_100 = arith.subi %add3A_59, %sub3A_99 : i32
    %ge3A_101 = arith.constant 8 : i32
    %ge3A_102 = vector.broadcast %ge3A_101 : i32 to vector<16xi32>
    %ge3A_103 = arith.cmpi sge, %iota3A, %ge3A_102 : vector<16xi32>
    %convert_element_type3A_104 = arith.extui %ge3A_103 : vector<16xi1> to vector<16xi32>
    %sub3A_105 = vector.broadcast %sub3A_100 : i32 to vector<16xi32>
    %sub3A_106 = arith.subi %sub3A_105, %convert_element_type3A_104 : vector<16xi32>
    %gather3A_107 = tpu.vector_load_idx %arg4[%sub3A_106] : memref<31xf32, #tpu.memory_space<vmem>>[vector<16xi32>], vector<16xf32>,
    %swap3A_108 = arith.constant 0 : i32
    %swap3A_109 = arith.index_cast %swap3A_108 : i32 to index
    %swap3A_110 = arith.constant 384 : index
    %swap3A_111 = tpu.vector_load %arg5[%swap3A_109, %swap3A_110] {strides = array<i32>} : memref<8x3136xf32, #tpu.memory_space<vmem>>, vector<16xf32>,
    tpu.vector_store %arg5[%swap3A_109, %swap3A_110], %gather3A_107 {strides = array<i32>} : memref<8x3136xf32, #tpu.memory_space<vmem>>, vector<16xf32>,
    %swap3A_112 = arith.constant 1 : i32
    %swap3A_113 = arith.index_cast %swap3A_112 : i32 to index
    %swap3A_114 = arith.constant 384 : index
    %swap3A_115 = tpu.vector_load %arg5[%swap3A_113, %swap3A_114] {strides = array<i32>} : memref<8x3136xf32, #tpu.memory_space<vmem>>, vector<16xf32>,
    tpu.vector_store %arg5[%swap3A_113, %swap3A_114], %gather3A_107 {strides = array<i32>} : memref<8x3136xf32, #tpu.memory_space<vmem>>, vector<16xf32>,
    %swap3A_116 = arith.constant 2 : i32
    %swap3A_117 = arith.index_cast %swap3A_116 : i32 to index
    %swap3A_118 = arith.constant 384 : index
    %swap3A_119 = tpu.vector_load %arg5[%swap3A_117, %swap3A_118] {strides = array<i32>} : memref<8x3136xf32, #tpu.memory_space<vmem>>, vector<16xf32>,
    tpu.vector_store %arg5[%swap3A_117, %swap3A_118], %gather3A_107 {strides = array<i32>} : memref<8x3136xf32, #tpu.memory_space<vmem>>, vector<16xf32>,
    %swap3A_120 = arith.constant 3 : i32
    %swap3A_121 = arith.index_cast %swap3A_120 : i32 to index
    %swap3A_122 = arith.constant 384 : index
    %swap3A_123 = tpu.vector_load %arg5[%swap3A_121, %swap3A_122] {strides = array<i32>} : memref<8x3136xf32, #tpu.memory_space<vmem>>, vector<16xf32>,
    tpu.vector_store %arg5[%swap3A_121, %swap3A_122], %gather3A_107 {strides = array<i32>} : memref<8x3136xf32, #tpu.memory_space<vmem>>, vector<16xf32>,
    %swap3A_124 = arith.constant 4 : i32
    %swap3A_125 = arith.index_cast %swap3A_124 : i32 to index
    %swap3A_126 = arith.constant 384 : index
    %swap3A_127 = tpu.vector_load %arg5[%swap3A_125, %swap3A_126] {strides = array<i32>} : memref<8x3136xf32, #tpu.memory_space<vmem>>, vector<16xf32>,
    tpu.vector_store %arg5[%swap3A_125, %swap3A_126], %gather3A_107 {strides = array<i32>} : memref<8x3136xf32, #tpu.memory_space<vmem>>, vector<16xf32>,
    %swap3A_128 = arith.constant 5 : i32
    %swap3A_129 = arith.index_cast %swap3A_128 : i32 to index
    %swap3A_130 = arith.constant 384 : index
    %swap3A_131 = tpu.vector_load %arg5[%swap3A_129, %swap3A_130] {strides = array<i32>} : memref<8x3136xf32, #tpu.memory_space<vmem>>, vector<16xf32>,
    tpu.vector_store %arg5[%swap3A_129, %swap3A_130], %gather3A_107 {strides = array<i32>} : memref<8x3136xf32, #tpu.memory_space<vmem>>, vector<16xf32>,
    %swap3A_132 = arith.constant 6 : i32
    %swap3A_133 = arith.index_cast %swap3A_132 : i32 to index
    %swap3A_134 = arith.constant 384 : index
    %swap3A_135 = tpu.vector_load %arg5[%swap3A_133, %swap3A_134] {strides = array<i32>} : memref<8x3136xf32, #tpu.memory_space<vmem>>, vector<16xf32>,
    tpu.vector_store %arg5[%swap3A_133, %swap3A_134], %gather3A_107 {strides = array<i32>} : memref<8x3136xf32, #tpu.memory_space<vmem>>, vector<16xf32>,
    %swap3A_136 = arith.constant 7 : i32
    %swap3A_137 = arith.index_cast %swap3A_136 : i32 to index
    %swap3A_138 = arith.constant 384 : index
    %swap3A_139 = tpu.vector_load %arg5[%swap3A_137, %swap3A_138] {strides = array<i32>} : memref<8x3136xf32, #tpu.memory_space<vmem>>, vector<16xf32>,
    tpu.vector_store %arg5[%swap3A_137, %swap3A_138], %gather3A_107 {strides = array<i32>} : memref<8x3136xf32, #tpu.memory_space<vmem>>, vector<16xf32>,
    %sub3A_140 = arith.constant 2 : i32
    %sub3A_141 = arith.subi %add3A_59, %sub3A_140 : i32
    %ge3A_142 = arith.constant 12 : i32
    %ge3A_143 = vector.broadcast %ge3A_142 : i32 to vector<16xi32>
    %ge3A_144 = arith.cmpi sge, %iota3A, %ge3A_143 : vector<16xi32>
    %convert_element_type3A_145 = arith.extui %ge3A_144 : vector<16xi1> to vector<16xi32>
    %sub3A_146 = vector.broadcast %sub3A_141 : i32 to vector<16xi32>
    %sub3A_147 = arith.subi %sub3A_146, %convert_element_type3A_145 : vector<16xi32>
    %gather3A_148 = tpu.vector_load_idx %arg4[%sub3A_147] : memref<31xf32, #tpu.memory_space<vmem>>[vector<16xi32>], vector<16xf32>,
    %swap3A_149 = arith.constant 0 : i32
    %swap3A_150 = arith.index_cast %swap3A_149 : i32 to index
    %swap3A_151 = arith.constant 576 : index
    %swap3A_152 = tpu.vector_load %arg5[%swap3A_150, %swap3A_151] {strides = array<i32>} : memref<8x3136xf32, #tpu.memory_space<vmem>>, vector<16xf32>,
    tpu.vector_store %arg5[%swap3A_150, %swap3A_151], %gather3A_148 {strides = array<i32>} : memref<8x3136xf32, #tpu.memory_space<vmem>>, vector<16xf32>,
    %swap3A_153 = arith.constant 1 : i32
    %swap3A_154 = arith.index_cast %swap3A_153 : i32 to index
    %swap3A_155 = arith.constant 576 : index
    %swap3A_156 = tpu.vector_load %arg5[%swap3A_154, %swap3A_155] {strides = array<i32>} : memref<8x3136xf32, #tpu.memory_space<vmem>>, vector<16xf32>,
    tpu.vector_store %arg5[%swap3A_154, %swap3A_155], %gather3A_148 {strides = array<i32>} : memref<8x3136xf32, #tpu.memory_space<vmem>>, vector<16xf32>,
    %swap3A_157 = arith.constant 2 : i32
    %swap3A_158 = arith.index_cast %swap3A_157 : i32 to index
    %swap3A_159 = arith.constant 576 : index
    %swap3A_160 = tpu.vector_load %arg5[%swap3A_158, %swap3A_159] {strides = array<i32>} : memref<8x3136xf32, #tpu.memory_space<vmem>>, vector<16xf32>,
    tpu.vector_store %arg5[%swap3A_158, %swap3A_159], %gather3A_148 {strides = array<i32>} : memref<8x3136xf32, #tpu.memory_space<vmem>>, vector<16xf32>,
    %swap3A_161 = arith.constant 3 : i32
    %swap3A_162 = arith.index_cast %swap3A_161 : i32 to index
    %swap3A_163 = arith.constant 576 : index
    %swap3A_164 = tpu.vector_load %arg5[%swap3A_162, %swap3A_163] {strides = array<i32>} : memref<8x3136xf32, #tpu.memory_space<vmem>>, vector<16xf32>,
    tpu.vector_store %arg5[%swap3A_162, %swap3A_163], %gather3A_148 {strides = array<i32>} : memref<8x3136xf32, #tpu.memory_space<vmem>>, vector<16xf32>,
    %swap3A_165 = arith.constant 4 : i32
    %swap3A_166 = arith.index_cast %swap3A_165 : i32 to index
    %swap3A_167 = arith.constant 576 : index
    %swap3A_168 = tpu.vector_load %arg5[%swap3A_166, %swap3A_167] {strides = array<i32>} : memref<8x3136xf32, #tpu.memory_space<vmem>>, vector<16xf32>,
    tpu.vector_store %arg5[%swap3A_166, %swap3A_167], %gather3A_148 {strides = array<i32>} : memref<8x3136xf32, #tpu.memory_space<vmem>>, vector<16xf32>,
    %swap3A_169 = arith.constant 5 : i32
    %swap3A_170 = arith.index_cast %swap3A_169 : i32 to index
    %swap3A_171 = arith.constant 576 : index
    %swap3A_172 = tpu.vector_load %arg5[%swap3A_170, %swap3A_171] {strides = array<i32>} : memref<8x3136xf32, #tpu.memory_space<vmem>>, vector<16xf32>,
    tpu.vector_store %arg5[%swap3A_170, %swap3A_171], %gather3A_148 {strides = array<i32>} : memref<8x3136xf32, #tpu.memory_space<vmem>>, vector<16xf32>,
    %swap3A_173 = arith.constant 6 : i32
    %swap3A_174 = arith.index_cast %swap3A_173 : i32 to index
    %swap3A_175 = arith.constant 576 : index
    %swap3A_176 = tpu.vector_load %arg5[%swap3A_174, %swap3A_175] {strides = array<i32>} : memref<8x3136xf32, #tpu.memory_space<vmem>>, vector<16xf32>,
    tpu.vector_store %arg5[%swap3A_174, %swap3A_175], %gather3A_148 {strides = array<i32>} : memref<8x3136xf32, #tpu.memory_space<vmem>>, vector<16xf32>,
    %swap3A_177 = arith.constant 7 : i32
    %swap3A_178 = arith.index_cast %swap3A_177 : i32 to index
    %swap3A_179 = arith.constant 576 : index
    %swap3A_180 = tpu.vector_load %arg5[%swap3A_178, %swap3A_179] {strides = array<i32>} : memref<8x3136xf32, #tpu.memory_space<vmem>>, vector<16xf32>,
    tpu.vector_store %arg5[%swap3A_178, %swap3A_179], %gather3A_148 {strides = array<i32>} : memref<8x3136xf32, #tpu.memory_space<vmem>>, vector<16xf32>,
    %sub3A_181 = arith.constant 4 : i32
    %sub3A_182 = arith.subi %add3A_59, %sub3A_181 : i32
    %ge3A_183 = arith.constant 4 : i32
    %ge3A_184 = vector.broadcast %ge3A_183 : i32 to vector<16xi32>
    %ge3A_185 = arith.cmpi sge, %iota3A, %ge3A_184 : vector<16xi32>
    %convert_element_type3A_186 = arith.extui %ge3A_185 : vector<16xi1> to vector<16xi32>
    %sub3A_187 = vector.broadcast %sub3A_182 : i32 to vector<16xi32>
    %sub3A_188 = arith.subi %sub3A_187, %convert_element_type3A_186 : vector<16xi32>
    %gather3A_189 = tpu.vector_load_idx %arg4[%sub3A_188] : memref<31xf32, #tpu.memory_space<vmem>>[vector<16xi32>], vector<16xf32>,
    %swap3A_190 = arith.constant 0 : i32
    %swap3A_191 = arith.index_cast %swap3A_190 : i32 to index
    %swap3A_192 = arith.constant 976 : index
    %swap3A_193 = tpu.vector_load %arg5[%swap3A_191, %swap3A_192] {strides = array<i32>} : memref<8x3136xf32, #tpu.memory_space<vmem>>, vector<16xf32>,
    tpu.vector_store %arg5[%swap3A_191, %swap3A_192], %gather3A_189 {strides = array<i32>} : memref<8x3136xf32, #tpu.memory_space<vmem>>, vector<16xf32>,
    %swap3A_194 = arith.constant 1 : i32
    %swap3A_195 = arith.index_cast %swap3A_194 : i32 to index
    %swap3A_196 = arith.constant 976 : index
    %swap3A_197 = tpu.vector_load %arg5[%swap3A_195, %swap3A_196] {strides = array<i32>} : memref<8x3136xf32, #tpu.memory_space<vmem>>, vector<16xf32>,
    tpu.vector_store %arg5[%swap3A_195, %swap3A_196], %gather3A_189 {strides = array<i32>} : memref<8x3136xf32, #tpu.memory_space<vmem>>, vector<16xf32>,
    %swap3A_198 = arith.constant 2 : i32
    %swap3A_199 = arith.index_cast %swap3A_198 : i32 to index
    %swap3A_200 = arith.constant 976 : index
    %swap3A_201 = tpu.vector_load %arg5[%swap3A_199, %swap3A_200] {strides = array<i32>} : memref<8x3136xf32, #tpu.memory_space<vmem>>, vector<16xf32>,
    tpu.vector_store %arg5[%swap3A_199, %swap3A_200], %gather3A_189 {strides = array<i32>} : memref<8x3136xf32, #tpu.memory_space<vmem>>, vector<16xf32>,
    %swap3A_202 = arith.constant 3 : i32
    %swap3A_203 = arith.index_cast %swap3A_202 : i32 to index
    %swap3A_204 = arith.constant 976 : index
    %swap3A_205 = tpu.vector_load %arg5[%swap3A_203, %swap3A_204] {strides = array<i32>} : memref<8x3136xf32, #tpu.memory_space<vmem>>, vector<16xf32>,
    tpu.vector_store %arg5[%swap3A_203, %swap3A_204], %gather3A_189 {strides = array<i32>} : memref<8x3136xf32, #tpu.memory_space<vmem>>, vector<16xf32>,
    %swap3A_206 = arith.constant 4 : i32
    %swap3A_207 = arith.index_cast %swap3A_206 : i32 to index
    %swap3A_208 = arith.constant 976 : index
    %swap3A_209 = tpu.vector_load %arg5[%swap3A_207, %swap3A_208] {strides = array<i32>} : memref<8x3136xf32, #tpu.memory_space<vmem>>, vector<16xf32>,
    tpu.vector_store %arg5[%swap3A_207, %swap3A_208], %gather3A_189 {strides = array<i32>} : memref<8x3136xf32, #tpu.memory_space<vmem>>, vector<16xf32>,
    %swap3A_210 = arith.constant 5 : i32
    %swap3A_211 = arith.index_cast %swap3A_210 : i32 to index
    %swap3A_212 = arith.constant 976 : index
    %swap3A_213 = tpu.vector_load %arg5[%swap3A_211, %swap3A_212] {strides = array<i32>} : memref<8x3136xf32, #tpu.memory_space<vmem>>, vector<16xf32>,
    tpu.vector_store %arg5[%swap3A_211, %swap3A_212], %gather3A_189 {strides = array<i32>} : memref<8x3136xf32, #tpu.memory_space<vmem>>, vector<16xf32>,
    %swap3A_214 = arith.constant 6 : i32
    %swap3A_215 = arith.index_cast %swap3A_214 : i32 to index
    %swap3A_216 = arith.constant 976 : index
    %swap3A_217 = tpu.vector_load %arg5[%swap3A_215, %swap3A_216] {strides = array<i32>} : memref<8x3136xf32, #tpu.memory_space<vmem>>, vector<16xf32>,
    tpu.vector_store %arg5[%swap3A_215, %swap3A_216], %gather3A_189 {strides = array<i32>} : memref<8x3136xf32, #tpu.memory_space<vmem>>, vector<16xf32>,
    %swap3A_218 = arith.constant 7 : i32
    %swap3A_219 = arith.index_cast %swap3A_218 : i32 to index
    %swap3A_220 = arith.constant 976 : index
    %swap3A_221 = tpu.vector_load %arg5[%swap3A_219, %swap3A_220] {strides = array<i32>} : memref<8x3136xf32, #tpu.memory_space<vmem>>, vector<16xf32>,
    tpu.vector_store %arg5[%swap3A_219, %swap3A_220], %gather3A_189 {strides = array<i32>} : memref<8x3136xf32, #tpu.memory_space<vmem>>, vector<16xf32>,
    %sub3A_222 = arith.constant 5 : i32
    %sub3A_223 = arith.subi %add3A_59, %sub3A_222 : i32
    %ge3A_224 = arith.constant 8 : i32
    %ge3A_225 = vector.broadcast %ge3A_224 : i32 to vector<16xi32>
    %ge3A_226 = arith.cmpi sge, %iota3A, %ge3A_225 : vector<16xi32>
    %convert_element_type3A_227 = arith.extui %ge3A_226 : vector<16xi1> to vector<16xi32>
    %sub3A_228 = vector.broadcast %sub3A_223 : i32 to vector<16xi32>
    %sub3A_229 = arith.subi %sub3A_228, %convert_element_type3A_227 : vector<16xi32>
    %gather3A_230 = tpu.vector_load_idx %arg4[%sub3A_229] : memref<31xf32, #tpu.memory_space<vmem>>[vector<16xi32>], vector<16xf32>,
    %swap3A_231 = arith.constant 0 : i32
    %swap3A_232 = arith.index_cast %swap3A_231 : i32 to index
    %swap3A_233 = arith.constant 1168 : index
    %swap3A_234 = tpu.vector_load %arg5[%swap3A_232, %swap3A_233] {strides = array<i32>} : memref<8x3136xf32, #tpu.memory_space<vmem>>, vector<16xf32>,
    tpu.vector_store %arg5[%swap3A_232, %swap3A_233], %gather3A_230 {strides = array<i32>} : memref<8x3136xf32, #tpu.memory_space<vmem>>, vector<16xf32>,
    %swap3A_235 = arith.constant 1 : i32
    %swap3A_236 = arith.index_cast %swap3A_235 : i32 to index
    %swap3A_237 = arith.constant 1168 : index
    %swap3A_238 = tpu.vector_load %arg5[%swap3A_236, %swap3A_237] {strides = array<i32>} : memref<8x3136xf32, #tpu.memory_space<vmem>>, vector<16xf32>,
    tpu.vector_store %arg5[%swap3A_236, %swap3A_237], %gather3A_230 {strides = array<i32>} : memref<8x3136xf32, #tpu.memory_space<vmem>>, vector<16xf32>,
    %swap3A_239 = arith.constant 2 : i32
    %swap3A_240 = arith.index_cast %swap3A_239 : i32 to index
    %swap3A_241 = arith.constant 1168 : index
    %swap3A_242 = tpu.vector_load %arg5[%swap3A_240, %swap3A_241] {strides = array<i32>} : memref<8x3136xf32, #tpu.memory_space<vmem>>, vector<16xf32>,
    tpu.vector_store %arg5[%swap3A_240, %swap3A_241], %gather3A_230 {strides = array<i32>} : memref<8x3136xf32, #tpu.memory_space<vmem>>, vector<16xf32>,
    %swap3A_243 = arith.constant 3 : i32
    %swap3A_244 = arith.index_cast %swap3A_243 : i32 to index
    %swap3A_245 = arith.constant 1168 : index
    %swap3A_246 = tpu.vector_load %arg5[%swap3A_244, %swap3A_245] {strides = array<i32>} : memref<8x3136xf32, #tpu.memory_space<vmem>>, vector<16xf32>,
    tpu.vector_store %arg5[%swap3A_244, %swap3A_245], %gather3A_230 {strides = array<i32>} : memref<8x3136xf32, #tpu.memory_space<vmem>>, vector<16xf32>,
    %swap3A_247 = arith.constant 4 : i32
    %swap3A_248 = arith.index_cast %swap3A_247 : i32 to index
    %swap3A_249 = arith.constant 1168 : index
    %swap3A_250 = tpu.vector_load %arg5[%swap3A_248, %swap3A_249] {strides = array<i32>} : memref<8x3136xf32, #tpu.memory_space<vmem>>, vector<16xf32>,
    tpu.vector_store %arg5[%swap3A_248, %swap3A_249], %gather3A_230 {strides = array<i32>} : memref<8x3136xf32, #tpu.memory_space<vmem>>, vector<16xf32>,
    %swap3A_251 = arith.constant 5 : i32
    %swap3A_252 = arith.index_cast %swap3A_251 : i32 to index
    %swap3A_253 = arith.constant 1168 : index
    %swap3A_254 = tpu.vector_load %arg5[%swap3A_252, %swap3A_253] {strides = array<i32>} : memref<8x3136xf32, #tpu.memory_space<vmem>>, vector<16xf32>,
    tpu.vector_store %arg5[%swap3A_252, %swap3A_253], %gather3A_230 {strides = array<i32>} : memref<8x3136xf32, #tpu.memory_space<vmem>>, vector<16xf32>,
    %swap3A_255 = arith.constant 6 : i32
    %swap3A_256 = arith.index_cast %swap3A_255 : i32 to index
    %swap3A_257 = arith.constant 1168 : index
    %swap3A_258 = tpu.vector_load %arg5[%swap3A_256, %swap3A_257] {strides = array<i32>} : memref<8x3136xf32, #tpu.memory_space<vmem>>, vector<16xf32>,
    tpu.vector_store %arg5[%swap3A_256, %swap3A_257], %gather3A_230 {strides = array<i32>} : memref<8x3136xf32, #tpu.memory_space<vmem>>, vector<16xf32>,
    %swap3A_259 = arith.constant 7 : i32
    %swap3A_260 = arith.index_cast %swap3A_259 : i32 to index
    %swap3A_261 = arith.constant 1168 : index
    %swap3A_262 = tpu.vector_load %arg5[%swap3A_260, %swap3A_261] {strides = array<i32>} : memref<8x3136xf32, #tpu.memory_space<vmem>>, vector<16xf32>,
    tpu.vector_store %arg5[%swap3A_260, %swap3A_261], %gather3A_230 {strides = array<i32>} : memref<8x3136xf32, #tpu.memory_space<vmem>>, vector<16xf32>,
    %sub3A_263 = arith.constant 6 : i32
    %sub3A_264 = arith.subi %add3A_59, %sub3A_263 : i32
    %ge3A_265 = arith.constant 12 : i32
    %ge3A_266 = vector.broadcast %ge3A_265 : i32 to vector<16xi32>
    %ge3A_267 = arith.cmpi sge, %iota3A, %ge3A_266 : vector<16xi32>
    %convert_element_type3A_268 = arith.extui %ge3A_267 : vector<16xi1> to vector<16xi32>
    %sub3A_269 = vector.broadcast %sub3A_264 : i32 to vector<16xi32>
    %sub3A_270 = arith.subi %sub3A_269, %convert_element_type3A_268 : vector<16xi32>
    %gather3A_271 = tpu.vector_load_idx %arg4[%sub3A_270] : memref<31xf32, #tpu.memory_space<vmem>>[vector<16xi32>], vector<16xf32>,
    %swap3A_272 = arith.constant 0 : i32
    %swap3A_273 = arith.index_cast %swap3A_272 : i32 to index
    %swap3A_274 = arith.constant 1360 : index
    %swap3A_275 = tpu.vector_load %arg5[%swap3A_273, %swap3A_274] {strides = array<i32>} : memref<8x3136xf32, #tpu.memory_space<vmem>>, vector<16xf32>,
    tpu.vector_store %arg5[%swap3A_273, %swap3A_274], %gather3A_271 {strides = array<i32>} : memref<8x3136xf32, #tpu.memory_space<vmem>>, vector<16xf32>,
    %swap3A_276 = arith.constant 1 : i32
    %swap3A_277 = arith.index_cast %swap3A_276 : i32 to index
    %swap3A_278 = arith.constant 1360 : index
    %swap3A_279 = tpu.vector_load %arg5[%swap3A_277, %swap3A_278] {strides = array<i32>} : memref<8x3136xf32, #tpu.memory_space<vmem>>, vector<16xf32>,
    tpu.vector_store %arg5[%swap3A_277, %swap3A_278], %gather3A_271 {strides = array<i32>} : memref<8x3136xf32, #tpu.memory_space<vmem>>, vector<16xf32>,
    %swap3A_280 = arith.constant 2 : i32
    %swap3A_281 = arith.index_cast %swap3A_280 : i32 to index
    %swap3A_282 = arith.constant 1360 : index
    %swap3A_283 = tpu.vector_load %arg5[%swap3A_281, %swap3A_282] {strides = array<i32>} : memref<8x3136xf32, #tpu.memory_space<vmem>>, vector<16xf32>,
    tpu.vector_store %arg5[%swap3A_281, %swap3A_282], %gather3A_271 {strides = array<i32>} : memref<8x3136xf32, #tpu.memory_space<vmem>>, vector<16xf32>,
    %swap3A_284 = arith.constant 3 : i32
    %swap3A_285 = arith.index_cast %swap3A_284 : i32 to index
    %swap3A_286 = arith.constant 1360 : index
    %swap3A_287 = tpu.vector_load %arg5[%swap3A_285, %swap3A_286] {strides = array<i32>} : memref<8x3136xf32, #tpu.memory_space<vmem>>, vector<16xf32>,
    tpu.vector_store %arg5[%swap3A_285, %swap3A_286], %gather3A_271 {strides = array<i32>} : memref<8x3136xf32, #tpu.memory_space<vmem>>, vector<16xf32>,
    %swap3A_288 = arith.constant 4 : i32
    %swap3A_289 = arith.index_cast %swap3A_288 : i32 to index
    %swap3A_290 = arith.constant 1360 : index
    %swap3A_291 = tpu.vector_load %arg5[%swap3A_289, %swap3A_290] {strides = array<i32>} : memref<8x3136xf32, #tpu.memory_space<vmem>>, vector<16xf32>,
    tpu.vector_store %arg5[%swap3A_289, %swap3A_290], %gather3A_271 {strides = array<i32>} : memref<8x3136xf32, #tpu.memory_space<vmem>>, vector<16xf32>,
    %swap3A_292 = arith.constant 5 : i32
    %swap3A_293 = arith.index_cast %swap3A_292 : i32 to index
    %swap3A_294 = arith.constant 1360 : index
    %swap3A_295 = tpu.vector_load %arg5[%swap3A_293, %swap3A_294] {strides = array<i32>} : memref<8x3136xf32, #tpu.memory_space<vmem>>, vector<16xf32>,
    tpu.vector_store %arg5[%swap3A_293, %swap3A_294], %gather3A_271 {strides = array<i32>} : memref<8x3136xf32, #tpu.memory_space<vmem>>, vector<16xf32>,
    %swap3A_296 = arith.constant 6 : i32
    %swap3A_297 = arith.index_cast %swap3A_296 : i32 to index
    %swap3A_298 = arith.constant 1360 : index
    %swap3A_299 = tpu.vector_load %arg5[%swap3A_297, %swap3A_298] {strides = array<i32>} : memref<8x3136xf32, #tpu.memory_space<vmem>>, vector<16xf32>,
    tpu.vector_store %arg5[%swap3A_297, %swap3A_298], %gather3A_271 {strides = array<i32>} : memref<8x3136xf32, #tpu.memory_space<vmem>>, vector<16xf32>,
    %swap3A_300 = arith.constant 7 : i32
    %swap3A_301 = arith.index_cast %swap3A_300 : i32 to index
    %swap3A_302 = arith.constant 1360 : index
    %swap3A_303 = tpu.vector_load %arg5[%swap3A_301, %swap3A_302] {strides = array<i32>} : memref<8x3136xf32, #tpu.memory_space<vmem>>, vector<16xf32>,
    tpu.vector_store %arg5[%swap3A_301, %swap3A_302], %gather3A_271 {strides = array<i32>} : memref<8x3136xf32, #tpu.memory_space<vmem>>, vector<16xf32>,
    %sub3A_304 = arith.constant 8 : i32
    %sub3A_305 = arith.subi %add3A_59, %sub3A_304 : i32
    %ge3A_306 = arith.constant 4 : i32
    %ge3A_307 = vector.broadcast %ge3A_306 : i32 to vector<16xi32>
    %ge3A_308 = arith.cmpi sge, %iota3A, %ge3A_307 : vector<16xi32>
    %convert_element_type3A_309 = arith.extui %ge3A_308 : vector<16xi1> to vector<16xi32>
    %sub3A_310 = vector.broadcast %sub3A_305 : i32 to vector<16xi32>
    %sub3A_311 = arith.subi %sub3A_310, %convert_element_type3A_309 : vector<16xi32>
    %gather3A_312 = tpu.vector_load_idx %arg4[%sub3A_311] : memref<31xf32, #tpu.memory_space<vmem>>[vector<16xi32>], vector<16xf32>,
    %swap3A_313 = arith.constant 0 : i32
    %swap3A_314 = arith.index_cast %swap3A_313 : i32 to index
    %swap3A_315 = arith.constant 1760 : index
    %swap3A_316 = tpu.vector_load %arg5[%swap3A_314, %swap3A_315] {strides = array<i32>} : memref<8x3136xf32, #tpu.memory_space<vmem>>, vector<16xf32>,
    tpu.vector_store %arg5[%swap3A_314, %swap3A_315], %gather3A_312 {strides = array<i32>} : memref<8x3136xf32, #tpu.memory_space<vmem>>, vector<16xf32>,
    %swap3A_317 = arith.constant 1 : i32
    %swap3A_318 = arith.index_cast %swap3A_317 : i32 to index
    %swap3A_319 = arith.constant 1760 : index
    %swap3A_320 = tpu.vector_load %arg5[%swap3A_318, %swap3A_319] {strides = array<i32>} : memref<8x3136xf32, #tpu.memory_space<vmem>>, vector<16xf32>,
    tpu.vector_store %arg5[%swap3A_318, %swap3A_319], %gather3A_312 {strides = array<i32>} : memref<8x3136xf32, #tpu.memory_space<vmem>>, vector<16xf32>,
    %swap3A_321 = arith.constant 2 : i32
    %swap3A_322 = arith.index_cast %swap3A_321 : i32 to index
    %swap3A_323 = arith.constant 1760 : index
    %swap3A_324 = tpu.vector_load %arg5[%swap3A_322, %swap3A_323] {strides = array<i32>} : memref<8x3136xf32, #tpu.memory_space<vmem>>, vector<16xf32>,
    tpu.vector_store %arg5[%swap3A_322, %swap3A_323], %gather3A_312 {strides = array<i32>} : memref<8x3136xf32, #tpu.memory_space<vmem>>, vector<16xf32>,
    %swap3A_325 = arith.constant 3 : i32
    %swap3A_326 = arith.index_cast %swap3A_325 : i32 to index
    %swap3A_327 = arith.constant 1760 : index
    %swap3A_328 = tpu.vector_load %arg5[%swap3A_326, %swap3A_327] {strides = array<i32>} : memref<8x3136xf32, #tpu.memory_space<vmem>>, vector<16xf32>,
    tpu.vector_store %arg5[%swap3A_326, %swap3A_327], %gather3A_312 {strides = array<i32>} : memref<8x3136xf32, #tpu.memory_space<vmem>>, vector<16xf32>,
    %swap3A_329 = arith.constant 4 : i32
    %swap3A_330 = arith.index_cast %swap3A_329 : i32 to index
    %swap3A_331 = arith.constant 1760 : index
    %swap3A_332 = tpu.vector_load %arg5[%swap3A_330, %swap3A_331] {strides = array<i32>} : memref<8x3136xf32, #tpu.memory_space<vmem>>, vector<16xf32>,
    tpu.vector_store %arg5[%swap3A_330, %swap3A_331], %gather3A_312 {strides = array<i32>} : memref<8x3136xf32, #tpu.memory_space<vmem>>, vector<16xf32>,
    %swap3A_333 = arith.constant 5 : i32
    %swap3A_334 = arith.index_cast %swap3A_333 : i32 to index
    %swap3A_335 = arith.constant 1760 : index
    %swap3A_336 = tpu.vector_load %arg5[%swap3A_334, %swap3A_335] {strides = array<i32>} : memref<8x3136xf32, #tpu.memory_space<vmem>>, vector<16xf32>,
    tpu.vector_store %arg5[%swap3A_334, %swap3A_335], %gather3A_312 {strides = array<i32>} : memref<8x3136xf32, #tpu.memory_space<vmem>>, vector<16xf32>,
    %swap3A_337 = arith.constant 6 : i32
    %swap3A_338 = arith.index_cast %swap3A_337 : i32 to index
    %swap3A_339 = arith.constant 1760 : index
    %swap3A_340 = tpu.vector_load %arg5[%swap3A_338, %swap3A_339] {strides = array<i32>} : memref<8x3136xf32, #tpu.memory_space<vmem>>, vector<16xf32>,
    tpu.vector_store %arg5[%swap3A_338, %swap3A_339], %gather3A_312 {strides = array<i32>} : memref<8x3136xf32, #tpu.memory_space<vmem>>, vector<16xf32>,
    %swap3A_341 = arith.constant 7 : i32
    %swap3A_342 = arith.index_cast %swap3A_341 : i32 to index
    %swap3A_343 = arith.constant 1760 : index
    %swap3A_344 = tpu.vector_load %arg5[%swap3A_342, %swap3A_343] {strides = array<i32>} : memref<8x3136xf32, #tpu.memory_space<vmem>>, vector<16xf32>,
    tpu.vector_store %arg5[%swap3A_342, %swap3A_343], %gather3A_312 {strides = array<i32>} : memref<8x3136xf32, #tpu.memory_space<vmem>>, vector<16xf32>,
    %sub3A_345 = arith.constant 9 : i32
    %sub3A_346 = arith.subi %add3A_59, %sub3A_345 : i32
    %ge3A_347 = arith.constant 8 : i32
    %ge3A_348 = vector.broadcast %ge3A_347 : i32 to vector<16xi32>
    %ge3A_349 = arith.cmpi sge, %iota3A, %ge3A_348 : vector<16xi32>
    %convert_element_type3A_350 = arith.extui %ge3A_349 : vector<16xi1> to vector<16xi32>
    %sub3A_351 = vector.broadcast %sub3A_346 : i32 to vector<16xi32>
    %sub3A_352 = arith.subi %sub3A_351, %convert_element_type3A_350 : vector<16xi32>
    %gather3A_353 = tpu.vector_load_idx %arg4[%sub3A_352] : memref<31xf32, #tpu.memory_space<vmem>>[vector<16xi32>], vector<16xf32>,
    %swap3A_354 = arith.constant 0 : i32
    %swap3A_355 = arith.index_cast %swap3A_354 : i32 to index
    %swap3A_356 = arith.constant 1952 : index
    %swap3A_357 = tpu.vector_load %arg5[%swap3A_355, %swap3A_356] {strides = array<i32>} : memref<8x3136xf32, #tpu.memory_space<vmem>>, vector<16xf32>,
    tpu.vector_store %arg5[%swap3A_355, %swap3A_356], %gather3A_353 {strides = array<i32>} : memref<8x3136xf32, #tpu.memory_space<vmem>>, vector<16xf32>,
    %swap3A_358 = arith.constant 1 : i32
    %swap3A_359 = arith.index_cast %swap3A_358 : i32 to index
    %swap3A_360 = arith.constant 1952 : index
    %swap3A_361 = tpu.vector_load %arg5[%swap3A_359, %swap3A_360] {strides = array<i32>} : memref<8x3136xf32, #tpu.memory_space<vmem>>, vector<16xf32>,
    tpu.vector_store %arg5[%swap3A_359, %swap3A_360], %gather3A_353 {strides = array<i32>} : memref<8x3136xf32, #tpu.memory_space<vmem>>, vector<16xf32>,
    %swap3A_362 = arith.constant 2 : i32
    %swap3A_363 = arith.index_cast %swap3A_362 : i32 to index
    %swap3A_364 = arith.constant 1952 : index
    %swap3A_365 = tpu.vector_load %arg5[%swap3A_363, %swap3A_364] {strides = array<i32>} : memref<8x3136xf32, #tpu.memory_space<vmem>>, vector<16xf32>,
    tpu.vector_store %arg5[%swap3A_363, %swap3A_364], %gather3A_353 {strides = array<i32>} : memref<8x3136xf32, #tpu.memory_space<vmem>>, vector<16xf32>,
    %swap3A_366 = arith.constant 3 : i32
    %swap3A_367 = arith.index_cast %swap3A_366 : i32 to index
    %swap3A_368 = arith.constant 1952 : index
    %swap3A_369 = tpu.vector_load %arg5[%swap3A_367, %swap3A_368] {strides = array<i32>} : memref<8x3136xf32, #tpu.memory_space<vmem>>, vector<16xf32>,
    tpu.vector_store %arg5[%swap3A_367, %swap3A_368], %gather3A_353 {strides = array<i32>} : memref<8x3136xf32, #tpu.memory_space<vmem>>, vector<16xf32>,
    %swap3A_370 = arith.constant 4 : i32
    %swap3A_371 = arith.index_cast %swap3A_370 : i32 to index
    %swap3A_372 = arith.constant 1952 : index
    %swap3A_373 = tpu.vector_load %arg5[%swap3A_371, %swap3A_372] {strides = array<i32>} : memref<8x3136xf32, #tpu.memory_space<vmem>>, vector<16xf32>,
    tpu.vector_store %arg5[%swap3A_371, %swap3A_372], %gather3A_353 {strides = array<i32>} : memref<8x3136xf32, #tpu.memory_space<vmem>>, vector<16xf32>,
    %swap3A_374 = arith.constant 5 : i32
    %swap3A_375 = arith.index_cast %swap3A_374 : i32 to index
    %swap3A_376 = arith.constant 1952 : index
    %swap3A_377 = tpu.vector_load %arg5[%swap3A_375, %swap3A_376] {strides = array<i32>} : memref<8x3136xf32, #tpu.memory_space<vmem>>, vector<16xf32>,
    tpu.vector_store %arg5[%swap3A_375, %swap3A_376], %gather3A_353 {strides = array<i32>} : memref<8x3136xf32, #tpu.memory_space<vmem>>, vector<16xf32>,
    %swap3A_378 = arith.constant 6 : i32
    %swap3A_379 = arith.index_cast %swap3A_378 : i32 to index
    %swap3A_380 = arith.constant 1952 : index
    %swap3A_381 = tpu.vector_load %arg5[%swap3A_379, %swap3A_380] {strides = array<i32>} : memref<8x3136xf32, #tpu.memory_space<vmem>>, vector<16xf32>,
    tpu.vector_store %arg5[%swap3A_379, %swap3A_380], %gather3A_353 {strides = array<i32>} : memref<8x3136xf32, #tpu.memory_space<vmem>>, vector<16xf32>,
    %swap3A_382 = arith.constant 7 : i32
    %swap3A_383 = arith.index_cast %swap3A_382 : i32 to index
    %swap3A_384 = arith.constant 1952 : index
    %swap3A_385 = tpu.vector_load %arg5[%swap3A_383, %swap3A_384] {strides = array<i32>} : memref<8x3136xf32, #tpu.memory_space<vmem>>, vector<16xf32>,
    tpu.vector_store %arg5[%swap3A_383, %swap3A_384], %gather3A_353 {strides = array<i32>} : memref<8x3136xf32, #tpu.memory_space<vmem>>, vector<16xf32>,
    %sub3A_386 = arith.constant 10 : i32
    %sub3A_387 = arith.subi %add3A_59, %sub3A_386 : i32
    %ge3A_388 = arith.constant 12 : i32
    %ge3A_389 = vector.broadcast %ge3A_388 : i32 to vector<16xi32>
    %ge3A_390 = arith.cmpi sge, %iota3A, %ge3A_389 : vector<16xi32>
    %convert_element_type3A_391 = arith.extui %ge3A_390 : vector<16xi1> to vector<16xi32>
    %sub3A_392 = vector.broadcast %sub3A_387 : i32 to vector<16xi32>
    %sub3A_393 = arith.subi %sub3A_392, %convert_element_type3A_391 : vector<16xi32>
    %gather3A_394 = tpu.vector_load_idx %arg4[%sub3A_393] : memref<31xf32, #tpu.memory_space<vmem>>[vector<16xi32>], vector<16xf32>,
    %swap3A_395 = arith.constant 0 : i32
    %swap3A_396 = arith.index_cast %swap3A_395 : i32 to index
    %swap3A_397 = arith.constant 2144 : index
    %swap3A_398 = tpu.vector_load %arg5[%swap3A_396, %swap3A_397] {strides = array<i32>} : memref<8x3136xf32, #tpu.memory_space<vmem>>, vector<16xf32>,
    tpu.vector_store %arg5[%swap3A_396, %swap3A_397], %gather3A_394 {strides = array<i32>} : memref<8x3136xf32, #tpu.memory_space<vmem>>, vector<16xf32>,
    %swap3A_399 = arith.constant 1 : i32
    %swap3A_400 = arith.index_cast %swap3A_399 : i32 to index
    %swap3A_401 = arith.constant 2144 : index
    %swap3A_402 = tpu.vector_load %arg5[%swap3A_400, %swap3A_401] {strides = array<i32>} : memref<8x3136xf32, #tpu.memory_space<vmem>>, vector<16xf32>,
    tpu.vector_store %arg5[%swap3A_400, %swap3A_401], %gather3A_394 {strides = array<i32>} : memref<8x3136xf32, #tpu.memory_space<vmem>>, vector<16xf32>,
    %swap3A_403 = arith.constant 2 : i32
    %swap3A_404 = arith.index_cast %swap3A_403 : i32 to index
    %swap3A_405 = arith.constant 2144 : index
    %swap3A_406 = tpu.vector_load %arg5[%swap3A_404, %swap3A_405] {strides = array<i32>} : memref<8x3136xf32, #tpu.memory_space<vmem>>, vector<16xf32>,
    tpu.vector_store %arg5[%swap3A_404, %swap3A_405], %gather3A_394 {strides = array<i32>} : memref<8x3136xf32, #tpu.memory_space<vmem>>, vector<16xf32>,
    %swap3A_407 = arith.constant 3 : i32
    %swap3A_408 = arith.index_cast %swap3A_407 : i32 to index
    %swap3A_409 = arith.constant 2144 : index
    %swap3A_410 = tpu.vector_load %arg5[%swap3A_408, %swap3A_409] {strides = array<i32>} : memref<8x3136xf32, #tpu.memory_space<vmem>>, vector<16xf32>,
    tpu.vector_store %arg5[%swap3A_408, %swap3A_409], %gather3A_394 {strides = array<i32>} : memref<8x3136xf32, #tpu.memory_space<vmem>>, vector<16xf32>,
    %swap3A_411 = arith.constant 4 : i32
    %swap3A_412 = arith.index_cast %swap3A_411 : i32 to index
    %swap3A_413 = arith.constant 2144 : index
    %swap3A_414 = tpu.vector_load %arg5[%swap3A_412, %swap3A_413] {strides = array<i32>} : memref<8x3136xf32, #tpu.memory_space<vmem>>, vector<16xf32>,
    tpu.vector_store %arg5[%swap3A_412, %swap3A_413], %gather3A_394 {strides = array<i32>} : memref<8x3136xf32, #tpu.memory_space<vmem>>, vector<16xf32>,
    %swap3A_415 = arith.constant 5 : i32
    %swap3A_416 = arith.index_cast %swap3A_415 : i32 to index
    %swap3A_417 = arith.constant 2144 : index
    %swap3A_418 = tpu.vector_load %arg5[%swap3A_416, %swap3A_417] {strides = array<i32>} : memref<8x3136xf32, #tpu.memory_space<vmem>>, vector<16xf32>,
    tpu.vector_store %arg5[%swap3A_416, %swap3A_417], %gather3A_394 {strides = array<i32>} : memref<8x3136xf32, #tpu.memory_space<vmem>>, vector<16xf32>,
    %swap3A_419 = arith.constant 6 : i32
    %swap3A_420 = arith.index_cast %swap3A_419 : i32 to index
    %swap3A_421 = arith.constant 2144 : index
    %swap3A_422 = tpu.vector_load %arg5[%swap3A_420, %swap3A_421] {strides = array<i32>} : memref<8x3136xf32, #tpu.memory_space<vmem>>, vector<16xf32>,
    tpu.vector_store %arg5[%swap3A_420, %swap3A_421], %gather3A_394 {strides = array<i32>} : memref<8x3136xf32, #tpu.memory_space<vmem>>, vector<16xf32>,
    %swap3A_423 = arith.constant 7 : i32
    %swap3A_424 = arith.index_cast %swap3A_423 : i32 to index
    %swap3A_425 = arith.constant 2144 : index
    %swap3A_426 = tpu.vector_load %arg5[%swap3A_424, %swap3A_425] {strides = array<i32>} : memref<8x3136xf32, #tpu.memory_space<vmem>>, vector<16xf32>,
    tpu.vector_store %arg5[%swap3A_424, %swap3A_425], %gather3A_394 {strides = array<i32>} : memref<8x3136xf32, #tpu.memory_space<vmem>>, vector<16xf32>,
    %sub3A_427 = arith.constant 12 : i32
    %sub3A_428 = arith.subi %add3A_59, %sub3A_427 : i32
    %ge3A_429 = arith.constant 4 : i32
    %ge3A_430 = vector.broadcast %ge3A_429 : i32 to vector<16xi32>
    %ge3A_431 = arith.cmpi sge, %iota3A, %ge3A_430 : vector<16xi32>
    %convert_element_type3A_432 = arith.extui %ge3A_431 : vector<16xi1> to vector<16xi32>
    %sub3A_433 = vector.broadcast %sub3A_428 : i32 to vector<16xi32>
    %sub3A_434 = arith.subi %sub3A_433, %convert_element_type3A_432 : vector<16xi32>
    %gather3A_435 = tpu.vector_load_idx %arg4[%sub3A_434] : memref<31xf32, #tpu.memory_space<vmem>>[vector<16xi32>], vector<16xf32>,
    %swap3A_436 = arith.constant 0 : i32
    %swap3A_437 = arith.index_cast %swap3A_436 : i32 to index
    %swap3A_438 = arith.constant 2544 : index
    %swap3A_439 = tpu.vector_load %arg5[%swap3A_437, %swap3A_438] {strides = array<i32>} : memref<8x3136xf32, #tpu.memory_space<vmem>>, vector<16xf32>,
    tpu.vector_store %arg5[%swap3A_437, %swap3A_438], %gather3A_435 {strides = array<i32>} : memref<8x3136xf32, #tpu.memory_space<vmem>>, vector<16xf32>,
    %swap3A_440 = arith.constant 1 : i32
    %swap3A_441 = arith.index_cast %swap3A_440 : i32 to index
    %swap3A_442 = arith.constant 2544 : index
    %swap3A_443 = tpu.vector_load %arg5[%swap3A_441, %swap3A_442] {strides = array<i32>} : memref<8x3136xf32, #tpu.memory_space<vmem>>, vector<16xf32>,
    tpu.vector_store %arg5[%swap3A_441, %swap3A_442], %gather3A_435 {strides = array<i32>} : memref<8x3136xf32, #tpu.memory_space<vmem>>, vector<16xf32>,
    %swap3A_444 = arith.constant 2 : i32
    %swap3A_445 = arith.index_cast %swap3A_444 : i32 to index
    %swap3A_446 = arith.constant 2544 : index
    %swap3A_447 = tpu.vector_load %arg5[%swap3A_445, %swap3A_446] {strides = array<i32>} : memref<8x3136xf32, #tpu.memory_space<vmem>>, vector<16xf32>,
    tpu.vector_store %arg5[%swap3A_445, %swap3A_446], %gather3A_435 {strides = array<i32>} : memref<8x3136xf32, #tpu.memory_space<vmem>>, vector<16xf32>,
    %swap3A_448 = arith.constant 3 : i32
    %swap3A_449 = arith.index_cast %swap3A_448 : i32 to index
    %swap3A_450 = arith.constant 2544 : index
    %swap3A_451 = tpu.vector_load %arg5[%swap3A_449, %swap3A_450] {strides = array<i32>} : memref<8x3136xf32, #tpu.memory_space<vmem>>, vector<16xf32>,
    tpu.vector_store %arg5[%swap3A_449, %swap3A_450], %gather3A_435 {strides = array<i32>} : memref<8x3136xf32, #tpu.memory_space<vmem>>, vector<16xf32>,
    %swap3A_452 = arith.constant 4 : i32
    %swap3A_453 = arith.index_cast %swap3A_452 : i32 to index
    %swap3A_454 = arith.constant 2544 : index
    %swap3A_455 = tpu.vector_load %arg5[%swap3A_453, %swap3A_454] {strides = array<i32>} : memref<8x3136xf32, #tpu.memory_space<vmem>>, vector<16xf32>,
    tpu.vector_store %arg5[%swap3A_453, %swap3A_454], %gather3A_435 {strides = array<i32>} : memref<8x3136xf32, #tpu.memory_space<vmem>>, vector<16xf32>,
    %swap3A_456 = arith.constant 5 : i32
    %swap3A_457 = arith.index_cast %swap3A_456 : i32 to index
    %swap3A_458 = arith.constant 2544 : index
    %swap3A_459 = tpu.vector_load %arg5[%swap3A_457, %swap3A_458] {strides = array<i32>} : memref<8x3136xf32, #tpu.memory_space<vmem>>, vector<16xf32>,
    tpu.vector_store %arg5[%swap3A_457, %swap3A_458], %gather3A_435 {strides = array<i32>} : memref<8x3136xf32, #tpu.memory_space<vmem>>, vector<16xf32>,
    %swap3A_460 = arith.constant 6 : i32
    %swap3A_461 = arith.index_cast %swap3A_460 : i32 to index
    %swap3A_462 = arith.constant 2544 : index
    %swap3A_463 = tpu.vector_load %arg5[%swap3A_461, %swap3A_462] {strides = array<i32>} : memref<8x3136xf32, #tpu.memory_space<vmem>>, vector<16xf32>,
    tpu.vector_store %arg5[%swap3A_461, %swap3A_462], %gather3A_435 {strides = array<i32>} : memref<8x3136xf32, #tpu.memory_space<vmem>>, vector<16xf32>,
    %swap3A_464 = arith.constant 7 : i32
    %swap3A_465 = arith.index_cast %swap3A_464 : i32 to index
    %swap3A_466 = arith.constant 2544 : index
    %swap3A_467 = tpu.vector_load %arg5[%swap3A_465, %swap3A_466] {strides = array<i32>} : memref<8x3136xf32, #tpu.memory_space<vmem>>, vector<16xf32>,
    tpu.vector_store %arg5[%swap3A_465, %swap3A_466], %gather3A_435 {strides = array<i32>} : memref<8x3136xf32, #tpu.memory_space<vmem>>, vector<16xf32>,
    %sub3A_468 = arith.constant 13 : i32
    %sub3A_469 = arith.subi %add3A_59, %sub3A_468 : i32
    %ge3A_470 = arith.constant 8 : i32
    %ge3A_471 = vector.broadcast %ge3A_470 : i32 to vector<16xi32>
    %ge3A_472 = arith.cmpi sge, %iota3A, %ge3A_471 : vector<16xi32>
    %convert_element_type3A_473 = arith.extui %ge3A_472 : vector<16xi1> to vector<16xi32>
    %sub3A_474 = vector.broadcast %sub3A_469 : i32 to vector<16xi32>
    %sub3A_475 = arith.subi %sub3A_474, %convert_element_type3A_473 : vector<16xi32>
    %gather3A_476 = tpu.vector_load_idx %arg4[%sub3A_475] : memref<31xf32, #tpu.memory_space<vmem>>[vector<16xi32>], vector<16xf32>,
    %swap3A_477 = arith.constant 0 : i32
    %swap3A_478 = arith.index_cast %swap3A_477 : i32 to index
    %swap3A_479 = arith.constant 2736 : index
    %swap3A_480 = tpu.vector_load %arg5[%swap3A_478, %swap3A_479] {strides = array<i32>} : memref<8x3136xf32, #tpu.memory_space<vmem>>, vector<16xf32>,
    tpu.vector_store %arg5[%swap3A_478, %swap3A_479], %gather3A_476 {strides = array<i32>} : memref<8x3136xf32, #tpu.memory_space<vmem>>, vector<16xf32>,
    %swap3A_481 = arith.constant 1 : i32
    %swap3A_482 = arith.index_cast %swap3A_481 : i32 to index
    %swap3A_483 = arith.constant 2736 : index
    %swap3A_484 = tpu.vector_load %arg5[%swap3A_482, %swap3A_483] {strides = array<i32>} : memref<8x3136xf32, #tpu.memory_space<vmem>>, vector<16xf32>,
    tpu.vector_store %arg5[%swap3A_482, %swap3A_483], %gather3A_476 {strides = array<i32>} : memref<8x3136xf32, #tpu.memory_space<vmem>>, vector<16xf32>,
    %swap3A_485 = arith.constant 2 : i32
    %swap3A_486 = arith.index_cast %swap3A_485 : i32 to index
    %swap3A_487 = arith.constant 2736 : index
    %swap3A_488 = tpu.vector_load %arg5[%swap3A_486, %swap3A_487] {strides = array<i32>} : memref<8x3136xf32, #tpu.memory_space<vmem>>, vector<16xf32>,
    tpu.vector_store %arg5[%swap3A_486, %swap3A_487], %gather3A_476 {strides = array<i32>} : memref<8x3136xf32, #tpu.memory_space<vmem>>, vector<16xf32>,
    %swap3A_489 = arith.constant 3 : i32
    %swap3A_490 = arith.index_cast %swap3A_489 : i32 to index
    %swap3A_491 = arith.constant 2736 : index
    %swap3A_492 = tpu.vector_load %arg5[%swap3A_490, %swap3A_491] {strides = array<i32>} : memref<8x3136xf32, #tpu.memory_space<vmem>>, vector<16xf32>,
    tpu.vector_store %arg5[%swap3A_490, %swap3A_491], %gather3A_476 {strides = array<i32>} : memref<8x3136xf32, #tpu.memory_space<vmem>>, vector<16xf32>,
    %swap3A_493 = arith.constant 4 : i32
    %swap3A_494 = arith.index_cast %swap3A_493 : i32 to index
    %swap3A_495 = arith.constant 2736 : index
    %swap3A_496 = tpu.vector_load %arg5[%swap3A_494, %swap3A_495] {strides = array<i32>} : memref<8x3136xf32, #tpu.memory_space<vmem>>, vector<16xf32>,
    tpu.vector_store %arg5[%swap3A_494, %swap3A_495], %gather3A_476 {strides = array<i32>} : memref<8x3136xf32, #tpu.memory_space<vmem>>, vector<16xf32>,
    %swap3A_497 = arith.constant 5 : i32
    %swap3A_498 = arith.index_cast %swap3A_497 : i32 to index
    %swap3A_499 = arith.constant 2736 : index
    %swap3A_500 = tpu.vector_load %arg5[%swap3A_498, %swap3A_499] {strides = array<i32>} : memref<8x3136xf32, #tpu.memory_space<vmem>>, vector<16xf32>,
    tpu.vector_store %arg5[%swap3A_498, %swap3A_499], %gather3A_476 {strides = array<i32>} : memref<8x3136xf32, #tpu.memory_space<vmem>>, vector<16xf32>,
    %swap3A_501 = arith.constant 6 : i32
    %swap3A_502 = arith.index_cast %swap3A_501 : i32 to index
    %swap3A_503 = arith.constant 2736 : index
    %swap3A_504 = tpu.vector_load %arg5[%swap3A_502, %swap3A_503] {strides = array<i32>} : memref<8x3136xf32, #tpu.memory_space<vmem>>, vector<16xf32>,
    tpu.vector_store %arg5[%swap3A_502, %swap3A_503], %gather3A_476 {strides = array<i32>} : memref<8x3136xf32, #tpu.memory_space<vmem>>, vector<16xf32>,
    %swap3A_505 = arith.constant 7 : i32
    %swap3A_506 = arith.index_cast %swap3A_505 : i32 to index
    %swap3A_507 = arith.constant 2736 : index
    %swap3A_508 = tpu.vector_load %arg5[%swap3A_506, %swap3A_507] {strides = array<i32>} : memref<8x3136xf32, #tpu.memory_space<vmem>>, vector<16xf32>,
    tpu.vector_store %arg5[%swap3A_506, %swap3A_507], %gather3A_476 {strides = array<i32>} : memref<8x3136xf32, #tpu.memory_space<vmem>>, vector<16xf32>,
    %sub3A_509 = arith.constant 14 : i32
    %sub3A_510 = arith.subi %add3A_59, %sub3A_509 : i32
    %ge3A_511 = arith.constant 12 : i32
    %ge3A_512 = vector.broadcast %ge3A_511 : i32 to vector<16xi32>
    %ge3A_513 = arith.cmpi sge, %iota3A, %ge3A_512 : vector<16xi32>
    %convert_element_type3A_514 = arith.extui %ge3A_513 : vector<16xi1> to vector<16xi32>
    %sub3A_515 = vector.broadcast %sub3A_510 : i32 to vector<16xi32>
    %sub3A_516 = arith.subi %sub3A_515, %convert_element_type3A_514 : vector<16xi32>
    %gather3A_517 = tpu.vector_load_idx %arg4[%sub3A_516] : memref<31xf32, #tpu.memory_space<vmem>>[vector<16xi32>], vector<16xf32>,
    %swap3A_518 = arith.constant 0 : i32
    %swap3A_519 = arith.index_cast %swap3A_518 : i32 to index
    %swap3A_520 = arith.constant 2928 : index
    %swap3A_521 = tpu.vector_load %arg5[%swap3A_519, %swap3A_520] {strides = array<i32>} : memref<8x3136xf32, #tpu.memory_space<vmem>>, vector<16xf32>,
    tpu.vector_store %arg5[%swap3A_519, %swap3A_520], %gather3A_517 {strides = array<i32>} : memref<8x3136xf32, #tpu.memory_space<vmem>>, vector<16xf32>,
    %swap3A_522 = arith.constant 1 : i32
    %swap3A_523 = arith.index_cast %swap3A_522 : i32 to index
    %swap3A_524 = arith.constant 2928 : index
    %swap3A_525 = tpu.vector_load %arg5[%swap3A_523, %swap3A_524] {strides = array<i32>} : memref<8x3136xf32, #tpu.memory_space<vmem>>, vector<16xf32>,
    tpu.vector_store %arg5[%swap3A_523, %swap3A_524], %gather3A_517 {strides = array<i32>} : memref<8x3136xf32, #tpu.memory_space<vmem>>, vector<16xf32>,
    %swap3A_526 = arith.constant 2 : i32
    %swap3A_527 = arith.index_cast %swap3A_526 : i32 to index
    %swap3A_528 = arith.constant 2928 : index
    %swap3A_529 = tpu.vector_load %arg5[%swap3A_527, %swap3A_528] {strides = array<i32>} : memref<8x3136xf32, #tpu.memory_space<vmem>>, vector<16xf32>,
    tpu.vector_store %arg5[%swap3A_527, %swap3A_528], %gather3A_517 {strides = array<i32>} : memref<8x3136xf32, #tpu.memory_space<vmem>>, vector<16xf32>,
    %swap3A_530 = arith.constant 3 : i32
    %swap3A_531 = arith.index_cast %swap3A_530 : i32 to index
    %swap3A_532 = arith.constant 2928 : index
    %swap3A_533 = tpu.vector_load %arg5[%swap3A_531, %swap3A_532] {strides = array<i32>} : memref<8x3136xf32, #tpu.memory_space<vmem>>, vector<16xf32>,
    tpu.vector_store %arg5[%swap3A_531, %swap3A_532], %gather3A_517 {strides = array<i32>} : memref<8x3136xf32, #tpu.memory_space<vmem>>, vector<16xf32>,
    %swap3A_534 = arith.constant 4 : i32
    %swap3A_535 = arith.index_cast %swap3A_534 : i32 to index
    %swap3A_536 = arith.constant 2928 : index
    %swap3A_537 = tpu.vector_load %arg5[%swap3A_535, %swap3A_536] {strides = array<i32>} : memref<8x3136xf32, #tpu.memory_space<vmem>>, vector<16xf32>,
    tpu.vector_store %arg5[%swap3A_535, %swap3A_536], %gather3A_517 {strides = array<i32>} : memref<8x3136xf32, #tpu.memory_space<vmem>>, vector<16xf32>,
    %swap3A_538 = arith.constant 5 : i32
    %swap3A_539 = arith.index_cast %swap3A_538 : i32 to index
    %swap3A_540 = arith.constant 2928 : index
    %swap3A_541 = tpu.vector_load %arg5[%swap3A_539, %swap3A_540] {strides = array<i32>} : memref<8x3136xf32, #tpu.memory_space<vmem>>, vector<16xf32>,
    tpu.vector_store %arg5[%swap3A_539, %swap3A_540], %gather3A_517 {strides = array<i32>} : memref<8x3136xf32, #tpu.memory_space<vmem>>, vector<16xf32>,
    %swap3A_542 = arith.constant 6 : i32
    %swap3A_543 = arith.index_cast %swap3A_542 : i32 to index
    %swap3A_544 = arith.constant 2928 : index
    %swap3A_545 = tpu.vector_load %arg5[%swap3A_543, %swap3A_544] {strides = array<i32>} : memref<8x3136xf32, #tpu.memory_space<vmem>>, vector<16xf32>,
    tpu.vector_store %arg5[%swap3A_543, %swap3A_544], %gather3A_517 {strides = array<i32>} : memref<8x3136xf32, #tpu.memory_space<vmem>>, vector<16xf32>,
    %swap3A_546 = arith.constant 7 : i32
    %swap3A_547 = arith.index_cast %swap3A_546 : i32 to index
    %swap3A_548 = arith.constant 2928 : index
    %swap3A_549 = tpu.vector_load %arg5[%swap3A_547, %swap3A_548] {strides = array<i32>} : memref<8x3136xf32, #tpu.memory_space<vmem>>, vector<16xf32>,
    tpu.vector_store %arg5[%swap3A_547, %swap3A_548], %gather3A_517 {strides = array<i32>} : memref<8x3136xf32, #tpu.memory_space<vmem>>, vector<16xf32>,
    %add3A_550 = arith.constant 0 : i32
    %add3A_551 = arith.addi %add3A_54, %add3A_550 : i32
    %dma_start3A = arith.constant 0 : i32
    %dma_start3A_552 = tpu.memref_slice %arg3[%add3A_551, %dma_start3A] : memref<3136x3136xf32, #tpu.memory_space<hbm>> -> memref<8x3136xf32, #tpu.memory_space<hbm>>
    %dma_start3A_553 = arith.constant 0 : i32
    %dma_start3A_554 = tpu.memref_slice %arg3[%add3A_551, %dma_start3A_553] : memref<3136x3136xf32, #tpu.memory_space<hbm>> -> memref<8x3136xf32, #tpu.memory_space<hbm>>
    tpu.enqueue_dma source(%arg5 : memref<8x3136xf32, #tpu.memory_space<vmem>>) target(%dma_start3A_554 : memref<8x3136xf32, #tpu.memory_space<hbm>>) target_semaphore(%arg7 : memref<!tpu.dma_semaphore, #tpu.memory_space<semaphore_mem>>)
    %add3A_555 = arith.constant 8 : i32
    %add3A_556 = arith.addi %add3A_54, %add3A_555 : i32
    %dma_start3A_557 = arith.constant 0 : i32
    %dma_start3A_558 = tpu.memref_slice %arg3[%add3A_556, %dma_start3A_557] : memref<3136x3136xf32, #tpu.memory_space<hbm>> -> memref<8x3136xf32, #tpu.memory_space<hbm>>
    %dma_start3A_559 = arith.constant 0 : i32
    %dma_start3A_560 = tpu.memref_slice %arg3[%add3A_556, %dma_start3A_559] : memref<3136x3136xf32, #tpu.memory_space<hbm>> -> memref<8x3136xf32, #tpu.memory_space<hbm>>
    tpu.enqueue_dma source(%arg5 : memref<8x3136xf32, #tpu.memory_space<vmem>>) target(%dma_start3A_560 : memref<8x3136xf32, #tpu.memory_space<hbm>>) target_semaphore(%arg7 : memref<!tpu.dma_semaphore, #tpu.memory_space<semaphore_mem>>)
    %add3A_561 = arith.constant 16 : i32
    %add3A_562 = arith.addi %add3A_54, %add3A_561 : i32
    %dma_start3A_563 = arith.constant 0 : i32
    %dma_start3A_564 = tpu.memref_slice %arg3[%add3A_562, %dma_start3A_563] : memref<3136x3136xf32, #tpu.memory_space<hbm>> -> memref<8x3136xf32, #tpu.memory_space<hbm>>
    %dma_start3A_565 = arith.constant 0 : i32
    %dma_start3A_566 = tpu.memref_slice %arg3[%add3A_562, %dma_start3A_565] : memref<3136x3136xf32, #tpu.memory_space<hbm>> -> memref<8x3136xf32, #tpu.memory_space<hbm>>
    tpu.enqueue_dma source(%arg5 : memref<8x3136xf32, #tpu.memory_space<vmem>>) target(%dma_start3A_566 : memref<8x3136xf32, #tpu.memory_space<hbm>>) target_semaphore(%arg7 : memref<!tpu.dma_semaphore, #tpu.memory_space<semaphore_mem>>)
    %add3A_567 = arith.constant 24 : i32
    %add3A_568 = arith.addi %add3A_54, %add3A_567 : i32
    %dma_start3A_569 = arith.constant 0 : i32
    %dma_start3A_570 = tpu.memref_slice %arg3[%add3A_568, %dma_start3A_569] : memref<3136x3136xf32, #tpu.memory_space<hbm>> -> memref<8x3136xf32, #tpu.memory_space<hbm>>
    %dma_start3A_571 = arith.constant 0 : i32
    %dma_start3A_572 = tpu.memref_slice %arg3[%add3A_568, %dma_start3A_571] : memref<3136x3136xf32, #tpu.memory_space<hbm>> -> memref<8x3136xf32, #tpu.memory_space<hbm>>
    tpu.enqueue_dma source(%arg5 : memref<8x3136xf32, #tpu.memory_space<vmem>>) target(%dma_start3A_572 : memref<8x3136xf32, #tpu.memory_space<hbm>>) target_semaphore(%arg7 : memref<!tpu.dma_semaphore, #tpu.memory_space<semaphore_mem>>)
    %add3A_573 = arith.constant 32 : i32
    %add3A_574 = arith.addi %add3A_54, %add3A_573 : i32
    %dma_start3A_575 = arith.constant 0 : i32
    %dma_start3A_576 = tpu.memref_slice %arg3[%add3A_574, %dma_start3A_575] : memref<3136x3136xf32, #tpu.memory_space<hbm>> -> memref<8x3136xf32, #tpu.memory_space<hbm>>
    %dma_start3A_577 = arith.constant 0 : i32
    %dma_start3A_578 = tpu.memref_slice %arg3[%add3A_574, %dma_start3A_577] : memref<3136x3136xf32, #tpu.memory_space<hbm>> -> memref<8x3136xf32, #tpu.memory_space<hbm>>
    tpu.enqueue_dma source(%arg5 : memref<8x3136xf32, #tpu.memory_space<vmem>>) target(%dma_start3A_578 : memref<8x3136xf32, #tpu.memory_space<hbm>>) target_semaphore(%arg7 : memref<!tpu.dma_semaphore, #tpu.memory_space<semaphore_mem>>)
    %add3A_579 = arith.constant 40 : i32
    %add3A_580 = arith.addi %add3A_54, %add3A_579 : i32
    %dma_start3A_581 = arith.constant 0 : i32
    %dma_start3A_582 = tpu.memref_slice %arg3[%add3A_580, %dma_start3A_581] : memref<3136x3136xf32, #tpu.memory_space<hbm>> -> memref<8x3136xf32, #tpu.memory_space<hbm>>
    %dma_start3A_583 = arith.constant 0 : i32
    %dma_start3A_584 = tpu.memref_slice %arg3[%add3A_580, %dma_start3A_583] : memref<3136x3136xf32, #tpu.memory_space<hbm>> -> memref<8x3136xf32, #tpu.memory_space<hbm>>
    tpu.enqueue_dma source(%arg5 : memref<8x3136xf32, #tpu.memory_space<vmem>>) target(%dma_start3A_584 : memref<8x3136xf32, #tpu.memory_space<hbm>>) target_semaphore(%arg7 : memref<!tpu.dma_semaphore, #tpu.memory_space<semaphore_mem>>)
    %add3A_585 = arith.constant 48 : i32
    %add3A_586 = arith.addi %add3A_54, %add3A_585 : i32
    %dma_start3A_587 = arith.constant 0 : i32
    %dma_start3A_588 = tpu.memref_slice %arg3[%add3A_586, %dma_start3A_587] : memref<3136x3136xf32, #tpu.memory_space<hbm>> -> memref<8x3136xf32, #tpu.memory_space<hbm>>
    %dma_start3A_589 = arith.constant 0 : i32
    %dma_start3A_590 = tpu.memref_slice %arg3[%add3A_586, %dma_start3A_589] : memref<3136x3136xf32, #tpu.memory_space<hbm>> -> memref<8x3136xf32, #tpu.memory_space<hbm>>
    tpu.enqueue_dma source(%arg5 : memref<8x3136xf32, #tpu.memory_space<vmem>>) target(%dma_start3A_590 : memref<8x3136xf32, #tpu.memory_space<hbm>>) target_semaphore(%arg7 : memref<!tpu.dma_semaphore, #tpu.memory_space<semaphore_mem>>)
    %add3A_591 = arith.constant 56 : i32
    %add3A_592 = arith.addi %add3A_54, %add3A_591 : i32
    %dma_start3A_593 = arith.constant 0 : i32
    %dma_start3A_594 = tpu.memref_slice %arg3[%add3A_592, %dma_start3A_593] : memref<3136x3136xf32, #tpu.memory_space<hbm>> -> memref<8x3136xf32, #tpu.memory_space<hbm>>
    %dma_start3A_595 = arith.constant 0 : i32
    %dma_start3A_596 = tpu.memref_slice %arg3[%add3A_592, %dma_start3A_595] : memref<3136x3136xf32, #tpu.memory_space<hbm>> -> memref<8x3136xf32, #tpu.memory_space<hbm>>
    tpu.enqueue_dma source(%arg5 : memref<8x3136xf32, #tpu.memory_space<vmem>>) target(%dma_start3A_596 : memref<8x3136xf32, #tpu.memory_space<hbm>>) target_semaphore(%arg7 : memref<!tpu.dma_semaphore, #tpu.memory_space<semaphore_mem>>)
    %add3A_597 = arith.constant 64 : i32
    %add3A_598 = arith.addi %add3A_54, %add3A_597 : i32
    %dma_start3A_599 = arith.constant 0 : i32
    %dma_start3A_600 = tpu.memref_slice %arg3[%add3A_598, %dma_start3A_599] : memref<3136x3136xf32, #tpu.memory_space<hbm>> -> memref<8x3136xf32, #tpu.memory_space<hbm>>
    %dma_start3A_601 = arith.constant 0 : i32
    %dma_start3A_602 = tpu.memref_slice %arg3[%add3A_598, %dma_start3A_601] : memref<3136x3136xf32, #tpu.memory_space<hbm>> -> memref<8x3136xf32, #tpu.memory_space<hbm>>
    tpu.enqueue_dma source(%arg5 : memref<8x3136xf32, #tpu.memory_space<vmem>>) target(%dma_start3A_602 : memref<8x3136xf32, #tpu.memory_space<hbm>>) target_semaphore(%arg7 : memref<!tpu.dma_semaphore, #tpu.memory_space<semaphore_mem>>)
    %add3A_603 = arith.constant 72 : i32
    %add3A_604 = arith.addi %add3A_54, %add3A_603 : i32
    %dma_start3A_605 = arith.constant 0 : i32
    %dma_start3A_606 = tpu.memref_slice %arg3[%add3A_604, %dma_start3A_605] : memref<3136x3136xf32, #tpu.memory_space<hbm>> -> memref<8x3136xf32, #tpu.memory_space<hbm>>
    %dma_start3A_607 = arith.constant 0 : i32
    %dma_start3A_608 = tpu.memref_slice %arg3[%add3A_604, %dma_start3A_607] : memref<3136x3136xf32, #tpu.memory_space<hbm>> -> memref<8x3136xf32, #tpu.memory_space<hbm>>
    tpu.enqueue_dma source(%arg5 : memref<8x3136xf32, #tpu.memory_space<vmem>>) target(%dma_start3A_608 : memref<8x3136xf32, #tpu.memory_space<hbm>>) target_semaphore(%arg7 : memref<!tpu.dma_semaphore, #tpu.memory_space<semaphore_mem>>)
    %add3A_609 = arith.constant 80 : i32
    %add3A_610 = arith.addi %add3A_54, %add3A_609 : i32
    %dma_start3A_611 = arith.constant 0 : i32
    %dma_start3A_612 = tpu.memref_slice %arg3[%add3A_610, %dma_start3A_611] : memref<3136x3136xf32, #tpu.memory_space<hbm>> -> memref<8x3136xf32, #tpu.memory_space<hbm>>
    %dma_start3A_613 = arith.constant 0 : i32
    %dma_start3A_614 = tpu.memref_slice %arg3[%add3A_610, %dma_start3A_613] : memref<3136x3136xf32, #tpu.memory_space<hbm>> -> memref<8x3136xf32, #tpu.memory_space<hbm>>
    tpu.enqueue_dma source(%arg5 : memref<8x3136xf32, #tpu.memory_space<vmem>>) target(%dma_start3A_614 : memref<8x3136xf32, #tpu.memory_space<hbm>>) target_semaphore(%arg7 : memref<!tpu.dma_semaphore, #tpu.memory_space<semaphore_mem>>)
    %add3A_615 = arith.constant 88 : i32
    %add3A_616 = arith.addi %add3A_54, %add3A_615 : i32
    %dma_start3A_617 = arith.constant 0 : i32
    %dma_start3A_618 = tpu.memref_slice %arg3[%add3A_616, %dma_start3A_617] : memref<3136x3136xf32, #tpu.memory_space<hbm>> -> memref<8x3136xf32, #tpu.memory_space<hbm>>
    %dma_start3A_619 = arith.constant 0 : i32
    %dma_start3A_620 = tpu.memref_slice %arg3[%add3A_616, %dma_start3A_619] : memref<3136x3136xf32, #tpu.memory_space<hbm>> -> memref<8x3136xf32, #tpu.memory_space<hbm>>
    tpu.enqueue_dma source(%arg5 : memref<8x3136xf32, #tpu.memory_space<vmem>>) target(%dma_start3A_620 : memref<8x3136xf32, #tpu.memory_space<hbm>>) target_semaphore(%arg7 : memref<!tpu.dma_semaphore, #tpu.memory_space<semaphore_mem>>)
    %lt3A_621 = arith.constant 4 : i32
    %lt3A_622 = arith.cmpi slt, %arg1, %lt3A_621 : i32
    %convert_element_type3A_623 = arith.extui %lt3A_622 : i1 to i32
    %cond3A = arith.constant 0 : i32
    %cond3A_624 = arith.cmpi ne, %convert_element_type3A_623, %cond3A : i32
    scf.if %cond3A_624 {
      %mul3A_672 = arith.constant 2 : i32
      %mul3A_673 = arith.muli %mul3A_672, %arg1 : i32
      %add3A_674 = arith.addi %mul3A_673, %arg0 : i32
      %mul3A_675 = arith.constant 2 : i32
      %mul3A_676 = arith.muli %mul3A_675, %add3A_674 : i32
      %add3A_677 = arith.constant 15 : i32
      %add3A_678 = arith.addi %mul3A_676, %add3A_677 : i32
      %parallel_loop3A_679 = arith.constant 0 : i32
      %parallel_loop3A_680 = arith.constant 16 : i32
      %parallel_loop3A_681 = arith.constant 1 : i32
      scf.for %parallel_loop3A_1270 = %parallel_loop3A_679 to %parallel_loop3A_680 step %parallel_loop3A_681  : i32 {
        %parallel_loop3A_1271 = arith.subi %add3A_678, %parallel_loop3A_1270 : i32
        %parallel_loop3A_1272 = vector.broadcast %parallel_loop3A_1271 : i32 to vector<16xi32>
        %parallel_loop3A_1273 = arith.addi %mul3A_57, %parallel_loop3A_1272 : vector<16xi32>
        %parallel_loop3A_1274 = tpu.vector_load_idx %arg4[%parallel_loop3A_1273] : memref<31xf32, #tpu.memory_space<vmem>>[vector<16xi32>], vector<16xf32>,
        %parallel_loop3A_1275 = arith.constant 1 : i32
        %parallel_loop3A_1276 = arith.addi %add3A_678, %parallel_loop3A_1275 : i32
        %parallel_loop3A_1277 = arith.subi %parallel_loop3A_1276, %parallel_loop3A_1270 : i32
        %parallel_loop3A_1278 = vector.broadcast %parallel_loop3A_1277 : i32 to vector<16xi32>
        %parallel_loop3A_1279 = arith.addi %mul3A_57, %parallel_loop3A_1278 : vector<16xi32>
        %parallel_loop3A_1280 = tpu.vector_load_idx %arg4[%parallel_loop3A_1279] : memref<31xf32, #tpu.memory_space<vmem>>[vector<16xi32>], vector<16xf32>,
        %parallel_loop3A_1281 = arith.constant 49 : i32
        %parallel_loop3A_1282 = arith.muli %parallel_loop3A_1281, %parallel_loop3A_1270 : i32
        %parallel_loop3A_1283 = arith.constant 3 : i32
        %parallel_loop3A_1284 = arith.addi %parallel_loop3A_1282, %parallel_loop3A_1283 : i32
        %parallel_loop3A_1285 = arith.constant 4 : i32
        %parallel_loop3A_1286 = arith.divsi %parallel_loop3A_1284, %parallel_loop3A_1285 : i32
        %parallel_loop3A_1287 = arith.constant 0 : i32
        %parallel_loop3A_1288 = arith.cmpi sgt, %parallel_loop3A_1284, %parallel_loop3A_1287 : i32
        %parallel_loop3A_1289 = arith.extui %parallel_loop3A_1288 : i1 to i32
        %parallel_loop3A_1290 = arith.constant 0 : i32
        %parallel_loop3A_1291 = arith.cmpi slt, %parallel_loop3A_1284, %parallel_loop3A_1290 : i32
        %parallel_loop3A_1292 = arith.extui %parallel_loop3A_1291 : i1 to i32
        %parallel_loop3A_1293 = arith.subi %parallel_loop3A_1289, %parallel_loop3A_1292 : i32
        %parallel_loop3A_1294 = arith.constant 0 : i32
        %parallel_loop3A_1295 = arith.cmpi sgt, %parallel_loop3A_1285, %parallel_loop3A_1294 : i32
        %parallel_loop3A_1296 = arith.extui %parallel_loop3A_1295 : i1 to i32
        %parallel_loop3A_1297 = arith.constant 0 : i32
        %parallel_loop3A_1298 = arith.cmpi slt, %parallel_loop3A_1285, %parallel_loop3A_1297 : i32
        %parallel_loop3A_1299 = arith.extui %parallel_loop3A_1298 : i1 to i32
        %parallel_loop3A_1300 = arith.subi %parallel_loop3A_1296, %parallel_loop3A_1299 : i32
        %parallel_loop3A_1301 = arith.cmpi ne, %parallel_loop3A_1293, %parallel_loop3A_1300 : i32
        %parallel_loop3A_1302 = arith.remsi %parallel_loop3A_1284, %parallel_loop3A_1285 : i32
        %parallel_loop3A_1303 = arith.constant 0 : i32
        %parallel_loop3A_1304 = arith.cmpi ne, %parallel_loop3A_1302, %parallel_loop3A_1303 : i32
        %parallel_loop3A_1305 = arith.andi %parallel_loop3A_1301, %parallel_loop3A_1304 : i1
        %parallel_loop3A_1306 = arith.constant 1 : i32
        %parallel_loop3A_1307 = arith.subi %parallel_loop3A_1286, %parallel_loop3A_1306 : i32
        %parallel_loop3A_1308 = arith.select %parallel_loop3A_1305, %parallel_loop3A_1307, %parallel_loop3A_1286 : i32
        %parallel_loop3A_1309 = arith.constant 16 : i32
        %parallel_loop3A_1310 = arith.muli %parallel_loop3A_1308, %parallel_loop3A_1309 : i32
        %parallel_loop3A_1311 = arith.constant 0 : i32
        %parallel_loop3A_1312 = arith.addi %parallel_loop3A_1310, %parallel_loop3A_1311 : i32
        %parallel_loop3A_1313 = arith.constant 0 : i32
        %parallel_loop3A_1314 = arith.index_cast %parallel_loop3A_1313 : i32 to index
        %parallel_loop3A_1315 = arith.index_cast %parallel_loop3A_1312 : i32 to index
        %parallel_loop3A_1316 = tpu.vector_load %arg6[%parallel_loop3A_1314, %parallel_loop3A_1315] {strides = array<i32>} : memref<8x3136xf32, #tpu.memory_space<vmem>>, vector<16xf32>,
        tpu.vector_store %arg6[%parallel_loop3A_1314, %parallel_loop3A_1315], %parallel_loop3A_1274 {strides = array<i32>} : memref<8x3136xf32, #tpu.memory_space<vmem>>, vector<16xf32>,
        %parallel_loop3A_1317 = arith.constant 16 : i32
        %parallel_loop3A_1318 = arith.addi %parallel_loop3A_1310, %parallel_loop3A_1317 : i32
        %parallel_loop3A_1319 = arith.constant 0 : i32
        %parallel_loop3A_1320 = arith.index_cast %parallel_loop3A_1319 : i32 to index
        %parallel_loop3A_1321 = arith.index_cast %parallel_loop3A_1318 : i32 to index
        %parallel_loop3A_1322 = tpu.vector_load %arg6[%parallel_loop3A_1320, %parallel_loop3A_1321] {strides = array<i32>} : memref<8x3136xf32, #tpu.memory_space<vmem>>, vector<16xf32>,
        tpu.vector_store %arg6[%parallel_loop3A_1320, %parallel_loop3A_1321], %parallel_loop3A_1274 {strides = array<i32>} : memref<8x3136xf32, #tpu.memory_space<vmem>>, vector<16xf32>,
        %parallel_loop3A_1323 = arith.constant 32 : i32
        %parallel_loop3A_1324 = arith.addi %parallel_loop3A_1310, %parallel_loop3A_1323 : i32
        %parallel_loop3A_1325 = arith.constant 0 : i32
        %parallel_loop3A_1326 = arith.index_cast %parallel_loop3A_1325 : i32 to index
        %parallel_loop3A_1327 = arith.index_cast %parallel_loop3A_1324 : i32 to index
        %parallel_loop3A_1328 = tpu.vector_load %arg6[%parallel_loop3A_1326, %parallel_loop3A_1327] {strides = array<i32>} : memref<8x3136xf32, #tpu.memory_space<vmem>>, vector<16xf32>,
        tpu.vector_store %arg6[%parallel_loop3A_1326, %parallel_loop3A_1327], %parallel_loop3A_1274 {strides = array<i32>} : memref<8x3136xf32, #tpu.memory_space<vmem>>, vector<16xf32>,
        %parallel_loop3A_1329 = arith.constant 48 : i32
        %parallel_loop3A_1330 = arith.addi %parallel_loop3A_1310, %parallel_loop3A_1329 : i32
        %parallel_loop3A_1331 = arith.constant 0 : i32
        %parallel_loop3A_1332 = arith.index_cast %parallel_loop3A_1331 : i32 to index
        %parallel_loop3A_1333 = arith.index_cast %parallel_loop3A_1330 : i32 to index
        %parallel_loop3A_1334 = tpu.vector_load %arg6[%parallel_loop3A_1332, %parallel_loop3A_1333] {strides = array<i32>} : memref<8x3136xf32, #tpu.memory_space<vmem>>, vector<16xf32>,
        tpu.vector_store %arg6[%parallel_loop3A_1332, %parallel_loop3A_1333], %parallel_loop3A_1274 {strides = array<i32>} : memref<8x3136xf32, #tpu.memory_space<vmem>>, vector<16xf32>,
        %parallel_loop3A_1335 = arith.constant 64 : i32
        %parallel_loop3A_1336 = arith.addi %parallel_loop3A_1310, %parallel_loop3A_1335 : i32
        %parallel_loop3A_1337 = arith.constant 0 : i32
        %parallel_loop3A_1338 = arith.index_cast %parallel_loop3A_1337 : i32 to index
        %parallel_loop3A_1339 = arith.index_cast %parallel_loop3A_1336 : i32 to index
        %parallel_loop3A_1340 = tpu.vector_load %arg6[%parallel_loop3A_1338, %parallel_loop3A_1339] {strides = array<i32>} : memref<8x3136xf32, #tpu.memory_space<vmem>>, vector<16xf32>,
        tpu.vector_store %arg6[%parallel_loop3A_1338, %parallel_loop3A_1339], %parallel_loop3A_1274 {strides = array<i32>} : memref<8x3136xf32, #tpu.memory_space<vmem>>, vector<16xf32>,
        %parallel_loop3A_1341 = arith.constant 80 : i32
        %parallel_loop3A_1342 = arith.addi %parallel_loop3A_1310, %parallel_loop3A_1341 : i32
        %parallel_loop3A_1343 = arith.constant 0 : i32
        %parallel_loop3A_1344 = arith.index_cast %parallel_loop3A_1343 : i32 to index
        %parallel_loop3A_1345 = arith.index_cast %parallel_loop3A_1342 : i32 to index
        %parallel_loop3A_1346 = tpu.vector_load %arg6[%parallel_loop3A_1344, %parallel_loop3A_1345] {strides = array<i32>} : memref<8x3136xf32, #tpu.memory_space<vmem>>, vector<16xf32>,
        tpu.vector_store %arg6[%parallel_loop3A_1344, %parallel_loop3A_1345], %parallel_loop3A_1274 {strides = array<i32>} : memref<8x3136xf32, #tpu.memory_space<vmem>>, vector<16xf32>,
        %parallel_loop3A_1347 = arith.constant 96 : i32
        %parallel_loop3A_1348 = arith.addi %parallel_loop3A_1310, %parallel_loop3A_1347 : i32
        %parallel_loop3A_1349 = arith.constant 0 : i32
        %parallel_loop3A_1350 = arith.index_cast %parallel_loop3A_1349 : i32 to index
        %parallel_loop3A_1351 = arith.index_cast %parallel_loop3A_1348 : i32 to index
        %parallel_loop3A_1352 = tpu.vector_load %arg6[%parallel_loop3A_1350, %parallel_loop3A_1351] {strides = array<i32>} : memref<8x3136xf32, #tpu.memory_space<vmem>>, vector<16xf32>,
        tpu.vector_store %arg6[%parallel_loop3A_1350, %parallel_loop3A_1351], %parallel_loop3A_1274 {strides = array<i32>} : memref<8x3136xf32, #tpu.memory_space<vmem>>, vector<16xf32>,
        %parallel_loop3A_1353 = arith.constant 112 : i32
        %parallel_loop3A_1354 = arith.addi %parallel_loop3A_1310, %parallel_loop3A_1353 : i32
        %parallel_loop3A_1355 = arith.constant 0 : i32
        %parallel_loop3A_1356 = arith.index_cast %parallel_loop3A_1355 : i32 to index
        %parallel_loop3A_1357 = arith.index_cast %parallel_loop3A_1354 : i32 to index
        %parallel_loop3A_1358 = tpu.vector_load %arg6[%parallel_loop3A_1356, %parallel_loop3A_1357] {strides = array<i32>} : memref<8x3136xf32, #tpu.memory_space<vmem>>, vector<16xf32>,
        tpu.vector_store %arg6[%parallel_loop3A_1356, %parallel_loop3A_1357], %parallel_loop3A_1274 {strides = array<i32>} : memref<8x3136xf32, #tpu.memory_space<vmem>>, vector<16xf32>,
        %parallel_loop3A_1359 = arith.constant 128 : i32
        %parallel_loop3A_1360 = arith.addi %parallel_loop3A_1310, %parallel_loop3A_1359 : i32
        %parallel_loop3A_1361 = arith.constant 0 : i32
        %parallel_loop3A_1362 = arith.index_cast %parallel_loop3A_1361 : i32 to index
        %parallel_loop3A_1363 = arith.index_cast %parallel_loop3A_1360 : i32 to index
        %parallel_loop3A_1364 = tpu.vector_load %arg6[%parallel_loop3A_1362, %parallel_loop3A_1363] {strides = array<i32>} : memref<8x3136xf32, #tpu.memory_space<vmem>>, vector<16xf32>,
        tpu.vector_store %arg6[%parallel_loop3A_1362, %parallel_loop3A_1363], %parallel_loop3A_1274 {strides = array<i32>} : memref<8x3136xf32, #tpu.memory_space<vmem>>, vector<16xf32>,
        %parallel_loop3A_1365 = arith.constant 144 : i32
        %parallel_loop3A_1366 = arith.addi %parallel_loop3A_1310, %parallel_loop3A_1365 : i32
        %parallel_loop3A_1367 = arith.constant 0 : i32
        %parallel_loop3A_1368 = arith.index_cast %parallel_loop3A_1367 : i32 to index
        %parallel_loop3A_1369 = arith.index_cast %parallel_loop3A_1366 : i32 to index
        %parallel_loop3A_1370 = tpu.vector_load %arg6[%parallel_loop3A_1368, %parallel_loop3A_1369] {strides = array<i32>} : memref<8x3136xf32, #tpu.memory_space<vmem>>, vector<16xf32>,
        tpu.vector_store %arg6[%parallel_loop3A_1368, %parallel_loop3A_1369], %parallel_loop3A_1274 {strides = array<i32>} : memref<8x3136xf32, #tpu.memory_space<vmem>>, vector<16xf32>,
        %parallel_loop3A_1371 = arith.constant 160 : i32
        %parallel_loop3A_1372 = arith.addi %parallel_loop3A_1310, %parallel_loop3A_1371 : i32
        %parallel_loop3A_1373 = arith.constant 0 : i32
        %parallel_loop3A_1374 = arith.index_cast %parallel_loop3A_1373 : i32 to index
        %parallel_loop3A_1375 = arith.index_cast %parallel_loop3A_1372 : i32 to index
        %parallel_loop3A_1376 = tpu.vector_load %arg6[%parallel_loop3A_1374, %parallel_loop3A_1375] {strides = array<i32>} : memref<8x3136xf32, #tpu.memory_space<vmem>>, vector<16xf32>,
        tpu.vector_store %arg6[%parallel_loop3A_1374, %parallel_loop3A_1375], %parallel_loop3A_1274 {strides = array<i32>} : memref<8x3136xf32, #tpu.memory_space<vmem>>, vector<16xf32>,
        %parallel_loop3A_1377 = arith.constant 176 : i32
        %parallel_loop3A_1378 = arith.addi %parallel_loop3A_1310, %parallel_loop3A_1377 : i32
        %parallel_loop3A_1379 = arith.constant 0 : i32
        %parallel_loop3A_1380 = arith.index_cast %parallel_loop3A_1379 : i32 to index
        %parallel_loop3A_1381 = arith.index_cast %parallel_loop3A_1378 : i32 to index
        %parallel_loop3A_1382 = tpu.vector_load %arg6[%parallel_loop3A_1380, %parallel_loop3A_1381] {strides = array<i32>} : memref<8x3136xf32, #tpu.memory_space<vmem>>, vector<16xf32>,
        tpu.vector_store %arg6[%parallel_loop3A_1380, %parallel_loop3A_1381], %parallel_loop3A_1274 {strides = array<i32>} : memref<8x3136xf32, #tpu.memory_space<vmem>>, vector<16xf32>,
        %parallel_loop3A_1383 = arith.constant 0 : i32
        %parallel_loop3A_1384 = arith.addi %parallel_loop3A_1310, %parallel_loop3A_1383 : i32
        %parallel_loop3A_1385 = arith.constant 1 : i32
        %parallel_loop3A_1386 = arith.index_cast %parallel_loop3A_1385 : i32 to index
        %parallel_loop3A_1387 = arith.index_cast %parallel_loop3A_1384 : i32 to index
        %parallel_loop3A_1388 = tpu.vector_load %arg6[%parallel_loop3A_1386, %parallel_loop3A_1387] {strides = array<i32>} : memref<8x3136xf32, #tpu.memory_space<vmem>>, vector<16xf32>,
        tpu.vector_store %arg6[%parallel_loop3A_1386, %parallel_loop3A_1387], %parallel_loop3A_1274 {strides = array<i32>} : memref<8x3136xf32, #tpu.memory_space<vmem>>, vector<16xf32>,
        %parallel_loop3A_1389 = arith.constant 16 : i32
        %parallel_loop3A_1390 = arith.addi %parallel_loop3A_1310, %parallel_loop3A_1389 : i32
        %parallel_loop3A_1391 = arith.constant 1 : i32
        %parallel_loop3A_1392 = arith.index_cast %parallel_loop3A_1391 : i32 to index
        %parallel_loop3A_1393 = arith.index_cast %parallel_loop3A_1390 : i32 to index
        %parallel_loop3A_1394 = tpu.vector_load %arg6[%parallel_loop3A_1392, %parallel_loop3A_1393] {strides = array<i32>} : memref<8x3136xf32, #tpu.memory_space<vmem>>, vector<16xf32>,
        tpu.vector_store %arg6[%parallel_loop3A_1392, %parallel_loop3A_1393], %parallel_loop3A_1274 {strides = array<i32>} : memref<8x3136xf32, #tpu.memory_space<vmem>>, vector<16xf32>,
        %parallel_loop3A_1395 = arith.constant 32 : i32
        %parallel_loop3A_1396 = arith.addi %parallel_loop3A_1310, %parallel_loop3A_1395 : i32
        %parallel_loop3A_1397 = arith.constant 1 : i32
        %parallel_loop3A_1398 = arith.index_cast %parallel_loop3A_1397 : i32 to index
        %parallel_loop3A_1399 = arith.index_cast %parallel_loop3A_1396 : i32 to index
        %parallel_loop3A_1400 = tpu.vector_load %arg6[%parallel_loop3A_1398, %parallel_loop3A_1399] {strides = array<i32>} : memref<8x3136xf32, #tpu.memory_space<vmem>>, vector<16xf32>,
        tpu.vector_store %arg6[%parallel_loop3A_1398, %parallel_loop3A_1399], %parallel_loop3A_1274 {strides = array<i32>} : memref<8x3136xf32, #tpu.memory_space<vmem>>, vector<16xf32>,
        %parallel_loop3A_1401 = arith.constant 48 : i32
        %parallel_loop3A_1402 = arith.addi %parallel_loop3A_1310, %parallel_loop3A_1401 : i32
        %parallel_loop3A_1403 = arith.constant 1 : i32
        %parallel_loop3A_1404 = arith.index_cast %parallel_loop3A_1403 : i32 to index
        %parallel_loop3A_1405 = arith.index_cast %parallel_loop3A_1402 : i32 to index
        %parallel_loop3A_1406 = tpu.vector_load %arg6[%parallel_loop3A_1404, %parallel_loop3A_1405] {strides = array<i32>} : memref<8x3136xf32, #tpu.memory_space<vmem>>, vector<16xf32>,
        tpu.vector_store %arg6[%parallel_loop3A_1404, %parallel_loop3A_1405], %parallel_loop3A_1274 {strides = array<i32>} : memref<8x3136xf32, #tpu.memory_space<vmem>>, vector<16xf32>,
        %parallel_loop3A_1407 = arith.constant 64 : i32
        %parallel_loop3A_1408 = arith.addi %parallel_loop3A_1310, %parallel_loop3A_1407 : i32
        %parallel_loop3A_1409 = arith.constant 1 : i32
        %parallel_loop3A_1410 = arith.index_cast %parallel_loop3A_1409 : i32 to index
        %parallel_loop3A_1411 = arith.index_cast %parallel_loop3A_1408 : i32 to index
        %parallel_loop3A_1412 = tpu.vector_load %arg6[%parallel_loop3A_1410, %parallel_loop3A_1411] {strides = array<i32>} : memref<8x3136xf32, #tpu.memory_space<vmem>>, vector<16xf32>,
        tpu.vector_store %arg6[%parallel_loop3A_1410, %parallel_loop3A_1411], %parallel_loop3A_1274 {strides = array<i32>} : memref<8x3136xf32, #tpu.memory_space<vmem>>, vector<16xf32>,
        %parallel_loop3A_1413 = arith.constant 80 : i32
        %parallel_loop3A_1414 = arith.addi %parallel_loop3A_1310, %parallel_loop3A_1413 : i32
        %parallel_loop3A_1415 = arith.constant 1 : i32
        %parallel_loop3A_1416 = arith.index_cast %parallel_loop3A_1415 : i32 to index
        %parallel_loop3A_1417 = arith.index_cast %parallel_loop3A_1414 : i32 to index
        %parallel_loop3A_1418 = tpu.vector_load %arg6[%parallel_loop3A_1416, %parallel_loop3A_1417] {strides = array<i32>} : memref<8x3136xf32, #tpu.memory_space<vmem>>, vector<16xf32>,
        tpu.vector_store %arg6[%parallel_loop3A_1416, %parallel_loop3A_1417], %parallel_loop3A_1274 {strides = array<i32>} : memref<8x3136xf32, #tpu.memory_space<vmem>>, vector<16xf32>,
        %parallel_loop3A_1419 = arith.constant 96 : i32
        %parallel_loop3A_1420 = arith.addi %parallel_loop3A_1310, %parallel_loop3A_1419 : i32
        %parallel_loop3A_1421 = arith.constant 1 : i32
        %parallel_loop3A_1422 = arith.index_cast %parallel_loop3A_1421 : i32 to index
        %parallel_loop3A_1423 = arith.index_cast %parallel_loop3A_1420 : i32 to index
        %parallel_loop3A_1424 = tpu.vector_load %arg6[%parallel_loop3A_1422, %parallel_loop3A_1423] {strides = array<i32>} : memref<8x3136xf32, #tpu.memory_space<vmem>>, vector<16xf32>,
        tpu.vector_store %arg6[%parallel_loop3A_1422, %parallel_loop3A_1423], %parallel_loop3A_1274 {strides = array<i32>} : memref<8x3136xf32, #tpu.memory_space<vmem>>, vector<16xf32>,
        %parallel_loop3A_1425 = arith.constant 112 : i32
        %parallel_loop3A_1426 = arith.addi %parallel_loop3A_1310, %parallel_loop3A_1425 : i32
        %parallel_loop3A_1427 = arith.constant 1 : i32
        %parallel_loop3A_1428 = arith.index_cast %parallel_loop3A_1427 : i32 to index
        %parallel_loop3A_1429 = arith.index_cast %parallel_loop3A_1426 : i32 to index
        %parallel_loop3A_1430 = tpu.vector_load %arg6[%parallel_loop3A_1428, %parallel_loop3A_1429] {strides = array<i32>} : memref<8x3136xf32, #tpu.memory_space<vmem>>, vector<16xf32>,
        tpu.vector_store %arg6[%parallel_loop3A_1428, %parallel_loop3A_1429], %parallel_loop3A_1274 {strides = array<i32>} : memref<8x3136xf32, #tpu.memory_space<vmem>>, vector<16xf32>,
        %parallel_loop3A_1431 = arith.constant 128 : i32
        %parallel_loop3A_1432 = arith.addi %parallel_loop3A_1310, %parallel_loop3A_1431 : i32
        %parallel_loop3A_1433 = arith.constant 1 : i32
        %parallel_loop3A_1434 = arith.index_cast %parallel_loop3A_1433 : i32 to index
        %parallel_loop3A_1435 = arith.index_cast %parallel_loop3A_1432 : i32 to index
        %parallel_loop3A_1436 = tpu.vector_load %arg6[%parallel_loop3A_1434, %parallel_loop3A_1435] {strides = array<i32>} : memref<8x3136xf32, #tpu.memory_space<vmem>>, vector<16xf32>,
        tpu.vector_store %arg6[%parallel_loop3A_1434, %parallel_loop3A_1435], %parallel_loop3A_1274 {strides = array<i32>} : memref<8x3136xf32, #tpu.memory_space<vmem>>, vector<16xf32>,
        %parallel_loop3A_1437 = arith.constant 144 : i32
        %parallel_loop3A_1438 = arith.addi %parallel_loop3A_1310, %parallel_loop3A_1437 : i32
        %parallel_loop3A_1439 = arith.constant 1 : i32
        %parallel_loop3A_1440 = arith.index_cast %parallel_loop3A_1439 : i32 to index
        %parallel_loop3A_1441 = arith.index_cast %parallel_loop3A_1438 : i32 to index
        %parallel_loop3A_1442 = tpu.vector_load %arg6[%parallel_loop3A_1440, %parallel_loop3A_1441] {strides = array<i32>} : memref<8x3136xf32, #tpu.memory_space<vmem>>, vector<16xf32>,
        tpu.vector_store %arg6[%parallel_loop3A_1440, %parallel_loop3A_1441], %parallel_loop3A_1274 {strides = array<i32>} : memref<8x3136xf32, #tpu.memory_space<vmem>>, vector<16xf32>,
        %parallel_loop3A_1443 = arith.constant 160 : i32
        %parallel_loop3A_1444 = arith.addi %parallel_loop3A_1310, %parallel_loop3A_1443 : i32
        %parallel_loop3A_1445 = arith.constant 1 : i32
        %parallel_loop3A_1446 = arith.index_cast %parallel_loop3A_1445 : i32 to index
        %parallel_loop3A_1447 = arith.index_cast %parallel_loop3A_1444 : i32 to index
        %parallel_loop3A_1448 = tpu.vector_load %arg6[%parallel_loop3A_1446, %parallel_loop3A_1447] {strides = array<i32>} : memref<8x3136xf32, #tpu.memory_space<vmem>>, vector<16xf32>,
        tpu.vector_store %arg6[%parallel_loop3A_1446, %parallel_loop3A_1447], %parallel_loop3A_1274 {strides = array<i32>} : memref<8x3136xf32, #tpu.memory_space<vmem>>, vector<16xf32>,
        %parallel_loop3A_1449 = arith.constant 176 : i32
        %parallel_loop3A_1450 = arith.addi %parallel_loop3A_1310, %parallel_loop3A_1449 : i32
        %parallel_loop3A_1451 = arith.constant 1 : i32
        %parallel_loop3A_1452 = arith.index_cast %parallel_loop3A_1451 : i32 to index
        %parallel_loop3A_1453 = arith.index_cast %parallel_loop3A_1450 : i32 to index
        %parallel_loop3A_1454 = tpu.vector_load %arg6[%parallel_loop3A_1452, %parallel_loop3A_1453] {strides = array<i32>} : memref<8x3136xf32, #tpu.memory_space<vmem>>, vector<16xf32>,
        tpu.vector_store %arg6[%parallel_loop3A_1452, %parallel_loop3A_1453], %parallel_loop3A_1274 {strides = array<i32>} : memref<8x3136xf32, #tpu.memory_space<vmem>>, vector<16xf32>,
        %parallel_loop3A_1455 = arith.constant 0 : i32
        %parallel_loop3A_1456 = arith.addi %parallel_loop3A_1310, %parallel_loop3A_1455 : i32
        %parallel_loop3A_1457 = arith.constant 2 : i32
        %parallel_loop3A_1458 = arith.index_cast %parallel_loop3A_1457 : i32 to index
        %parallel_loop3A_1459 = arith.index_cast %parallel_loop3A_1456 : i32 to index
        %parallel_loop3A_1460 = tpu.vector_load %arg6[%parallel_loop3A_1458, %parallel_loop3A_1459] {strides = array<i32>} : memref<8x3136xf32, #tpu.memory_space<vmem>>, vector<16xf32>,
        tpu.vector_store %arg6[%parallel_loop3A_1458, %parallel_loop3A_1459], %parallel_loop3A_1274 {strides = array<i32>} : memref<8x3136xf32, #tpu.memory_space<vmem>>, vector<16xf32>,
        %parallel_loop3A_1461 = arith.constant 16 : i32
        %parallel_loop3A_1462 = arith.addi %parallel_loop3A_1310, %parallel_loop3A_1461 : i32
        %parallel_loop3A_1463 = arith.constant 2 : i32
        %parallel_loop3A_1464 = arith.index_cast %parallel_loop3A_1463 : i32 to index
        %parallel_loop3A_1465 = arith.index_cast %parallel_loop3A_1462 : i32 to index
        %parallel_loop3A_1466 = tpu.vector_load %arg6[%parallel_loop3A_1464, %parallel_loop3A_1465] {strides = array<i32>} : memref<8x3136xf32, #tpu.memory_space<vmem>>, vector<16xf32>,
        tpu.vector_store %arg6[%parallel_loop3A_1464, %parallel_loop3A_1465], %parallel_loop3A_1274 {strides = array<i32>} : memref<8x3136xf32, #tpu.memory_space<vmem>>, vector<16xf32>,
        %parallel_loop3A_1467 = arith.constant 32 : i32
        %parallel_loop3A_1468 = arith.addi %parallel_loop3A_1310, %parallel_loop3A_1467 : i32
        %parallel_loop3A_1469 = arith.constant 2 : i32
        %parallel_loop3A_1470 = arith.index_cast %parallel_loop3A_1469 : i32 to index
        %parallel_loop3A_1471 = arith.index_cast %parallel_loop3A_1468 : i32 to index
        %parallel_loop3A_1472 = tpu.vector_load %arg6[%parallel_loop3A_1470, %parallel_loop3A_1471] {strides = array<i32>} : memref<8x3136xf32, #tpu.memory_space<vmem>>, vector<16xf32>,
        tpu.vector_store %arg6[%parallel_loop3A_1470, %parallel_loop3A_1471], %parallel_loop3A_1274 {strides = array<i32>} : memref<8x3136xf32, #tpu.memory_space<vmem>>, vector<16xf32>,
        %parallel_loop3A_1473 = arith.constant 48 : i32
        %parallel_loop3A_1474 = arith.addi %parallel_loop3A_1310, %parallel_loop3A_1473 : i32
        %parallel_loop3A_1475 = arith.constant 2 : i32
        %parallel_loop3A_1476 = arith.index_cast %parallel_loop3A_1475 : i32 to index
        %parallel_loop3A_1477 = arith.index_cast %parallel_loop3A_1474 : i32 to index
        %parallel_loop3A_1478 = tpu.vector_load %arg6[%parallel_loop3A_1476, %parallel_loop3A_1477] {strides = array<i32>} : memref<8x3136xf32, #tpu.memory_space<vmem>>, vector<16xf32>,
        tpu.vector_store %arg6[%parallel_loop3A_1476, %parallel_loop3A_1477], %parallel_loop3A_1274 {strides = array<i32>} : memref<8x3136xf32, #tpu.memory_space<vmem>>, vector<16xf32>,
        %parallel_loop3A_1479 = arith.constant 64 : i32
        %parallel_loop3A_1480 = arith.addi %parallel_loop3A_1310, %parallel_loop3A_1479 : i32
        %parallel_loop3A_1481 = arith.constant 2 : i32
        %parallel_loop3A_1482 = arith.index_cast %parallel_loop3A_1481 : i32 to index
        %parallel_loop3A_1483 = arith.index_cast %parallel_loop3A_1480 : i32 to index
        %parallel_loop3A_1484 = tpu.vector_load %arg6[%parallel_loop3A_1482, %parallel_loop3A_1483] {strides = array<i32>} : memref<8x3136xf32, #tpu.memory_space<vmem>>, vector<16xf32>,
        tpu.vector_store %arg6[%parallel_loop3A_1482, %parallel_loop3A_1483], %parallel_loop3A_1274 {strides = array<i32>} : memref<8x3136xf32, #tpu.memory_space<vmem>>, vector<16xf32>,
        %parallel_loop3A_1485 = arith.constant 80 : i32
        %parallel_loop3A_1486 = arith.addi %parallel_loop3A_1310, %parallel_loop3A_1485 : i32
        %parallel_loop3A_1487 = arith.constant 2 : i32
        %parallel_loop3A_1488 = arith.index_cast %parallel_loop3A_1487 : i32 to index
        %parallel_loop3A_1489 = arith.index_cast %parallel_loop3A_1486 : i32 to index
        %parallel_loop3A_1490 = tpu.vector_load %arg6[%parallel_loop3A_1488, %parallel_loop3A_1489] {strides = array<i32>} : memref<8x3136xf32, #tpu.memory_space<vmem>>, vector<16xf32>,
        tpu.vector_store %arg6[%parallel_loop3A_1488, %parallel_loop3A_1489], %parallel_loop3A_1274 {strides = array<i32>} : memref<8x3136xf32, #tpu.memory_space<vmem>>, vector<16xf32>,
        %parallel_loop3A_1491 = arith.constant 96 : i32
        %parallel_loop3A_1492 = arith.addi %parallel_loop3A_1310, %parallel_loop3A_1491 : i32
        %parallel_loop3A_1493 = arith.constant 2 : i32
        %parallel_loop3A_1494 = arith.index_cast %parallel_loop3A_1493 : i32 to index
        %parallel_loop3A_1495 = arith.index_cast %parallel_loop3A_1492 : i32 to index
        %parallel_loop3A_1496 = tpu.vector_load %arg6[%parallel_loop3A_1494, %parallel_loop3A_1495] {strides = array<i32>} : memref<8x3136xf32, #tpu.memory_space<vmem>>, vector<16xf32>,
        tpu.vector_store %arg6[%parallel_loop3A_1494, %parallel_loop3A_1495], %parallel_loop3A_1274 {strides = array<i32>} : memref<8x3136xf32, #tpu.memory_space<vmem>>, vector<16xf32>,
        %parallel_loop3A_1497 = arith.constant 112 : i32
        %parallel_loop3A_1498 = arith.addi %parallel_loop3A_1310, %parallel_loop3A_1497 : i32
        %parallel_loop3A_1499 = arith.constant 2 : i32
        %parallel_loop3A_1500 = arith.index_cast %parallel_loop3A_1499 : i32 to index
        %parallel_loop3A_1501 = arith.index_cast %parallel_loop3A_1498 : i32 to index
        %parallel_loop3A_1502 = tpu.vector_load %arg6[%parallel_loop3A_1500, %parallel_loop3A_1501] {strides = array<i32>} : memref<8x3136xf32, #tpu.memory_space<vmem>>, vector<16xf32>,
        tpu.vector_store %arg6[%parallel_loop3A_1500, %parallel_loop3A_1501], %parallel_loop3A_1274 {strides = array<i32>} : memref<8x3136xf32, #tpu.memory_space<vmem>>, vector<16xf32>,
        %parallel_loop3A_1503 = arith.constant 128 : i32
        %parallel_loop3A_1504 = arith.addi %parallel_loop3A_1310, %parallel_loop3A_1503 : i32
        %parallel_loop3A_1505 = arith.constant 2 : i32
        %parallel_loop3A_1506 = arith.index_cast %parallel_loop3A_1505 : i32 to index
        %parallel_loop3A_1507 = arith.index_cast %parallel_loop3A_1504 : i32 to index
        %parallel_loop3A_1508 = tpu.vector_load %arg6[%parallel_loop3A_1506, %parallel_loop3A_1507] {strides = array<i32>} : memref<8x3136xf32, #tpu.memory_space<vmem>>, vector<16xf32>,
        tpu.vector_store %arg6[%parallel_loop3A_1506, %parallel_loop3A_1507], %parallel_loop3A_1274 {strides = array<i32>} : memref<8x3136xf32, #tpu.memory_space<vmem>>, vector<16xf32>,
        %parallel_loop3A_1509 = arith.constant 144 : i32
        %parallel_loop3A_1510 = arith.addi %parallel_loop3A_1310, %parallel_loop3A_1509 : i32
        %parallel_loop3A_1511 = arith.constant 2 : i32
        %parallel_loop3A_1512 = arith.index_cast %parallel_loop3A_1511 : i32 to index
        %parallel_loop3A_1513 = arith.index_cast %parallel_loop3A_1510 : i32 to index
        %parallel_loop3A_1514 = tpu.vector_load %arg6[%parallel_loop3A_1512, %parallel_loop3A_1513] {strides = array<i32>} : memref<8x3136xf32, #tpu.memory_space<vmem>>, vector<16xf32>,
        tpu.vector_store %arg6[%parallel_loop3A_1512, %parallel_loop3A_1513], %parallel_loop3A_1274 {strides = array<i32>} : memref<8x3136xf32, #tpu.memory_space<vmem>>, vector<16xf32>,
        %parallel_loop3A_1515 = arith.constant 160 : i32
        %parallel_loop3A_1516 = arith.addi %parallel_loop3A_1310, %parallel_loop3A_1515 : i32
        %parallel_loop3A_1517 = arith.constant 2 : i32
        %parallel_loop3A_1518 = arith.index_cast %parallel_loop3A_1517 : i32 to index
        %parallel_loop3A_1519 = arith.index_cast %parallel_loop3A_1516 : i32 to index
        %parallel_loop3A_1520 = tpu.vector_load %arg6[%parallel_loop3A_1518, %parallel_loop3A_1519] {strides = array<i32>} : memref<8x3136xf32, #tpu.memory_space<vmem>>, vector<16xf32>,
        tpu.vector_store %arg6[%parallel_loop3A_1518, %parallel_loop3A_1519], %parallel_loop3A_1274 {strides = array<i32>} : memref<8x3136xf32, #tpu.memory_space<vmem>>, vector<16xf32>,
        %parallel_loop3A_1521 = arith.constant 176 : i32
        %parallel_loop3A_1522 = arith.addi %parallel_loop3A_1310, %parallel_loop3A_1521 : i32
        %parallel_loop3A_1523 = arith.constant 2 : i32
        %parallel_loop3A_1524 = arith.index_cast %parallel_loop3A_1523 : i32 to index
        %parallel_loop3A_1525 = arith.index_cast %parallel_loop3A_1522 : i32 to index
        %parallel_loop3A_1526 = tpu.vector_load %arg6[%parallel_loop3A_1524, %parallel_loop3A_1525] {strides = array<i32>} : memref<8x3136xf32, #tpu.memory_space<vmem>>, vector<16xf32>,
        tpu.vector_store %arg6[%parallel_loop3A_1524, %parallel_loop3A_1525], %parallel_loop3A_1274 {strides = array<i32>} : memref<8x3136xf32, #tpu.memory_space<vmem>>, vector<16xf32>,
        %parallel_loop3A_1527 = arith.constant 0 : i32
        %parallel_loop3A_1528 = arith.addi %parallel_loop3A_1310, %parallel_loop3A_1527 : i32
        %parallel_loop3A_1529 = arith.constant 3 : i32
        %parallel_loop3A_1530 = arith.index_cast %parallel_loop3A_1529 : i32 to index
        %parallel_loop3A_1531 = arith.index_cast %parallel_loop3A_1528 : i32 to index
        %parallel_loop3A_1532 = tpu.vector_load %arg6[%parallel_loop3A_1530, %parallel_loop3A_1531] {strides = array<i32>} : memref<8x3136xf32, #tpu.memory_space<vmem>>, vector<16xf32>,
        tpu.vector_store %arg6[%parallel_loop3A_1530, %parallel_loop3A_1531], %parallel_loop3A_1274 {strides = array<i32>} : memref<8x3136xf32, #tpu.memory_space<vmem>>, vector<16xf32>,
        %parallel_loop3A_1533 = arith.constant 16 : i32
        %parallel_loop3A_1534 = arith.addi %parallel_loop3A_1310, %parallel_loop3A_1533 : i32
        %parallel_loop3A_1535 = arith.constant 3 : i32
        %parallel_loop3A_1536 = arith.index_cast %parallel_loop3A_1535 : i32 to index
        %parallel_loop3A_1537 = arith.index_cast %parallel_loop3A_1534 : i32 to index
        %parallel_loop3A_1538 = tpu.vector_load %arg6[%parallel_loop3A_1536, %parallel_loop3A_1537] {strides = array<i32>} : memref<8x3136xf32, #tpu.memory_space<vmem>>, vector<16xf32>,
        tpu.vector_store %arg6[%parallel_loop3A_1536, %parallel_loop3A_1537], %parallel_loop3A_1274 {strides = array<i32>} : memref<8x3136xf32, #tpu.memory_space<vmem>>, vector<16xf32>,
        %parallel_loop3A_1539 = arith.constant 32 : i32
        %parallel_loop3A_1540 = arith.addi %parallel_loop3A_1310, %parallel_loop3A_1539 : i32
        %parallel_loop3A_1541 = arith.constant 3 : i32
        %parallel_loop3A_1542 = arith.index_cast %parallel_loop3A_1541 : i32 to index
        %parallel_loop3A_1543 = arith.index_cast %parallel_loop3A_1540 : i32 to index
        %parallel_loop3A_1544 = tpu.vector_load %arg6[%parallel_loop3A_1542, %parallel_loop3A_1543] {strides = array<i32>} : memref<8x3136xf32, #tpu.memory_space<vmem>>, vector<16xf32>,
        tpu.vector_store %arg6[%parallel_loop3A_1542, %parallel_loop3A_1543], %parallel_loop3A_1274 {strides = array<i32>} : memref<8x3136xf32, #tpu.memory_space<vmem>>, vector<16xf32>,
        %parallel_loop3A_1545 = arith.constant 48 : i32
        %parallel_loop3A_1546 = arith.addi %parallel_loop3A_1310, %parallel_loop3A_1545 : i32
        %parallel_loop3A_1547 = arith.constant 3 : i32
        %parallel_loop3A_1548 = arith.index_cast %parallel_loop3A_1547 : i32 to index
        %parallel_loop3A_1549 = arith.index_cast %parallel_loop3A_1546 : i32 to index
        %parallel_loop3A_1550 = tpu.vector_load %arg6[%parallel_loop3A_1548, %parallel_loop3A_1549] {strides = array<i32>} : memref<8x3136xf32, #tpu.memory_space<vmem>>, vector<16xf32>,
        tpu.vector_store %arg6[%parallel_loop3A_1548, %parallel_loop3A_1549], %parallel_loop3A_1274 {strides = array<i32>} : memref<8x3136xf32, #tpu.memory_space<vmem>>, vector<16xf32>,
        %parallel_loop3A_1551 = arith.constant 64 : i32
        %parallel_loop3A_1552 = arith.addi %parallel_loop3A_1310, %parallel_loop3A_1551 : i32
        %parallel_loop3A_1553 = arith.constant 3 : i32
        %parallel_loop3A_1554 = arith.index_cast %parallel_loop3A_1553 : i32 to index
        %parallel_loop3A_1555 = arith.index_cast %parallel_loop3A_1552 : i32 to index
        %parallel_loop3A_1556 = tpu.vector_load %arg6[%parallel_loop3A_1554, %parallel_loop3A_1555] {strides = array<i32>} : memref<8x3136xf32, #tpu.memory_space<vmem>>, vector<16xf32>,
        tpu.vector_store %arg6[%parallel_loop3A_1554, %parallel_loop3A_1555], %parallel_loop3A_1274 {strides = array<i32>} : memref<8x3136xf32, #tpu.memory_space<vmem>>, vector<16xf32>,
        %parallel_loop3A_1557 = arith.constant 80 : i32
        %parallel_loop3A_1558 = arith.addi %parallel_loop3A_1310, %parallel_loop3A_1557 : i32
        %parallel_loop3A_1559 = arith.constant 3 : i32
        %parallel_loop3A_1560 = arith.index_cast %parallel_loop3A_1559 : i32 to index
        %parallel_loop3A_1561 = arith.index_cast %parallel_loop3A_1558 : i32 to index
        %parallel_loop3A_1562 = tpu.vector_load %arg6[%parallel_loop3A_1560, %parallel_loop3A_1561] {strides = array<i32>} : memref<8x3136xf32, #tpu.memory_space<vmem>>, vector<16xf32>,
        tpu.vector_store %arg6[%parallel_loop3A_1560, %parallel_loop3A_1561], %parallel_loop3A_1274 {strides = array<i32>} : memref<8x3136xf32, #tpu.memory_space<vmem>>, vector<16xf32>,
        %parallel_loop3A_1563 = arith.constant 96 : i32
        %parallel_loop3A_1564 = arith.addi %parallel_loop3A_1310, %parallel_loop3A_1563 : i32
        %parallel_loop3A_1565 = arith.constant 3 : i32
        %parallel_loop3A_1566 = arith.index_cast %parallel_loop3A_1565 : i32 to index
        %parallel_loop3A_1567 = arith.index_cast %parallel_loop3A_1564 : i32 to index
        %parallel_loop3A_1568 = tpu.vector_load %arg6[%parallel_loop3A_1566, %parallel_loop3A_1567] {strides = array<i32>} : memref<8x3136xf32, #tpu.memory_space<vmem>>, vector<16xf32>,
        tpu.vector_store %arg6[%parallel_loop3A_1566, %parallel_loop3A_1567], %parallel_loop3A_1274 {strides = array<i32>} : memref<8x3136xf32, #tpu.memory_space<vmem>>, vector<16xf32>,
        %parallel_loop3A_1569 = arith.constant 112 : i32
        %parallel_loop3A_1570 = arith.addi %parallel_loop3A_1310, %parallel_loop3A_1569 : i32
        %parallel_loop3A_1571 = arith.constant 3 : i32
        %parallel_loop3A_1572 = arith.index_cast %parallel_loop3A_1571 : i32 to index
        %parallel_loop3A_1573 = arith.index_cast %parallel_loop3A_1570 : i32 to index
        %parallel_loop3A_1574 = tpu.vector_load %arg6[%parallel_loop3A_1572, %parallel_loop3A_1573] {strides = array<i32>} : memref<8x3136xf32, #tpu.memory_space<vmem>>, vector<16xf32>,
        tpu.vector_store %arg6[%parallel_loop3A_1572, %parallel_loop3A_1573], %parallel_loop3A_1274 {strides = array<i32>} : memref<8x3136xf32, #tpu.memory_space<vmem>>, vector<16xf32>,
        %parallel_loop3A_1575 = arith.constant 128 : i32
        %parallel_loop3A_1576 = arith.addi %parallel_loop3A_1310, %parallel_loop3A_1575 : i32
        %parallel_loop3A_1577 = arith.constant 3 : i32
        %parallel_loop3A_1578 = arith.index_cast %parallel_loop3A_1577 : i32 to index
        %parallel_loop3A_1579 = arith.index_cast %parallel_loop3A_1576 : i32 to index
        %parallel_loop3A_1580 = tpu.vector_load %arg6[%parallel_loop3A_1578, %parallel_loop3A_1579] {strides = array<i32>} : memref<8x3136xf32, #tpu.memory_space<vmem>>, vector<16xf32>,
        tpu.vector_store %arg6[%parallel_loop3A_1578, %parallel_loop3A_1579], %parallel_loop3A_1274 {strides = array<i32>} : memref<8x3136xf32, #tpu.memory_space<vmem>>, vector<16xf32>,
        %parallel_loop3A_1581 = arith.constant 144 : i32
        %parallel_loop3A_1582 = arith.addi %parallel_loop3A_1310, %parallel_loop3A_1581 : i32
        %parallel_loop3A_1583 = arith.constant 3 : i32
        %parallel_loop3A_1584 = arith.index_cast %parallel_loop3A_1583 : i32 to index
        %parallel_loop3A_1585 = arith.index_cast %parallel_loop3A_1582 : i32 to index
        %parallel_loop3A_1586 = tpu.vector_load %arg6[%parallel_loop3A_1584, %parallel_loop3A_1585] {strides = array<i32>} : memref<8x3136xf32, #tpu.memory_space<vmem>>, vector<16xf32>,
        tpu.vector_store %arg6[%parallel_loop3A_1584, %parallel_loop3A_1585], %parallel_loop3A_1274 {strides = array<i32>} : memref<8x3136xf32, #tpu.memory_space<vmem>>, vector<16xf32>,
        %parallel_loop3A_1587 = arith.constant 160 : i32
        %parallel_loop3A_1588 = arith.addi %parallel_loop3A_1310, %parallel_loop3A_1587 : i32
        %parallel_loop3A_1589 = arith.constant 3 : i32
        %parallel_loop3A_1590 = arith.index_cast %parallel_loop3A_1589 : i32 to index
        %parallel_loop3A_1591 = arith.index_cast %parallel_loop3A_1588 : i32 to index
        %parallel_loop3A_1592 = tpu.vector_load %arg6[%parallel_loop3A_1590, %parallel_loop3A_1591] {strides = array<i32>} : memref<8x3136xf32, #tpu.memory_space<vmem>>, vector<16xf32>,
        tpu.vector_store %arg6[%parallel_loop3A_1590, %parallel_loop3A_1591], %parallel_loop3A_1274 {strides = array<i32>} : memref<8x3136xf32, #tpu.memory_space<vmem>>, vector<16xf32>,
        %parallel_loop3A_1593 = arith.constant 176 : i32
        %parallel_loop3A_1594 = arith.addi %parallel_loop3A_1310, %parallel_loop3A_1593 : i32
        %parallel_loop3A_1595 = arith.constant 3 : i32
        %parallel_loop3A_1596 = arith.index_cast %parallel_loop3A_1595 : i32 to index
        %parallel_loop3A_1597 = arith.index_cast %parallel_loop3A_1594 : i32 to index
        %parallel_loop3A_1598 = tpu.vector_load %arg6[%parallel_loop3A_1596, %parallel_loop3A_1597] {strides = array<i32>} : memref<8x3136xf32, #tpu.memory_space<vmem>>, vector<16xf32>,
        tpu.vector_store %arg6[%parallel_loop3A_1596, %parallel_loop3A_1597], %parallel_loop3A_1274 {strides = array<i32>} : memref<8x3136xf32, #tpu.memory_space<vmem>>, vector<16xf32>,
        %parallel_loop3A_1599 = arith.constant 0 : i32
        %parallel_loop3A_1600 = arith.addi %parallel_loop3A_1310, %parallel_loop3A_1599 : i32
        %parallel_loop3A_1601 = arith.constant 4 : i32
        %parallel_loop3A_1602 = arith.index_cast %parallel_loop3A_1601 : i32 to index
        %parallel_loop3A_1603 = arith.index_cast %parallel_loop3A_1600 : i32 to index
        %parallel_loop3A_1604 = tpu.vector_load %arg6[%parallel_loop3A_1602, %parallel_loop3A_1603] {strides = array<i32>} : memref<8x3136xf32, #tpu.memory_space<vmem>>, vector<16xf32>,
        tpu.vector_store %arg6[%parallel_loop3A_1602, %parallel_loop3A_1603], %parallel_loop3A_1280 {strides = array<i32>} : memref<8x3136xf32, #tpu.memory_space<vmem>>, vector<16xf32>,
        %parallel_loop3A_1605 = arith.constant 16 : i32
        %parallel_loop3A_1606 = arith.addi %parallel_loop3A_1310, %parallel_loop3A_1605 : i32
        %parallel_loop3A_1607 = arith.constant 4 : i32
        %parallel_loop3A_1608 = arith.index_cast %parallel_loop3A_1607 : i32 to index
        %parallel_loop3A_1609 = arith.index_cast %parallel_loop3A_1606 : i32 to index
        %parallel_loop3A_1610 = tpu.vector_load %arg6[%parallel_loop3A_1608, %parallel_loop3A_1609] {strides = array<i32>} : memref<8x3136xf32, #tpu.memory_space<vmem>>, vector<16xf32>,
        tpu.vector_store %arg6[%parallel_loop3A_1608, %parallel_loop3A_1609], %parallel_loop3A_1280 {strides = array<i32>} : memref<8x3136xf32, #tpu.memory_space<vmem>>, vector<16xf32>,
        %parallel_loop3A_1611 = arith.constant 32 : i32
        %parallel_loop3A_1612 = arith.addi %parallel_loop3A_1310, %parallel_loop3A_1611 : i32
        %parallel_loop3A_1613 = arith.constant 4 : i32
        %parallel_loop3A_1614 = arith.index_cast %parallel_loop3A_1613 : i32 to index
        %parallel_loop3A_1615 = arith.index_cast %parallel_loop3A_1612 : i32 to index
        %parallel_loop3A_1616 = tpu.vector_load %arg6[%parallel_loop3A_1614, %parallel_loop3A_1615] {strides = array<i32>} : memref<8x3136xf32, #tpu.memory_space<vmem>>, vector<16xf32>,
        tpu.vector_store %arg6[%parallel_loop3A_1614, %parallel_loop3A_1615], %parallel_loop3A_1280 {strides = array<i32>} : memref<8x3136xf32, #tpu.memory_space<vmem>>, vector<16xf32>,
        %parallel_loop3A_1617 = arith.constant 48 : i32
        %parallel_loop3A_1618 = arith.addi %parallel_loop3A_1310, %parallel_loop3A_1617 : i32
        %parallel_loop3A_1619 = arith.constant 4 : i32
        %parallel_loop3A_1620 = arith.index_cast %parallel_loop3A_1619 : i32 to index
        %parallel_loop3A_1621 = arith.index_cast %parallel_loop3A_1618 : i32 to index
        %parallel_loop3A_1622 = tpu.vector_load %arg6[%parallel_loop3A_1620, %parallel_loop3A_1621] {strides = array<i32>} : memref<8x3136xf32, #tpu.memory_space<vmem>>, vector<16xf32>,
        tpu.vector_store %arg6[%parallel_loop3A_1620, %parallel_loop3A_1621], %parallel_loop3A_1280 {strides = array<i32>} : memref<8x3136xf32, #tpu.memory_space<vmem>>, vector<16xf32>,
        %parallel_loop3A_1623 = arith.constant 64 : i32
        %parallel_loop3A_1624 = arith.addi %parallel_loop3A_1310, %parallel_loop3A_1623 : i32
        %parallel_loop3A_1625 = arith.constant 4 : i32
        %parallel_loop3A_1626 = arith.index_cast %parallel_loop3A_1625 : i32 to index
        %parallel_loop3A_1627 = arith.index_cast %parallel_loop3A_1624 : i32 to index
        %parallel_loop3A_1628 = tpu.vector_load %arg6[%parallel_loop3A_1626, %parallel_loop3A_1627] {strides = array<i32>} : memref<8x3136xf32, #tpu.memory_space<vmem>>, vector<16xf32>,
        tpu.vector_store %arg6[%parallel_loop3A_1626, %parallel_loop3A_1627], %parallel_loop3A_1280 {strides = array<i32>} : memref<8x3136xf32, #tpu.memory_space<vmem>>, vector<16xf32>,
        %parallel_loop3A_1629 = arith.constant 80 : i32
        %parallel_loop3A_1630 = arith.addi %parallel_loop3A_1310, %parallel_loop3A_1629 : i32
        %parallel_loop3A_1631 = arith.constant 4 : i32
        %parallel_loop3A_1632 = arith.index_cast %parallel_loop3A_1631 : i32 to index
        %parallel_loop3A_1633 = arith.index_cast %parallel_loop3A_1630 : i32 to index
        %parallel_loop3A_1634 = tpu.vector_load %arg6[%parallel_loop3A_1632, %parallel_loop3A_1633] {strides = array<i32>} : memref<8x3136xf32, #tpu.memory_space<vmem>>, vector<16xf32>,
        tpu.vector_store %arg6[%parallel_loop3A_1632, %parallel_loop3A_1633], %parallel_loop3A_1280 {strides = array<i32>} : memref<8x3136xf32, #tpu.memory_space<vmem>>, vector<16xf32>,
        %parallel_loop3A_1635 = arith.constant 96 : i32
        %parallel_loop3A_1636 = arith.addi %parallel_loop3A_1310, %parallel_loop3A_1635 : i32
        %parallel_loop3A_1637 = arith.constant 4 : i32
        %parallel_loop3A_1638 = arith.index_cast %parallel_loop3A_1637 : i32 to index
        %parallel_loop3A_1639 = arith.index_cast %parallel_loop3A_1636 : i32 to index
        %parallel_loop3A_1640 = tpu.vector_load %arg6[%parallel_loop3A_1638, %parallel_loop3A_1639] {strides = array<i32>} : memref<8x3136xf32, #tpu.memory_space<vmem>>, vector<16xf32>,
        tpu.vector_store %arg6[%parallel_loop3A_1638, %parallel_loop3A_1639], %parallel_loop3A_1280 {strides = array<i32>} : memref<8x3136xf32, #tpu.memory_space<vmem>>, vector<16xf32>,
        %parallel_loop3A_1641 = arith.constant 112 : i32
        %parallel_loop3A_1642 = arith.addi %parallel_loop3A_1310, %parallel_loop3A_1641 : i32
        %parallel_loop3A_1643 = arith.constant 4 : i32
        %parallel_loop3A_1644 = arith.index_cast %parallel_loop3A_1643 : i32 to index
        %parallel_loop3A_1645 = arith.index_cast %parallel_loop3A_1642 : i32 to index
        %parallel_loop3A_1646 = tpu.vector_load %arg6[%parallel_loop3A_1644, %parallel_loop3A_1645] {strides = array<i32>} : memref<8x3136xf32, #tpu.memory_space<vmem>>, vector<16xf32>,
        tpu.vector_store %arg6[%parallel_loop3A_1644, %parallel_loop3A_1645], %parallel_loop3A_1280 {strides = array<i32>} : memref<8x3136xf32, #tpu.memory_space<vmem>>, vector<16xf32>,
        %parallel_loop3A_1647 = arith.constant 128 : i32
        %parallel_loop3A_1648 = arith.addi %parallel_loop3A_1310, %parallel_loop3A_1647 : i32
        %parallel_loop3A_1649 = arith.constant 4 : i32
        %parallel_loop3A_1650 = arith.index_cast %parallel_loop3A_1649 : i32 to index
        %parallel_loop3A_1651 = arith.index_cast %parallel_loop3A_1648 : i32 to index
        %parallel_loop3A_1652 = tpu.vector_load %arg6[%parallel_loop3A_1650, %parallel_loop3A_1651] {strides = array<i32>} : memref<8x3136xf32, #tpu.memory_space<vmem>>, vector<16xf32>,
        tpu.vector_store %arg6[%parallel_loop3A_1650, %parallel_loop3A_1651], %parallel_loop3A_1280 {strides = array<i32>} : memref<8x3136xf32, #tpu.memory_space<vmem>>, vector<16xf32>,
        %parallel_loop3A_1653 = arith.constant 144 : i32
        %parallel_loop3A_1654 = arith.addi %parallel_loop3A_1310, %parallel_loop3A_1653 : i32
        %parallel_loop3A_1655 = arith.constant 4 : i32
        %parallel_loop3A_1656 = arith.index_cast %parallel_loop3A_1655 : i32 to index
        %parallel_loop3A_1657 = arith.index_cast %parallel_loop3A_1654 : i32 to index
        %parallel_loop3A_1658 = tpu.vector_load %arg6[%parallel_loop3A_1656, %parallel_loop3A_1657] {strides = array<i32>} : memref<8x3136xf32, #tpu.memory_space<vmem>>, vector<16xf32>,
        tpu.vector_store %arg6[%parallel_loop3A_1656, %parallel_loop3A_1657], %parallel_loop3A_1280 {strides = array<i32>} : memref<8x3136xf32, #tpu.memory_space<vmem>>, vector<16xf32>,
        %parallel_loop3A_1659 = arith.constant 160 : i32
        %parallel_loop3A_1660 = arith.addi %parallel_loop3A_1310, %parallel_loop3A_1659 : i32
        %parallel_loop3A_1661 = arith.constant 4 : i32
        %parallel_loop3A_1662 = arith.index_cast %parallel_loop3A_1661 : i32 to index
        %parallel_loop3A_1663 = arith.index_cast %parallel_loop3A_1660 : i32 to index
        %parallel_loop3A_1664 = tpu.vector_load %arg6[%parallel_loop3A_1662, %parallel_loop3A_1663] {strides = array<i32>} : memref<8x3136xf32, #tpu.memory_space<vmem>>, vector<16xf32>,
        tpu.vector_store %arg6[%parallel_loop3A_1662, %parallel_loop3A_1663], %parallel_loop3A_1280 {strides = array<i32>} : memref<8x3136xf32, #tpu.memory_space<vmem>>, vector<16xf32>,
        %parallel_loop3A_1665 = arith.constant 176 : i32
        %parallel_loop3A_1666 = arith.addi %parallel_loop3A_1310, %parallel_loop3A_1665 : i32
        %parallel_loop3A_1667 = arith.constant 4 : i32
        %parallel_loop3A_1668 = arith.index_cast %parallel_loop3A_1667 : i32 to index
        %parallel_loop3A_1669 = arith.index_cast %parallel_loop3A_1666 : i32 to index
        %parallel_loop3A_1670 = tpu.vector_load %arg6[%parallel_loop3A_1668, %parallel_loop3A_1669] {strides = array<i32>} : memref<8x3136xf32, #tpu.memory_space<vmem>>, vector<16xf32>,
        tpu.vector_store %arg6[%parallel_loop3A_1668, %parallel_loop3A_1669], %parallel_loop3A_1280 {strides = array<i32>} : memref<8x3136xf32, #tpu.memory_space<vmem>>, vector<16xf32>,
        %parallel_loop3A_1671 = arith.constant 0 : i32
        %parallel_loop3A_1672 = arith.addi %parallel_loop3A_1310, %parallel_loop3A_1671 : i32
        %parallel_loop3A_1673 = arith.constant 5 : i32
        %parallel_loop3A_1674 = arith.index_cast %parallel_loop3A_1673 : i32 to index
        %parallel_loop3A_1675 = arith.index_cast %parallel_loop3A_1672 : i32 to index
        %parallel_loop3A_1676 = tpu.vector_load %arg6[%parallel_loop3A_1674, %parallel_loop3A_1675] {strides = array<i32>} : memref<8x3136xf32, #tpu.memory_space<vmem>>, vector<16xf32>,
        tpu.vector_store %arg6[%parallel_loop3A_1674, %parallel_loop3A_1675], %parallel_loop3A_1280 {strides = array<i32>} : memref<8x3136xf32, #tpu.memory_space<vmem>>, vector<16xf32>,
        %parallel_loop3A_1677 = arith.constant 16 : i32
        %parallel_loop3A_1678 = arith.addi %parallel_loop3A_1310, %parallel_loop3A_1677 : i32
        %parallel_loop3A_1679 = arith.constant 5 : i32
        %parallel_loop3A_1680 = arith.index_cast %parallel_loop3A_1679 : i32 to index
        %parallel_loop3A_1681 = arith.index_cast %parallel_loop3A_1678 : i32 to index
        %parallel_loop3A_1682 = tpu.vector_load %arg6[%parallel_loop3A_1680, %parallel_loop3A_1681] {strides = array<i32>} : memref<8x3136xf32, #tpu.memory_space<vmem>>, vector<16xf32>,
        tpu.vector_store %arg6[%parallel_loop3A_1680, %parallel_loop3A_1681], %parallel_loop3A_1280 {strides = array<i32>} : memref<8x3136xf32, #tpu.memory_space<vmem>>, vector<16xf32>,
        %parallel_loop3A_1683 = arith.constant 32 : i32
        %parallel_loop3A_1684 = arith.addi %parallel_loop3A_1310, %parallel_loop3A_1683 : i32
        %parallel_loop3A_1685 = arith.constant 5 : i32
        %parallel_loop3A_1686 = arith.index_cast %parallel_loop3A_1685 : i32 to index
        %parallel_loop3A_1687 = arith.index_cast %parallel_loop3A_1684 : i32 to index
        %parallel_loop3A_1688 = tpu.vector_load %arg6[%parallel_loop3A_1686, %parallel_loop3A_1687] {strides = array<i32>} : memref<8x3136xf32, #tpu.memory_space<vmem>>, vector<16xf32>,
        tpu.vector_store %arg6[%parallel_loop3A_1686, %parallel_loop3A_1687], %parallel_loop3A_1280 {strides = array<i32>} : memref<8x3136xf32, #tpu.memory_space<vmem>>, vector<16xf32>,
        %parallel_loop3A_1689 = arith.constant 48 : i32
        %parallel_loop3A_1690 = arith.addi %parallel_loop3A_1310, %parallel_loop3A_1689 : i32
        %parallel_loop3A_1691 = arith.constant 5 : i32
        %parallel_loop3A_1692 = arith.index_cast %parallel_loop3A_1691 : i32 to index
        %parallel_loop3A_1693 = arith.index_cast %parallel_loop3A_1690 : i32 to index
        %parallel_loop3A_1694 = tpu.vector_load %arg6[%parallel_loop3A_1692, %parallel_loop3A_1693] {strides = array<i32>} : memref<8x3136xf32, #tpu.memory_space<vmem>>, vector<16xf32>,
        tpu.vector_store %arg6[%parallel_loop3A_1692, %parallel_loop3A_1693], %parallel_loop3A_1280 {strides = array<i32>} : memref<8x3136xf32, #tpu.memory_space<vmem>>, vector<16xf32>,
        %parallel_loop3A_1695 = arith.constant 64 : i32
        %parallel_loop3A_1696 = arith.addi %parallel_loop3A_1310, %parallel_loop3A_1695 : i32
        %parallel_loop3A_1697 = arith.constant 5 : i32
        %parallel_loop3A_1698 = arith.index_cast %parallel_loop3A_1697 : i32 to index
        %parallel_loop3A_1699 = arith.index_cast %parallel_loop3A_1696 : i32 to index
        %parallel_loop3A_1700 = tpu.vector_load %arg6[%parallel_loop3A_1698, %parallel_loop3A_1699] {strides = array<i32>} : memref<8x3136xf32, #tpu.memory_space<vmem>>, vector<16xf32>,
        tpu.vector_store %arg6[%parallel_loop3A_1698, %parallel_loop3A_1699], %parallel_loop3A_1280 {strides = array<i32>} : memref<8x3136xf32, #tpu.memory_space<vmem>>, vector<16xf32>,
        %parallel_loop3A_1701 = arith.constant 80 : i32
        %parallel_loop3A_1702 = arith.addi %parallel_loop3A_1310, %parallel_loop3A_1701 : i32
        %parallel_loop3A_1703 = arith.constant 5 : i32
        %parallel_loop3A_1704 = arith.index_cast %parallel_loop3A_1703 : i32 to index
        %parallel_loop3A_1705 = arith.index_cast %parallel_loop3A_1702 : i32 to index
        %parallel_loop3A_1706 = tpu.vector_load %arg6[%parallel_loop3A_1704, %parallel_loop3A_1705] {strides = array<i32>} : memref<8x3136xf32, #tpu.memory_space<vmem>>, vector<16xf32>,
        tpu.vector_store %arg6[%parallel_loop3A_1704, %parallel_loop3A_1705], %parallel_loop3A_1280 {strides = array<i32>} : memref<8x3136xf32, #tpu.memory_space<vmem>>, vector<16xf32>,
        %parallel_loop3A_1707 = arith.constant 96 : i32
        %parallel_loop3A_1708 = arith.addi %parallel_loop3A_1310, %parallel_loop3A_1707 : i32
        %parallel_loop3A_1709 = arith.constant 5 : i32
        %parallel_loop3A_1710 = arith.index_cast %parallel_loop3A_1709 : i32 to index
        %parallel_loop3A_1711 = arith.index_cast %parallel_loop3A_1708 : i32 to index
        %parallel_loop3A_1712 = tpu.vector_load %arg6[%parallel_loop3A_1710, %parallel_loop3A_1711] {strides = array<i32>} : memref<8x3136xf32, #tpu.memory_space<vmem>>, vector<16xf32>,
        tpu.vector_store %arg6[%parallel_loop3A_1710, %parallel_loop3A_1711], %parallel_loop3A_1280 {strides = array<i32>} : memref<8x3136xf32, #tpu.memory_space<vmem>>, vector<16xf32>,
        %parallel_loop3A_1713 = arith.constant 112 : i32
        %parallel_loop3A_1714 = arith.addi %parallel_loop3A_1310, %parallel_loop3A_1713 : i32
        %parallel_loop3A_1715 = arith.constant 5 : i32
        %parallel_loop3A_1716 = arith.index_cast %parallel_loop3A_1715 : i32 to index
        %parallel_loop3A_1717 = arith.index_cast %parallel_loop3A_1714 : i32 to index
        %parallel_loop3A_1718 = tpu.vector_load %arg6[%parallel_loop3A_1716, %parallel_loop3A_1717] {strides = array<i32>} : memref<8x3136xf32, #tpu.memory_space<vmem>>, vector<16xf32>,
        tpu.vector_store %arg6[%parallel_loop3A_1716, %parallel_loop3A_1717], %parallel_loop3A_1280 {strides = array<i32>} : memref<8x3136xf32, #tpu.memory_space<vmem>>, vector<16xf32>,
        %parallel_loop3A_1719 = arith.constant 128 : i32
        %parallel_loop3A_1720 = arith.addi %parallel_loop3A_1310, %parallel_loop3A_1719 : i32
        %parallel_loop3A_1721 = arith.constant 5 : i32
        %parallel_loop3A_1722 = arith.index_cast %parallel_loop3A_1721 : i32 to index
        %parallel_loop3A_1723 = arith.index_cast %parallel_loop3A_1720 : i32 to index
        %parallel_loop3A_1724 = tpu.vector_load %arg6[%parallel_loop3A_1722, %parallel_loop3A_1723] {strides = array<i32>} : memref<8x3136xf32, #tpu.memory_space<vmem>>, vector<16xf32>,
        tpu.vector_store %arg6[%parallel_loop3A_1722, %parallel_loop3A_1723], %parallel_loop3A_1280 {strides = array<i32>} : memref<8x3136xf32, #tpu.memory_space<vmem>>, vector<16xf32>,
        %parallel_loop3A_1725 = arith.constant 144 : i32
        %parallel_loop3A_1726 = arith.addi %parallel_loop3A_1310, %parallel_loop3A_1725 : i32
        %parallel_loop3A_1727 = arith.constant 5 : i32
        %parallel_loop3A_1728 = arith.index_cast %parallel_loop3A_1727 : i32 to index
        %parallel_loop3A_1729 = arith.index_cast %parallel_loop3A_1726 : i32 to index
        %parallel_loop3A_1730 = tpu.vector_load %arg6[%parallel_loop3A_1728, %parallel_loop3A_1729] {strides = array<i32>} : memref<8x3136xf32, #tpu.memory_space<vmem>>, vector<16xf32>,
        tpu.vector_store %arg6[%parallel_loop3A_1728, %parallel_loop3A_1729], %parallel_loop3A_1280 {strides = array<i32>} : memref<8x3136xf32, #tpu.memory_space<vmem>>, vector<16xf32>,
        %parallel_loop3A_1731 = arith.constant 160 : i32
        %parallel_loop3A_1732 = arith.addi %parallel_loop3A_1310, %parallel_loop3A_1731 : i32
        %parallel_loop3A_1733 = arith.constant 5 : i32
        %parallel_loop3A_1734 = arith.index_cast %parallel_loop3A_1733 : i32 to index
        %parallel_loop3A_1735 = arith.index_cast %parallel_loop3A_1732 : i32 to index
        %parallel_loop3A_1736 = tpu.vector_load %arg6[%parallel_loop3A_1734, %parallel_loop3A_1735] {strides = array<i32>} : memref<8x3136xf32, #tpu.memory_space<vmem>>, vector<16xf32>,
        tpu.vector_store %arg6[%parallel_loop3A_1734, %parallel_loop3A_1735], %parallel_loop3A_1280 {strides = array<i32>} : memref<8x3136xf32, #tpu.memory_space<vmem>>, vector<16xf32>,
        %parallel_loop3A_1737 = arith.constant 176 : i32
        %parallel_loop3A_1738 = arith.addi %parallel_loop3A_1310, %parallel_loop3A_1737 : i32
        %parallel_loop3A_1739 = arith.constant 5 : i32
        %parallel_loop3A_1740 = arith.index_cast %parallel_loop3A_1739 : i32 to index
        %parallel_loop3A_1741 = arith.index_cast %parallel_loop3A_1738 : i32 to index
        %parallel_loop3A_1742 = tpu.vector_load %arg6[%parallel_loop3A_1740, %parallel_loop3A_1741] {strides = array<i32>} : memref<8x3136xf32, #tpu.memory_space<vmem>>, vector<16xf32>,
        tpu.vector_store %arg6[%parallel_loop3A_1740, %parallel_loop3A_1741], %parallel_loop3A_1280 {strides = array<i32>} : memref<8x3136xf32, #tpu.memory_space<vmem>>, vector<16xf32>,
        %parallel_loop3A_1743 = arith.constant 0 : i32
        %parallel_loop3A_1744 = arith.addi %parallel_loop3A_1310, %parallel_loop3A_1743 : i32
        %parallel_loop3A_1745 = arith.constant 6 : i32
        %parallel_loop3A_1746 = arith.index_cast %parallel_loop3A_1745 : i32 to index
        %parallel_loop3A_1747 = arith.index_cast %parallel_loop3A_1744 : i32 to index
        %parallel_loop3A_1748 = tpu.vector_load %arg6[%parallel_loop3A_1746, %parallel_loop3A_1747] {strides = array<i32>} : memref<8x3136xf32, #tpu.memory_space<vmem>>, vector<16xf32>,
        tpu.vector_store %arg6[%parallel_loop3A_1746, %parallel_loop3A_1747], %parallel_loop3A_1280 {strides = array<i32>} : memref<8x3136xf32, #tpu.memory_space<vmem>>, vector<16xf32>,
        %parallel_loop3A_1749 = arith.constant 16 : i32
        %parallel_loop3A_1750 = arith.addi %parallel_loop3A_1310, %parallel_loop3A_1749 : i32
        %parallel_loop3A_1751 = arith.constant 6 : i32
        %parallel_loop3A_1752 = arith.index_cast %parallel_loop3A_1751 : i32 to index
        %parallel_loop3A_1753 = arith.index_cast %parallel_loop3A_1750 : i32 to index
        %parallel_loop3A_1754 = tpu.vector_load %arg6[%parallel_loop3A_1752, %parallel_loop3A_1753] {strides = array<i32>} : memref<8x3136xf32, #tpu.memory_space<vmem>>, vector<16xf32>,
        tpu.vector_store %arg6[%parallel_loop3A_1752, %parallel_loop3A_1753], %parallel_loop3A_1280 {strides = array<i32>} : memref<8x3136xf32, #tpu.memory_space<vmem>>, vector<16xf32>,
        %parallel_loop3A_1755 = arith.constant 32 : i32
        %parallel_loop3A_1756 = arith.addi %parallel_loop3A_1310, %parallel_loop3A_1755 : i32
        %parallel_loop3A_1757 = arith.constant 6 : i32
        %parallel_loop3A_1758 = arith.index_cast %parallel_loop3A_1757 : i32 to index
        %parallel_loop3A_1759 = arith.index_cast %parallel_loop3A_1756 : i32 to index
        %parallel_loop3A_1760 = tpu.vector_load %arg6[%parallel_loop3A_1758, %parallel_loop3A_1759] {strides = array<i32>} : memref<8x3136xf32, #tpu.memory_space<vmem>>, vector<16xf32>,
        tpu.vector_store %arg6[%parallel_loop3A_1758, %parallel_loop3A_1759], %parallel_loop3A_1280 {strides = array<i32>} : memref<8x3136xf32, #tpu.memory_space<vmem>>, vector<16xf32>,
        %parallel_loop3A_1761 = arith.constant 48 : i32
        %parallel_loop3A_1762 = arith.addi %parallel_loop3A_1310, %parallel_loop3A_1761 : i32
        %parallel_loop3A_1763 = arith.constant 6 : i32
        %parallel_loop3A_1764 = arith.index_cast %parallel_loop3A_1763 : i32 to index
        %parallel_loop3A_1765 = arith.index_cast %parallel_loop3A_1762 : i32 to index
        %parallel_loop3A_1766 = tpu.vector_load %arg6[%parallel_loop3A_1764, %parallel_loop3A_1765] {strides = array<i32>} : memref<8x3136xf32, #tpu.memory_space<vmem>>, vector<16xf32>,
        tpu.vector_store %arg6[%parallel_loop3A_1764, %parallel_loop3A_1765], %parallel_loop3A_1280 {strides = array<i32>} : memref<8x3136xf32, #tpu.memory_space<vmem>>, vector<16xf32>,
        %parallel_loop3A_1767 = arith.constant 64 : i32
        %parallel_loop3A_1768 = arith.addi %parallel_loop3A_1310, %parallel_loop3A_1767 : i32
        %parallel_loop3A_1769 = arith.constant 6 : i32
        %parallel_loop3A_1770 = arith.index_cast %parallel_loop3A_1769 : i32 to index
        %parallel_loop3A_1771 = arith.index_cast %parallel_loop3A_1768 : i32 to index
        %parallel_loop3A_1772 = tpu.vector_load %arg6[%parallel_loop3A_1770, %parallel_loop3A_1771] {strides = array<i32>} : memref<8x3136xf32, #tpu.memory_space<vmem>>, vector<16xf32>,
        tpu.vector_store %arg6[%parallel_loop3A_1770, %parallel_loop3A_1771], %parallel_loop3A_1280 {strides = array<i32>} : memref<8x3136xf32, #tpu.memory_space<vmem>>, vector<16xf32>,
        %parallel_loop3A_1773 = arith.constant 80 : i32
        %parallel_loop3A_1774 = arith.addi %parallel_loop3A_1310, %parallel_loop3A_1773 : i32
        %parallel_loop3A_1775 = arith.constant 6 : i32
        %parallel_loop3A_1776 = arith.index_cast %parallel_loop3A_1775 : i32 to index
        %parallel_loop3A_1777 = arith.index_cast %parallel_loop3A_1774 : i32 to index
        %parallel_loop3A_1778 = tpu.vector_load %arg6[%parallel_loop3A_1776, %parallel_loop3A_1777] {strides = array<i32>} : memref<8x3136xf32, #tpu.memory_space<vmem>>, vector<16xf32>,
        tpu.vector_store %arg6[%parallel_loop3A_1776, %parallel_loop3A_1777], %parallel_loop3A_1280 {strides = array<i32>} : memref<8x3136xf32, #tpu.memory_space<vmem>>, vector<16xf32>,
        %parallel_loop3A_1779 = arith.constant 96 : i32
        %parallel_loop3A_1780 = arith.addi %parallel_loop3A_1310, %parallel_loop3A_1779 : i32
        %parallel_loop3A_1781 = arith.constant 6 : i32
        %parallel_loop3A_1782 = arith.index_cast %parallel_loop3A_1781 : i32 to index
        %parallel_loop3A_1783 = arith.index_cast %parallel_loop3A_1780 : i32 to index
        %parallel_loop3A_1784 = tpu.vector_load %arg6[%parallel_loop3A_1782, %parallel_loop3A_1783] {strides = array<i32>} : memref<8x3136xf32, #tpu.memory_space<vmem>>, vector<16xf32>,
        tpu.vector_store %arg6[%parallel_loop3A_1782, %parallel_loop3A_1783], %parallel_loop3A_1280 {strides = array<i32>} : memref<8x3136xf32, #tpu.memory_space<vmem>>, vector<16xf32>,
        %parallel_loop3A_1785 = arith.constant 112 : i32
        %parallel_loop3A_1786 = arith.addi %parallel_loop3A_1310, %parallel_loop3A_1785 : i32
        %parallel_loop3A_1787 = arith.constant 6 : i32
        %parallel_loop3A_1788 = arith.index_cast %parallel_loop3A_1787 : i32 to index
        %parallel_loop3A_1789 = arith.index_cast %parallel_loop3A_1786 : i32 to index
        %parallel_loop3A_1790 = tpu.vector_load %arg6[%parallel_loop3A_1788, %parallel_loop3A_1789] {strides = array<i32>} : memref<8x3136xf32, #tpu.memory_space<vmem>>, vector<16xf32>,
        tpu.vector_store %arg6[%parallel_loop3A_1788, %parallel_loop3A_1789], %parallel_loop3A_1280 {strides = array<i32>} : memref<8x3136xf32, #tpu.memory_space<vmem>>, vector<16xf32>,
        %parallel_loop3A_1791 = arith.constant 128 : i32
        %parallel_loop3A_1792 = arith.addi %parallel_loop3A_1310, %parallel_loop3A_1791 : i32
        %parallel_loop3A_1793 = arith.constant 6 : i32
        %parallel_loop3A_1794 = arith.index_cast %parallel_loop3A_1793 : i32 to index
        %parallel_loop3A_1795 = arith.index_cast %parallel_loop3A_1792 : i32 to index
        %parallel_loop3A_1796 = tpu.vector_load %arg6[%parallel_loop3A_1794, %parallel_loop3A_1795] {strides = array<i32>} : memref<8x3136xf32, #tpu.memory_space<vmem>>, vector<16xf32>,
        tpu.vector_store %arg6[%parallel_loop3A_1794, %parallel_loop3A_1795], %parallel_loop3A_1280 {strides = array<i32>} : memref<8x3136xf32, #tpu.memory_space<vmem>>, vector<16xf32>,
        %parallel_loop3A_1797 = arith.constant 144 : i32
        %parallel_loop3A_1798 = arith.addi %parallel_loop3A_1310, %parallel_loop3A_1797 : i32
        %parallel_loop3A_1799 = arith.constant 6 : i32
        %parallel_loop3A_1800 = arith.index_cast %parallel_loop3A_1799 : i32 to index
        %parallel_loop3A_1801 = arith.index_cast %parallel_loop3A_1798 : i32 to index
        %parallel_loop3A_1802 = tpu.vector_load %arg6[%parallel_loop3A_1800, %parallel_loop3A_1801] {strides = array<i32>} : memref<8x3136xf32, #tpu.memory_space<vmem>>, vector<16xf32>,
        tpu.vector_store %arg6[%parallel_loop3A_1800, %parallel_loop3A_1801], %parallel_loop3A_1280 {strides = array<i32>} : memref<8x3136xf32, #tpu.memory_space<vmem>>, vector<16xf32>,
        %parallel_loop3A_1803 = arith.constant 160 : i32
        %parallel_loop3A_1804 = arith.addi %parallel_loop3A_1310, %parallel_loop3A_1803 : i32
        %parallel_loop3A_1805 = arith.constant 6 : i32
        %parallel_loop3A_1806 = arith.index_cast %parallel_loop3A_1805 : i32 to index
        %parallel_loop3A_1807 = arith.index_cast %parallel_loop3A_1804 : i32 to index
        %parallel_loop3A_1808 = tpu.vector_load %arg6[%parallel_loop3A_1806, %parallel_loop3A_1807] {strides = array<i32>} : memref<8x3136xf32, #tpu.memory_space<vmem>>, vector<16xf32>,
        tpu.vector_store %arg6[%parallel_loop3A_1806, %parallel_loop3A_1807], %parallel_loop3A_1280 {strides = array<i32>} : memref<8x3136xf32, #tpu.memory_space<vmem>>, vector<16xf32>,
        %parallel_loop3A_1809 = arith.constant 176 : i32
        %parallel_loop3A_1810 = arith.addi %parallel_loop3A_1310, %parallel_loop3A_1809 : i32
        %parallel_loop3A_1811 = arith.constant 6 : i32
        %parallel_loop3A_1812 = arith.index_cast %parallel_loop3A_1811 : i32 to index
        %parallel_loop3A_1813 = arith.index_cast %parallel_loop3A_1810 : i32 to index
        %parallel_loop3A_1814 = tpu.vector_load %arg6[%parallel_loop3A_1812, %parallel_loop3A_1813] {strides = array<i32>} : memref<8x3136xf32, #tpu.memory_space<vmem>>, vector<16xf32>,
        tpu.vector_store %arg6[%parallel_loop3A_1812, %parallel_loop3A_1813], %parallel_loop3A_1280 {strides = array<i32>} : memref<8x3136xf32, #tpu.memory_space<vmem>>, vector<16xf32>,
        %parallel_loop3A_1815 = arith.constant 0 : i32
        %parallel_loop3A_1816 = arith.addi %parallel_loop3A_1310, %parallel_loop3A_1815 : i32
        %parallel_loop3A_1817 = arith.constant 7 : i32
        %parallel_loop3A_1818 = arith.index_cast %parallel_loop3A_1817 : i32 to index
        %parallel_loop3A_1819 = arith.index_cast %parallel_loop3A_1816 : i32 to index
        %parallel_loop3A_1820 = tpu.vector_load %arg6[%parallel_loop3A_1818, %parallel_loop3A_1819] {strides = array<i32>} : memref<8x3136xf32, #tpu.memory_space<vmem>>, vector<16xf32>,
        tpu.vector_store %arg6[%parallel_loop3A_1818, %parallel_loop3A_1819], %parallel_loop3A_1280 {strides = array<i32>} : memref<8x3136xf32, #tpu.memory_space<vmem>>, vector<16xf32>,
        %parallel_loop3A_1821 = arith.constant 16 : i32
        %parallel_loop3A_1822 = arith.addi %parallel_loop3A_1310, %parallel_loop3A_1821 : i32
        %parallel_loop3A_1823 = arith.constant 7 : i32
        %parallel_loop3A_1824 = arith.index_cast %parallel_loop3A_1823 : i32 to index
        %parallel_loop3A_1825 = arith.index_cast %parallel_loop3A_1822 : i32 to index
        %parallel_loop3A_1826 = tpu.vector_load %arg6[%parallel_loop3A_1824, %parallel_loop3A_1825] {strides = array<i32>} : memref<8x3136xf32, #tpu.memory_space<vmem>>, vector<16xf32>,
        tpu.vector_store %arg6[%parallel_loop3A_1824, %parallel_loop3A_1825], %parallel_loop3A_1280 {strides = array<i32>} : memref<8x3136xf32, #tpu.memory_space<vmem>>, vector<16xf32>,
        %parallel_loop3A_1827 = arith.constant 32 : i32
        %parallel_loop3A_1828 = arith.addi %parallel_loop3A_1310, %parallel_loop3A_1827 : i32
        %parallel_loop3A_1829 = arith.constant 7 : i32
        %parallel_loop3A_1830 = arith.index_cast %parallel_loop3A_1829 : i32 to index
        %parallel_loop3A_1831 = arith.index_cast %parallel_loop3A_1828 : i32 to index
        %parallel_loop3A_1832 = tpu.vector_load %arg6[%parallel_loop3A_1830, %parallel_loop3A_1831] {strides = array<i32>} : memref<8x3136xf32, #tpu.memory_space<vmem>>, vector<16xf32>,
        tpu.vector_store %arg6[%parallel_loop3A_1830, %parallel_loop3A_1831], %parallel_loop3A_1280 {strides = array<i32>} : memref<8x3136xf32, #tpu.memory_space<vmem>>, vector<16xf32>,
        %parallel_loop3A_1833 = arith.constant 48 : i32
        %parallel_loop3A_1834 = arith.addi %parallel_loop3A_1310, %parallel_loop3A_1833 : i32
        %parallel_loop3A_1835 = arith.constant 7 : i32
        %parallel_loop3A_1836 = arith.index_cast %parallel_loop3A_1835 : i32 to index
        %parallel_loop3A_1837 = arith.index_cast %parallel_loop3A_1834 : i32 to index
        %parallel_loop3A_1838 = tpu.vector_load %arg6[%parallel_loop3A_1836, %parallel_loop3A_1837] {strides = array<i32>} : memref<8x3136xf32, #tpu.memory_space<vmem>>, vector<16xf32>,
        tpu.vector_store %arg6[%parallel_loop3A_1836, %parallel_loop3A_1837], %parallel_loop3A_1280 {strides = array<i32>} : memref<8x3136xf32, #tpu.memory_space<vmem>>, vector<16xf32>,
        %parallel_loop3A_1839 = arith.constant 64 : i32
        %parallel_loop3A_1840 = arith.addi %parallel_loop3A_1310, %parallel_loop3A_1839 : i32
        %parallel_loop3A_1841 = arith.constant 7 : i32
        %parallel_loop3A_1842 = arith.index_cast %parallel_loop3A_1841 : i32 to index
        %parallel_loop3A_1843 = arith.index_cast %parallel_loop3A_1840 : i32 to index
        %parallel_loop3A_1844 = tpu.vector_load %arg6[%parallel_loop3A_1842, %parallel_loop3A_1843] {strides = array<i32>} : memref<8x3136xf32, #tpu.memory_space<vmem>>, vector<16xf32>,
        tpu.vector_store %arg6[%parallel_loop3A_1842, %parallel_loop3A_1843], %parallel_loop3A_1280 {strides = array<i32>} : memref<8x3136xf32, #tpu.memory_space<vmem>>, vector<16xf32>,
        %parallel_loop3A_1845 = arith.constant 80 : i32
        %parallel_loop3A_1846 = arith.addi %parallel_loop3A_1310, %parallel_loop3A_1845 : i32
        %parallel_loop3A_1847 = arith.constant 7 : i32
        %parallel_loop3A_1848 = arith.index_cast %parallel_loop3A_1847 : i32 to index
        %parallel_loop3A_1849 = arith.index_cast %parallel_loop3A_1846 : i32 to index
        %parallel_loop3A_1850 = tpu.vector_load %arg6[%parallel_loop3A_1848, %parallel_loop3A_1849] {strides = array<i32>} : memref<8x3136xf32, #tpu.memory_space<vmem>>, vector<16xf32>,
        tpu.vector_store %arg6[%parallel_loop3A_1848, %parallel_loop3A_1849], %parallel_loop3A_1280 {strides = array<i32>} : memref<8x3136xf32, #tpu.memory_space<vmem>>, vector<16xf32>,
        %parallel_loop3A_1851 = arith.constant 96 : i32
        %parallel_loop3A_1852 = arith.addi %parallel_loop3A_1310, %parallel_loop3A_1851 : i32
        %parallel_loop3A_1853 = arith.constant 7 : i32
        %parallel_loop3A_1854 = arith.index_cast %parallel_loop3A_1853 : i32 to index
        %parallel_loop3A_1855 = arith.index_cast %parallel_loop3A_1852 : i32 to index
        %parallel_loop3A_1856 = tpu.vector_load %arg6[%parallel_loop3A_1854, %parallel_loop3A_1855] {strides = array<i32>} : memref<8x3136xf32, #tpu.memory_space<vmem>>, vector<16xf32>,
        tpu.vector_store %arg6[%parallel_loop3A_1854, %parallel_loop3A_1855], %parallel_loop3A_1280 {strides = array<i32>} : memref<8x3136xf32, #tpu.memory_space<vmem>>, vector<16xf32>,
        %parallel_loop3A_1857 = arith.constant 112 : i32
        %parallel_loop3A_1858 = arith.addi %parallel_loop3A_1310, %parallel_loop3A_1857 : i32
        %parallel_loop3A_1859 = arith.constant 7 : i32
        %parallel_loop3A_1860 = arith.index_cast %parallel_loop3A_1859 : i32 to index
        %parallel_loop3A_1861 = arith.index_cast %parallel_loop3A_1858 : i32 to index
        %parallel_loop3A_1862 = tpu.vector_load %arg6[%parallel_loop3A_1860, %parallel_loop3A_1861] {strides = array<i32>} : memref<8x3136xf32, #tpu.memory_space<vmem>>, vector<16xf32>,
        tpu.vector_store %arg6[%parallel_loop3A_1860, %parallel_loop3A_1861], %parallel_loop3A_1280 {strides = array<i32>} : memref<8x3136xf32, #tpu.memory_space<vmem>>, vector<16xf32>,
        %parallel_loop3A_1863 = arith.constant 128 : i32
        %parallel_loop3A_1864 = arith.addi %parallel_loop3A_1310, %parallel_loop3A_1863 : i32
        %parallel_loop3A_1865 = arith.constant 7 : i32
        %parallel_loop3A_1866 = arith.index_cast %parallel_loop3A_1865 : i32 to index
        %parallel_loop3A_1867 = arith.index_cast %parallel_loop3A_1864 : i32 to index
        %parallel_loop3A_1868 = tpu.vector_load %arg6[%parallel_loop3A_1866, %parallel_loop3A_1867] {strides = array<i32>} : memref<8x3136xf32, #tpu.memory_space<vmem>>, vector<16xf32>,
        tpu.vector_store %arg6[%parallel_loop3A_1866, %parallel_loop3A_1867], %parallel_loop3A_1280 {strides = array<i32>} : memref<8x3136xf32, #tpu.memory_space<vmem>>, vector<16xf32>,
        %parallel_loop3A_1869 = arith.constant 144 : i32
        %parallel_loop3A_1870 = arith.addi %parallel_loop3A_1310, %parallel_loop3A_1869 : i32
        %parallel_loop3A_1871 = arith.constant 7 : i32
        %parallel_loop3A_1872 = arith.index_cast %parallel_loop3A_1871 : i32 to index
        %parallel_loop3A_1873 = arith.index_cast %parallel_loop3A_1870 : i32 to index
        %parallel_loop3A_1874 = tpu.vector_load %arg6[%parallel_loop3A_1872, %parallel_loop3A_1873] {strides = array<i32>} : memref<8x3136xf32, #tpu.memory_space<vmem>>, vector<16xf32>,
        tpu.vector_store %arg6[%parallel_loop3A_1872, %parallel_loop3A_1873], %parallel_loop3A_1280 {strides = array<i32>} : memref<8x3136xf32, #tpu.memory_space<vmem>>, vector<16xf32>,
        %parallel_loop3A_1875 = arith.constant 160 : i32
        %parallel_loop3A_1876 = arith.addi %parallel_loop3A_1310, %parallel_loop3A_1875 : i32
        %parallel_loop3A_1877 = arith.constant 7 : i32
        %parallel_loop3A_1878 = arith.index_cast %parallel_loop3A_1877 : i32 to index
        %parallel_loop3A_1879 = arith.index_cast %parallel_loop3A_1876 : i32 to index
        %parallel_loop3A_1880 = tpu.vector_load %arg6[%parallel_loop3A_1878, %parallel_loop3A_1879] {strides = array<i32>} : memref<8x3136xf32, #tpu.memory_space<vmem>>, vector<16xf32>,
        tpu.vector_store %arg6[%parallel_loop3A_1878, %parallel_loop3A_1879], %parallel_loop3A_1280 {strides = array<i32>} : memref<8x3136xf32, #tpu.memory_space<vmem>>, vector<16xf32>,
        %parallel_loop3A_1881 = arith.constant 176 : i32
        %parallel_loop3A_1882 = arith.addi %parallel_loop3A_1310, %parallel_loop3A_1881 : i32
        %parallel_loop3A_1883 = arith.constant 7 : i32
        %parallel_loop3A_1884 = arith.index_cast %parallel_loop3A_1883 : i32 to index
        %parallel_loop3A_1885 = arith.index_cast %parallel_loop3A_1882 : i32 to index
        %parallel_loop3A_1886 = tpu.vector_load %arg6[%parallel_loop3A_1884, %parallel_loop3A_1885] {strides = array<i32>} : memref<8x3136xf32, #tpu.memory_space<vmem>>, vector<16xf32>,
        tpu.vector_store %arg6[%parallel_loop3A_1884, %parallel_loop3A_1885], %parallel_loop3A_1280 {strides = array<i32>} : memref<8x3136xf32, #tpu.memory_space<vmem>>, vector<16xf32>,
      } {sc.loop_unroll_factor = 1 : i64, sc.parallel_access}
      %ge3A_682 = arith.constant 4 : i32
      %ge3A_683 = vector.broadcast %ge3A_682 : i32 to vector<16xi32>
      %ge3A_684 = arith.cmpi sge, %iota3A, %ge3A_683 : vector<16xi32>
      %convert_element_type3A_685 = arith.extui %ge3A_684 : vector<16xi1> to vector<16xi32>
      %sub3A_686 = arith.constant 0 : i32
      %sub3A_687 = arith.subi %add3A_678, %sub3A_686 : i32
      %sub3A_688 = vector.broadcast %sub3A_687 : i32 to vector<16xi32>
      %sub3A_689 = arith.subi %sub3A_688, %convert_element_type3A_685 : vector<16xi32>
      %gather3A_690 = tpu.vector_load_idx %arg4[%sub3A_689] : memref<31xf32, #tpu.memory_space<vmem>>[vector<16xi32>], vector<16xf32>,
      %add3A_691 = arith.constant 1 : i32
      %add3A_692 = arith.addi %add3A_678, %add3A_691 : i32
      %sub3A_693 = arith.constant 0 : i32
      %sub3A_694 = arith.subi %add3A_692, %sub3A_693 : i32
      %sub3A_695 = vector.broadcast %sub3A_694 : i32 to vector<16xi32>
      %sub3A_696 = arith.subi %sub3A_695, %convert_element_type3A_685 : vector<16xi32>
      %gather3A_697 = tpu.vector_load_idx %arg4[%sub3A_696] : memref<31xf32, #tpu.memory_space<vmem>>[vector<16xi32>], vector<16xf32>,
      %swap3A_698 = arith.constant 0 : i32
      %swap3A_699 = arith.index_cast %swap3A_698 : i32 to index
      %swap3A_700 = arith.constant 192 : index
      %swap3A_701 = tpu.vector_load %arg6[%swap3A_699, %swap3A_700] {strides = array<i32>} : memref<8x3136xf32, #tpu.memory_space<vmem>>, vector<16xf32>,
      tpu.vector_store %arg6[%swap3A_699, %swap3A_700], %gather3A_690 {strides = array<i32>} : memref<8x3136xf32, #tpu.memory_space<vmem>>, vector<16xf32>,
      %swap3A_702 = arith.constant 1 : i32
      %swap3A_703 = arith.index_cast %swap3A_702 : i32 to index
      %swap3A_704 = arith.constant 192 : index
      %swap3A_705 = tpu.vector_load %arg6[%swap3A_703, %swap3A_704] {strides = array<i32>} : memref<8x3136xf32, #tpu.memory_space<vmem>>, vector<16xf32>,
      tpu.vector_store %arg6[%swap3A_703, %swap3A_704], %gather3A_690 {strides = array<i32>} : memref<8x3136xf32, #tpu.memory_space<vmem>>, vector<16xf32>,
      %swap3A_706 = arith.constant 2 : i32
      %swap3A_707 = arith.index_cast %swap3A_706 : i32 to index
      %swap3A_708 = arith.constant 192 : index
      %swap3A_709 = tpu.vector_load %arg6[%swap3A_707, %swap3A_708] {strides = array<i32>} : memref<8x3136xf32, #tpu.memory_space<vmem>>, vector<16xf32>,
      tpu.vector_store %arg6[%swap3A_707, %swap3A_708], %gather3A_690 {strides = array<i32>} : memref<8x3136xf32, #tpu.memory_space<vmem>>, vector<16xf32>,
      %swap3A_710 = arith.constant 3 : i32
      %swap3A_711 = arith.index_cast %swap3A_710 : i32 to index
      %swap3A_712 = arith.constant 192 : index
      %swap3A_713 = tpu.vector_load %arg6[%swap3A_711, %swap3A_712] {strides = array<i32>} : memref<8x3136xf32, #tpu.memory_space<vmem>>, vector<16xf32>,
      tpu.vector_store %arg6[%swap3A_711, %swap3A_712], %gather3A_690 {strides = array<i32>} : memref<8x3136xf32, #tpu.memory_space<vmem>>, vector<16xf32>,
      %swap3A_714 = arith.constant 4 : i32
      %swap3A_715 = arith.index_cast %swap3A_714 : i32 to index
      %swap3A_716 = arith.constant 192 : index
      %swap3A_717 = tpu.vector_load %arg6[%swap3A_715, %swap3A_716] {strides = array<i32>} : memref<8x3136xf32, #tpu.memory_space<vmem>>, vector<16xf32>,
      tpu.vector_store %arg6[%swap3A_715, %swap3A_716], %gather3A_697 {strides = array<i32>} : memref<8x3136xf32, #tpu.memory_space<vmem>>, vector<16xf32>,
      %swap3A_718 = arith.constant 5 : i32
      %swap3A_719 = arith.index_cast %swap3A_718 : i32 to index
      %swap3A_720 = arith.constant 192 : index
      %swap3A_721 = tpu.vector_load %arg6[%swap3A_719, %swap3A_720] {strides = array<i32>} : memref<8x3136xf32, #tpu.memory_space<vmem>>, vector<16xf32>,
      tpu.vector_store %arg6[%swap3A_719, %swap3A_720], %gather3A_697 {strides = array<i32>} : memref<8x3136xf32, #tpu.memory_space<vmem>>, vector<16xf32>,
      %swap3A_722 = arith.constant 6 : i32
      %swap3A_723 = arith.index_cast %swap3A_722 : i32 to index
      %swap3A_724 = arith.constant 192 : index
      %swap3A_725 = tpu.vector_load %arg6[%swap3A_723, %swap3A_724] {strides = array<i32>} : memref<8x3136xf32, #tpu.memory_space<vmem>>, vector<16xf32>,
      tpu.vector_store %arg6[%swap3A_723, %swap3A_724], %gather3A_697 {strides = array<i32>} : memref<8x3136xf32, #tpu.memory_space<vmem>>, vector<16xf32>,
      %swap3A_726 = arith.constant 7 : i32
      %swap3A_727 = arith.index_cast %swap3A_726 : i32 to index
      %swap3A_728 = arith.constant 192 : index
      %swap3A_729 = tpu.vector_load %arg6[%swap3A_727, %swap3A_728] {strides = array<i32>} : memref<8x3136xf32, #tpu.memory_space<vmem>>, vector<16xf32>,
      tpu.vector_store %arg6[%swap3A_727, %swap3A_728], %gather3A_697 {strides = array<i32>} : memref<8x3136xf32, #tpu.memory_space<vmem>>, vector<16xf32>,
      %ge3A_730 = arith.constant 8 : i32
      %ge3A_731 = vector.broadcast %ge3A_730 : i32 to vector<16xi32>
      %ge3A_732 = arith.cmpi sge, %iota3A, %ge3A_731 : vector<16xi32>
      %convert_element_type3A_733 = arith.extui %ge3A_732 : vector<16xi1> to vector<16xi32>
      %sub3A_734 = arith.constant 1 : i32
      %sub3A_735 = arith.subi %add3A_678, %sub3A_734 : i32
      %sub3A_736 = vector.broadcast %sub3A_735 : i32 to vector<16xi32>
      %sub3A_737 = arith.subi %sub3A_736, %convert_element_type3A_733 : vector<16xi32>
      %gather3A_738 = tpu.vector_load_idx %arg4[%sub3A_737] : memref<31xf32, #tpu.memory_space<vmem>>[vector<16xi32>], vector<16xf32>,
      %add3A_739 = arith.constant 1 : i32
      %add3A_740 = arith.addi %add3A_678, %add3A_739 : i32
      %sub3A_741 = arith.constant 1 : i32
      %sub3A_742 = arith.subi %add3A_740, %sub3A_741 : i32
      %sub3A_743 = vector.broadcast %sub3A_742 : i32 to vector<16xi32>
      %sub3A_744 = arith.subi %sub3A_743, %convert_element_type3A_733 : vector<16xi32>
      %gather3A_745 = tpu.vector_load_idx %arg4[%sub3A_744] : memref<31xf32, #tpu.memory_space<vmem>>[vector<16xi32>], vector<16xf32>,
      %swap3A_746 = arith.constant 0 : i32
      %swap3A_747 = arith.index_cast %swap3A_746 : i32 to index
      %swap3A_748 = arith.constant 384 : index
      %swap3A_749 = tpu.vector_load %arg6[%swap3A_747, %swap3A_748] {strides = array<i32>} : memref<8x3136xf32, #tpu.memory_space<vmem>>, vector<16xf32>,
      tpu.vector_store %arg6[%swap3A_747, %swap3A_748], %gather3A_738 {strides = array<i32>} : memref<8x3136xf32, #tpu.memory_space<vmem>>, vector<16xf32>,
      %swap3A_750 = arith.constant 1 : i32
      %swap3A_751 = arith.index_cast %swap3A_750 : i32 to index
      %swap3A_752 = arith.constant 384 : index
      %swap3A_753 = tpu.vector_load %arg6[%swap3A_751, %swap3A_752] {strides = array<i32>} : memref<8x3136xf32, #tpu.memory_space<vmem>>, vector<16xf32>,
      tpu.vector_store %arg6[%swap3A_751, %swap3A_752], %gather3A_738 {strides = array<i32>} : memref<8x3136xf32, #tpu.memory_space<vmem>>, vector<16xf32>,
      %swap3A_754 = arith.constant 2 : i32
      %swap3A_755 = arith.index_cast %swap3A_754 : i32 to index
      %swap3A_756 = arith.constant 384 : index
      %swap3A_757 = tpu.vector_load %arg6[%swap3A_755, %swap3A_756] {strides = array<i32>} : memref<8x3136xf32, #tpu.memory_space<vmem>>, vector<16xf32>,
      tpu.vector_store %arg6[%swap3A_755, %swap3A_756], %gather3A_738 {strides = array<i32>} : memref<8x3136xf32, #tpu.memory_space<vmem>>, vector<16xf32>,
      %swap3A_758 = arith.constant 3 : i32
      %swap3A_759 = arith.index_cast %swap3A_758 : i32 to index
      %swap3A_760 = arith.constant 384 : index
      %swap3A_761 = tpu.vector_load %arg6[%swap3A_759, %swap3A_760] {strides = array<i32>} : memref<8x3136xf32, #tpu.memory_space<vmem>>, vector<16xf32>,
      tpu.vector_store %arg6[%swap3A_759, %swap3A_760], %gather3A_738 {strides = array<i32>} : memref<8x3136xf32, #tpu.memory_space<vmem>>, vector<16xf32>,
      %swap3A_762 = arith.constant 4 : i32
      %swap3A_763 = arith.index_cast %swap3A_762 : i32 to index
      %swap3A_764 = arith.constant 384 : index
      %swap3A_765 = tpu.vector_load %arg6[%swap3A_763, %swap3A_764] {strides = array<i32>} : memref<8x3136xf32, #tpu.memory_space<vmem>>, vector<16xf32>,
      tpu.vector_store %arg6[%swap3A_763, %swap3A_764], %gather3A_745 {strides = array<i32>} : memref<8x3136xf32, #tpu.memory_space<vmem>>, vector<16xf32>,
      %swap3A_766 = arith.constant 5 : i32
      %swap3A_767 = arith.index_cast %swap3A_766 : i32 to index
      %swap3A_768 = arith.constant 384 : index
      %swap3A_769 = tpu.vector_load %arg6[%swap3A_767, %swap3A_768] {strides = array<i32>} : memref<8x3136xf32, #tpu.memory_space<vmem>>, vector<16xf32>,
      tpu.vector_store %arg6[%swap3A_767, %swap3A_768], %gather3A_745 {strides = array<i32>} : memref<8x3136xf32, #tpu.memory_space<vmem>>, vector<16xf32>,
      %swap3A_770 = arith.constant 6 : i32
      %swap3A_771 = arith.index_cast %swap3A_770 : i32 to index
      %swap3A_772 = arith.constant 384 : index
      %swap3A_773 = tpu.vector_load %arg6[%swap3A_771, %swap3A_772] {strides = array<i32>} : memref<8x3136xf32, #tpu.memory_space<vmem>>, vector<16xf32>,
      tpu.vector_store %arg6[%swap3A_771, %swap3A_772], %gather3A_745 {strides = array<i32>} : memref<8x3136xf32, #tpu.memory_space<vmem>>, vector<16xf32>,
      %swap3A_774 = arith.constant 7 : i32
      %swap3A_775 = arith.index_cast %swap3A_774 : i32 to index
      %swap3A_776 = arith.constant 384 : index
      %swap3A_777 = tpu.vector_load %arg6[%swap3A_775, %swap3A_776] {strides = array<i32>} : memref<8x3136xf32, #tpu.memory_space<vmem>>, vector<16xf32>,
      tpu.vector_store %arg6[%swap3A_775, %swap3A_776], %gather3A_745 {strides = array<i32>} : memref<8x3136xf32, #tpu.memory_space<vmem>>, vector<16xf32>,
      %ge3A_778 = arith.constant 12 : i32
      %ge3A_779 = vector.broadcast %ge3A_778 : i32 to vector<16xi32>
      %ge3A_780 = arith.cmpi sge, %iota3A, %ge3A_779 : vector<16xi32>
      %convert_element_type3A_781 = arith.extui %ge3A_780 : vector<16xi1> to vector<16xi32>
      %sub3A_782 = arith.constant 2 : i32
      %sub3A_783 = arith.subi %add3A_678, %sub3A_782 : i32
      %sub3A_784 = vector.broadcast %sub3A_783 : i32 to vector<16xi32>
      %sub3A_785 = arith.subi %sub3A_784, %convert_element_type3A_781 : vector<16xi32>
      %gather3A_786 = tpu.vector_load_idx %arg4[%sub3A_785] : memref<31xf32, #tpu.memory_space<vmem>>[vector<16xi32>], vector<16xf32>,
      %add3A_787 = arith.constant 1 : i32
      %add3A_788 = arith.addi %add3A_678, %add3A_787 : i32
      %sub3A_789 = arith.constant 2 : i32
      %sub3A_790 = arith.subi %add3A_788, %sub3A_789 : i32
      %sub3A_791 = vector.broadcast %sub3A_790 : i32 to vector<16xi32>
      %sub3A_792 = arith.subi %sub3A_791, %convert_element_type3A_781 : vector<16xi32>
      %gather3A_793 = tpu.vector_load_idx %arg4[%sub3A_792] : memref<31xf32, #tpu.memory_space<vmem>>[vector<16xi32>], vector<16xf32>,
      %swap3A_794 = arith.constant 0 : i32
      %swap3A_795 = arith.index_cast %swap3A_794 : i32 to index
      %swap3A_796 = arith.constant 576 : index
      %swap3A_797 = tpu.vector_load %arg6[%swap3A_795, %swap3A_796] {strides = array<i32>} : memref<8x3136xf32, #tpu.memory_space<vmem>>, vector<16xf32>,
      tpu.vector_store %arg6[%swap3A_795, %swap3A_796], %gather3A_786 {strides = array<i32>} : memref<8x3136xf32, #tpu.memory_space<vmem>>, vector<16xf32>,
      %swap3A_798 = arith.constant 1 : i32
      %swap3A_799 = arith.index_cast %swap3A_798 : i32 to index
      %swap3A_800 = arith.constant 576 : index
      %swap3A_801 = tpu.vector_load %arg6[%swap3A_799, %swap3A_800] {strides = array<i32>} : memref<8x3136xf32, #tpu.memory_space<vmem>>, vector<16xf32>,
      tpu.vector_store %arg6[%swap3A_799, %swap3A_800], %gather3A_786 {strides = array<i32>} : memref<8x3136xf32, #tpu.memory_space<vmem>>, vector<16xf32>,
      %swap3A_802 = arith.constant 2 : i32
      %swap3A_803 = arith.index_cast %swap3A_802 : i32 to index
      %swap3A_804 = arith.constant 576 : index
      %swap3A_805 = tpu.vector_load %arg6[%swap3A_803, %swap3A_804] {strides = array<i32>} : memref<8x3136xf32, #tpu.memory_space<vmem>>, vector<16xf32>,
      tpu.vector_store %arg6[%swap3A_803, %swap3A_804], %gather3A_786 {strides = array<i32>} : memref<8x3136xf32, #tpu.memory_space<vmem>>, vector<16xf32>,
      %swap3A_806 = arith.constant 3 : i32
      %swap3A_807 = arith.index_cast %swap3A_806 : i32 to index
      %swap3A_808 = arith.constant 576 : index
      %swap3A_809 = tpu.vector_load %arg6[%swap3A_807, %swap3A_808] {strides = array<i32>} : memref<8x3136xf32, #tpu.memory_space<vmem>>, vector<16xf32>,
      tpu.vector_store %arg6[%swap3A_807, %swap3A_808], %gather3A_786 {strides = array<i32>} : memref<8x3136xf32, #tpu.memory_space<vmem>>, vector<16xf32>,
      %swap3A_810 = arith.constant 4 : i32
      %swap3A_811 = arith.index_cast %swap3A_810 : i32 to index
      %swap3A_812 = arith.constant 576 : index
      %swap3A_813 = tpu.vector_load %arg6[%swap3A_811, %swap3A_812] {strides = array<i32>} : memref<8x3136xf32, #tpu.memory_space<vmem>>, vector<16xf32>,
      tpu.vector_store %arg6[%swap3A_811, %swap3A_812], %gather3A_793 {strides = array<i32>} : memref<8x3136xf32, #tpu.memory_space<vmem>>, vector<16xf32>,
      %swap3A_814 = arith.constant 5 : i32
      %swap3A_815 = arith.index_cast %swap3A_814 : i32 to index
      %swap3A_816 = arith.constant 576 : index
      %swap3A_817 = tpu.vector_load %arg6[%swap3A_815, %swap3A_816] {strides = array<i32>} : memref<8x3136xf32, #tpu.memory_space<vmem>>, vector<16xf32>,
      tpu.vector_store %arg6[%swap3A_815, %swap3A_816], %gather3A_793 {strides = array<i32>} : memref<8x3136xf32, #tpu.memory_space<vmem>>, vector<16xf32>,
      %swap3A_818 = arith.constant 6 : i32
      %swap3A_819 = arith.index_cast %swap3A_818 : i32 to index
      %swap3A_820 = arith.constant 576 : index
      %swap3A_821 = tpu.vector_load %arg6[%swap3A_819, %swap3A_820] {strides = array<i32>} : memref<8x3136xf32, #tpu.memory_space<vmem>>, vector<16xf32>,
      tpu.vector_store %arg6[%swap3A_819, %swap3A_820], %gather3A_793 {strides = array<i32>} : memref<8x3136xf32, #tpu.memory_space<vmem>>, vector<16xf32>,
      %swap3A_822 = arith.constant 7 : i32
      %swap3A_823 = arith.index_cast %swap3A_822 : i32 to index
      %swap3A_824 = arith.constant 576 : index
      %swap3A_825 = tpu.vector_load %arg6[%swap3A_823, %swap3A_824] {strides = array<i32>} : memref<8x3136xf32, #tpu.memory_space<vmem>>, vector<16xf32>,
      tpu.vector_store %arg6[%swap3A_823, %swap3A_824], %gather3A_793 {strides = array<i32>} : memref<8x3136xf32, #tpu.memory_space<vmem>>, vector<16xf32>,
      %ge3A_826 = arith.constant 4 : i32
      %ge3A_827 = vector.broadcast %ge3A_826 : i32 to vector<16xi32>
      %ge3A_828 = arith.cmpi sge, %iota3A, %ge3A_827 : vector<16xi32>
      %convert_element_type3A_829 = arith.extui %ge3A_828 : vector<16xi1> to vector<16xi32>
      %sub3A_830 = arith.constant 4 : i32
      %sub3A_831 = arith.subi %add3A_678, %sub3A_830 : i32
      %sub3A_832 = vector.broadcast %sub3A_831 : i32 to vector<16xi32>
      %sub3A_833 = arith.subi %sub3A_832, %convert_element_type3A_829 : vector<16xi32>
      %gather3A_834 = tpu.vector_load_idx %arg4[%sub3A_833] : memref<31xf32, #tpu.memory_space<vmem>>[vector<16xi32>], vector<16xf32>,
      %add3A_835 = arith.constant 1 : i32
      %add3A_836 = arith.addi %add3A_678, %add3A_835 : i32
      %sub3A_837 = arith.constant 4 : i32
      %sub3A_838 = arith.subi %add3A_836, %sub3A_837 : i32
      %sub3A_839 = vector.broadcast %sub3A_838 : i32 to vector<16xi32>
      %sub3A_840 = arith.subi %sub3A_839, %convert_element_type3A_829 : vector<16xi32>
      %gather3A_841 = tpu.vector_load_idx %arg4[%sub3A_840] : memref<31xf32, #tpu.memory_space<vmem>>[vector<16xi32>], vector<16xf32>,
      %swap3A_842 = arith.constant 0 : i32
      %swap3A_843 = arith.index_cast %swap3A_842 : i32 to index
      %swap3A_844 = arith.constant 976 : index
      %swap3A_845 = tpu.vector_load %arg6[%swap3A_843, %swap3A_844] {strides = array<i32>} : memref<8x3136xf32, #tpu.memory_space<vmem>>, vector<16xf32>,
      tpu.vector_store %arg6[%swap3A_843, %swap3A_844], %gather3A_834 {strides = array<i32>} : memref<8x3136xf32, #tpu.memory_space<vmem>>, vector<16xf32>,
      %swap3A_846 = arith.constant 1 : i32
      %swap3A_847 = arith.index_cast %swap3A_846 : i32 to index
      %swap3A_848 = arith.constant 976 : index
      %swap3A_849 = tpu.vector_load %arg6[%swap3A_847, %swap3A_848] {strides = array<i32>} : memref<8x3136xf32, #tpu.memory_space<vmem>>, vector<16xf32>,
      tpu.vector_store %arg6[%swap3A_847, %swap3A_848], %gather3A_834 {strides = array<i32>} : memref<8x3136xf32, #tpu.memory_space<vmem>>, vector<16xf32>,
      %swap3A_850 = arith.constant 2 : i32
      %swap3A_851 = arith.index_cast %swap3A_850 : i32 to index
      %swap3A_852 = arith.constant 976 : index
      %swap3A_853 = tpu.vector_load %arg6[%swap3A_851, %swap3A_852] {strides = array<i32>} : memref<8x3136xf32, #tpu.memory_space<vmem>>, vector<16xf32>,
      tpu.vector_store %arg6[%swap3A_851, %swap3A_852], %gather3A_834 {strides = array<i32>} : memref<8x3136xf32, #tpu.memory_space<vmem>>, vector<16xf32>,
      %swap3A_854 = arith.constant 3 : i32
      %swap3A_855 = arith.index_cast %swap3A_854 : i32 to index
      %swap3A_856 = arith.constant 976 : index
      %swap3A_857 = tpu.vector_load %arg6[%swap3A_855, %swap3A_856] {strides = array<i32>} : memref<8x3136xf32, #tpu.memory_space<vmem>>, vector<16xf32>,
      tpu.vector_store %arg6[%swap3A_855, %swap3A_856], %gather3A_834 {strides = array<i32>} : memref<8x3136xf32, #tpu.memory_space<vmem>>, vector<16xf32>,
      %swap3A_858 = arith.constant 4 : i32
      %swap3A_859 = arith.index_cast %swap3A_858 : i32 to index
      %swap3A_860 = arith.constant 976 : index
      %swap3A_861 = tpu.vector_load %arg6[%swap3A_859, %swap3A_860] {strides = array<i32>} : memref<8x3136xf32, #tpu.memory_space<vmem>>, vector<16xf32>,
      tpu.vector_store %arg6[%swap3A_859, %swap3A_860], %gather3A_841 {strides = array<i32>} : memref<8x3136xf32, #tpu.memory_space<vmem>>, vector<16xf32>,
      %swap3A_862 = arith.constant 5 : i32
      %swap3A_863 = arith.index_cast %swap3A_862 : i32 to index
      %swap3A_864 = arith.constant 976 : index
      %swap3A_865 = tpu.vector_load %arg6[%swap3A_863, %swap3A_864] {strides = array<i32>} : memref<8x3136xf32, #tpu.memory_space<vmem>>, vector<16xf32>,
      tpu.vector_store %arg6[%swap3A_863, %swap3A_864], %gather3A_841 {strides = array<i32>} : memref<8x3136xf32, #tpu.memory_space<vmem>>, vector<16xf32>,
      %swap3A_866 = arith.constant 6 : i32
      %swap3A_867 = arith.index_cast %swap3A_866 : i32 to index
      %swap3A_868 = arith.constant 976 : index
      %swap3A_869 = tpu.vector_load %arg6[%swap3A_867, %swap3A_868] {strides = array<i32>} : memref<8x3136xf32, #tpu.memory_space<vmem>>, vector<16xf32>,
      tpu.vector_store %arg6[%swap3A_867, %swap3A_868], %gather3A_841 {strides = array<i32>} : memref<8x3136xf32, #tpu.memory_space<vmem>>, vector<16xf32>,
      %swap3A_870 = arith.constant 7 : i32
      %swap3A_871 = arith.index_cast %swap3A_870 : i32 to index
      %swap3A_872 = arith.constant 976 : index
      %swap3A_873 = tpu.vector_load %arg6[%swap3A_871, %swap3A_872] {strides = array<i32>} : memref<8x3136xf32, #tpu.memory_space<vmem>>, vector<16xf32>,
      tpu.vector_store %arg6[%swap3A_871, %swap3A_872], %gather3A_841 {strides = array<i32>} : memref<8x3136xf32, #tpu.memory_space<vmem>>, vector<16xf32>,
      %ge3A_874 = arith.constant 8 : i32
      %ge3A_875 = vector.broadcast %ge3A_874 : i32 to vector<16xi32>
      %ge3A_876 = arith.cmpi sge, %iota3A, %ge3A_875 : vector<16xi32>
      %convert_element_type3A_877 = arith.extui %ge3A_876 : vector<16xi1> to vector<16xi32>
      %sub3A_878 = arith.constant 5 : i32
      %sub3A_879 = arith.subi %add3A_678, %sub3A_878 : i32
      %sub3A_880 = vector.broadcast %sub3A_879 : i32 to vector<16xi32>
      %sub3A_881 = arith.subi %sub3A_880, %convert_element_type3A_877 : vector<16xi32>
      %gather3A_882 = tpu.vector_load_idx %arg4[%sub3A_881] : memref<31xf32, #tpu.memory_space<vmem>>[vector<16xi32>], vector<16xf32>,
      %add3A_883 = arith.constant 1 : i32
      %add3A_884 = arith.addi %add3A_678, %add3A_883 : i32
      %sub3A_885 = arith.constant 5 : i32
      %sub3A_886 = arith.subi %add3A_884, %sub3A_885 : i32
      %sub3A_887 = vector.broadcast %sub3A_886 : i32 to vector<16xi32>
      %sub3A_888 = arith.subi %sub3A_887, %convert_element_type3A_877 : vector<16xi32>
      %gather3A_889 = tpu.vector_load_idx %arg4[%sub3A_888] : memref<31xf32, #tpu.memory_space<vmem>>[vector<16xi32>], vector<16xf32>,
      %swap3A_890 = arith.constant 0 : i32
      %swap3A_891 = arith.index_cast %swap3A_890 : i32 to index
      %swap3A_892 = arith.constant 1168 : index
      %swap3A_893 = tpu.vector_load %arg6[%swap3A_891, %swap3A_892] {strides = array<i32>} : memref<8x3136xf32, #tpu.memory_space<vmem>>, vector<16xf32>,
      tpu.vector_store %arg6[%swap3A_891, %swap3A_892], %gather3A_882 {strides = array<i32>} : memref<8x3136xf32, #tpu.memory_space<vmem>>, vector<16xf32>,
      %swap3A_894 = arith.constant 1 : i32
      %swap3A_895 = arith.index_cast %swap3A_894 : i32 to index
      %swap3A_896 = arith.constant 1168 : index
      %swap3A_897 = tpu.vector_load %arg6[%swap3A_895, %swap3A_896] {strides = array<i32>} : memref<8x3136xf32, #tpu.memory_space<vmem>>, vector<16xf32>,
      tpu.vector_store %arg6[%swap3A_895, %swap3A_896], %gather3A_882 {strides = array<i32>} : memref<8x3136xf32, #tpu.memory_space<vmem>>, vector<16xf32>,
      %swap3A_898 = arith.constant 2 : i32
      %swap3A_899 = arith.index_cast %swap3A_898 : i32 to index
      %swap3A_900 = arith.constant 1168 : index
      %swap3A_901 = tpu.vector_load %arg6[%swap3A_899, %swap3A_900] {strides = array<i32>} : memref<8x3136xf32, #tpu.memory_space<vmem>>, vector<16xf32>,
      tpu.vector_store %arg6[%swap3A_899, %swap3A_900], %gather3A_882 {strides = array<i32>} : memref<8x3136xf32, #tpu.memory_space<vmem>>, vector<16xf32>,
      %swap3A_902 = arith.constant 3 : i32
      %swap3A_903 = arith.index_cast %swap3A_902 : i32 to index
      %swap3A_904 = arith.constant 1168 : index
      %swap3A_905 = tpu.vector_load %arg6[%swap3A_903, %swap3A_904] {strides = array<i32>} : memref<8x3136xf32, #tpu.memory_space<vmem>>, vector<16xf32>,
      tpu.vector_store %arg6[%swap3A_903, %swap3A_904], %gather3A_882 {strides = array<i32>} : memref<8x3136xf32, #tpu.memory_space<vmem>>, vector<16xf32>,
      %swap3A_906 = arith.constant 4 : i32
      %swap3A_907 = arith.index_cast %swap3A_906 : i32 to index
      %swap3A_908 = arith.constant 1168 : index
      %swap3A_909 = tpu.vector_load %arg6[%swap3A_907, %swap3A_908] {strides = array<i32>} : memref<8x3136xf32, #tpu.memory_space<vmem>>, vector<16xf32>,
      tpu.vector_store %arg6[%swap3A_907, %swap3A_908], %gather3A_889 {strides = array<i32>} : memref<8x3136xf32, #tpu.memory_space<vmem>>, vector<16xf32>,
      %swap3A_910 = arith.constant 5 : i32
      %swap3A_911 = arith.index_cast %swap3A_910 : i32 to index
      %swap3A_912 = arith.constant 1168 : index
      %swap3A_913 = tpu.vector_load %arg6[%swap3A_911, %swap3A_912] {strides = array<i32>} : memref<8x3136xf32, #tpu.memory_space<vmem>>, vector<16xf32>,
      tpu.vector_store %arg6[%swap3A_911, %swap3A_912], %gather3A_889 {strides = array<i32>} : memref<8x3136xf32, #tpu.memory_space<vmem>>, vector<16xf32>,
      %swap3A_914 = arith.constant 6 : i32
      %swap3A_915 = arith.index_cast %swap3A_914 : i32 to index
      %swap3A_916 = arith.constant 1168 : index
      %swap3A_917 = tpu.vector_load %arg6[%swap3A_915, %swap3A_916] {strides = array<i32>} : memref<8x3136xf32, #tpu.memory_space<vmem>>, vector<16xf32>,
      tpu.vector_store %arg6[%swap3A_915, %swap3A_916], %gather3A_889 {strides = array<i32>} : memref<8x3136xf32, #tpu.memory_space<vmem>>, vector<16xf32>,
      %swap3A_918 = arith.constant 7 : i32
      %swap3A_919 = arith.index_cast %swap3A_918 : i32 to index
      %swap3A_920 = arith.constant 1168 : index
      %swap3A_921 = tpu.vector_load %arg6[%swap3A_919, %swap3A_920] {strides = array<i32>} : memref<8x3136xf32, #tpu.memory_space<vmem>>, vector<16xf32>,
      tpu.vector_store %arg6[%swap3A_919, %swap3A_920], %gather3A_889 {strides = array<i32>} : memref<8x3136xf32, #tpu.memory_space<vmem>>, vector<16xf32>,
      %ge3A_922 = arith.constant 12 : i32
      %ge3A_923 = vector.broadcast %ge3A_922 : i32 to vector<16xi32>
      %ge3A_924 = arith.cmpi sge, %iota3A, %ge3A_923 : vector<16xi32>
      %convert_element_type3A_925 = arith.extui %ge3A_924 : vector<16xi1> to vector<16xi32>
      %sub3A_926 = arith.constant 6 : i32
      %sub3A_927 = arith.subi %add3A_678, %sub3A_926 : i32
      %sub3A_928 = vector.broadcast %sub3A_927 : i32 to vector<16xi32>
      %sub3A_929 = arith.subi %sub3A_928, %convert_element_type3A_925 : vector<16xi32>
      %gather3A_930 = tpu.vector_load_idx %arg4[%sub3A_929] : memref<31xf32, #tpu.memory_space<vmem>>[vector<16xi32>], vector<16xf32>,
      %add3A_931 = arith.constant 1 : i32
      %add3A_932 = arith.addi %add3A_678, %add3A_931 : i32
      %sub3A_933 = arith.constant 6 : i32
      %sub3A_934 = arith.subi %add3A_932, %sub3A_933 : i32
      %sub3A_935 = vector.broadcast %sub3A_934 : i32 to vector<16xi32>
      %sub3A_936 = arith.subi %sub3A_935, %convert_element_type3A_925 : vector<16xi32>
      %gather3A_937 = tpu.vector_load_idx %arg4[%sub3A_936] : memref<31xf32, #tpu.memory_space<vmem>>[vector<16xi32>], vector<16xf32>,
      %swap3A_938 = arith.constant 0 : i32
      %swap3A_939 = arith.index_cast %swap3A_938 : i32 to index
      %swap3A_940 = arith.constant 1360 : index
      %swap3A_941 = tpu.vector_load %arg6[%swap3A_939, %swap3A_940] {strides = array<i32>} : memref<8x3136xf32, #tpu.memory_space<vmem>>, vector<16xf32>,
      tpu.vector_store %arg6[%swap3A_939, %swap3A_940], %gather3A_930 {strides = array<i32>} : memref<8x3136xf32, #tpu.memory_space<vmem>>, vector<16xf32>,
      %swap3A_942 = arith.constant 1 : i32
      %swap3A_943 = arith.index_cast %swap3A_942 : i32 to index
      %swap3A_944 = arith.constant 1360 : index
      %swap3A_945 = tpu.vector_load %arg6[%swap3A_943, %swap3A_944] {strides = array<i32>} : memref<8x3136xf32, #tpu.memory_space<vmem>>, vector<16xf32>,
      tpu.vector_store %arg6[%swap3A_943, %swap3A_944], %gather3A_930 {strides = array<i32>} : memref<8x3136xf32, #tpu.memory_space<vmem>>, vector<16xf32>,
      %swap3A_946 = arith.constant 2 : i32
      %swap3A_947 = arith.index_cast %swap3A_946 : i32 to index
      %swap3A_948 = arith.constant 1360 : index
      %swap3A_949 = tpu.vector_load %arg6[%swap3A_947, %swap3A_948] {strides = array<i32>} : memref<8x3136xf32, #tpu.memory_space<vmem>>, vector<16xf32>,
      tpu.vector_store %arg6[%swap3A_947, %swap3A_948], %gather3A_930 {strides = array<i32>} : memref<8x3136xf32, #tpu.memory_space<vmem>>, vector<16xf32>,
      %swap3A_950 = arith.constant 3 : i32
      %swap3A_951 = arith.index_cast %swap3A_950 : i32 to index
      %swap3A_952 = arith.constant 1360 : index
      %swap3A_953 = tpu.vector_load %arg6[%swap3A_951, %swap3A_952] {strides = array<i32>} : memref<8x3136xf32, #tpu.memory_space<vmem>>, vector<16xf32>,
      tpu.vector_store %arg6[%swap3A_951, %swap3A_952], %gather3A_930 {strides = array<i32>} : memref<8x3136xf32, #tpu.memory_space<vmem>>, vector<16xf32>,
      %swap3A_954 = arith.constant 4 : i32
      %swap3A_955 = arith.index_cast %swap3A_954 : i32 to index
      %swap3A_956 = arith.constant 1360 : index
      %swap3A_957 = tpu.vector_load %arg6[%swap3A_955, %swap3A_956] {strides = array<i32>} : memref<8x3136xf32, #tpu.memory_space<vmem>>, vector<16xf32>,
      tpu.vector_store %arg6[%swap3A_955, %swap3A_956], %gather3A_937 {strides = array<i32>} : memref<8x3136xf32, #tpu.memory_space<vmem>>, vector<16xf32>,
      %swap3A_958 = arith.constant 5 : i32
      %swap3A_959 = arith.index_cast %swap3A_958 : i32 to index
      %swap3A_960 = arith.constant 1360 : index
      %swap3A_961 = tpu.vector_load %arg6[%swap3A_959, %swap3A_960] {strides = array<i32>} : memref<8x3136xf32, #tpu.memory_space<vmem>>, vector<16xf32>,
      tpu.vector_store %arg6[%swap3A_959, %swap3A_960], %gather3A_937 {strides = array<i32>} : memref<8x3136xf32, #tpu.memory_space<vmem>>, vector<16xf32>,
      %swap3A_962 = arith.constant 6 : i32
      %swap3A_963 = arith.index_cast %swap3A_962 : i32 to index
      %swap3A_964 = arith.constant 1360 : index
      %swap3A_965 = tpu.vector_load %arg6[%swap3A_963, %swap3A_964] {strides = array<i32>} : memref<8x3136xf32, #tpu.memory_space<vmem>>, vector<16xf32>,
      tpu.vector_store %arg6[%swap3A_963, %swap3A_964], %gather3A_937 {strides = array<i32>} : memref<8x3136xf32, #tpu.memory_space<vmem>>, vector<16xf32>,
      %swap3A_966 = arith.constant 7 : i32
      %swap3A_967 = arith.index_cast %swap3A_966 : i32 to index
      %swap3A_968 = arith.constant 1360 : index
      %swap3A_969 = tpu.vector_load %arg6[%swap3A_967, %swap3A_968] {strides = array<i32>} : memref<8x3136xf32, #tpu.memory_space<vmem>>, vector<16xf32>,
      tpu.vector_store %arg6[%swap3A_967, %swap3A_968], %gather3A_937 {strides = array<i32>} : memref<8x3136xf32, #tpu.memory_space<vmem>>, vector<16xf32>,
      %ge3A_970 = arith.constant 4 : i32
      %ge3A_971 = vector.broadcast %ge3A_970 : i32 to vector<16xi32>
      %ge3A_972 = arith.cmpi sge, %iota3A, %ge3A_971 : vector<16xi32>
      %convert_element_type3A_973 = arith.extui %ge3A_972 : vector<16xi1> to vector<16xi32>
      %sub3A_974 = arith.constant 8 : i32
      %sub3A_975 = arith.subi %add3A_678, %sub3A_974 : i32
      %sub3A_976 = vector.broadcast %sub3A_975 : i32 to vector<16xi32>
      %sub3A_977 = arith.subi %sub3A_976, %convert_element_type3A_973 : vector<16xi32>
      %gather3A_978 = tpu.vector_load_idx %arg4[%sub3A_977] : memref<31xf32, #tpu.memory_space<vmem>>[vector<16xi32>], vector<16xf32>,
      %add3A_979 = arith.constant 1 : i32
      %add3A_980 = arith.addi %add3A_678, %add3A_979 : i32
      %sub3A_981 = arith.constant 8 : i32
      %sub3A_982 = arith.subi %add3A_980, %sub3A_981 : i32
      %sub3A_983 = vector.broadcast %sub3A_982 : i32 to vector<16xi32>
      %sub3A_984 = arith.subi %sub3A_983, %convert_element_type3A_973 : vector<16xi32>
      %gather3A_985 = tpu.vector_load_idx %arg4[%sub3A_984] : memref<31xf32, #tpu.memory_space<vmem>>[vector<16xi32>], vector<16xf32>,
      %swap3A_986 = arith.constant 0 : i32
      %swap3A_987 = arith.index_cast %swap3A_986 : i32 to index
      %swap3A_988 = arith.constant 1760 : index
      %swap3A_989 = tpu.vector_load %arg6[%swap3A_987, %swap3A_988] {strides = array<i32>} : memref<8x3136xf32, #tpu.memory_space<vmem>>, vector<16xf32>,
      tpu.vector_store %arg6[%swap3A_987, %swap3A_988], %gather3A_978 {strides = array<i32>} : memref<8x3136xf32, #tpu.memory_space<vmem>>, vector<16xf32>,
      %swap3A_990 = arith.constant 1 : i32
      %swap3A_991 = arith.index_cast %swap3A_990 : i32 to index
      %swap3A_992 = arith.constant 1760 : index
      %swap3A_993 = tpu.vector_load %arg6[%swap3A_991, %swap3A_992] {strides = array<i32>} : memref<8x3136xf32, #tpu.memory_space<vmem>>, vector<16xf32>,
      tpu.vector_store %arg6[%swap3A_991, %swap3A_992], %gather3A_978 {strides = array<i32>} : memref<8x3136xf32, #tpu.memory_space<vmem>>, vector<16xf32>,
      %swap3A_994 = arith.constant 2 : i32
      %swap3A_995 = arith.index_cast %swap3A_994 : i32 to index
      %swap3A_996 = arith.constant 1760 : index
      %swap3A_997 = tpu.vector_load %arg6[%swap3A_995, %swap3A_996] {strides = array<i32>} : memref<8x3136xf32, #tpu.memory_space<vmem>>, vector<16xf32>,
      tpu.vector_store %arg6[%swap3A_995, %swap3A_996], %gather3A_978 {strides = array<i32>} : memref<8x3136xf32, #tpu.memory_space<vmem>>, vector<16xf32>,
      %swap3A_998 = arith.constant 3 : i32
      %swap3A_999 = arith.index_cast %swap3A_998 : i32 to index
      %swap3A_1000 = arith.constant 1760 : index
      %swap3A_1001 = tpu.vector_load %arg6[%swap3A_999, %swap3A_1000] {strides = array<i32>} : memref<8x3136xf32, #tpu.memory_space<vmem>>, vector<16xf32>,
      tpu.vector_store %arg6[%swap3A_999, %swap3A_1000], %gather3A_978 {strides = array<i32>} : memref<8x3136xf32, #tpu.memory_space<vmem>>, vector<16xf32>,
      %swap3A_1002 = arith.constant 4 : i32
      %swap3A_1003 = arith.index_cast %swap3A_1002 : i32 to index
      %swap3A_1004 = arith.constant 1760 : index
      %swap3A_1005 = tpu.vector_load %arg6[%swap3A_1003, %swap3A_1004] {strides = array<i32>} : memref<8x3136xf32, #tpu.memory_space<vmem>>, vector<16xf32>,
      tpu.vector_store %arg6[%swap3A_1003, %swap3A_1004], %gather3A_985 {strides = array<i32>} : memref<8x3136xf32, #tpu.memory_space<vmem>>, vector<16xf32>,
      %swap3A_1006 = arith.constant 5 : i32
      %swap3A_1007 = arith.index_cast %swap3A_1006 : i32 to index
      %swap3A_1008 = arith.constant 1760 : index
      %swap3A_1009 = tpu.vector_load %arg6[%swap3A_1007, %swap3A_1008] {strides = array<i32>} : memref<8x3136xf32, #tpu.memory_space<vmem>>, vector<16xf32>,
      tpu.vector_store %arg6[%swap3A_1007, %swap3A_1008], %gather3A_985 {strides = array<i32>} : memref<8x3136xf32, #tpu.memory_space<vmem>>, vector<16xf32>,
      %swap3A_1010 = arith.constant 6 : i32
      %swap3A_1011 = arith.index_cast %swap3A_1010 : i32 to index
      %swap3A_1012 = arith.constant 1760 : index
      %swap3A_1013 = tpu.vector_load %arg6[%swap3A_1011, %swap3A_1012] {strides = array<i32>} : memref<8x3136xf32, #tpu.memory_space<vmem>>, vector<16xf32>,
      tpu.vector_store %arg6[%swap3A_1011, %swap3A_1012], %gather3A_985 {strides = array<i32>} : memref<8x3136xf32, #tpu.memory_space<vmem>>, vector<16xf32>,
      %swap3A_1014 = arith.constant 7 : i32
      %swap3A_1015 = arith.index_cast %swap3A_1014 : i32 to index
      %swap3A_1016 = arith.constant 1760 : index
      %swap3A_1017 = tpu.vector_load %arg6[%swap3A_1015, %swap3A_1016] {strides = array<i32>} : memref<8x3136xf32, #tpu.memory_space<vmem>>, vector<16xf32>,
      tpu.vector_store %arg6[%swap3A_1015, %swap3A_1016], %gather3A_985 {strides = array<i32>} : memref<8x3136xf32, #tpu.memory_space<vmem>>, vector<16xf32>,
      %ge3A_1018 = arith.constant 8 : i32
      %ge3A_1019 = vector.broadcast %ge3A_1018 : i32 to vector<16xi32>
      %ge3A_1020 = arith.cmpi sge, %iota3A, %ge3A_1019 : vector<16xi32>
      %convert_element_type3A_1021 = arith.extui %ge3A_1020 : vector<16xi1> to vector<16xi32>
      %sub3A_1022 = arith.constant 9 : i32
      %sub3A_1023 = arith.subi %add3A_678, %sub3A_1022 : i32
      %sub3A_1024 = vector.broadcast %sub3A_1023 : i32 to vector<16xi32>
      %sub3A_1025 = arith.subi %sub3A_1024, %convert_element_type3A_1021 : vector<16xi32>
      %gather3A_1026 = tpu.vector_load_idx %arg4[%sub3A_1025] : memref<31xf32, #tpu.memory_space<vmem>>[vector<16xi32>], vector<16xf32>,
      %add3A_1027 = arith.constant 1 : i32
      %add3A_1028 = arith.addi %add3A_678, %add3A_1027 : i32
      %sub3A_1029 = arith.constant 9 : i32
      %sub3A_1030 = arith.subi %add3A_1028, %sub3A_1029 : i32
      %sub3A_1031 = vector.broadcast %sub3A_1030 : i32 to vector<16xi32>
      %sub3A_1032 = arith.subi %sub3A_1031, %convert_element_type3A_1021 : vector<16xi32>
      %gather3A_1033 = tpu.vector_load_idx %arg4[%sub3A_1032] : memref<31xf32, #tpu.memory_space<vmem>>[vector<16xi32>], vector<16xf32>,
      %swap3A_1034 = arith.constant 0 : i32
      %swap3A_1035 = arith.index_cast %swap3A_1034 : i32 to index
      %swap3A_1036 = arith.constant 1952 : index
      %swap3A_1037 = tpu.vector_load %arg6[%swap3A_1035, %swap3A_1036] {strides = array<i32>} : memref<8x3136xf32, #tpu.memory_space<vmem>>, vector<16xf32>,
      tpu.vector_store %arg6[%swap3A_1035, %swap3A_1036], %gather3A_1026 {strides = array<i32>} : memref<8x3136xf32, #tpu.memory_space<vmem>>, vector<16xf32>,
      %swap3A_1038 = arith.constant 1 : i32
      %swap3A_1039 = arith.index_cast %swap3A_1038 : i32 to index
      %swap3A_1040 = arith.constant 1952 : index
      %swap3A_1041 = tpu.vector_load %arg6[%swap3A_1039, %swap3A_1040] {strides = array<i32>} : memref<8x3136xf32, #tpu.memory_space<vmem>>, vector<16xf32>,
      tpu.vector_store %arg6[%swap3A_1039, %swap3A_1040], %gather3A_1026 {strides = array<i32>} : memref<8x3136xf32, #tpu.memory_space<vmem>>, vector<16xf32>,
      %swap3A_1042 = arith.constant 2 : i32
      %swap3A_1043 = arith.index_cast %swap3A_1042 : i32 to index
      %swap3A_1044 = arith.constant 1952 : index
      %swap3A_1045 = tpu.vector_load %arg6[%swap3A_1043, %swap3A_1044] {strides = array<i32>} : memref<8x3136xf32, #tpu.memory_space<vmem>>, vector<16xf32>,
      tpu.vector_store %arg6[%swap3A_1043, %swap3A_1044], %gather3A_1026 {strides = array<i32>} : memref<8x3136xf32, #tpu.memory_space<vmem>>, vector<16xf32>,
      %swap3A_1046 = arith.constant 3 : i32
      %swap3A_1047 = arith.index_cast %swap3A_1046 : i32 to index
      %swap3A_1048 = arith.constant 1952 : index
      %swap3A_1049 = tpu.vector_load %arg6[%swap3A_1047, %swap3A_1048] {strides = array<i32>} : memref<8x3136xf32, #tpu.memory_space<vmem>>, vector<16xf32>,
      tpu.vector_store %arg6[%swap3A_1047, %swap3A_1048], %gather3A_1026 {strides = array<i32>} : memref<8x3136xf32, #tpu.memory_space<vmem>>, vector<16xf32>,
      %swap3A_1050 = arith.constant 4 : i32
      %swap3A_1051 = arith.index_cast %swap3A_1050 : i32 to index
      %swap3A_1052 = arith.constant 1952 : index
      %swap3A_1053 = tpu.vector_load %arg6[%swap3A_1051, %swap3A_1052] {strides = array<i32>} : memref<8x3136xf32, #tpu.memory_space<vmem>>, vector<16xf32>,
      tpu.vector_store %arg6[%swap3A_1051, %swap3A_1052], %gather3A_1033 {strides = array<i32>} : memref<8x3136xf32, #tpu.memory_space<vmem>>, vector<16xf32>,
      %swap3A_1054 = arith.constant 5 : i32
      %swap3A_1055 = arith.index_cast %swap3A_1054 : i32 to index
      %swap3A_1056 = arith.constant 1952 : index
      %swap3A_1057 = tpu.vector_load %arg6[%swap3A_1055, %swap3A_1056] {strides = array<i32>} : memref<8x3136xf32, #tpu.memory_space<vmem>>, vector<16xf32>,
      tpu.vector_store %arg6[%swap3A_1055, %swap3A_1056], %gather3A_1033 {strides = array<i32>} : memref<8x3136xf32, #tpu.memory_space<vmem>>, vector<16xf32>,
      %swap3A_1058 = arith.constant 6 : i32
      %swap3A_1059 = arith.index_cast %swap3A_1058 : i32 to index
      %swap3A_1060 = arith.constant 1952 : index
      %swap3A_1061 = tpu.vector_load %arg6[%swap3A_1059, %swap3A_1060] {strides = array<i32>} : memref<8x3136xf32, #tpu.memory_space<vmem>>, vector<16xf32>,
      tpu.vector_store %arg6[%swap3A_1059, %swap3A_1060], %gather3A_1033 {strides = array<i32>} : memref<8x3136xf32, #tpu.memory_space<vmem>>, vector<16xf32>,
      %swap3A_1062 = arith.constant 7 : i32
      %swap3A_1063 = arith.index_cast %swap3A_1062 : i32 to index
      %swap3A_1064 = arith.constant 1952 : index
      %swap3A_1065 = tpu.vector_load %arg6[%swap3A_1063, %swap3A_1064] {strides = array<i32>} : memref<8x3136xf32, #tpu.memory_space<vmem>>, vector<16xf32>,
      tpu.vector_store %arg6[%swap3A_1063, %swap3A_1064], %gather3A_1033 {strides = array<i32>} : memref<8x3136xf32, #tpu.memory_space<vmem>>, vector<16xf32>,
      %ge3A_1066 = arith.constant 12 : i32
      %ge3A_1067 = vector.broadcast %ge3A_1066 : i32 to vector<16xi32>
      %ge3A_1068 = arith.cmpi sge, %iota3A, %ge3A_1067 : vector<16xi32>
      %convert_element_type3A_1069 = arith.extui %ge3A_1068 : vector<16xi1> to vector<16xi32>
      %sub3A_1070 = arith.constant 10 : i32
      %sub3A_1071 = arith.subi %add3A_678, %sub3A_1070 : i32
      %sub3A_1072 = vector.broadcast %sub3A_1071 : i32 to vector<16xi32>
      %sub3A_1073 = arith.subi %sub3A_1072, %convert_element_type3A_1069 : vector<16xi32>
      %gather3A_1074 = tpu.vector_load_idx %arg4[%sub3A_1073] : memref<31xf32, #tpu.memory_space<vmem>>[vector<16xi32>], vector<16xf32>,
      %add3A_1075 = arith.constant 1 : i32
      %add3A_1076 = arith.addi %add3A_678, %add3A_1075 : i32
      %sub3A_1077 = arith.constant 10 : i32
      %sub3A_1078 = arith.subi %add3A_1076, %sub3A_1077 : i32
      %sub3A_1079 = vector.broadcast %sub3A_1078 : i32 to vector<16xi32>
      %sub3A_1080 = arith.subi %sub3A_1079, %convert_element_type3A_1069 : vector<16xi32>
      %gather3A_1081 = tpu.vector_load_idx %arg4[%sub3A_1080] : memref<31xf32, #tpu.memory_space<vmem>>[vector<16xi32>], vector<16xf32>,
      %swap3A_1082 = arith.constant 0 : i32
      %swap3A_1083 = arith.index_cast %swap3A_1082 : i32 to index
      %swap3A_1084 = arith.constant 2144 : index
      %swap3A_1085 = tpu.vector_load %arg6[%swap3A_1083, %swap3A_1084] {strides = array<i32>} : memref<8x3136xf32, #tpu.memory_space<vmem>>, vector<16xf32>,
      tpu.vector_store %arg6[%swap3A_1083, %swap3A_1084], %gather3A_1074 {strides = array<i32>} : memref<8x3136xf32, #tpu.memory_space<vmem>>, vector<16xf32>,
      %swap3A_1086 = arith.constant 1 : i32
      %swap3A_1087 = arith.index_cast %swap3A_1086 : i32 to index
      %swap3A_1088 = arith.constant 2144 : index
      %swap3A_1089 = tpu.vector_load %arg6[%swap3A_1087, %swap3A_1088] {strides = array<i32>} : memref<8x3136xf32, #tpu.memory_space<vmem>>, vector<16xf32>,
      tpu.vector_store %arg6[%swap3A_1087, %swap3A_1088], %gather3A_1074 {strides = array<i32>} : memref<8x3136xf32, #tpu.memory_space<vmem>>, vector<16xf32>,
      %swap3A_1090 = arith.constant 2 : i32
      %swap3A_1091 = arith.index_cast %swap3A_1090 : i32 to index
      %swap3A_1092 = arith.constant 2144 : index
      %swap3A_1093 = tpu.vector_load %arg6[%swap3A_1091, %swap3A_1092] {strides = array<i32>} : memref<8x3136xf32, #tpu.memory_space<vmem>>, vector<16xf32>,
      tpu.vector_store %arg6[%swap3A_1091, %swap3A_1092], %gather3A_1074 {strides = array<i32>} : memref<8x3136xf32, #tpu.memory_space<vmem>>, vector<16xf32>,
      %swap3A_1094 = arith.constant 3 : i32
      %swap3A_1095 = arith.index_cast %swap3A_1094 : i32 to index
      %swap3A_1096 = arith.constant 2144 : index
      %swap3A_1097 = tpu.vector_load %arg6[%swap3A_1095, %swap3A_1096] {strides = array<i32>} : memref<8x3136xf32, #tpu.memory_space<vmem>>, vector<16xf32>,
      tpu.vector_store %arg6[%swap3A_1095, %swap3A_1096], %gather3A_1074 {strides = array<i32>} : memref<8x3136xf32, #tpu.memory_space<vmem>>, vector<16xf32>,
      %swap3A_1098 = arith.constant 4 : i32
      %swap3A_1099 = arith.index_cast %swap3A_1098 : i32 to index
      %swap3A_1100 = arith.constant 2144 : index
      %swap3A_1101 = tpu.vector_load %arg6[%swap3A_1099, %swap3A_1100] {strides = array<i32>} : memref<8x3136xf32, #tpu.memory_space<vmem>>, vector<16xf32>,
      tpu.vector_store %arg6[%swap3A_1099, %swap3A_1100], %gather3A_1081 {strides = array<i32>} : memref<8x3136xf32, #tpu.memory_space<vmem>>, vector<16xf32>,
      %swap3A_1102 = arith.constant 5 : i32
      %swap3A_1103 = arith.index_cast %swap3A_1102 : i32 to index
      %swap3A_1104 = arith.constant 2144 : index
      %swap3A_1105 = tpu.vector_load %arg6[%swap3A_1103, %swap3A_1104] {strides = array<i32>} : memref<8x3136xf32, #tpu.memory_space<vmem>>, vector<16xf32>,
      tpu.vector_store %arg6[%swap3A_1103, %swap3A_1104], %gather3A_1081 {strides = array<i32>} : memref<8x3136xf32, #tpu.memory_space<vmem>>, vector<16xf32>,
      %swap3A_1106 = arith.constant 6 : i32
      %swap3A_1107 = arith.index_cast %swap3A_1106 : i32 to index
      %swap3A_1108 = arith.constant 2144 : index
      %swap3A_1109 = tpu.vector_load %arg6[%swap3A_1107, %swap3A_1108] {strides = array<i32>} : memref<8x3136xf32, #tpu.memory_space<vmem>>, vector<16xf32>,
      tpu.vector_store %arg6[%swap3A_1107, %swap3A_1108], %gather3A_1081 {strides = array<i32>} : memref<8x3136xf32, #tpu.memory_space<vmem>>, vector<16xf32>,
      %swap3A_1110 = arith.constant 7 : i32
      %swap3A_1111 = arith.index_cast %swap3A_1110 : i32 to index
      %swap3A_1112 = arith.constant 2144 : index
      %swap3A_1113 = tpu.vector_load %arg6[%swap3A_1111, %swap3A_1112] {strides = array<i32>} : memref<8x3136xf32, #tpu.memory_space<vmem>>, vector<16xf32>,
      tpu.vector_store %arg6[%swap3A_1111, %swap3A_1112], %gather3A_1081 {strides = array<i32>} : memref<8x3136xf32, #tpu.memory_space<vmem>>, vector<16xf32>,
      %ge3A_1114 = arith.constant 4 : i32
      %ge3A_1115 = vector.broadcast %ge3A_1114 : i32 to vector<16xi32>
      %ge3A_1116 = arith.cmpi sge, %iota3A, %ge3A_1115 : vector<16xi32>
      %convert_element_type3A_1117 = arith.extui %ge3A_1116 : vector<16xi1> to vector<16xi32>
      %sub3A_1118 = arith.constant 12 : i32
      %sub3A_1119 = arith.subi %add3A_678, %sub3A_1118 : i32
      %sub3A_1120 = vector.broadcast %sub3A_1119 : i32 to vector<16xi32>
      %sub3A_1121 = arith.subi %sub3A_1120, %convert_element_type3A_1117 : vector<16xi32>
      %gather3A_1122 = tpu.vector_load_idx %arg4[%sub3A_1121] : memref<31xf32, #tpu.memory_space<vmem>>[vector<16xi32>], vector<16xf32>,
      %add3A_1123 = arith.constant 1 : i32
      %add3A_1124 = arith.addi %add3A_678, %add3A_1123 : i32
      %sub3A_1125 = arith.constant 12 : i32
      %sub3A_1126 = arith.subi %add3A_1124, %sub3A_1125 : i32
      %sub3A_1127 = vector.broadcast %sub3A_1126 : i32 to vector<16xi32>
      %sub3A_1128 = arith.subi %sub3A_1127, %convert_element_type3A_1117 : vector<16xi32>
      %gather3A_1129 = tpu.vector_load_idx %arg4[%sub3A_1128] : memref<31xf32, #tpu.memory_space<vmem>>[vector<16xi32>], vector<16xf32>,
      %swap3A_1130 = arith.constant 0 : i32
      %swap3A_1131 = arith.index_cast %swap3A_1130 : i32 to index
      %swap3A_1132 = arith.constant 2544 : index
      %swap3A_1133 = tpu.vector_load %arg6[%swap3A_1131, %swap3A_1132] {strides = array<i32>} : memref<8x3136xf32, #tpu.memory_space<vmem>>, vector<16xf32>,
      tpu.vector_store %arg6[%swap3A_1131, %swap3A_1132], %gather3A_1122 {strides = array<i32>} : memref<8x3136xf32, #tpu.memory_space<vmem>>, vector<16xf32>,
      %swap3A_1134 = arith.constant 1 : i32
      %swap3A_1135 = arith.index_cast %swap3A_1134 : i32 to index
      %swap3A_1136 = arith.constant 2544 : index
      %swap3A_1137 = tpu.vector_load %arg6[%swap3A_1135, %swap3A_1136] {strides = array<i32>} : memref<8x3136xf32, #tpu.memory_space<vmem>>, vector<16xf32>,
      tpu.vector_store %arg6[%swap3A_1135, %swap3A_1136], %gather3A_1122 {strides = array<i32>} : memref<8x3136xf32, #tpu.memory_space<vmem>>, vector<16xf32>,
      %swap3A_1138 = arith.constant 2 : i32
      %swap3A_1139 = arith.index_cast %swap3A_1138 : i32 to index
      %swap3A_1140 = arith.constant 2544 : index
      %swap3A_1141 = tpu.vector_load %arg6[%swap3A_1139, %swap3A_1140] {strides = array<i32>} : memref<8x3136xf32, #tpu.memory_space<vmem>>, vector<16xf32>,
      tpu.vector_store %arg6[%swap3A_1139, %swap3A_1140], %gather3A_1122 {strides = array<i32>} : memref<8x3136xf32, #tpu.memory_space<vmem>>, vector<16xf32>,
      %swap3A_1142 = arith.constant 3 : i32
      %swap3A_1143 = arith.index_cast %swap3A_1142 : i32 to index
      %swap3A_1144 = arith.constant 2544 : index
      %swap3A_1145 = tpu.vector_load %arg6[%swap3A_1143, %swap3A_1144] {strides = array<i32>} : memref<8x3136xf32, #tpu.memory_space<vmem>>, vector<16xf32>,
      tpu.vector_store %arg6[%swap3A_1143, %swap3A_1144], %gather3A_1122 {strides = array<i32>} : memref<8x3136xf32, #tpu.memory_space<vmem>>, vector<16xf32>,
      %swap3A_1146 = arith.constant 4 : i32
      %swap3A_1147 = arith.index_cast %swap3A_1146 : i32 to index
      %swap3A_1148 = arith.constant 2544 : index
      %swap3A_1149 = tpu.vector_load %arg6[%swap3A_1147, %swap3A_1148] {strides = array<i32>} : memref<8x3136xf32, #tpu.memory_space<vmem>>, vector<16xf32>,
      tpu.vector_store %arg6[%swap3A_1147, %swap3A_1148], %gather3A_1129 {strides = array<i32>} : memref<8x3136xf32, #tpu.memory_space<vmem>>, vector<16xf32>,
      %swap3A_1150 = arith.constant 5 : i32
      %swap3A_1151 = arith.index_cast %swap3A_1150 : i32 to index
      %swap3A_1152 = arith.constant 2544 : index
      %swap3A_1153 = tpu.vector_load %arg6[%swap3A_1151, %swap3A_1152] {strides = array<i32>} : memref<8x3136xf32, #tpu.memory_space<vmem>>, vector<16xf32>,
      tpu.vector_store %arg6[%swap3A_1151, %swap3A_1152], %gather3A_1129 {strides = array<i32>} : memref<8x3136xf32, #tpu.memory_space<vmem>>, vector<16xf32>,
      %swap3A_1154 = arith.constant 6 : i32
      %swap3A_1155 = arith.index_cast %swap3A_1154 : i32 to index
      %swap3A_1156 = arith.constant 2544 : index
      %swap3A_1157 = tpu.vector_load %arg6[%swap3A_1155, %swap3A_1156] {strides = array<i32>} : memref<8x3136xf32, #tpu.memory_space<vmem>>, vector<16xf32>,
      tpu.vector_store %arg6[%swap3A_1155, %swap3A_1156], %gather3A_1129 {strides = array<i32>} : memref<8x3136xf32, #tpu.memory_space<vmem>>, vector<16xf32>,
      %swap3A_1158 = arith.constant 7 : i32
      %swap3A_1159 = arith.index_cast %swap3A_1158 : i32 to index
      %swap3A_1160 = arith.constant 2544 : index
      %swap3A_1161 = tpu.vector_load %arg6[%swap3A_1159, %swap3A_1160] {strides = array<i32>} : memref<8x3136xf32, #tpu.memory_space<vmem>>, vector<16xf32>,
      tpu.vector_store %arg6[%swap3A_1159, %swap3A_1160], %gather3A_1129 {strides = array<i32>} : memref<8x3136xf32, #tpu.memory_space<vmem>>, vector<16xf32>,
      %ge3A_1162 = arith.constant 8 : i32
      %ge3A_1163 = vector.broadcast %ge3A_1162 : i32 to vector<16xi32>
      %ge3A_1164 = arith.cmpi sge, %iota3A, %ge3A_1163 : vector<16xi32>
      %convert_element_type3A_1165 = arith.extui %ge3A_1164 : vector<16xi1> to vector<16xi32>
      %sub3A_1166 = arith.constant 13 : i32
      %sub3A_1167 = arith.subi %add3A_678, %sub3A_1166 : i32
      %sub3A_1168 = vector.broadcast %sub3A_1167 : i32 to vector<16xi32>
      %sub3A_1169 = arith.subi %sub3A_1168, %convert_element_type3A_1165 : vector<16xi32>
      %gather3A_1170 = tpu.vector_load_idx %arg4[%sub3A_1169] : memref<31xf32, #tpu.memory_space<vmem>>[vector<16xi32>], vector<16xf32>,
      %add3A_1171 = arith.constant 1 : i32
      %add3A_1172 = arith.addi %add3A_678, %add3A_1171 : i32
      %sub3A_1173 = arith.constant 13 : i32
      %sub3A_1174 = arith.subi %add3A_1172, %sub3A_1173 : i32
      %sub3A_1175 = vector.broadcast %sub3A_1174 : i32 to vector<16xi32>
      %sub3A_1176 = arith.subi %sub3A_1175, %convert_element_type3A_1165 : vector<16xi32>
      %gather3A_1177 = tpu.vector_load_idx %arg4[%sub3A_1176] : memref<31xf32, #tpu.memory_space<vmem>>[vector<16xi32>], vector<16xf32>,
      %swap3A_1178 = arith.constant 0 : i32
      %swap3A_1179 = arith.index_cast %swap3A_1178 : i32 to index
      %swap3A_1180 = arith.constant 2736 : index
      %swap3A_1181 = tpu.vector_load %arg6[%swap3A_1179, %swap3A_1180] {strides = array<i32>} : memref<8x3136xf32, #tpu.memory_space<vmem>>, vector<16xf32>,
      tpu.vector_store %arg6[%swap3A_1179, %swap3A_1180], %gather3A_1170 {strides = array<i32>} : memref<8x3136xf32, #tpu.memory_space<vmem>>, vector<16xf32>,
      %swap3A_1182 = arith.constant 1 : i32
      %swap3A_1183 = arith.index_cast %swap3A_1182 : i32 to index
      %swap3A_1184 = arith.constant 2736 : index
      %swap3A_1185 = tpu.vector_load %arg6[%swap3A_1183, %swap3A_1184] {strides = array<i32>} : memref<8x3136xf32, #tpu.memory_space<vmem>>, vector<16xf32>,
      tpu.vector_store %arg6[%swap3A_1183, %swap3A_1184], %gather3A_1170 {strides = array<i32>} : memref<8x3136xf32, #tpu.memory_space<vmem>>, vector<16xf32>,
      %swap3A_1186 = arith.constant 2 : i32
      %swap3A_1187 = arith.index_cast %swap3A_1186 : i32 to index
      %swap3A_1188 = arith.constant 2736 : index
      %swap3A_1189 = tpu.vector_load %arg6[%swap3A_1187, %swap3A_1188] {strides = array<i32>} : memref<8x3136xf32, #tpu.memory_space<vmem>>, vector<16xf32>,
      tpu.vector_store %arg6[%swap3A_1187, %swap3A_1188], %gather3A_1170 {strides = array<i32>} : memref<8x3136xf32, #tpu.memory_space<vmem>>, vector<16xf32>,
      %swap3A_1190 = arith.constant 3 : i32
      %swap3A_1191 = arith.index_cast %swap3A_1190 : i32 to index
      %swap3A_1192 = arith.constant 2736 : index
      %swap3A_1193 = tpu.vector_load %arg6[%swap3A_1191, %swap3A_1192] {strides = array<i32>} : memref<8x3136xf32, #tpu.memory_space<vmem>>, vector<16xf32>,
      tpu.vector_store %arg6[%swap3A_1191, %swap3A_1192], %gather3A_1170 {strides = array<i32>} : memref<8x3136xf32, #tpu.memory_space<vmem>>, vector<16xf32>,
      %swap3A_1194 = arith.constant 4 : i32
      %swap3A_1195 = arith.index_cast %swap3A_1194 : i32 to index
      %swap3A_1196 = arith.constant 2736 : index
      %swap3A_1197 = tpu.vector_load %arg6[%swap3A_1195, %swap3A_1196] {strides = array<i32>} : memref<8x3136xf32, #tpu.memory_space<vmem>>, vector<16xf32>,
      tpu.vector_store %arg6[%swap3A_1195, %swap3A_1196], %gather3A_1177 {strides = array<i32>} : memref<8x3136xf32, #tpu.memory_space<vmem>>, vector<16xf32>,
      %swap3A_1198 = arith.constant 5 : i32
      %swap3A_1199 = arith.index_cast %swap3A_1198 : i32 to index
      %swap3A_1200 = arith.constant 2736 : index
      %swap3A_1201 = tpu.vector_load %arg6[%swap3A_1199, %swap3A_1200] {strides = array<i32>} : memref<8x3136xf32, #tpu.memory_space<vmem>>, vector<16xf32>,
      tpu.vector_store %arg6[%swap3A_1199, %swap3A_1200], %gather3A_1177 {strides = array<i32>} : memref<8x3136xf32, #tpu.memory_space<vmem>>, vector<16xf32>,
      %swap3A_1202 = arith.constant 6 : i32
      %swap3A_1203 = arith.index_cast %swap3A_1202 : i32 to index
      %swap3A_1204 = arith.constant 2736 : index
      %swap3A_1205 = tpu.vector_load %arg6[%swap3A_1203, %swap3A_1204] {strides = array<i32>} : memref<8x3136xf32, #tpu.memory_space<vmem>>, vector<16xf32>,
      tpu.vector_store %arg6[%swap3A_1203, %swap3A_1204], %gather3A_1177 {strides = array<i32>} : memref<8x3136xf32, #tpu.memory_space<vmem>>, vector<16xf32>,
      %swap3A_1206 = arith.constant 7 : i32
      %swap3A_1207 = arith.index_cast %swap3A_1206 : i32 to index
      %swap3A_1208 = arith.constant 2736 : index
      %swap3A_1209 = tpu.vector_load %arg6[%swap3A_1207, %swap3A_1208] {strides = array<i32>} : memref<8x3136xf32, #tpu.memory_space<vmem>>, vector<16xf32>,
      tpu.vector_store %arg6[%swap3A_1207, %swap3A_1208], %gather3A_1177 {strides = array<i32>} : memref<8x3136xf32, #tpu.memory_space<vmem>>, vector<16xf32>,
      %ge3A_1210 = arith.constant 12 : i32
      %ge3A_1211 = vector.broadcast %ge3A_1210 : i32 to vector<16xi32>
      %ge3A_1212 = arith.cmpi sge, %iota3A, %ge3A_1211 : vector<16xi32>
      %convert_element_type3A_1213 = arith.extui %ge3A_1212 : vector<16xi1> to vector<16xi32>
      %sub3A_1214 = arith.constant 14 : i32
      %sub3A_1215 = arith.subi %add3A_678, %sub3A_1214 : i32
      %sub3A_1216 = vector.broadcast %sub3A_1215 : i32 to vector<16xi32>
      %sub3A_1217 = arith.subi %sub3A_1216, %convert_element_type3A_1213 : vector<16xi32>
      %gather3A_1218 = tpu.vector_load_idx %arg4[%sub3A_1217] : memref<31xf32, #tpu.memory_space<vmem>>[vector<16xi32>], vector<16xf32>,
      %add3A_1219 = arith.constant 1 : i32
      %add3A_1220 = arith.addi %add3A_678, %add3A_1219 : i32
      %sub3A_1221 = arith.constant 14 : i32
      %sub3A_1222 = arith.subi %add3A_1220, %sub3A_1221 : i32
      %sub3A_1223 = vector.broadcast %sub3A_1222 : i32 to vector<16xi32>
      %sub3A_1224 = arith.subi %sub3A_1223, %convert_element_type3A_1213 : vector<16xi32>
      %gather3A_1225 = tpu.vector_load_idx %arg4[%sub3A_1224] : memref<31xf32, #tpu.memory_space<vmem>>[vector<16xi32>], vector<16xf32>,
      %swap3A_1226 = arith.constant 0 : i32
      %swap3A_1227 = arith.index_cast %swap3A_1226 : i32 to index
      %swap3A_1228 = arith.constant 2928 : index
      %swap3A_1229 = tpu.vector_load %arg6[%swap3A_1227, %swap3A_1228] {strides = array<i32>} : memref<8x3136xf32, #tpu.memory_space<vmem>>, vector<16xf32>,
      tpu.vector_store %arg6[%swap3A_1227, %swap3A_1228], %gather3A_1218 {strides = array<i32>} : memref<8x3136xf32, #tpu.memory_space<vmem>>, vector<16xf32>,
      %swap3A_1230 = arith.constant 1 : i32
      %swap3A_1231 = arith.index_cast %swap3A_1230 : i32 to index
      %swap3A_1232 = arith.constant 2928 : index
      %swap3A_1233 = tpu.vector_load %arg6[%swap3A_1231, %swap3A_1232] {strides = array<i32>} : memref<8x3136xf32, #tpu.memory_space<vmem>>, vector<16xf32>,
      tpu.vector_store %arg6[%swap3A_1231, %swap3A_1232], %gather3A_1218 {strides = array<i32>} : memref<8x3136xf32, #tpu.memory_space<vmem>>, vector<16xf32>,
      %swap3A_1234 = arith.constant 2 : i32
      %swap3A_1235 = arith.index_cast %swap3A_1234 : i32 to index
      %swap3A_1236 = arith.constant 2928 : index
      %swap3A_1237 = tpu.vector_load %arg6[%swap3A_1235, %swap3A_1236] {strides = array<i32>} : memref<8x3136xf32, #tpu.memory_space<vmem>>, vector<16xf32>,
      tpu.vector_store %arg6[%swap3A_1235, %swap3A_1236], %gather3A_1218 {strides = array<i32>} : memref<8x3136xf32, #tpu.memory_space<vmem>>, vector<16xf32>,
      %swap3A_1238 = arith.constant 3 : i32
      %swap3A_1239 = arith.index_cast %swap3A_1238 : i32 to index
      %swap3A_1240 = arith.constant 2928 : index
      %swap3A_1241 = tpu.vector_load %arg6[%swap3A_1239, %swap3A_1240] {strides = array<i32>} : memref<8x3136xf32, #tpu.memory_space<vmem>>, vector<16xf32>,
      tpu.vector_store %arg6[%swap3A_1239, %swap3A_1240], %gather3A_1218 {strides = array<i32>} : memref<8x3136xf32, #tpu.memory_space<vmem>>, vector<16xf32>,
      %swap3A_1242 = arith.constant 4 : i32
      %swap3A_1243 = arith.index_cast %swap3A_1242 : i32 to index
      %swap3A_1244 = arith.constant 2928 : index
      %swap3A_1245 = tpu.vector_load %arg6[%swap3A_1243, %swap3A_1244] {strides = array<i32>} : memref<8x3136xf32, #tpu.memory_space<vmem>>, vector<16xf32>,
      tpu.vector_store %arg6[%swap3A_1243, %swap3A_1244], %gather3A_1225 {strides = array<i32>} : memref<8x3136xf32, #tpu.memory_space<vmem>>, vector<16xf32>,
      %swap3A_1246 = arith.constant 5 : i32
      %swap3A_1247 = arith.index_cast %swap3A_1246 : i32 to index
      %swap3A_1248 = arith.constant 2928 : index
      %swap3A_1249 = tpu.vector_load %arg6[%swap3A_1247, %swap3A_1248] {strides = array<i32>} : memref<8x3136xf32, #tpu.memory_space<vmem>>, vector<16xf32>,
      tpu.vector_store %arg6[%swap3A_1247, %swap3A_1248], %gather3A_1225 {strides = array<i32>} : memref<8x3136xf32, #tpu.memory_space<vmem>>, vector<16xf32>,
      %swap3A_1250 = arith.constant 6 : i32
      %swap3A_1251 = arith.index_cast %swap3A_1250 : i32 to index
      %swap3A_1252 = arith.constant 2928 : index
      %swap3A_1253 = tpu.vector_load %arg6[%swap3A_1251, %swap3A_1252] {strides = array<i32>} : memref<8x3136xf32, #tpu.memory_space<vmem>>, vector<16xf32>,
      tpu.vector_store %arg6[%swap3A_1251, %swap3A_1252], %gather3A_1225 {strides = array<i32>} : memref<8x3136xf32, #tpu.memory_space<vmem>>, vector<16xf32>,
      %swap3A_1254 = arith.constant 7 : i32
      %swap3A_1255 = arith.index_cast %swap3A_1254 : i32 to index
      %swap3A_1256 = arith.constant 2928 : index
      %swap3A_1257 = tpu.vector_load %arg6[%swap3A_1255, %swap3A_1256] {strides = array<i32>} : memref<8x3136xf32, #tpu.memory_space<vmem>>, vector<16xf32>,
      tpu.vector_store %arg6[%swap3A_1255, %swap3A_1256], %gather3A_1225 {strides = array<i32>} : memref<8x3136xf32, #tpu.memory_space<vmem>>, vector<16xf32>,
      %mul3A_1258 = arith.constant 392 : i32
      %mul3A_1259 = arith.muli %mul3A_1258, %add3A_674 : i32
      %add3A_1260 = arith.constant 192 : i32
      %add3A_1261 = arith.addi %mul3A_1259, %add3A_1260 : i32
      %dma_start3A_1262 = arith.constant 0 : i32
      %dma_start3A_1263 = tpu.memref_slice %arg3[%add3A_1261, %dma_start3A_1262] : memref<3136x3136xf32, #tpu.memory_space<hbm>> -> memref<8x3136xf32, #tpu.memory_space<hbm>>
      %dma_start3A_1264 = arith.constant 0 : i32
      %dma_start3A_1265 = tpu.memref_slice %arg3[%add3A_1261, %dma_start3A_1264] : memref<3136x3136xf32, #tpu.memory_space<hbm>> -> memref<8x3136xf32, #tpu.memory_space<hbm>>
      tpu.enqueue_dma source(%arg6 : memref<8x3136xf32, #tpu.memory_space<vmem>>) target(%dma_start3A_1265 : memref<8x3136xf32, #tpu.memory_space<hbm>>) target_semaphore(%arg8 : memref<!tpu.dma_semaphore, #tpu.memory_space<semaphore_mem>>)
      %dma_wait3A_1266 = arith.constant 0 : i32
      %dma_wait3A_1267 = tpu.memref_slice %arg3[%add3A_1261, %dma_wait3A_1266] : memref<3136x3136xf32, #tpu.memory_space<hbm>> -> memref<8x3136xf32, #tpu.memory_space<hbm>>
      %dma_wait3A_1268 = arith.constant 0 : i32
      %dma_wait3A_1269 = tpu.memref_slice %arg3[%add3A_1261, %dma_wait3A_1268] : memref<3136x3136xf32, #tpu.memory_space<hbm>> -> memref<8x3136xf32, #tpu.memory_space<hbm>>
      tpu.wait_dma2 semaphore(%arg8 : memref<!tpu.dma_semaphore, #tpu.memory_space<semaphore_mem>>) src(%arg6 : memref<8x3136xf32, #tpu.memory_space<vmem>>) dst(%dma_wait3A_1269 : memref<8x3136xf32, #tpu.memory_space<hbm>>)
    } else {
    }
    %dma_wait3A = arith.constant 0 : i32
    %dma_wait3A_625 = tpu.memref_slice %arg3[%add3A_551, %dma_wait3A] : memref<3136x3136xf32, #tpu.memory_space<hbm>> -> memref<8x3136xf32, #tpu.memory_space<hbm>>
    %dma_wait3A_626 = arith.constant 0 : i32
    %dma_wait3A_627 = tpu.memref_slice %arg3[%add3A_551, %dma_wait3A_626] : memref<3136x3136xf32, #tpu.memory_space<hbm>> -> memref<8x3136xf32, #tpu.memory_space<hbm>>
    tpu.wait_dma2 semaphore(%arg7 : memref<!tpu.dma_semaphore, #tpu.memory_space<semaphore_mem>>) src(%arg5 : memref<8x3136xf32, #tpu.memory_space<vmem>>) dst(%dma_wait3A_627 : memref<8x3136xf32, #tpu.memory_space<hbm>>)
    %dma_wait3A_628 = arith.constant 0 : i32
    %dma_wait3A_629 = tpu.memref_slice %arg3[%add3A_556, %dma_wait3A_628] : memref<3136x3136xf32, #tpu.memory_space<hbm>> -> memref<8x3136xf32, #tpu.memory_space<hbm>>
    %dma_wait3A_630 = arith.constant 0 : i32
    %dma_wait3A_631 = tpu.memref_slice %arg3[%add3A_556, %dma_wait3A_630] : memref<3136x3136xf32, #tpu.memory_space<hbm>> -> memref<8x3136xf32, #tpu.memory_space<hbm>>
    tpu.wait_dma2 semaphore(%arg7 : memref<!tpu.dma_semaphore, #tpu.memory_space<semaphore_mem>>) src(%arg5 : memref<8x3136xf32, #tpu.memory_space<vmem>>) dst(%dma_wait3A_631 : memref<8x3136xf32, #tpu.memory_space<hbm>>)
    %dma_wait3A_632 = arith.constant 0 : i32
    %dma_wait3A_633 = tpu.memref_slice %arg3[%add3A_562, %dma_wait3A_632] : memref<3136x3136xf32, #tpu.memory_space<hbm>> -> memref<8x3136xf32, #tpu.memory_space<hbm>>
    %dma_wait3A_634 = arith.constant 0 : i32
    %dma_wait3A_635 = tpu.memref_slice %arg3[%add3A_562, %dma_wait3A_634] : memref<3136x3136xf32, #tpu.memory_space<hbm>> -> memref<8x3136xf32, #tpu.memory_space<hbm>>
    tpu.wait_dma2 semaphore(%arg7 : memref<!tpu.dma_semaphore, #tpu.memory_space<semaphore_mem>>) src(%arg5 : memref<8x3136xf32, #tpu.memory_space<vmem>>) dst(%dma_wait3A_635 : memref<8x3136xf32, #tpu.memory_space<hbm>>)
    %dma_wait3A_636 = arith.constant 0 : i32
    %dma_wait3A_637 = tpu.memref_slice %arg3[%add3A_568, %dma_wait3A_636] : memref<3136x3136xf32, #tpu.memory_space<hbm>> -> memref<8x3136xf32, #tpu.memory_space<hbm>>
    %dma_wait3A_638 = arith.constant 0 : i32
    %dma_wait3A_639 = tpu.memref_slice %arg3[%add3A_568, %dma_wait3A_638] : memref<3136x3136xf32, #tpu.memory_space<hbm>> -> memref<8x3136xf32, #tpu.memory_space<hbm>>
    tpu.wait_dma2 semaphore(%arg7 : memref<!tpu.dma_semaphore, #tpu.memory_space<semaphore_mem>>) src(%arg5 : memref<8x3136xf32, #tpu.memory_space<vmem>>) dst(%dma_wait3A_639 : memref<8x3136xf32, #tpu.memory_space<hbm>>)
    %dma_wait3A_640 = arith.constant 0 : i32
    %dma_wait3A_641 = tpu.memref_slice %arg3[%add3A_574, %dma_wait3A_640] : memref<3136x3136xf32, #tpu.memory_space<hbm>> -> memref<8x3136xf32, #tpu.memory_space<hbm>>
    %dma_wait3A_642 = arith.constant 0 : i32
    %dma_wait3A_643 = tpu.memref_slice %arg3[%add3A_574, %dma_wait3A_642] : memref<3136x3136xf32, #tpu.memory_space<hbm>> -> memref<8x3136xf32, #tpu.memory_space<hbm>>
    tpu.wait_dma2 semaphore(%arg7 : memref<!tpu.dma_semaphore, #tpu.memory_space<semaphore_mem>>) src(%arg5 : memref<8x3136xf32, #tpu.memory_space<vmem>>) dst(%dma_wait3A_643 : memref<8x3136xf32, #tpu.memory_space<hbm>>)
    %dma_wait3A_644 = arith.constant 0 : i32
    %dma_wait3A_645 = tpu.memref_slice %arg3[%add3A_580, %dma_wait3A_644] : memref<3136x3136xf32, #tpu.memory_space<hbm>> -> memref<8x3136xf32, #tpu.memory_space<hbm>>
    %dma_wait3A_646 = arith.constant 0 : i32
    %dma_wait3A_647 = tpu.memref_slice %arg3[%add3A_580, %dma_wait3A_646] : memref<3136x3136xf32, #tpu.memory_space<hbm>> -> memref<8x3136xf32, #tpu.memory_space<hbm>>
    tpu.wait_dma2 semaphore(%arg7 : memref<!tpu.dma_semaphore, #tpu.memory_space<semaphore_mem>>) src(%arg5 : memref<8x3136xf32, #tpu.memory_space<vmem>>) dst(%dma_wait3A_647 : memref<8x3136xf32, #tpu.memory_space<hbm>>)
    %dma_wait3A_648 = arith.constant 0 : i32
    %dma_wait3A_649 = tpu.memref_slice %arg3[%add3A_586, %dma_wait3A_648] : memref<3136x3136xf32, #tpu.memory_space<hbm>> -> memref<8x3136xf32, #tpu.memory_space<hbm>>
    %dma_wait3A_650 = arith.constant 0 : i32
    %dma_wait3A_651 = tpu.memref_slice %arg3[%add3A_586, %dma_wait3A_650] : memref<3136x3136xf32, #tpu.memory_space<hbm>> -> memref<8x3136xf32, #tpu.memory_space<hbm>>
    tpu.wait_dma2 semaphore(%arg7 : memref<!tpu.dma_semaphore, #tpu.memory_space<semaphore_mem>>) src(%arg5 : memref<8x3136xf32, #tpu.memory_space<vmem>>) dst(%dma_wait3A_651 : memref<8x3136xf32, #tpu.memory_space<hbm>>)
    %dma_wait3A_652 = arith.constant 0 : i32
    %dma_wait3A_653 = tpu.memref_slice %arg3[%add3A_592, %dma_wait3A_652] : memref<3136x3136xf32, #tpu.memory_space<hbm>> -> memref<8x3136xf32, #tpu.memory_space<hbm>>
    %dma_wait3A_654 = arith.constant 0 : i32
    %dma_wait3A_655 = tpu.memref_slice %arg3[%add3A_592, %dma_wait3A_654] : memref<3136x3136xf32, #tpu.memory_space<hbm>> -> memref<8x3136xf32, #tpu.memory_space<hbm>>
    tpu.wait_dma2 semaphore(%arg7 : memref<!tpu.dma_semaphore, #tpu.memory_space<semaphore_mem>>) src(%arg5 : memref<8x3136xf32, #tpu.memory_space<vmem>>) dst(%dma_wait3A_655 : memref<8x3136xf32, #tpu.memory_space<hbm>>)
    %dma_wait3A_656 = arith.constant 0 : i32
    %dma_wait3A_657 = tpu.memref_slice %arg3[%add3A_598, %dma_wait3A_656] : memref<3136x3136xf32, #tpu.memory_space<hbm>> -> memref<8x3136xf32, #tpu.memory_space<hbm>>
    %dma_wait3A_658 = arith.constant 0 : i32
    %dma_wait3A_659 = tpu.memref_slice %arg3[%add3A_598, %dma_wait3A_658] : memref<3136x3136xf32, #tpu.memory_space<hbm>> -> memref<8x3136xf32, #tpu.memory_space<hbm>>
    tpu.wait_dma2 semaphore(%arg7 : memref<!tpu.dma_semaphore, #tpu.memory_space<semaphore_mem>>) src(%arg5 : memref<8x3136xf32, #tpu.memory_space<vmem>>) dst(%dma_wait3A_659 : memref<8x3136xf32, #tpu.memory_space<hbm>>)
    %dma_wait3A_660 = arith.constant 0 : i32
    %dma_wait3A_661 = tpu.memref_slice %arg3[%add3A_604, %dma_wait3A_660] : memref<3136x3136xf32, #tpu.memory_space<hbm>> -> memref<8x3136xf32, #tpu.memory_space<hbm>>
    %dma_wait3A_662 = arith.constant 0 : i32
    %dma_wait3A_663 = tpu.memref_slice %arg3[%add3A_604, %dma_wait3A_662] : memref<3136x3136xf32, #tpu.memory_space<hbm>> -> memref<8x3136xf32, #tpu.memory_space<hbm>>
    tpu.wait_dma2 semaphore(%arg7 : memref<!tpu.dma_semaphore, #tpu.memory_space<semaphore_mem>>) src(%arg5 : memref<8x3136xf32, #tpu.memory_space<vmem>>) dst(%dma_wait3A_663 : memref<8x3136xf32, #tpu.memory_space<hbm>>)
    %dma_wait3A_664 = arith.constant 0 : i32
    %dma_wait3A_665 = tpu.memref_slice %arg3[%add3A_610, %dma_wait3A_664] : memref<3136x3136xf32, #tpu.memory_space<hbm>> -> memref<8x3136xf32, #tpu.memory_space<hbm>>
    %dma_wait3A_666 = arith.constant 0 : i32
    %dma_wait3A_667 = tpu.memref_slice %arg3[%add3A_610, %dma_wait3A_666] : memref<3136x3136xf32, #tpu.memory_space<hbm>> -> memref<8x3136xf32, #tpu.memory_space<hbm>>
    tpu.wait_dma2 semaphore(%arg7 : memref<!tpu.dma_semaphore, #tpu.memory_space<semaphore_mem>>) src(%arg5 : memref<8x3136xf32, #tpu.memory_space<vmem>>) dst(%dma_wait3A_667 : memref<8x3136xf32, #tpu.memory_space<hbm>>)
    %dma_wait3A_668 = arith.constant 0 : i32
    %dma_wait3A_669 = tpu.memref_slice %arg3[%add3A_616, %dma_wait3A_668] : memref<3136x3136xf32, #tpu.memory_space<hbm>> -> memref<8x3136xf32, #tpu.memory_space<hbm>>
    %dma_wait3A_670 = arith.constant 0 : i32
    %dma_wait3A_671 = tpu.memref_slice %arg3[%add3A_616, %dma_wait3A_670] : memref<3136x3136xf32, #tpu.memory_space<hbm>> -> memref<8x3136xf32, #tpu.memory_space<hbm>>
    tpu.wait_dma2 semaphore(%arg7 : memref<!tpu.dma_semaphore, #tpu.memory_space<semaphore_mem>>) src(%arg5 : memref<8x3136xf32, #tpu.memory_space<vmem>>) dst(%dma_wait3A_671 : memref<8x3136xf32, #tpu.memory_space<hbm>>)
    return
  }
}

</mosaic_0001>

<sc_bundles>
// kernel: _fill.3.cloned.1.call-start
scs
__scs_entry_jumppad:
0x0: {  	(pc) =	sbr.rel $0x88, $3  }
0x1: {  	(tag) =	ssettag $0x0;
	lr =	simm.s32 $0x1  }
0x2: {  	[smem:$0x3FA0] =	sst lr;
	_ =	strace $0xD0000000  }
0x3: {  	_ = 	snop  }
0x4: {  	_ = 	snop  }
0x5: {  	_ = 	snop  }
0x6: {  	_ = 	snop  }
0x7: {  	_ = 	snop  }
__scs_overlays_trampoline_lowered:
0x8: {  	[smem:$0x3FAF] =	sst s0  }
0x9: {  	[smem:$0x3FB0] =	sst s1  }
0xa: {  	[smem:$0x3FB1] =	sst s2  }
0xb: {  	[smem:$0x3FB2] =	sst s3  }
0xc: {  	[smem:$0x3FB3] =	sst s4  }
0xd: {  	[smem:$0x3FB4] =	sst s5  }
0xe: {  	[smem:$0x3FB5] =	sst s6  }
0xf: {  	[smem:$0x3FB6] =	sst s7  }
0x10: {  	[smem:$0x3FB7] =	sst s8  }
0x11: {  	[smem:$0x3FB8] =	sst s9;
	s0 =	simm.s32 @!p0 $0x0  }
0x12: {  	s1 =	sld [smem:$0x3F9E];
	s0 =	simm.s32 @p0 $0x1  }
0x13: {  	[smem:$0x3FB9] =	sst s0;
	s0 =	simm.s32 @!p1 $0x0  }
0x14: {  	s2 =	sld [smem:$0x3F9D];
	s0 =	simm.s32 @p1 $0x1  }
0x15: {  	[smem:$0x3FBA] =	sst s0;
	s0 =	simm.s32 @!p2 $0x0  }
0x16: {  	s3 =	sld [smem:$0x3FDB];
	s0 =	simm.s32 @p2 $0x1  }
0x17: {  	s4 =	simm.s32 $0x1BF5;
	[smem:$0x3FBC] =	sst s0  }
0x18: {  	s0 =	sld [smem:$0x3F9F];
	_ =	swait.ge [sflag:s4], $0x0  }
0x19: {  	s7 =	sld [smem:$0x3FA0]  }
0x1a: {  	s8 =	sadd.s32 $0xFFFFE003, lr  }
0x1b: {  	s9 =	sadd.s32 $0xFFFFFEF7, lr;
	s5 =	simm.s32 $0xFFFFFFFF;
	p2 =	slt.u32 s8, $0xFFFFF086  }
0x1c: {  	p1 =	slt.u32 s9, $0xF7A;
	s5 =	simm.s32 @!p2 $0x0  }
0x1d: {  	s5 =	simm.s32 @p1 $0x1;
	p0 =	seq.s32 s7, s2  }
0x1e: {  	s7 =	smul.u32 @!p0 $0xF7A, s2;
	p2 =	seq.s32 @!p0 s5, $0x0  }
0x1f: {  	s9 =	smul.u32 $0xF7A, s1;
	s8 =	simm.s32 @!p0 $0x1BF5;
	p2 =	por !p2, p0  }
0x20: {  	[sflag:s8] =	ssyncset.s32 @!p0 $0xFFFFF086;
	s6 =	sadd.s32 @!p0 s3, s7;
	s7 =	simm.s32 @!p0 $0x108  }
0x21: {  	s3 =	sadd.s32 s3, s9;
	s6 =	sadd.s32 @!p0 $0x88, s6;
	s7 =	simm.s32 @p2 $0x1082  }
0x22: {  	[simem:s7], [sflag:s8] =	dma.local @!p0 [hbm:s6], $0xF7A  }
0x23: {  	s9 =	sor.u32 $0xD0000000, s2;
	s6 =	simm.s32 $0x108;
	_ =	swait.ge @!p0 [sflag:s8], $0x0  }
0x24: {  	s3 =	sadd.s32 $0x88, s3;
	s6 =	simm.s32 @!p1 $0x1082;
	[sflag:s4] =	ssyncset.s32 $0xFFFFF086  }
0x25: {  	[simem:s6], [sflag:s4] =	dma.local [hbm:s3], $0xF7A  }
0x26: {  	[smem:$0x3FA0] =	sst s1;
	(tag) =	ssettag s2;
	_ =	strace s9  }
0x27: {  	s1 =	sld [smem:$0x3FB0]  }
0x28: {  	s2 =	sld [smem:$0x3FB1]  }
0x29: {  	s4 =	sld [smem:$0x3FB3]  }
0x2a: {  	p0 =	seq.s32 s5, $0x0;
	s5 =	sld [smem:$0x3FB4]  }
0x2b: {  	s6 =	sld [smem:$0x3FB5]  }
0x2c: {  	s7 =	sld [smem:$0x3FB6]  }
0x2d: {  	s3 =	simm.s32 $0x108;
	s8 =	sld [smem:$0x3FB7]  }
0x2e: {  	s3 =	simm.s32 @!p0 $0x1082;
	s9 =	sld [smem:$0x3FB8]  }
0x2f: {  	lr =	sadd.s32 s0, s3;
	s0 =	sld [smem:$0x3FAF]  }
0x30: {  	s3 =	sld [smem:$0x3FB2]  }
0x31: {  	[smem:$0x3FBB] =	sst s10  }
0x32: {  	s10 =	sld [smem:$0x3FB9];
	_ =	sdelay $0x3  }
0x33: {  	p0 =	seq.s32 s10, $0x1;
	s10 =	sld [smem:$0x3FBB];
	_ =	sdelay $0x3  }
0x34: {  	[smem:$0x3FBB] =	sst s10  }
0x35: {  	s10 =	sld [smem:$0x3FBA];
	_ =	sdelay $0x3  }
0x36: {  	p1 =	seq.s32 s10, $0x1;
	s10 =	sld [smem:$0x3FBB];
	_ =	sdelay $0x3  }
0x37: {  	[smem:$0x3FBB] =	sst s10  }
0x38: {  	s10 =	sld [smem:$0x3FBC]  }
0x39: {  	_ = 	snop;
	(pc) =	sbr.ind lr, $3  }
0x3a: {  	_ = 	snop  }
0x3b: {  	_ = 	snop  }
0x3c: {  	p2 =	seq.s32 s10, $0x1;
	s10 =	sld [smem:$0x3FBB]  }
0x3d: {  	_ =	shalt  }
0x3e: {  	_ =	shalt  }
0x3f: {  	_ =	shalt  }
0x40: {  	_ =	shalt  }
0x41: {  	_ =	shalt  }
0x42: {  	_ =	shalt  }
0x43: {  	_ =	shalt  }
0x44: {  	_ =	shalt  }
0x45: {  	_ =	shalt  }
0x46: {  	_ =	shalt  }
0x47: {  	_ =	shalt  }
0x48: {  	_ =	shalt  }
0x49: {  	_ =	shalt  }
0x4a: {  	_ =	shalt  }
0x4b: {  	_ =	shalt  }
0x4c: {  	_ =	shalt  }
0x4d: {  	_ =	shalt  }
0x4e: {  	_ =	shalt  }
0x4f: {  	_ =	shalt  }
0x50: {  	_ =	shalt  }
0x51: {  	_ =	shalt  }
0x52: {  	_ =	shalt  }
0x53: {  	_ =	shalt  }
0x54: {  	_ =	shalt  }
0x55: {  	_ =	shalt  }
0x56: {  	_ =	shalt  }
0x57: {  	_ =	shalt  }
0x58: {  	_ =	shalt  }
0x59: {  	_ =	shalt  }
0x5a: {  	_ =	shalt  }
0x5b: {  	_ =	shalt  }
0x5c: {  	_ =	shalt  }
0x5d: {  	_ =	shalt  }
0x5e: {  	_ =	shalt  }
0x5f: {  	_ =	shalt  }
0x60: {  	_ =	shalt  }
0x61: {  	_ =	shalt  }
0x62: {  	_ =	shalt  }
0x63: {  	_ =	shalt  }
0x64: {  	_ =	shalt  }
0x65: {  	_ =	shalt  }
0x66: {  	_ =	shalt  }
0x67: {  	_ =	shalt  }
0x68: {  	_ =	shalt  }
0x69: {  	_ =	shalt  }
0x6a: {  	_ =	shalt  }
0x6b: {  	_ =	shalt  }
0x6c: {  	_ =	shalt  }
0x6d: {  	_ =	shalt  }
0x6e: {  	_ =	shalt  }
0x6f: {  	_ =	shalt  }
0x70: {  	_ =	shalt  }
0x71: {  	_ =	shalt  }
0x72: {  	_ =	shalt  }
0x73: {  	_ =	shalt  }
0x74: {  	_ =	shalt  }
0x75: {  	_ =	shalt  }
0x76: {  	_ =	shalt  }
0x77: {  	_ =	shalt  }
0x78: {  	_ =	shalt  }
0x79: {  	_ =	shalt  }
0x7a: {  	_ =	shalt  }
0x7b: {  	_ =	shalt  }
0x7c: {  	_ =	shalt  }
0x7d: {  	_ =	shalt  }
0x7e: {  	_ =	shalt  }
0x7f: {  	_ =	shalt  }
0x80: {  	_ =	shalt  }
0x81: {  	_ =	shalt  }
0x82: {  	_ =	shalt  }
0x83: {  	_ =	shalt  }
0x84: {  	_ =	shalt  }
0x85: {  	_ =	shalt  }
0x86: {  	_ =	shalt  }
0x87: {  	_ =	shalt  }
.Lfunc_end0:
.L_simem_size_0:
called_computation_lowered:
.L_overlay_start_0:
0x88: {  	s2 =	sld [smem:$0x3FD9]  }
0x89: {  	s3 =	sld [smem:$0x3FFE];
	_ =	sdelay $0x1  }
0x8a: {  	s1 =	srdreg.scid  }
0x8b: {  	s0 =	sand.u32 $0x1, s1  }
0x8c: {  	s18 =	sshll.u32 s0, $0xA;
	s2 =	sadd.s32 s3, s2  }
0x8d: {  	s2 =	sadd.s32 s2, s18  }
0x8e: {  	[smem:$0x3FC7] =	sst s2  }
0x8f: {  	_ = 	snop  }
0x90: {  	s2 =	sld [smem:$0x3FC9]  }
0x91: {  	s19 =	sld [smem:$0x3FD0];
	(tm) =	ssettm $0x1  }
0x92: {  	s4 =	sld [smem:$0x3FFB];
	_ =	sdelay $0x3  }
0x93: {  	_ =	strace s4  }
0x94: {  	s4 =	sld [smem:$0x3FFC];
	_ =	sdelay $0x3  }
0x95: {  	_ =	strace s4  }
0x96: {  	s4 =	sld [smem:$0x3FFD];
	_ =	sdelay $0x3  }
0x97: {  	_ =	strace s4  }
0x98: {  	_ =	strace $0x8FFFFFFF  }
0x99: {  	s20 =	sld [smem:$0x3FDB];
	_ =	sdelay $0x1  }
0x9a: {  	s5 =	simm.s32 $_scs_section_size  }
0x9b: {  	s6 =	simm.s32 $_size__tile_overlayer_lowered;
	s7 =	simm.s32 $_tile_overlayer_lowered  }
0x9c: {  	s23 =	simm.s32 $0x1BFF;
	s22 =	sshll.u32 s7, $0x1;
	s4 =	sadd.s32 s5, s20  }
0x9d: {  	s8 =	simm.s32 $0x0;
	s21 =	sshll.u32 s6, $0x1;
	s6 =	sadd.s32 s22, s4  }
0x9e: {  	[timem:s8], [sflag:s23] =	dma.local [hbm:s6], s21  }
0x9f: {  	_ =	swait.ge [sflag:s23], s21  }
0xa0: {  	s5 =	ssub.s32 $0x0, s21;
	[sflag:s23] =	ssyncset.done $0x0  }
0xa1: {  	[sflag:s23] =	ssyncadd.s32 s5;
	_ =	sdelay $0x1  }
0xa2: {  	s24 =	simm.s32 $0x1B8B  }
0xa3: {  	_ =	swait.ge [sflag:s24], $0x1  }
0xa4: {  	[sflag:s24] =	ssyncset.done $0x0  }
0xa5: {  	s25 =	simm.s32 $0x1B8E;
	[sflag:s24] =	ssyncadd.s32 $0xFFFFFFFF  }
0xa6: {  	s26 =	simm.s32 $execute0_lowered;
	[smem:$0x3FD2] =	sst s25  }
0xa7: {  	s5 =	sshll.u32 s26, $0x1;
	_ =	strace $0x80000046;
	[dreg:$0x1] =	wrdreg $0xFFFFFFFF  }
0xa8: {  	s28 =	simm.s32 $_size_execute0_lowered;
	s4 =	sadd.s32 s4, s5;
	[dreg:$0x0] =	wrdreg $0x0  }
0xa9: {  	s5 =	sshll.u32 s28, $0x1;
	[dreg:$0x2] =	wrdreg s4  }
0xaa: {  	[dreg:$0x3] =	wrdreg s5  }
0xab: {  	[dreg:$0x4] =	wrdreg $0xC0  }
0xac: {  	_ =	task [dreg:s8], $0x5FFFF  }
0xad: {  	[dreg:$0x1] =	wrdreg $0xFFFFFFFF  }
0xae: {  	[dreg:$0x0] =	wrdreg $0x60  }
0xaf: {  	[dreg:$0x2] =	wrdreg s2  }
0xb0: {  	[dreg:$0x3] =	wrdreg s19  }
0xb1: {  	[dreg:$0x4] =	wrdreg $0x9  }
0xb2: {  	_ =	task.clear_ibuf [dreg:s8], $0x5FFFF;
	_ =	strace $0x90000046  }
0xb3: {  	s29 =	simm.s32 $0x9;
	_ =	strace $0x80000048  }
0xb4: {  	_ =	swait.ge [sflag:s29], $0x1  }
0xb5: {  	[sflag:s29] =	ssyncadd.s32 $0xFFFFFFFF  }
0xb6: {  	_ =	strace $0x90000048  }
0xb7: {  	_ =	sfence  }
0xb8: {  	s30 =	sld [smem:$0x0];
	_ =	sdelay $0x2  }
0xb9: {  	s31 =	sshll.u32 s1, $0xD;
	s1 =	sshrl.u32 s1, $0x2  }
0xba: {  	s3 =	sand.u32 $0x4000, s31;
	s1 =	sadd.s32 s1, s30  }
0xbb: {  	s0 =	sor.u32 s3, s0;
	s1 =	sshll.u32 s1, $0x11  }
0xbc: {  	s0 =	sor.u32 s1, s0  }
0xbd: {  	s0 =	sadd.s32 $0x8F2B, s0  }
0xbe: {  	[sflag:s0] =	ssyncadd.remote.s32 $0x1  }
0xbf: {  	_ =	sfence.sel $0xFFFF  }
0xc0: {  	[dreg:$0x0] =	wrdreg $0xFFFFFFFF;
	(pc) =	sbr.abs _section_cstart, $3  }
0xc1: {  	[dreg:$0x1] =	wrdreg $0xFFFFFFFF  }
0xc2: {  	_ =	task.clear_ibuf [dreg:s8], $0x2FFFF;
	_ =	strace $0x9FFFFFFF  }
0xc3: {  	(tm) =	ssettm $0x7FFFFFFF  }
tec
execute0_lowered:
.L_overlay_start_1:
0x0: {  	(tag) =	ssettag $0x1  }
0x1: {  	s2 =	rddreg [dreg:$0x1]  }
0x2: {  	s20 =	stileid.u32;
	s0 =	srdreg.scid  }
0x3: {  	s23 =	simm.s32 $0x0;
	s3 =	sand.u32 $0x1, s20;
	s1 =	sand.u32 $0x1, s0  }
0x4: {  	s31 =	sshrl.u32 s20, $0x1;
	[smem:$0x7FF] =	sst s23;
	s21 =	sadd.s32 $0xF, s20  }
0x5: {  	s30 =	sadd.s32 $0xB, s20;
	s7 =	sadd.s32 $0xA, s20;
	s8 =	sadd.s32 $0x9, s20  }
0x6: {  	s9 =	sadd.s32 $0x7, s20;
	s10 =	sadd.s32 $0x6, s20;
	s4 =	sshll.u32 s3, $0x1  }
0x7: {  	s0 =	smul.u32 $0x188, s31;
	s5 =	ssub.s32 $0x2, s1;
	s4 =	sor.u32 s1, s4  }
0x8: {  	s3 =	sshll.u32 s3, $0x3;
	s6 =	sshrl.u32 s5, $0x1;
	s4 =	smul.u32 $0x60, s4  }
0x9: {  	_ =	strace $0x80000047;
	s3 =	sadd.s32 s0, s3;
	s0 =	ssub.s32 s5, s6  }
0xa: {  	[smem:$0x7FA] =	sst s21;
	s0 =	smax.u32 s0, $0x1;
	s3 =	sadd.s32 s4, s3  }
0xb: {  	[smem:$0x7FC] =	sst s0;
	s14 =	sshrl.u32 s3, $0x3;
	s15 =	sadd.s32 $0x8, s3  }
0xc: {  	s16 =	sadd.s32 $0x18, s3;
	s17 =	sadd.s32 $0x28, s3;
	s18 =	sadd.s32 $0x38, s3  }
0xd: {  	s19 =	sadd.s32 $0x48, s3;
	s3 =	sadd.s32 $0x58, s3;
	s14 =	smul.u32 $0xC80, s14  }
0xe: {  	s15 =	sshrl.u32 s15, $0x3;
	s16 =	sshrl.u32 s16, $0x3;
	s17 =	sshrl.u32 s17, $0x3  }
0xf: {  	s18 =	sshrl.u32 s18, $0x3;
	s19 =	sshrl.u32 s19, $0x3;
	s15 =	smul.u32 $0xC80, s15  }
0x10: {  	s3 =	sshrl.u32 s3, $0x3;
	s16 =	smul.u32 $0xC80, s16;
	s22 =	sadd.s32 s2, s14  }
0x11: {  	s17 =	smul.u32 $0xC80, s17;
	s15 =	sadd.s32 s2, s15;
	[smem:$0x7F8] =	sst s22  }
0x12: {  	s18 =	smul.u32 $0xC80, s18;
	s16 =	sadd.s32 s2, s16;
	[smem:$0x7EE] =	sst s15  }
0x13: {  	s31 =	smul.u32 $0xC80, s19;
	s19 =	sadd.s32 s2, s17;
	[smem:$0x7EF] =	sst s16  }
0x14: {  	s3 =	smul.u32 $0xC80, s3;
	s24 =	sadd.s32 s2, s18;
	[smem:$0x7F0] =	sst s19  }
0x15: {  	s11 =	sadd.s32 $0x5, s20;
	s14 =	sadd.s32 s2, s31;
	[smem:$0x7F1] =	sst s24  }
0x16: {  	v0 =	vlaneseq.u32;
	s12 =	sadd.s32 $0x3, s20;
	s3 =	sadd.s32 s2, s3;
	[smem:$0x7F2] =	sst s14  }
0x17: {  	vm0 =	vcmask $0xF00;
	v1 =	vimm.s32 $0xFFFFFFFF;
	s13 =	sadd.s32 $0x2, s20;
	v0 =	vshrl.u32 v0, $0x3;
	s28 =	sadd.s32 $0x1900, s22;
	[smem:$0x7F3] =	sst s3  }
0x18: {  	vm1 =	vcmask $0x2F00;
	s25 =	sshll.u32 s20, $0x1;
	v31 =	vsel vm0, $0x0, v1;
	v33 =	vmul.u32 $0xFFFFFFFF, v0;
	s29 =	sadd.s32 $0x3200, s22;
	[smem:$0x7F4] =	sst s28  }
0x19: {  	v35 =	vsel vm1, $0x0, v1;
	s26 =	sadd.s32 $0x1, s20;
	v2 =	vadd.s32 s30, v31;
	s30 =	sadd.s32 $0x4B00, s22;
	[smem:$0x7F5] =	sst s29  }
0x1a: {  	v10 =	vadd.s32 s26, v35;
	s26 =	sshll.u32 s20, $0x2;
	v3 =	vadd.s32 s7, v33;
	s7 =	sadd.s32 $0x6400, s22;
	[smem:$0x7F6] =	sst s30  }
0x1b: {  	v4 =	vadd.s32 s8, v35;
	s5 =	sadd.s32 $0xE, s20;
	s8 =	sadd.s32 $0x7D00, s22;
	[smem:$0x7F7] =	sst s7  }
0x1c: {  	v5 =	vadd.s32 s9, v31;
	v7 =	vadd.s32 s11, v35;
	s6 =	sadd.s32 $0xD, s20;
	s3 =	sor.u32 s1, s25;
	[smem:$0x7F9] =	sst s8  }
0x1d: {  	v8 =	vadd.s32 s12, v31;
	v27 =	vadd.s32 s21, v31;
	v6 =	vadd.s32 s10, v33;
	s1 =	sshll.u32 s1, $0x1;
	s4 =	sshll.u32 s3, $0x1;
	s31 =	smul.u32 $0x188, s3  }
0x1e: {  	v9 =	vadd.s32 s13, v33;
	v0 =	vadd.s32 s5, v33;
	v1 =	vadd.s32 s6, v35;
	s3 =	sshllo.u32 s3, $0x1;
	s9 =	sadd.s32 $0xF, s4;
	s11 =	sor.u32 $0x10, s4  }
0x1f: {  	s1 =	sor.u32 s1, s26;
	s12 =	sadd.s32 $0xE, s4;
	s15 =	sadd.s32 $0xD, s4;
	v34 =	vadd.s32 s3, v35;
	v11 =	vadd.s32 s11, v31;
	v12 =	vadd.s32 s9, v31  }
0x20: {  	s16 =	sadd.s32 $0xB, s4;
	s17 =	sadd.s32 $0xC, s4;
	s5 =	sshrl.u32 s31, $0x3;
	v13 =	vadd.s32 s9, v33;
	v14 =	vadd.s32 s15, v35;
	v15 =	vadd.s32 s12, v33  }
0x21: {  	s18 =	sadd.s32 $0xA, s4;
	s19 =	sadd.s32 $0x9, s4;
	v16 =	vadd.s32 s12, v35;
	v17 =	vadd.s32 s17, v31;
	v18 =	vadd.s32 s16, v31;
	s5 =	smul.u32 $0xC80, s5  }
.Ltmp0:
0x22: {  	s22 =	sadd.s32 $0x7, s4;
	s24 =	sadd.s32 $0x8, s4;
	v19 =	vadd.s32 s16, v33;
	v20 =	vadd.s32 s19, v35;
	v21 =	vadd.s32 s18, v33;
	(pc) =	sbr.rel .LBB2_1-.Ltmp0, $4  }
0x23: {  	s25 =	sadd.s32 $0x6, s4;
	s28 =	sadd.s32 $0x5, s4;
	s29 =	sadd.s32 $0x3, s4;
	v22 =	vadd.s32 s18, v35;
	v23 =	vadd.s32 s24, v31;
	v24 =	vadd.s32 s22, v31  }
0x24: {  	s30 =	sadd.s32 $0x4, s4;
	v25 =	vadd.s32 s22, v33;
	v26 =	vadd.s32 s28, v35;
	v28 =	vadd.s32 s25, v33;
	s31 =	sadd.s32 $0x10, s1;
	s2 =	sadd.s32 s2, s5  }
0x25: {  	s4 =	sadd.s32 $0x2, s4;
	v29 =	vadd.s32 s25, v35;
	v30 =	vadd.s32 s29, v31;
	v31 =	vadd.s32 s30, v31;
	[smem:$0x7FD] =	sst s31;
	s2 =	sadd.s32 $0x12C00, s2  }
0x26: {  	p0 =	sgt.u32 s20, $0x3;
	v32 =	vadd.s32 s4, v33;
	v33 =	vadd.s32 s29, v33;
	v35 =	vadd.s32 s4, v35;
	[smem:$0x7FB] =	sst s2;
	s2 =	simm.s32 $0x0  }
.LBB2_6:
0x27: {  	[tilespmem:s30+$0x6480] =	vst v36  }
0x28: {  	[tilespmem:s29+$0x6780] =	vst v37  }
0x29: {  	s0 =	sor.u32 $0x380, s8;
	[tilespmem:s12+$0x6480] =	vst v36  }
0x2a: {  	[tilespmem:s0+$0x6480] =	vst v37  }
0x2b: {  	[tilespmem:s15+$0x6480] =	vst v36  }
0x2c: {  	[tilespmem:s13+$0x6480] =	vst v36  }
0x2d: {  	[tilespmem:s16+$0x6480] =	vst v36  }
0x2e: {  	[tilespmem:s14+$0x6480] =	vst v36  }
0x2f: {  	[tilespmem:s21+$0x6C00] =	vst v36  }
0x30: {  	[tilespmem:s11+$0x6480] =	vst v36  }
0x31: {  	[tilespmem:s4+$0x6480] =	vst v36  }
0x32: {  	[tilespmem:s5+$0x6480] =	vst v36  }
0x33: {  	s0 =	rddreg [dreg:$0x4]  }
0x34: {  	s0 =	sor.u32 $0x380, s0  }
0x35: {  	[tilespmem:s0+$0x6480] =	vst v37  }
0x36: {  	s0 =	rddreg [dreg:$0x3]  }
0x37: {  	s0 =	sor.u32 $0x380, s0  }
0x38: {  	s18 =	sor.u32 $0x380, s7;
	[tilespmem:s0+$0x6480] =	vst v37  }
0x39: {  	s19 =	sor.u32 $0x380, s6;
	[tilespmem:s18+$0x6480] =	vst v37  }
0x3a: {  	s21 =	sor.u32 $0x380, s17;
	[tilespmem:s19+$0x6480] =	vst v37  }
0x3b: {  	s23 =	sor.u32 $0x380, s20;
	[tilespmem:s21+$0x6480] =	vst v37  }
0x3c: {  	s24 =	sor.u32 $0x380, s22;
	[tilespmem:s23+$0x6480] =	vst v37  }
0x3d: {  	[tilespmem:s24+$0x6480] =	vst v37  }
0x3e: {  	s25 =	sor.u32 $0x380, s31;
	[tilespmem:s26+$0x6C00] =	vst v37  }
0x3f: {  	s26 =	sor.u32 $0x380, s2;
	[tilespmem:s25+$0x6480] =	vst v37  }
0x40: {  	s28 =	sor.u32 $0x380, s1;
	[tilespmem:s26+$0x6480] =	vst v37  }
0x41: {  	s29 =	simm.s32 $0x0;
	[tilespmem:s28+$0x6480] =	vst v37  }
0x42: {  	v36 =	vld.idx.msk [tilespmem:v12+s29+$0x0], $0xffff;
	_ =	sdelay $0x3  }
0x43: {  	v37 =	vld.idx.msk [tilespmem:v11+s29+$0x0], $0xffff  }
0x44: {  	[tilespmem:$0x68C0] =	vst v36  }
0x45: {  	[tilespmem:$0x6940] =	vst v36  }
0x46: {  	[tilespmem:$0x69C0] =	vst v36  }
0x47: {  	[tilespmem:$0x6A40] =	vst v36  }
0x48: {  	[tilespmem:$0x6AC0] =	vst v37  }
0x49: {  	[tilespmem:$0x6B40] =	vst v37  }
0x4a: {  	[tilespmem:$0x6BC0] =	vst v37  }
0x4b: {  	[tilespmem:$0x6C40] =	vst v37  }
0x4c: {  	v36 =	vld.idx.msk [tilespmem:v15+s29+$0x0], $0xffff;
	_ =	sdelay $0x3  }
0x4d: {  	v37 =	vld.idx.msk [tilespmem:v13+s29+$0x0], $0xffff  }
0x4e: {  	[tilespmem:$0x7080] =	vst v36  }
0x4f: {  	[tilespmem:$0x7100] =	vst v36  }
0x50: {  	[tilespmem:$0x7180] =	vst v36  }
0x51: {  	[tilespmem:$0x7200] =	vst v36  }
0x52: {  	[tilespmem:$0x7280] =	vst v37  }
0x53: {  	[tilespmem:$0x7300] =	vst v37  }
0x54: {  	[tilespmem:$0x7380] =	vst v37  }
0x55: {  	[tilespmem:$0x7400] =	vst v37  }
0x56: {  	v36 =	vld.idx.msk [tilespmem:v14+s29+$0x0], $0xffff;
	_ =	sdelay $0x3  }
0x57: {  	v37 =	vld.idx.msk [tilespmem:v16+s29+$0x0], $0xffff  }
0x58: {  	[tilespmem:$0x74C0] =	vst v36  }
0x59: {  	[tilespmem:$0x7540] =	vst v36  }
0x5a: {  	[tilespmem:$0x75C0] =	vst v36  }
0x5b: {  	[tilespmem:$0x7640] =	vst v36  }
0x5c: {  	[tilespmem:$0x76C0] =	vst v37  }
0x5d: {  	[tilespmem:$0x7740] =	vst v37  }
0x5e: {  	[tilespmem:$0x77C0] =	vst v37  }
0x5f: {  	[tilespmem:$0x7840] =	vst v37  }
0x60: {  	v36 =	vld.idx.msk [tilespmem:v18+s29+$0x0], $0xffff;
	_ =	sdelay $0x3  }
0x61: {  	v37 =	vld.idx.msk [tilespmem:v17+s29+$0x0], $0xffff  }
0x62: {  	[tilespmem:$0x80D0] =	vst v36  }
0x63: {  	[tilespmem:$0x8150] =	vst v36  }
0x64: {  	[tilespmem:$0x81D0] =	vst v36  }
0x65: {  	[tilespmem:$0x8250] =	vst v36  }
0x66: {  	[tilespmem:$0x82D0] =	vst v37  }
0x67: {  	[tilespmem:$0x8350] =	vst v37  }
0x68: {  	[tilespmem:$0x83D0] =	vst v37  }
0x69: {  	[tilespmem:$0x8450] =	vst v37  }
0x6a: {  	v36 =	vld.idx.msk [tilespmem:v21+s29+$0x0], $0xffff;
	_ =	sdelay $0x3  }
0x6b: {  	v37 =	vld.idx.msk [tilespmem:v19+s29+$0x0], $0xffff  }
0x6c: {  	[tilespmem:$0x8890] =	vst v36  }
0x6d: {  	[tilespmem:$0x8910] =	vst v36  }
0x6e: {  	[tilespmem:$0x8990] =	vst v36  }
0x6f: {  	[tilespmem:$0x8A10] =	vst v36  }
0x70: {  	[tilespmem:$0x8A90] =	vst v37  }
0x71: {  	[tilespmem:$0x8B10] =	vst v37  }
0x72: {  	[tilespmem:$0x8B90] =	vst v37  }
0x73: {  	[tilespmem:$0x8C10] =	vst v37  }
0x74: {  	v36 =	vld.idx.msk [tilespmem:v20+s29+$0x0], $0xffff;
	_ =	sdelay $0x3  }
0x75: {  	v37 =	vld.idx.msk [tilespmem:v22+s29+$0x0], $0xffff  }
0x76: {  	[tilespmem:$0x8CD0] =	vst v36  }
0x77: {  	[tilespmem:$0x8D50] =	vst v36  }
0x78: {  	[tilespmem:$0x8DD0] =	vst v36  }
0x79: {  	[tilespmem:$0x8E50] =	vst v36  }
0x7a: {  	[tilespmem:$0x8ED0] =	vst v37  }
0x7b: {  	[tilespmem:$0x8F50] =	vst v37  }
0x7c: {  	[tilespmem:$0x8FD0] =	vst v37  }
0x7d: {  	[tilespmem:$0x9050] =	vst v37  }
0x7e: {  	v36 =	vld.idx.msk [tilespmem:v24+s29+$0x0], $0xffff;
	_ =	sdelay $0x3  }
0x7f: {  	v37 =	vld.idx.msk [tilespmem:v23+s29+$0x0], $0xffff  }
0x80: {  	[tilespmem:$0x98E0] =	vst v36  }
0x81: {  	[tilespmem:$0x9960] =	vst v36  }
0x82: {  	[tilespmem:$0x99E0] =	vst v36  }
0x83: {  	[tilespmem:$0x9A60] =	vst v36  }
0x84: {  	[tilespmem:$0x9AE0] =	vst v37  }
0x85: {  	[tilespmem:$0x9B60] =	vst v37  }
0x86: {  	[tilespmem:$0x9BE0] =	vst v37  }
0x87: {  	[tilespmem:$0x9C60] =	vst v37  }
0x88: {  	v36 =	vld.idx.msk [tilespmem:v28+s29+$0x0], $0xffff;
	_ =	sdelay $0x3  }
0x89: {  	v37 =	vld.idx.msk [tilespmem:v25+s29+$0x0], $0xffff  }
0x8a: {  	[tilespmem:$0xA0A0] =	vst v36  }
0x8b: {  	[tilespmem:$0xA120] =	vst v36  }
0x8c: {  	[tilespmem:$0xA1A0] =	vst v36  }
0x8d: {  	[tilespmem:$0xA220] =	vst v36  }
0x8e: {  	[tilespmem:$0xA2A0] =	vst v37  }
0x8f: {  	[tilespmem:$0xA320] =	vst v37  }
0x90: {  	[tilespmem:$0xA3A0] =	vst v37  }
0x91: {  	[tilespmem:$0xA420] =	vst v37  }
0x92: {  	v36 =	vld.idx.msk [tilespmem:v26+s29+$0x0], $0xffff;
	_ =	sdelay $0x3  }
0x93: {  	v37 =	vld.idx.msk [tilespmem:v29+s29+$0x0], $0xffff  }
0x94: {  	[tilespmem:$0xA4E0] =	vst v36  }
0x95: {  	[tilespmem:$0xA560] =	vst v36  }
0x96: {  	[tilespmem:$0xA5E0] =	vst v36  }
0x97: {  	[tilespmem:$0xA660] =	vst v36  }
0x98: {  	[tilespmem:$0xA6E0] =	vst v37  }
0x99: {  	[tilespmem:$0xA760] =	vst v37  }
0x9a: {  	[tilespmem:$0xA7E0] =	vst v37  }
0x9b: {  	[tilespmem:$0xA860] =	vst v37  }
0x9c: {  	v36 =	vld.idx.msk [tilespmem:v30+s29+$0x0], $0xffff;
	_ =	sdelay $0x3  }
0x9d: {  	v37 =	vld.idx.msk [tilespmem:v31+s29+$0x0], $0xffff  }
0x9e: {  	[tilespmem:$0xB0F0] =	vst v36  }
0x9f: {  	[tilespmem:$0xB170] =	vst v36  }
0xa0: {  	[tilespmem:$0xB1F0] =	vst v36  }
0xa1: {  	[tilespmem:$0xB270] =	vst v36  }
0xa2: {  	[tilespmem:$0xB2F0] =	vst v37  }
0xa3: {  	[tilespmem:$0xB370] =	vst v37  }
0xa4: {  	[tilespmem:$0xB3F0] =	vst v37  }
0xa5: {  	[tilespmem:$0xB470] =	vst v37  }
0xa6: {  	v36 =	vld.idx.msk [tilespmem:v32+s29+$0x0], $0xffff;
	_ =	sdelay $0x3  }
0xa7: {  	v37 =	vld.idx.msk [tilespmem:v33+s29+$0x0], $0xffff  }
0xa8: {  	[tilespmem:$0xB8B0] =	vst v36  }
0xa9: {  	[tilespmem:$0xB930] =	vst v36  }
0xaa: {  	[tilespmem:$0xB9B0] =	vst v36  }
0xab: {  	[tilespmem:$0xBA30] =	vst v36  }
0xac: {  	[tilespmem:$0xBAB0] =	vst v37  }
0xad: {  	[tilespmem:$0xBB30] =	vst v37  }
0xae: {  	[tilespmem:$0xBBB0] =	vst v37  }
0xaf: {  	[tilespmem:$0xBC30] =	vst v37  }
0xb0: {  	v36 =	vld.idx.msk [tilespmem:v34+s29+$0x0], $0xffff;
	_ =	sdelay $0x3  }
0xb1: {  	v37 =	vld.idx.msk [tilespmem:v35+s29+$0x0], $0xffff  }
0xb2: {  	[tilespmem:$0xBCF0] =	vst v36  }
0xb3: {  	[tilespmem:$0xBD70] =	vst v36  }
0xb4: {  	[tilespmem:$0xBDF0] =	vst v36  }
0xb5: {  	[tilespmem:$0xBE70] =	vst v36  }
0xb6: {  	[tilespmem:$0xBEF0] =	vst v37  }
0xb7: {  	s0 =	sld [smem:$0x7FB];
	[tilespmem:$0xBF70] =	vst v37  }
0xb8: {  	[tilespmem:$0xBFF0] =	vst v37  }
0xb9: {  	s30 =	simm.s32 $0x6480;
	s31 =	simm.s32 $0x2;
	[tilespmem:$0xC070] =	vst v37  }
0xba: {  	[hbm4b:s0+s29] =	stream.linear.scatter [tilespmem:s30], [sflag:$0x2], $0x6400, $0x38;
	[tilespmem:$0xC880] =	vst v63  }
0xbb: {  	_ =	swait.ge [sflag:s31], $0x6400  }
0xbc: {  	[sflag:s31] =	ssyncset.done $0x0  }
0xbd: {  	s23 =	simm.s32 $0x0;
	s2 =	sld [smem:$0x7E6];
	[sflag:s31] =	ssyncadd.s32 $0xFFFF9C00  }
.LBB2_7:
0xbe: {  	s1 =	simm.s32 $0x1  }
0xbf: {  	_ =	swait.ge [sflag:s1], $0x6400  }
0xc0: {  	[sflag:s1] =	ssyncset.done $0x0  }
0xc1: {  	[sflag:s1] =	ssyncadd.s32 $0xFFFF9C00  }
0xc2: {  	_ =	swait.ge [sflag:s1], $0x6400  }
0xc3: {  	[sflag:s1] =	ssyncset.done $0x0  }
0xc4: {  	[sflag:s1] =	ssyncadd.s32 $0xFFFF9C00  }
0xc5: {  	_ =	swait.ge [sflag:s1], $0x6400  }
0xc6: {  	[sflag:s1] =	ssyncset.done $0x0  }
0xc7: {  	[sflag:s1] =	ssyncadd.s32 $0xFFFF9C00  }
0xc8: {  	_ =	swait.ge [sflag:s1], $0x6400  }
0xc9: {  	[sflag:s1] =	ssyncset.done $0x0  }
0xca: {  	[sflag:s1] =	ssyncadd.s32 $0xFFFF9C00  }
0xcb: {  	_ =	swait.ge [sflag:s1], $0x6400  }
0xcc: {  	[sflag:s1] =	ssyncset.done $0x0  }
0xcd: {  	[sflag:s1] =	ssyncadd.s32 $0xFFFF9C00  }
0xce: {  	_ =	swait.ge [sflag:s1], $0x6400  }
0xcf: {  	[sflag:s1] =	ssyncset.done $0x0  }
0xd0: {  	[sflag:s1] =	ssyncadd.s32 $0xFFFF9C00  }
0xd1: {  	_ =	swait.ge [sflag:s1], $0x6400  }
0xd2: {  	[sflag:s1] =	ssyncset.done $0x0  }
0xd3: {  	[sflag:s1] =	ssyncadd.s32 $0xFFFF9C00  }
0xd4: {  	_ =	swait.ge [sflag:s1], $0x6400  }
0xd5: {  	[sflag:s1] =	ssyncset.done $0x0  }
0xd6: {  	[sflag:s1] =	ssyncadd.s32 $0xFFFF9C00  }
0xd7: {  	_ =	swait.ge [sflag:s1], $0x6400  }
0xd8: {  	[sflag:s1] =	ssyncset.done $0x0  }
0xd9: {  	[sflag:s1] =	ssyncadd.s32 $0xFFFF9C00  }
0xda: {  	_ =	swait.ge [sflag:s1], $0x6400  }
0xdb: {  	[sflag:s1] =	ssyncset.done $0x0  }
0xdc: {  	[sflag:s1] =	ssyncadd.s32 $0xFFFF9C00  }
0xdd: {  	_ =	swait.ge [sflag:s1], $0x6400  }
0xde: {  	[sflag:s1] =	ssyncset.done $0x0  }
0xdf: {  	[sflag:s1] =	ssyncadd.s32 $0xFFFF9C00  }
0xe0: {  	_ =	swait.ge [sflag:s1], $0x6400  }
0xe1: {  	s0 =	sld [smem:$0x7FC];
	_ =	sdelay $0x1  }
0xe2: {  	s2 =	sadd.s32 $0x1, s2  }
0xe3: {  	p1 =	sne.s32 s2, s0  }
.Ltmp1:
0xe4: {  	_ = 	snop;
	(pc) =	sbr.rel @!p1 .LBB2_8-.Ltmp1, $3  }
0xe5: {  	_ =	sdelay $0x1  }
0xe6: {  	[sflag:s1] =	ssyncset.done $0x0  }
0xe7: {  	[sflag:s1] =	ssyncadd.s32 $0xFFFF9C00  }
.LBB2_1:
0xe8: {  	[smem:$0x7E6] =	sst s2  }
0xe9: {  	s0 =	rddreg [dreg:$0x0];
	s14 =	simm.s32 $0x3  }
0xea: {  	[tilespmem:s23], [sflag:$0x3] =	stream.linear.gather [hbm4b:s0+s23], $0x80, $0x38;
	[tilespmem:$0xC880] =	vst v63  }
0xeb: {  	_ =	swait.ge [sflag:s14], $0x80  }
0xec: {  	s15 =	sld [smem:$0x7FA];
	_ =	sdelay $0x2  }
0xed: {  	v36 =	vmov s15  }
0xee: {  	s1 =	simm.s32 $0x30  }
0xef: {  	s17 =	simm.s32 $0x70;
	s11 =	sand.u32 $0x70, s1  }
0xf0: {  	s12 =	sand.u32 $0x70, s17;
	[sflag:s14] =	ssyncset.done $0x0;
	[smem:$0x7EB] =	sst s11  }
0xf1: {  	[smem:$0x7EC] =	sst s12;
	[sflag:s14] =	ssyncadd.s32 $0xFFFFFF80  }
0xf2: {  	s16 =	simm.s32 $0x0;
	s3 =	simm.s32 $0x0;
	s5 =	simm.s32 $0x10;
	v36 =	vld.idx.msk [tilespmem:v36+s23+$0x0], $0xffff  }
0xf3: {  	s9 =	simm.s32 $0x60;
	s4 =	simm.s32 $0x80;
	s18 =	simm.s32 $0x20  }
0xf4: {  	s19 =	simm.s32 $0x180;
	s20 =	simm.s32 $0x100;
	s6 =	sand.u32 $0x7FFFFC00, s4  }
0xf5: {  	s0 =	sand.u32 $0x70, s16;
	s21 =	sand.u32 $0xFC00, s3;
	s14 =	sand.u32 $0x70, s18  }
0xf6: {  	s2 =	sand.u32 $0x70, s5;
	s17 =	sor.u32 s0, s21;
	[smem:$0x7EA] =	sst s14  }
0xf7: {  	s8 =	simm.s32 $0x40;
	s10 =	sand.u32 $0x7FFFFC00, s20;
	s6 =	sor.u32 s2, s6;
	[tilespmem:s17+$0x80] =	vst v36  }
0xf8: {  	s22 =	simm.s32 $0x200;
	s25 =	simm.s32 $0x50;
	s5 =	sor.u32 s14, s10;
	[tilespmem:s6+$0x80] =	vst v36  }
0xf9: {  	s1 =	sand.u32 $0x7FFFFC00, s19;
	s24 =	sand.u32 $0x7FFFFC00, s22;
	s16 =	sand.u32 $0x70, s25;
	[tilespmem:s5+$0x80] =	vst v36  }
0xfa: {  	s30 =	sand.u32 $0x70, s8;
	s1 =	sor.u32 s11, s1;
	[smem:$0x7E7] =	sst s16  }
0xfb: {  	s13 =	simm.s32 $0x380;
	s26 =	simm.s32 $0x280;
	s11 =	sor.u32 s30, s24;
	[tilespmem:s1+$0x80] =	vst v36  }
0xfc: {  	s29 =	simm.s32 $0x300;
	s28 =	sand.u32 $0x7FFFFC00, s26;
	s10 =	sand.u32 $0x70, s9;
	[tilespmem:s11+$0x80] =	vst v36  }
0xfd: {  	s8 =	sor.u32 s16, s28;
	s18 =	sand.u32 $0x7FFFFC00, s29;
	[smem:$0x7E8] =	sst s10  }
0xfe: {  	s7 =	simm.s32 $0x90;
	s19 =	sand.u32 $0x7FFFFC00, s13;
	s14 =	sor.u32 s10, s18;
	[tilespmem:s8+$0x80] =	vst v36  }
0xff: {  	s22 =	simm.s32 $0xA0;
	s26 =	simm.s32 $0x500;
	s20 =	sor.u32 s12, s19;
	[tilespmem:s14+$0x80] =	vst v36  }
0x100: {  	s21 =	simm.s32 $0x480;
	s25 =	sand.u32 $0x70, s22;
	s28 =	simm.s32 $0xB0;
	[tilespmem:s20+$0x80] =	vst v36  }
0x101: {  	s24 =	sand.u32 $0x7FFFFC00, s21;
	s18 =	sand.u32 $0x70, s7;
	[smem:$0x7E9] =	sst s25  }
0x102: {  	s12 =	sand.u32 $0x7FFFFC00, s26;
	s29 =	simm.s32 $0x580;
	s7 =	sor.u32 s18, s24;
	[tilespmem:s17+$0x480] =	vst v36  }
0x103: {  	s12 =	sor.u32 s25, s12;
	s13 =	sand.u32 $0x7FFFFC00, s29;
	s16 =	sand.u32 $0x70, s28;
	[tilespmem:s7+$0x80] =	vst v36  }
0x104: {  	s13 =	sor.u32 s16, s13;
	[tilespmem:s12+$0x80] =	vst v36  }
0x105: {  	[tilespmem:s13+$0x80] =	vst v36  }
0x106: {  	[tilespmem:s17+$0x100] =	vst v36  }
0x107: {  	[tilespmem:s6+$0x100] =	vst v36  }
0x108: {  	[tilespmem:s5+$0x100] =	vst v36  }
0x109: {  	[tilespmem:s1+$0x100] =	vst v36  }
0x10a: {  	[tilespmem:s11+$0x100] =	vst v36  }
0x10b: {  	[tilespmem:s8+$0x100] =	vst v36  }
0x10c: {  	[tilespmem:s14+$0x100] =	vst v36  }
0x10d: {  	[tilespmem:s20+$0x100] =	vst v36  }
0x10e: {  	[tilespmem:s17+$0x500] =	vst v36  }
0x10f: {  	[tilespmem:s7+$0x100] =	vst v36  }
0x110: {  	[tilespmem:s12+$0x100] =	vst v36  }
0x111: {  	[tilespmem:s13+$0x100] =	vst v36  }
0x112: {  	[tilespmem:s17+$0x180] =	vst v36  }
0x113: {  	[tilespmem:s6+$0x180] =	vst v36  }
0x114: {  	[tilespmem:s5+$0x180] =	vst v36  }
0x115: {  	[tilespmem:s1+$0x180] =	vst v36  }
0x116: {  	[tilespmem:s11+$0x180] =	vst v36  }
0x117: {  	[tilespmem:s8+$0x180] =	vst v36  }
0x118: {  	[tilespmem:s14+$0x180] =	vst v36  }
0x119: {  	[tilespmem:s20+$0x180] =	vst v36  }
0x11a: {  	[tilespmem:s17+$0x580] =	vst v36  }
0x11b: {  	[tilespmem:s7+$0x180] =	vst v36  }
0x11c: {  	[tilespmem:s12+$0x180] =	vst v36  }
0x11d: {  	[tilespmem:s13+$0x180] =	vst v36  }
0x11e: {  	[tilespmem:s17+$0x200] =	vst v36  }
0x11f: {  	[tilespmem:s6+$0x200] =	vst v36  }
0x120: {  	[tilespmem:s5+$0x200] =	vst v36  }
0x121: {  	[tilespmem:s1+$0x200] =	vst v36  }
0x122: {  	[tilespmem:s11+$0x200] =	vst v36  }
0x123: {  	[tilespmem:s8+$0x200] =	vst v36  }
0x124: {  	[tilespmem:s14+$0x200] =	vst v36  }
0x125: {  	[tilespmem:s20+$0x200] =	vst v36  }
0x126: {  	[tilespmem:s17+$0x600] =	vst v36  }
0x127: {  	[tilespmem:s7+$0x200] =	vst v36  }
0x128: {  	[tilespmem:s12+$0x200] =	vst v36  }
0x129: {  	[tilespmem:s13+$0x200] =	vst v36  }
0x12a: {  	[tilespmem:s17+$0x280] =	vst v36  }
0x12b: {  	[tilespmem:s6+$0x280] =	vst v36  }
0x12c: {  	[tilespmem:s5+$0x280] =	vst v36  }
0x12d: {  	[tilespmem:s1+$0x280] =	vst v36  }
0x12e: {  	[tilespmem:s11+$0x280] =	vst v36  }
0x12f: {  	[tilespmem:s8+$0x280] =	vst v36  }
0x130: {  	[tilespmem:s14+$0x280] =	vst v36  }
0x131: {  	[tilespmem:s20+$0x280] =	vst v36  }
0x132: {  	[tilespmem:s17+$0x680] =	vst v36  }
0x133: {  	[tilespmem:s7+$0x280] =	vst v36  }
0x134: {  	[tilespmem:s12+$0x280] =	vst v36  }
0x135: {  	[tilespmem:s13+$0x280] =	vst v36  }
0x136: {  	[tilespmem:s17+$0x300] =	vst v36  }
0x137: {  	[tilespmem:s6+$0x300] =	vst v36  }
0x138: {  	[tilespmem:s5+$0x300] =	vst v36  }
0x139: {  	[tilespmem:s1+$0x300] =	vst v36  }
0x13a: {  	[tilespmem:s11+$0x300] =	vst v36  }
0x13b: {  	[tilespmem:s8+$0x300] =	vst v36  }
0x13c: {  	[tilespmem:s14+$0x300] =	vst v36  }
0x13d: {  	[tilespmem:s20+$0x300] =	vst v36  }
0x13e: {  	[tilespmem:s17+$0x700] =	vst v36  }
0x13f: {  	[tilespmem:s7+$0x300] =	vst v36  }
0x140: {  	[tilespmem:s12+$0x300] =	vst v36  }
0x141: {  	[tilespmem:s13+$0x300] =	vst v36  }
0x142: {  	[tilespmem:s17+$0x380] =	vst v36  }
0x143: {  	[tilespmem:s6+$0x380] =	vst v36  }
0x144: {  	[tilespmem:s5+$0x380] =	vst v36  }
0x145: {  	[tilespmem:s1+$0x380] =	vst v36;
	s1 =	sadd.s32 $0xFFFFFFFF, s15  }
0x146: {  	[smem:$0x7ED] =	sst s1  }
0x147: {  	s4 =	sor.u32 s4, s2;
	v37 =	vmov s1;
	[tilespmem:s11+$0x380] =	vst v36  }
0x148: {  	s0 =	sor.u32 s0, s3;
	s22 =	simm.s32 $0x700;
	s2 =	simm.s32 $0x110;
	[tilespmem:s8+$0x380] =	vst v36  }
0x149: {  	s0 =	sor.u32 $0x380, s0;
	s21 =	simm.s32 $0xE0;
	s9 =	simm.s32 $0xF0;
	[tilespmem:s14+$0x380] =	vst v36  }
0x14a: {  	s24 =	sand.u32 $0x70, s9;
	s9 =	simm.s32 $0x980;
	s6 =	simm.s32 $0x100;
	[tilespmem:s20+$0x380] =	vst v36  }
0x14b: {  	s28 =	sand.u32 $0x70, s21;
	s10 =	simm.s32 $0x800;
	s25 =	sand.u32 $0x70, s6;
	[tilespmem:s17+$0x780] =	vst v36  }
0x14c: {  	s5 =	simm.s32 $0x120;
	s6 =	simm.s32 $0x130;
	s15 =	simm.s32 $0xD0;
	v37 =	vld.idx.msk [tilespmem:v37+s23+$0x0], $0xffff;
	[tilespmem:s7+$0x380] =	vst v36  }
0x14d: {  	s21 =	sand.u32 $0x70, s6;
	s1 =	sor.u32 $0x380, s4;
	s11 =	simm.s32 $0x780;
	[tilespmem:s12+$0x380] =	vst v36  }
0x14e: {  	s8 =	simm.s32 $0x140;
	s19 =	sand.u32 $0x7FFFFC00, s11;
	s20 =	simm.s32 $0x680;
	[tilespmem:s13+$0x380] =	vst v36  }
0x14f: {  	s14 =	sand.u32 $0x7FFFFC00, s10;
	s10 =	sand.u32 $0x70, s15;
	s3 =	sand.u32 $0xFC00, s20;
	[tilespmem:s0+$0x80] =	vst v36  }
0x150: {  	s11 =	simm.s32 $0x900;
	s23 =	sand.u32 $0x7FFFFC00, s22;
	s31 =	sor.u32 s10, s3;
	[tilespmem:s1+$0x80] =	vst v36  }
0x151: {  	s26 =	sand.u32 $0x70, s8;
	s8 =	sor.u32 s24, s19;
	s1 =	sor.u32 s28, s23;
	[tilespmem:s31+$0x80] =	vst v37  }
0x152: {  	s15 =	simm.s32 $0x170;
	s29 =	sor.u32 s25, s14;
	s3 =	simm.s32 $0x880;
	[tilespmem:s1+$0x80] =	vst v37  }
0x153: {  	s14 =	simm.s32 $0xB00;
	s22 =	sand.u32 $0x70, s2;
	s4 =	sand.u32 $0x7FFFFC00, s3;
	[tilespmem:s8+$0x80] =	vst v37  }
0x154: {  	s7 =	sor.u32 s22, s4;
	s0 =	sand.u32 $0x7FFFFC00, s11;
	s23 =	sand.u32 $0x70, s5;
	[tilespmem:s29+$0x80] =	vst v37  }
0x155: {  	s2 =	sand.u32 $0x7FFFFC00, s9;
	s12 =	simm.s32 $0xA00;
	s0 =	sor.u32 s23, s0;
	[tilespmem:s7+$0x80] =	vst v37  }
0x156: {  	s19 =	sand.u32 $0x7FFFFC00, s14;
	s2 =	sor.u32 s21, s2;
	s3 =	sand.u32 $0x7FFFFC00, s12;
	[tilespmem:s0+$0x80] =	vst v37  }
0x157: {  	s9 =	simm.s32 $0x180;
	s13 =	simm.s32 $0x160;
	s6 =	sor.u32 s26, s3;
	[tilespmem:s2+$0x80] =	vst v37  }
0x158: {  	s20 =	sand.u32 $0x70, s13;
	s11 =	simm.s32 $0xC00;
	s5 =	simm.s32 $0xB80;
	[tilespmem:s6+$0x80] =	vst v37  }
0x159: {  	s3 =	sor.u32 s20, s19;
	s19 =	sand.u32 $0x70, s15;
	s4 =	sand.u32 $0x7FFFFC00, s5;
	[tilespmem:s31+$0x480] =	vst v37  }
0x15a: {  	s15 =	sand.u32 $0x70, s9;
	s12 =	sand.u32 $0x7FFFFC00, s11;
	s4 =	sor.u32 s19, s4;
	[tilespmem:s3+$0x80] =	vst v37  }
0x15b: {  	s5 =	sor.u32 s15, s12;
	[tilespmem:s4+$0x80] =	vst v37  }
0x15c: {  	[tilespmem:s5+$0x80] =	vst v37  }
0x15d: {  	[tilespmem:s31+$0x100] =	vst v37  }
0x15e: {  	[tilespmem:s1+$0x100] =	vst v37  }
0x15f: {  	[tilespmem:s8+$0x100] =	vst v37  }
0x160: {  	[tilespmem:s29+$0x100] =	vst v37  }
0x161: {  	[tilespmem:s7+$0x100] =	vst v37  }
0x162: {  	[tilespmem:s0+$0x100] =	vst v37  }
0x163: {  	[tilespmem:s2+$0x100] =	vst v37  }
0x164: {  	[tilespmem:s6+$0x100] =	vst v37  }
0x165: {  	[tilespmem:s31+$0x500] =	vst v37  }
0x166: {  	[tilespmem:s3+$0x100] =	vst v37  }
0x167: {  	[tilespmem:s4+$0x100] =	vst v37  }
0x168: {  	[tilespmem:s5+$0x100] =	vst v37  }
0x169: {  	[tilespmem:s31+$0x180] =	vst v37  }
0x16a: {  	[tilespmem:s1+$0x180] =	vst v37  }
0x16b: {  	[tilespmem:s8+$0x180] =	vst v37  }
0x16c: {  	[tilespmem:s29+$0x180] =	vst v37  }
0x16d: {  	[tilespmem:s7+$0x180] =	vst v37  }
0x16e: {  	[tilespmem:s0+$0x180] =	vst v37  }
0x16f: {  	[tilespmem:s2+$0x180] =	vst v37  }
0x170: {  	[tilespmem:s6+$0x180] =	vst v37  }
0x171: {  	[tilespmem:s31+$0x580] =	vst v37  }
0x172: {  	[tilespmem:s3+$0x180] =	vst v37  }
0x173: {  	[tilespmem:s4+$0x180] =	vst v37  }
0x174: {  	[tilespmem:s5+$0x180] =	vst v37  }
0x175: {  	[tilespmem:s31+$0x200] =	vst v37  }
0x176: {  	[tilespmem:s1+$0x200] =	vst v37  }
0x177: {  	[tilespmem:s8+$0x200] =	vst v37  }
0x178: {  	[tilespmem:s29+$0x200] =	vst v37  }
0x179: {  	[tilespmem:s7+$0x200] =	vst v37  }
0x17a: {  	[tilespmem:s0+$0x200] =	vst v37  }
0x17b: {  	[tilespmem:s2+$0x200] =	vst v37  }
0x17c: {  	[tilespmem:s6+$0x200] =	vst v37  }
0x17d: {  	[tilespmem:s31+$0x600] =	vst v37  }
0x17e: {  	[tilespmem:s3+$0x200] =	vst v37  }
0x17f: {  	[tilespmem:s4+$0x200] =	vst v37  }
0x180: {  	[tilespmem:s5+$0x200] =	vst v37  }
0x181: {  	[tilespmem:s31+$0x280] =	vst v37  }
0x182: {  	[tilespmem:s1+$0x280] =	vst v37  }
0x183: {  	[tilespmem:s8+$0x280] =	vst v37  }
0x184: {  	[tilespmem:s29+$0x280] =	vst v37  }
0x185: {  	[tilespmem:s7+$0x280] =	vst v37  }
0x186: {  	[tilespmem:s0+$0x280] =	vst v37  }
0x187: {  	[tilespmem:s2+$0x280] =	vst v37  }
0x188: {  	[tilespmem:s6+$0x280] =	vst v37  }
0x189: {  	[tilespmem:s31+$0x680] =	vst v37  }
0x18a: {  	[tilespmem:s3+$0x280] =	vst v37  }
0x18b: {  	[tilespmem:s4+$0x280] =	vst v37  }
0x18c: {  	[tilespmem:s5+$0x280] =	vst v37  }
0x18d: {  	[tilespmem:s31+$0x300] =	vst v37  }
0x18e: {  	[tilespmem:s1+$0x300] =	vst v37  }
0x18f: {  	[tilespmem:s8+$0x300] =	vst v37  }
0x190: {  	[tilespmem:s29+$0x300] =	vst v37  }
0x191: {  	[tilespmem:s7+$0x300] =	vst v37  }
0x192: {  	[tilespmem:s0+$0x300] =	vst v37  }
0x193: {  	[tilespmem:s2+$0x300] =	vst v37  }
0x194: {  	[tilespmem:s6+$0x300] =	vst v37  }
0x195: {  	[tilespmem:s31+$0x700] =	vst v37  }
0x196: {  	[tilespmem:s3+$0x300] =	vst v37  }
0x197: {  	[tilespmem:s4+$0x300] =	vst v37  }
0x198: {  	[tilespmem:s5+$0x300] =	vst v37  }
0x199: {  	[tilespmem:s31+$0x380] =	vst v37  }
0x19a: {  	[tilespmem:s1+$0x380] =	vst v37  }
0x19b: {  	[tilespmem:s8+$0x380] =	vst v37  }
0x19c: {  	s11 =	sld [smem:$0x7E8]  }
0x19d: {  	s13 =	simm.s32 $0x200  }
0x19e: {  	s30 =	sor.u32 s13, s30;
	s9 =	simm.s32 $0x300;
	s8 =	sld [smem:$0x7E7];
	[tilespmem:s29+$0x380] =	vst v37  }
0x19f: {  	s12 =	simm.s32 $0x480;
	s13 =	sor.u32 s9, s11;
	s9 =	sld [smem:$0x7E9]  }
0x1a0: {  	s14 =	simm.s32 $0x280;
	s18 =	sor.u32 s12, s18  }
0x1a1: {  	s12 =	sld [smem:$0x7EA];
	s14 =	sor.u32 s14, s8;
	s8 =	simm.s32 $0x500  }
0x1a2: {  	s29 =	sor.u32 s8, s9;
	s8 =	simm.s32 $0x580  }
0x1a3: {  	s11 =	simm.s32 $0x100;
	s16 =	sor.u32 s8, s16;
	s8 =	simm.s32 $0x680  }
0x1a4: {  	s12 =	sor.u32 s11, s12;
	s11 =	sld [smem:$0x7EB];
	[tilespmem:s7+$0x380] =	vst v37;
	s1 =	sor.u32 s10, s8  }
0x1a5: {  	s13 =	sor.u32 $0x380, s13;
	[dreg:$0xb] =	wrdreg s1  }
0x1a6: {  	s7 =	sld [smem:$0x7EC];
	s9 =	simm.s32 $0x180;
	s1 =	simm.s32 $0x700;
	[tilespmem:s0+$0x380] =	vst v37  }
0x1a7: {  	s9 =	sor.u32 s9, s11;
	s10 =	sor.u32 s1, s28;
	s28 =	simm.s32 $0xB00;
	[tilespmem:s2+$0x380] =	vst v37  }
0x1a8: {  	s11 =	simm.s32 $0x380;
	s2 =	sor.u32 s28, s20;
	s28 =	sor.u32 $0x380, s12;
	[tilespmem:s6+$0x380] =	vst v37  }
0x1a9: {  	s11 =	sor.u32 s11, s7;
	s7 =	simm.s32 $0x880;
	s8 =	simm.s32 $0x900;
	[tilespmem:s28+$0x80] =	vst v36  }
0x1aa: {  	s22 =	sor.u32 s7, s22;
	s7 =	sor.u32 s8, s23;
	s23 =	simm.s32 $0x980;
	[tilespmem:s31+$0x780] =	vst v37  }
0x1ab: {  	s8 =	sor.u32 s23, s21;
	s1 =	simm.s32 $0xB80;
	s21 =	simm.s32 $0x800;
	[tilespmem:s3+$0x380] =	vst v37  }
0x1ac: {  	s23 =	simm.s32 $0xC00;
	s1 =	sor.u32 s1, s19;
	s20 =	simm.s32 $0x780;
	[tilespmem:s4+$0x380] =	vst v37  }
0x1ad: {  	s12 =	sor.u32 $0x380, s16;
	s19 =	sor.u32 s20, s24;
	s24 =	sor.u32 s21, s25;
	[tilespmem:s5+$0x380] =	vst v37  }
0x1ae: {  	s6 =	sor.u32 s23, s15;
	s20 =	sor.u32 $0x380, s30;
	s30 =	sld [smem:$0x7ED]  }
0x1af: {  	s25 =	simm.s32 $0xA00;
	s23 =	sor.u32 $0x380, s9;
	s15 =	sor.u32 $0x380, s14  }
0x1b0: {  	s14 =	sor.u32 $0x380, s11;
	s11 =	sor.u32 $0x380, s29;
	s21 =	sor.u32 s25, s26  }
0x1b1: {  	s3 =	simm.s32 $0x65;
	s5 =	sor.u32 $0x380, s18;
	s4 =	sadd.s32 $0xFFFFFFFF, s30  }
.LBB2_2:
0x1b2: {  	[dreg:$0x18] =	wrdreg s7  }
0x1b3: {  	[dreg:$0x17] =	wrdreg s21  }
0x1b4: {  	[dreg:$0x16] =	wrdreg s8  }
0x1b5: {  	[dreg:$0x13] =	wrdreg s24  }
0x1b6: {  	[dreg:$0x11] =	wrdreg s6  }
0x1b7: {  	[dreg:$0x10] =	wrdreg s2  }
0x1b8: {  	[dreg:$0xd] =	wrdreg s22  }
0x1b9: {  	[dreg:$0xc] =	wrdreg s1  }
0x1ba: {  	[dreg:$0x9] =	wrdreg s19  }
0x1bb: {  	[dreg:$0x5] =	wrdreg s4;
	s0 =	sadd.s32 $0x31, s3  }
0x1bc: {  	s8 =	sshrl.u32 s3, $0x2;
	s9 =	smov.u32 s3;
	[dreg:$0x7] =	wrdreg s0  }
0x1bd: {  	s25 =	sor.u32 $0x380, s10;
	s26 =	simm.s32 $0x0;
	s9 =	rddreg [dreg:$0xb]  }
0x1be: {  	v38 =	vmov s4;
	s0 =	sshll.u32 s8, $0x4;
	s4 =	sshll.u32 s8, $0x7;
	s22 =	sor.u32 $0x380, s9  }
0x1bf: {  	[tilespmem:s23+$0x80] =	vst v36;
	s29 =	sadd.s32 $0x30, s0;
	s9 =	sadd.s32 $0x70, s0;
	s16 =	sadd.s32 $0x90, s0  }
0x1c0: {  	[tilespmem:s20+$0x80] =	vst v36;
	s19 =	sadd.s32 $0x10, s0;
	s18 =	sadd.s32 $0x60, s0;
	s20 =	sadd.s32 $0xB0, s0  }
0x1c1: {  	[tilespmem:s15+$0x80] =	vst v36;
	s28 =	sadd.s32 $0x20, s0;
	s7 =	sadd.s32 $0x40, s0;
	s8 =	sand.u32 $0xFC00, s4  }
0x1c2: {  	[smem:$0x7E4] =	sst s20;
	[tilespmem:s13+$0x80] =	vst v36;
	s21 =	sand.u32 $0x70, s29;
	s24 =	sand.u32 $0x70, s9  }
0x1c3: {  	s30 =	sshll.u32 s9, $0x3;
	s10 =	sshll.u32 s19, $0x3;
	s23 =	sshll.u32 s20, $0x3;
	[tilespmem:s14+$0x80] =	vst v36  }
0x1c4: {  	s20 =	sshll.u32 s29, $0x3;
	s9 =	sshll.u32 s28, $0x3;
	[smem:$0x7E5] =	sst s21;
	v38 =	vld.idx.msk [tilespmem:v38+s26+$0x0], $0xffff;
	[tilespmem:s17+$0x800] =	vst v36  }
0x1c5: {  	s2 =	sshll.u32 s7, $0x3;
	[smem:$0x7E3] =	sst s24;
	s1 =	sand.u32 $0x7FFFFC00, s10;
	[tilespmem:s5+$0x80] =	vst v36  }
0x1c6: {  	s24 =	sand.u32 $0x70, s28;
	s6 =	sand.u32 $0x7FFFFC00, s20;
	s17 =	sand.u32 $0x70, s0;
	[tilespmem:s11+$0x80] =	vst v36  }
0x1c7: {  	s13 =	sand.u32 $0x7FFFFC00, s9;
	s15 =	sand.u32 $0x7FFFFC00, s2;
	s29 =	sor.u32 s17, s8;
	[tilespmem:s12+$0x80] =	vst v36;
	v36 =	vmov v37  }
0x1c8: {  	s8 =	sshll.u32 s18, $0x3;
	s11 =	sor.u32 s21, s6;
	s6 =	sand.u32 $0x70, s19;
	[tilespmem:s22+$0x80] =	vst v36  }
0x1c9: {  	s28 =	sand.u32 $0x7FFFFC00, s8;
	[tilespmem:s25+$0x80] =	vst v36;
	s25 =	sadd.s32 $0xA0, s0;
	s0 =	sadd.s32 $0x50, s0  }
0x1ca: {  	s12 =	sor.u32 s24, s13;
	s13 =	sor.u32 s6, s1;
	v37 =	vmov v38;
	[tilespmem:s29+$0x80] =	vst v38;
	s21 =	sshll.u32 s0, $0x3  }
0x1cb: {  	s1 =	sand.u32 $0x70, s7;
	s0 =	sand.u32 $0x70, s0;
	[tilespmem:s13+$0x80] =	vst v37;
	s26 =	sand.u32 $0x7FFFFC00, s21  }
0x1cc: {  	s14 =	sor.u32 s1, s15;
	[tilespmem:s12+$0x80] =	vst v37;
	s15 =	sor.u32 s0, s26;
	s26 =	sand.u32 $0x70, s18  }
0x1cd: {  	s4 =	sor.u32 s17, s4;
	[tilespmem:s11+$0x80] =	vst v37;
	s5 =	sor.u32 s26, s28;
	s28 =	sld [smem:$0x7E3]  }
0x1ce: {  	s17 =	sshll.u32 s16, $0x3;
	[dreg:$0xb] =	wrdreg s4;
	[tilespmem:s14+$0x80] =	vst v37  }
0x1cf: {  	s10 =	sor.u32 s10, s6;
	s6 =	sand.u32 $0x70, s16;
	s18 =	sand.u32 $0x7FFFFC00, s30;
	[tilespmem:s15+$0x80] =	vst v37  }
0x1d0: {  	s1 =	sor.u32 s2, s1;
	s2 =	sld [smem:$0x7E4];
	[tilespmem:s5+$0x80] =	vst v37;
	s4 =	sor.u32 s28, s18  }
0x1d1: {  	[dreg:$0x1e] =	wrdreg s1;
	s22 =	sshll.u32 s25, $0x3;
	s18 =	sand.u32 $0x7FFFFC00, s17;
	[tilespmem:s4+$0x80] =	vst v37  }
0x1d2: {  	s1 =	sand.u32 $0x70, s25;
	s7 =	sand.u32 $0x7FFFFC00, s22;
	s16 =	sor.u32 s6, s18;
	[tilespmem:s29+$0x480] =	vst v37  }
0x1d3: {  	s19 =	sand.u32 $0x7FFFFC00, s23;
	s18 =	sor.u32 s1, s7;
	s7 =	sand.u32 $0x70, s2;
	[tilespmem:s16+$0x80] =	vst v37  }
0x1d4: {  	s19 =	sor.u32 s7, s19;
	[tilespmem:s18+$0x80] =	vst v37  }
0x1d5: {  	[tilespmem:s19+$0x80] =	vst v37  }
0x1d6: {  	[tilespmem:s29+$0x100] =	vst v37  }
0x1d7: {  	[tilespmem:s13+$0x100] =	vst v37  }
0x1d8: {  	[tilespmem:s12+$0x100] =	vst v37  }
0x1d9: {  	[tilespmem:s11+$0x100] =	vst v37  }
0x1da: {  	[tilespmem:s14+$0x100] =	vst v37  }
0x1db: {  	[tilespmem:s15+$0x100] =	vst v37  }
0x1dc: {  	s17 =	sor.u32 s17, s6;
	[tilespmem:s5+$0x100] =	vst v37  }
0x1dd: {  	[dreg:$0x1d] =	wrdreg s17;
	s17 =	smov.u32 s31;
	s31 =	smov.u32 s29;
	[tilespmem:s4+$0x100] =	vst v37  }
0x1de: {  	[tilespmem:s31+$0x500] =	vst v37  }
0x1df: {  	[tilespmem:s16+$0x100] =	vst v37  }
0x1e0: {  	[tilespmem:s18+$0x100] =	vst v37  }
0x1e1: {  	[tilespmem:s19+$0x100] =	vst v37  }
0x1e2: {  	[tilespmem:s31+$0x180] =	vst v37  }
0x1e3: {  	[tilespmem:s13+$0x180] =	vst v37  }
0x1e4: {  	[tilespmem:s12+$0x180] =	vst v37  }
0x1e5: {  	[tilespmem:s11+$0x180] =	vst v37  }
0x1e6: {  	[tilespmem:s14+$0x180] =	vst v37  }
0x1e7: {  	[tilespmem:s15+$0x180] =	vst v37  }
0x1e8: {  	[tilespmem:s5+$0x180] =	vst v37  }
0x1e9: {  	[tilespmem:s4+$0x180] =	vst v37  }
0x1ea: {  	[tilespmem:s31+$0x580] =	vst v37  }
0x1eb: {  	[tilespmem:s16+$0x180] =	vst v37  }
0x1ec: {  	[tilespmem:s18+$0x180] =	vst v37  }
0x1ed: {  	[tilespmem:s19+$0x180] =	vst v37  }
0x1ee: {  	[tilespmem:s31+$0x200] =	vst v37  }
0x1ef: {  	[tilespmem:s13+$0x200] =	vst v37  }
0x1f0: {  	[tilespmem:s12+$0x200] =	vst v37  }
0x1f1: {  	[tilespmem:s11+$0x200] =	vst v37  }
0x1f2: {  	[tilespmem:s14+$0x200] =	vst v37  }
0x1f3: {  	[tilespmem:s15+$0x200] =	vst v37  }
0x1f4: {  	[tilespmem:s5+$0x200] =	vst v37  }
0x1f5: {  	[tilespmem:s4+$0x200] =	vst v37  }
0x1f6: {  	[tilespmem:s31+$0x600] =	vst v37  }
0x1f7: {  	[tilespmem:s16+$0x200] =	vst v37  }
0x1f8: {  	[tilespmem:s18+$0x200] =	vst v37  }
0x1f9: {  	[tilespmem:s19+$0x200] =	vst v37  }
0x1fa: {  	[tilespmem:s31+$0x280] =	vst v37  }
0x1fb: {  	[tilespmem:s13+$0x280] =	vst v37  }
0x1fc: {  	[tilespmem:s12+$0x280] =	vst v37  }
0x1fd: {  	[tilespmem:s11+$0x280] =	vst v37  }
0x1fe: {  	[tilespmem:s14+$0x280] =	vst v37  }
0x1ff: {  	[tilespmem:s15+$0x280] =	vst v37  }
0x200: {  	[tilespmem:s5+$0x280] =	vst v37  }
0x201: {  	[tilespmem:s4+$0x280] =	vst v37  }
0x202: {  	[tilespmem:s31+$0x680] =	vst v37  }
0x203: {  	[tilespmem:s16+$0x280] =	vst v37  }
0x204: {  	[tilespmem:s18+$0x280] =	vst v37  }
0x205: {  	[tilespmem:s19+$0x280] =	vst v37  }
0x206: {  	[tilespmem:s31+$0x300] =	vst v37  }
0x207: {  	[tilespmem:s13+$0x300] =	vst v37  }
0x208: {  	[tilespmem:s12+$0x300] =	vst v37  }
0x209: {  	[tilespmem:s11+$0x300] =	vst v37  }
0x20a: {  	[tilespmem:s14+$0x300] =	vst v37  }
0x20b: {  	[tilespmem:s15+$0x300] =	vst v37  }
0x20c: {  	[tilespmem:s5+$0x300] =	vst v37  }
0x20d: {  	[tilespmem:s4+$0x300] =	vst v37  }
0x20e: {  	p1 =	sne.s32 s3, $0x2E2;
	s3 =	rddreg [dreg:$0x13];
	[tilespmem:s31+$0x700] =	vst v37  }
0x20f: {  	s25 =	sor.u32 s8, s26;
	s26 =	sor.u32 s9, s24;
	s8 =	rddreg [dreg:$0x1e];
	[tilespmem:s16+$0x300] =	vst v37  }
0x210: {  	[dreg:$0x1f] =	wrdreg s26;
	[tilespmem:s18+$0x300] =	vst v37  }
0x211: {  	s6 =	sor.u32 s22, s1;
	s1 =	sld [smem:$0x7E5];
	[tilespmem:s19+$0x300] =	vst v37  }
0x212: {  	s2 =	sor.u32 s30, s28;
	s28 =	rddreg [dreg:$0xc];
	[tilespmem:s31+$0x380] =	vst v37  }
0x213: {  	s30 =	rddreg [dreg:$0x11];
	[tilespmem:s13+$0x380] =	vst v37  }
0x214: {  	s21 =	sor.u32 s21, s0;
	s26 =	sor.u32 s23, s7;
	s7 =	rddreg [dreg:$0xd];
	[tilespmem:s12+$0x380] =	vst v37  }
0x215: {  	s22 =	smov.u32 s8;
	s8 =	smov.u32 s25;
	s25 =	rddreg [dreg:$0x1d];
	[tilespmem:s11+$0x380] =	vst v37  }
0x216: {  	s23 =	sor.u32 $0x380, s3;
	s3 =	rddreg [dreg:$0x7];
	s0 =	sor.u32 s20, s1;
	[tilespmem:s14+$0x380] =	vst v37  }
0x217: {  	s20 =	sor.u32 $0x380, s7;
	s7 =	smov.u32 s21;
	s29 =	rddreg [dreg:$0x1f];
	[tilespmem:s15+$0x380] =	vst v37  }
0x218: {  	s21 =	smov.u32 s2;
	s2 =	smov.u32 s25;
	s13 =	rddreg [dreg:$0x16];
	[tilespmem:s5+$0x380] =	vst v37  }
0x219: {  	s1 =	smov.u32 s6;
	s6 =	smov.u32 s26;
	s12 =	rddreg [dreg:$0x5];
	[tilespmem:s4+$0x380] =	vst v37  }
.Ltmp2:
0x21a: {  	s24 =	smov.u32 s0;
	s11 =	rddreg [dreg:$0x18];
	[tilespmem:s31+$0x780] =	vst v37;
	(pc) =	sbr.rel @p1 .LBB2_2-.Ltmp2, $4  }
0x21b: {  	s13 =	sor.u32 $0x380, s13;
	s14 =	rddreg [dreg:$0x17];
	s15 =	sor.u32 $0x380, s11;
	[tilespmem:s16+$0x380] =	vst v37  }
0x21c: {  	s14 =	sor.u32 $0x380, s14;
	s11 =	sor.u32 $0x380, s28;
	s16 =	rddreg [dreg:$0x9];
	[tilespmem:s18+$0x380] =	vst v37  }
0x21d: {  	s4 =	sadd.s32 $0xFFFFFFFF, s12;
	s0 =	sor.u32 $0x380, s16;
	s18 =	rddreg [dreg:$0x10];
	[tilespmem:s19+$0x380] =	vst v37  }
0x21e: {  	s12 =	sor.u32 $0x380, s30;
	s5 =	sor.u32 $0x380, s18;
	s19 =	smov.u32 s29;
	[tilespmem:s0+$0x80] =	vst v36  }
0x21f: {  	[tilespmem:s23+$0x80] =	vst v36  }
0x220: {  	[tilespmem:s20+$0x80] =	vst v36  }
0x221: {  	[tilespmem:s15+$0x80] =	vst v36  }
0x222: {  	[tilespmem:s13+$0x80] =	vst v36  }
0x223: {  	[tilespmem:s14+$0x80] =	vst v36  }
0x224: {  	[tilespmem:s17+$0x800] =	vst v36  }
0x225: {  	[tilespmem:s5+$0x80] =	vst v36  }
0x226: {  	[tilespmem:s11+$0x80] =	vst v36  }
0x227: {  	[tilespmem:s12+$0x80] =	vst v36  }
0x228: {  	s0 =	rddreg [dreg:$0xb]  }
0x229: {  	s0 =	sor.u32 $0x380, s0  }
0x22a: {  	s5 =	sor.u32 $0x380, s10;
	[tilespmem:s0+$0x80] =	vst v37  }
0x22b: {  	s9 =	sor.u32 $0x380, s19;
	[tilespmem:s5+$0x80] =	vst v37  }
0x22c: {  	s10 =	sor.u32 $0x380, s24;
	[tilespmem:s9+$0x80] =	vst v37  }
0x22d: {  	s11 =	sor.u32 $0x380, s22;
	[tilespmem:s10+$0x80] =	vst v37  }
0x22e: {  	s12 =	sor.u32 $0x380, s7;
	[tilespmem:s11+$0x80] =	vst v37  }
0x22f: {  	s13 =	sor.u32 $0x380, s8;
	[tilespmem:s12+$0x80] =	vst v37  }
0x230: {  	s14 =	sor.u32 $0x380, s21;
	[tilespmem:s13+$0x80] =	vst v37  }
0x231: {  	[tilespmem:s14+$0x80] =	vst v37  }
0x232: {  	s15 =	sor.u32 $0x380, s2;
	[tilespmem:s31+$0x800] =	vst v37  }
0x233: {  	s16 =	sor.u32 $0x380, s1;
	[tilespmem:s15+$0x80] =	vst v37  }
0x234: {  	s17 =	sor.u32 $0x380, s6;
	[tilespmem:s16+$0x80] =	vst v37  }
0x235: {  	s18 =	simm.s32 $0x0;
	[tilespmem:s17+$0x80] =	vst v37  }
0x236: {  	v36 =	vld.idx.msk [tilespmem:v27+s18+$0x0], $0xffff;
	_ =	sdelay $0x4  }
0x237: {  	[tilespmem:$0x4C0] =	vst v36  }
0x238: {  	[tilespmem:$0x540] =	vst v36  }
0x239: {  	[tilespmem:$0x5C0] =	vst v36  }
0x23a: {  	[tilespmem:$0x640] =	vst v36  }
0x23b: {  	[tilespmem:$0x6C0] =	vst v36  }
0x23c: {  	[tilespmem:$0x740] =	vst v36  }
0x23d: {  	[tilespmem:$0x7C0] =	vst v36  }
0x23e: {  	[tilespmem:$0x840] =	vst v36  }
0x23f: {  	v36 =	vld.idx.msk [tilespmem:v0+s18+$0x0], $0xffff;
	_ =	sdelay $0x4  }
0x240: {  	[tilespmem:$0xC80] =	vst v36  }
0x241: {  	[tilespmem:$0xD00] =	vst v36  }
0x242: {  	[tilespmem:$0xD80] =	vst v36  }
0x243: {  	[tilespmem:$0xE00] =	vst v36  }
0x244: {  	[tilespmem:$0xE80] =	vst v36  }
0x245: {  	[tilespmem:$0xF00] =	vst v36  }
0x246: {  	[tilespmem:$0xF80] =	vst v36  }
0x247: {  	[tilespmem:$0x1000] =	vst v36  }
0x248: {  	v36 =	vld.idx.msk [tilespmem:v1+s18+$0x0], $0xffff;
	_ =	sdelay $0x4  }
0x249: {  	[tilespmem:$0x10C0] =	vst v36  }
0x24a: {  	[tilespmem:$0x1140] =	vst v36  }
0x24b: {  	[tilespmem:$0x11C0] =	vst v36  }
0x24c: {  	[tilespmem:$0x1240] =	vst v36  }
0x24d: {  	[tilespmem:$0x12C0] =	vst v36  }
0x24e: {  	[tilespmem:$0x1340] =	vst v36  }
0x24f: {  	[tilespmem:$0x13C0] =	vst v36  }
0x250: {  	[tilespmem:$0x1440] =	vst v36  }
0x251: {  	v36 =	vld.idx.msk [tilespmem:v2+s18+$0x0], $0xffff;
	_ =	sdelay $0x4  }
0x252: {  	[tilespmem:$0x1CD0] =	vst v36  }
0x253: {  	[tilespmem:$0x1D50] =	vst v36  }
0x254: {  	[tilespmem:$0x1DD0] =	vst v36  }
0x255: {  	[tilespmem:$0x1E50] =	vst v36  }
0x256: {  	[tilespmem:$0x1ED0] =	vst v36  }
0x257: {  	[tilespmem:$0x1F50] =	vst v36  }
0x258: {  	[tilespmem:$0x1FD0] =	vst v36  }
0x259: {  	[tilespmem:$0x2050] =	vst v36  }
0x25a: {  	v36 =	vld.idx.msk [tilespmem:v3+s18+$0x0], $0xffff;
	_ =	sdelay $0x4  }
0x25b: {  	[tilespmem:$0x2490] =	vst v36  }
0x25c: {  	[tilespmem:$0x2510] =	vst v36  }
0x25d: {  	[tilespmem:$0x2590] =	vst v36  }
0x25e: {  	[tilespmem:$0x2610] =	vst v36  }
0x25f: {  	[tilespmem:$0x2690] =	vst v36  }
0x260: {  	[tilespmem:$0x2710] =	vst v36  }
0x261: {  	[tilespmem:$0x2790] =	vst v36  }
0x262: {  	[tilespmem:$0x2810] =	vst v36  }
0x263: {  	v36 =	vld.idx.msk [tilespmem:v4+s18+$0x0], $0xffff;
	_ =	sdelay $0x4  }
0x264: {  	[tilespmem:$0x28D0] =	vst v36  }
0x265: {  	[tilespmem:$0x2950] =	vst v36  }
0x266: {  	[tilespmem:$0x29D0] =	vst v36  }
0x267: {  	[tilespmem:$0x2A50] =	vst v36  }
0x268: {  	[tilespmem:$0x2AD0] =	vst v36  }
0x269: {  	[tilespmem:$0x2B50] =	vst v36  }
0x26a: {  	[tilespmem:$0x2BD0] =	vst v36  }
0x26b: {  	[tilespmem:$0x2C50] =	vst v36  }
0x26c: {  	v36 =	vld.idx.msk [tilespmem:v5+s18+$0x0], $0xffff;
	_ =	sdelay $0x4  }
0x26d: {  	[tilespmem:$0x34E0] =	vst v36  }
0x26e: {  	[tilespmem:$0x3560] =	vst v36  }
0x26f: {  	[tilespmem:$0x35E0] =	vst v36  }
0x270: {  	[tilespmem:$0x3660] =	vst v36  }
0x271: {  	[tilespmem:$0x36E0] =	vst v36  }
0x272: {  	[tilespmem:$0x3760] =	vst v36  }
0x273: {  	[tilespmem:$0x37E0] =	vst v36  }
0x274: {  	[tilespmem:$0x3860] =	vst v36  }
0x275: {  	v36 =	vld.idx.msk [tilespmem:v6+s18+$0x0], $0xffff;
	_ =	sdelay $0x4  }
0x276: {  	[tilespmem:$0x3CA0] =	vst v36  }
0x277: {  	[tilespmem:$0x3D20] =	vst v36  }
0x278: {  	[tilespmem:$0x3DA0] =	vst v36  }
0x279: {  	[tilespmem:$0x3E20] =	vst v36  }
0x27a: {  	[tilespmem:$0x3EA0] =	vst v36  }
0x27b: {  	[tilespmem:$0x3F20] =	vst v36  }
0x27c: {  	[tilespmem:$0x3FA0] =	vst v36  }
0x27d: {  	[tilespmem:$0x4020] =	vst v36  }
0x27e: {  	v36 =	vld.idx.msk [tilespmem:v7+s18+$0x0], $0xffff;
	_ =	sdelay $0x4  }
0x27f: {  	[tilespmem:$0x40E0] =	vst v36  }
0x280: {  	[tilespmem:$0x4160] =	vst v36  }
0x281: {  	[tilespmem:$0x41E0] =	vst v36  }
0x282: {  	[tilespmem:$0x4260] =	vst v36  }
0x283: {  	[tilespmem:$0x42E0] =	vst v36  }
0x284: {  	[tilespmem:$0x4360] =	vst v36  }
0x285: {  	[tilespmem:$0x43E0] =	vst v36  }
0x286: {  	[tilespmem:$0x4460] =	vst v36  }
0x287: {  	v36 =	vld.idx.msk [tilespmem:v8+s18+$0x0], $0xffff;
	_ =	sdelay $0x4  }
0x288: {  	[tilespmem:$0x4CF0] =	vst v36  }
0x289: {  	[tilespmem:$0x4D70] =	vst v36  }
0x28a: {  	[tilespmem:$0x4DF0] =	vst v36  }
0x28b: {  	[tilespmem:$0x4E70] =	vst v36  }
0x28c: {  	[tilespmem:$0x4EF0] =	vst v36  }
0x28d: {  	[tilespmem:$0x4F70] =	vst v36  }
0x28e: {  	[tilespmem:$0x4FF0] =	vst v36  }
0x28f: {  	[tilespmem:$0x5070] =	vst v36  }
0x290: {  	v36 =	vld.idx.msk [tilespmem:v9+s18+$0x0], $0xffff;
	_ =	sdelay $0x4  }
0x291: {  	[tilespmem:$0x54B0] =	vst v36  }
0x292: {  	[tilespmem:$0x5530] =	vst v36  }
0x293: {  	[tilespmem:$0x55B0] =	vst v36  }
0x294: {  	[tilespmem:$0x5630] =	vst v36  }
0x295: {  	[tilespmem:$0x56B0] =	vst v36  }
0x296: {  	[tilespmem:$0x5730] =	vst v36  }
0x297: {  	[tilespmem:$0x57B0] =	vst v36  }
0x298: {  	[tilespmem:$0x5830] =	vst v36  }
0x299: {  	v36 =	vld.idx.msk [tilespmem:v10+s18+$0x0], $0xffff;
	_ =	sdelay $0x4  }
0x29a: {  	[tilespmem:$0x58F0] =	vst v36  }
0x29b: {  	[tilespmem:$0x5970] =	vst v36  }
0x29c: {  	[tilespmem:$0x59F0] =	vst v36  }
0x29d: {  	[tilespmem:$0x5A70] =	vst v36  }
0x29e: {  	[tilespmem:$0x5AF0] =	vst v36  }
0x29f: {  	s0 =	sld [smem:$0x7F8];
	[tilespmem:$0x5B70] =	vst v36  }
0x2a0: {  	[tilespmem:$0x5BF0] =	vst v36  }
0x2a1: {  	s19 =	simm.s32 $0x80;
	s20 =	sld [smem:$0x7EE];
	[tilespmem:$0x5C70] =	vst v36  }
0x2a2: {  	[hbm4b:s0+s18] =	stream.linear.scatter [tilespmem:s19], [sflag:$0x1], $0x6400, $0x38;
	[tilespmem:$0xC880] =	vst v63  }
0x2a3: {  	s21 =	sld [smem:$0x7F4]  }
0x2a4: {  	[hbm4b:s20+s18] =	stream.linear.scatter [tilespmem:s19], [sflag:$0x1], $0x6400, $0x38;
	[tilespmem:$0xC880] =	vst v63  }
0x2a5: {  	s22 =	sld [smem:$0x7EF]  }
0x2a6: {  	[hbm4b:s21+s18] =	stream.linear.scatter [tilespmem:s19], [sflag:$0x1], $0x6400, $0x38;
	[tilespmem:$0xC880] =	vst v63  }
0x2a7: {  	s23 =	sld [smem:$0x7F5]  }
0x2a8: {  	[hbm4b:s22+s18] =	stream.linear.scatter [tilespmem:s19], [sflag:$0x1], $0x6400, $0x38;
	[tilespmem:$0xC880] =	vst v63  }
0x2a9: {  	s24 =	sld [smem:$0x7F0]  }
0x2aa: {  	[hbm4b:s23+s18] =	stream.linear.scatter [tilespmem:s19], [sflag:$0x1], $0x6400, $0x38;
	[tilespmem:$0xC880] =	vst v63  }
0x2ab: {  	s25 =	sld [smem:$0x7F6]  }
0x2ac: {  	[hbm4b:s24+s18] =	stream.linear.scatter [tilespmem:s19], [sflag:$0x1], $0x6400, $0x38;
	[tilespmem:$0xC880] =	vst v63  }
0x2ad: {  	s26 =	sld [smem:$0x7F1]  }
0x2ae: {  	[hbm4b:s25+s18] =	stream.linear.scatter [tilespmem:s19], [sflag:$0x1], $0x6400, $0x38;
	[tilespmem:$0xC880] =	vst v63  }
0x2af: {  	s28 =	sld [smem:$0x7F7]  }
0x2b0: {  	[hbm4b:s26+s18] =	stream.linear.scatter [tilespmem:s19], [sflag:$0x1], $0x6400, $0x38;
	[tilespmem:$0xC880] =	vst v63  }
0x2b1: {  	s29 =	sld [smem:$0x7F2]  }
0x2b2: {  	[hbm4b:s28+s18] =	stream.linear.scatter [tilespmem:s19], [sflag:$0x1], $0x6400, $0x38;
	[tilespmem:$0xC880] =	vst v63  }
0x2b3: {  	s30 =	sld [smem:$0x7F9]  }
0x2b4: {  	[hbm4b:s29+s18] =	stream.linear.scatter [tilespmem:s19], [sflag:$0x1], $0x6400, $0x38;
	[tilespmem:$0xC880] =	vst v63  }
.Ltmp3:
0x2b5: {  	_ = 	snop;
	(pc) =	sbr.rel @p0 .LBB2_7-.Ltmp3, $4  }
0x2b6: {  	s31 =	sld [smem:$0x7F3]  }
0x2b7: {  	[hbm4b:s30+s18] =	stream.linear.scatter [tilespmem:s19], [sflag:$0x1], $0x6400, $0x38;
	[tilespmem:$0xC880] =	vst v63  }
0x2b8: {  	s2 =	sld [smem:$0x7E6];
	s23 =	simm.s32 $0x0  }
0x2b9: {  	[hbm4b:s31+s18] =	stream.linear.scatter [tilespmem:s19], [sflag:$0x1], $0x6400, $0x38;
	[tilespmem:$0xC880] =	vst v63  }
0x2ba: {  	s6 =	sld [smem:$0x7FD];
	_ =	sdelay $0x2  }
0x2bb: {  	s5 =	sadd.s32 $0xFFFFFFFF, s6  }
0x2bc: {  	v36 =	vmov s5  }
0x2bd: {  	s0 =	simm.s32 $0x0  }
0x2be: {  	s9 =	simm.s32 $0x0;
	s1 =	simm.s32 $0x70;
	s2 =	simm.s32 $0x20  }
0x2bf: {  	s4 =	simm.s32 $0x50;
	s3 =	simm.s32 $0x10;
	s7 =	simm.s32 $0x80;
	v37 =	vmov s6  }
0x2c0: {  	s8 =	simm.s32 $0x380;
	s18 =	simm.s32 $0x30;
	s14 =	simm.s32 $0x180  }
0x2c1: {  	s20 =	simm.s32 $0x100;
	s19 =	sand.u32 $0x70, s0;
	s16 =	sand.u32 $0xFC00, s9;
	v38 =	vld.idx.msk [tilespmem:v36+s23+$0x0], $0xffff  }
0x2c2: {  	s10 =	simm.s32 $0x60;
	s21 =	sor.u32 s19, s16;
	s16 =	sand.u32 $0x70, s1  }
0x2c3: {  	s22 =	simm.s32 $0x280;
	s3 =	sand.u32 $0x70, s3;
	[smem:$0x7DE] =	sst s16  }
0x2c4: {  	s11 =	simm.s32 $0x300;
	s2 =	sand.u32 $0x70, s2;
	v36 =	vld.idx.msk [tilespmem:v37+s23+$0x0], $0xffff;
	[smem:$0x7DC] =	sst s3  }
0x2c5: {  	s24 =	simm.s32 $0x40;
	s17 =	sand.u32 $0x7FFFFC00, s7;
	[smem:$0x7DB] =	sst s2  }
0x2c6: {  	s26 =	simm.s32 $0x200;
	s1 =	sand.u32 $0x7FFFFC00, s20;
	s0 =	sor.u32 s3, s17;
	[tilespmem:s21+$0x6480] =	vst v38  }
0x2c7: {  	s15 =	sand.u32 $0x70, s18;
	s25 =	sand.u32 $0x7FFFFC00, s14;
	s1 =	sor.u32 s2, s1;
	[tilespmem:s0+$0x6480] =	vst v38  }
0x2c8: {  	s12 =	sand.u32 $0x7FFFFC00, s8;
	s14 =	sand.u32 $0x70, s24;
	s3 =	sor.u32 s15, s25;
	[tilespmem:s1+$0x6480] =	vst v38  }
0x2c9: {  	s13 =	sand.u32 $0x70, s4;
	s18 =	sand.u32 $0x70, s10;
	s6 =	sand.u32 $0x7FFFFC00, s26;
	[tilespmem:s3+$0x6480] =	vst v38  }
0x2ca: {  	s17 =	sand.u32 $0x7FFFFC00, s22;
	s8 =	sor.u32 s14, s6;
	[smem:$0x7DD] =	sst s18  }
0x2cb: {  	s20 =	sand.u32 $0x7FFFFC00, s11;
	s11 =	sor.u32 s13, s17;
	[tilespmem:s8+$0x6480] =	vst v38  }
0x2cc: {  	s7 =	simm.s32 $0x90;
	s10 =	sor.u32 s18, s20;
	[tilespmem:s11+$0x6480] =	vst v38  }
0x2cd: {  	s24 =	simm.s32 $0xA0;
	s22 =	simm.s32 $0x480;
	s4 =	sor.u32 s16, s12;
	[tilespmem:s10+$0x6480] =	vst v38  }
0x2ce: {  	s26 =	sand.u32 $0x70, s24;
	s17 =	simm.s32 $0x580;
	s25 =	sand.u32 $0x70, s7;
	[tilespmem:s4+$0x6480] =	vst v38  }
0x2cf: {  	s2 =	sand.u32 $0x7FFFFC00, s22;
	s7 =	simm.s32 $0x500;
	[smem:$0x7DF] =	sst s26  }
0x2d0: {  	s16 =	simm.s32 $0xB0;
	s2 =	sor.u32 s25, s2;
	s6 =	sand.u32 $0x7FFFFC00, s7;
	[tilespmem:s21+$0x6880] =	vst v38  }
0x2d1: {  	s24 =	sand.u32 $0x70, s16;
	s6 =	sor.u32 s26, s6;
	s18 =	sand.u32 $0x7FFFFC00, s17;
	[tilespmem:s2+$0x6480] =	vst v38  }
0x2d2: {  	s7 =	sor.u32 s24, s18;
	[tilespmem:s6+$0x6480] =	vst v38  }
0x2d3: {  	[tilespmem:s7+$0x6480] =	vst v38  }
0x2d4: {  	[tilespmem:s21+$0x6500] =	vst v38  }
0x2d5: {  	[tilespmem:s0+$0x6500] =	vst v38  }
0x2d6: {  	[tilespmem:s1+$0x6500] =	vst v38  }
0x2d7: {  	[tilespmem:s3+$0x6500] =	vst v38  }
0x2d8: {  	[tilespmem:s8+$0x6500] =	vst v38  }
0x2d9: {  	[tilespmem:s11+$0x6500] =	vst v38  }
0x2da: {  	[tilespmem:s10+$0x6500] =	vst v38  }
0x2db: {  	[tilespmem:s4+$0x6500] =	vst v38  }
0x2dc: {  	[tilespmem:s21+$0x6900] =	vst v38  }
0x2dd: {  	[tilespmem:s2+$0x6500] =	vst v38  }
0x2de: {  	[tilespmem:s6+$0x6500] =	vst v38  }
0x2df: {  	[tilespmem:s7+$0x6500] =	vst v38  }
0x2e0: {  	[tilespmem:s21+$0x6580] =	vst v38  }
0x2e1: {  	[tilespmem:s0+$0x6580] =	vst v38  }
0x2e2: {  	[tilespmem:s1+$0x6580] =	vst v38  }
0x2e3: {  	[tilespmem:s3+$0x6580] =	vst v38  }
0x2e4: {  	[tilespmem:s8+$0x6580] =	vst v38  }
0x2e5: {  	[tilespmem:s11+$0x6580] =	vst v38  }
0x2e6: {  	[tilespmem:s10+$0x6580] =	vst v38  }
0x2e7: {  	[tilespmem:s4+$0x6580] =	vst v38  }
0x2e8: {  	[tilespmem:s21+$0x6980] =	vst v38  }
0x2e9: {  	[tilespmem:s2+$0x6580] =	vst v38  }
0x2ea: {  	[tilespmem:s6+$0x6580] =	vst v38  }
0x2eb: {  	[tilespmem:s7+$0x6580] =	vst v38  }
0x2ec: {  	[tilespmem:s21+$0x6600] =	vst v38  }
0x2ed: {  	[tilespmem:s0+$0x6600] =	vst v38  }
0x2ee: {  	[tilespmem:s1+$0x6600] =	vst v38  }
0x2ef: {  	[tilespmem:s3+$0x6600] =	vst v38  }
0x2f0: {  	[tilespmem:s8+$0x6600] =	vst v38  }
0x2f1: {  	[tilespmem:s11+$0x6600] =	vst v38  }
0x2f2: {  	[tilespmem:s10+$0x6600] =	vst v38  }
0x2f3: {  	[tilespmem:s4+$0x6600] =	vst v38  }
0x2f4: {  	[tilespmem:s21+$0x6A00] =	vst v38  }
0x2f5: {  	[tilespmem:s2+$0x6600] =	vst v38  }
0x2f6: {  	[tilespmem:s6+$0x6600] =	vst v38  }
0x2f7: {  	[tilespmem:s7+$0x6600] =	vst v38  }
0x2f8: {  	[tilespmem:s21+$0x6680] =	vst v36  }
0x2f9: {  	[tilespmem:s0+$0x6680] =	vst v36  }
0x2fa: {  	[tilespmem:s1+$0x6680] =	vst v36  }
0x2fb: {  	[tilespmem:s3+$0x6680] =	vst v36  }
0x2fc: {  	[tilespmem:s8+$0x6680] =	vst v36  }
0x2fd: {  	[tilespmem:s11+$0x6680] =	vst v36  }
0x2fe: {  	[tilespmem:s10+$0x6680] =	vst v36  }
0x2ff: {  	[tilespmem:s4+$0x6680] =	vst v36  }
0x300: {  	[tilespmem:s21+$0x6A80] =	vst v36  }
0x301: {  	[tilespmem:s2+$0x6680] =	vst v36  }
0x302: {  	[tilespmem:s6+$0x6680] =	vst v36  }
0x303: {  	[tilespmem:s7+$0x6680] =	vst v36  }
0x304: {  	[tilespmem:s21+$0x6700] =	vst v36  }
0x305: {  	[tilespmem:s0+$0x6700] =	vst v36  }
0x306: {  	[tilespmem:s1+$0x6700] =	vst v36  }
0x307: {  	[tilespmem:s3+$0x6700] =	vst v36  }
0x308: {  	[tilespmem:s8+$0x6700] =	vst v36  }
0x309: {  	[tilespmem:s11+$0x6700] =	vst v36  }
0x30a: {  	[tilespmem:s10+$0x6700] =	vst v36  }
0x30b: {  	[tilespmem:s4+$0x6700] =	vst v36  }
0x30c: {  	[tilespmem:s21+$0x6B00] =	vst v36  }
0x30d: {  	[tilespmem:s2+$0x6700] =	vst v36  }
0x30e: {  	[tilespmem:s6+$0x6700] =	vst v36  }
0x30f: {  	[tilespmem:s7+$0x6700] =	vst v36  }
0x310: {  	[tilespmem:s21+$0x6780] =	vst v36  }
0x311: {  	[tilespmem:s0+$0x6780] =	vst v36  }
0x312: {  	[tilespmem:s1+$0x6780] =	vst v36  }
0x313: {  	[tilespmem:s3+$0x6780] =	vst v36  }
0x314: {  	s28 =	sadd.s32 $0xFFFFFFFF, s5;
	[tilespmem:s8+$0x6780] =	vst v36  }
0x315: {  	s12 =	simm.s32 $0x130;
	v62 =	vmov s28;
	[tilespmem:s11+$0x6780] =	vst v36  }
0x316: {  	s20 =	simm.s32 $0xD0;
	v63 =	vmov s5;
	s5 =	sand.u32 $0x70, s12;
	[tilespmem:s10+$0x6780] =	vst v36;
	s10 =	simm.s32 $0x140  }
0x317: {  	s22 =	simm.s32 $0x680;
	s16 =	simm.s32 $0xE0;
	[tilespmem:s4+$0x6780] =	vst v36;
	s4 =	sand.u32 $0x70, s10  }
0x318: {  	s30 =	sand.u32 $0x70, s16;
	s16 =	simm.s32 $0x900;
	[smem:$0x7E1] =	sst s4  }
0x319: {  	s17 =	simm.s32 $0xF0;
	s18 =	simm.s32 $0x700;
	s26 =	sor.u32 s19, s9;
	[tilespmem:s21+$0x6B80] =	vst v36  }
0x31a: {  	s9 =	sand.u32 $0xFC00, s22;
	s22 =	sand.u32 $0x70, s17;
	v39 =	vld.idx.msk [tilespmem:v62+s23+$0x0], $0xffff;
	[smem:$0x7E0] =	sst s5  }
0x31b: {  	s19 =	sand.u32 $0x7FFFFC00, s18;
	s18 =	simm.s32 $0x980;
	s1 =	sor.u32 $0x380, s26;
	[tilespmem:s2+$0x6780] =	vst v36  }
0x31c: {  	s3 =	simm.s32 $0x100;
	s8 =	sand.u32 $0x70, s20;
	s20 =	simm.s32 $0x780;
	[tilespmem:s6+$0x6780] =	vst v36  }
0x31d: {  	s26 =	sor.u32 s8, s9;
	s11 =	simm.s32 $0x120;
	s9 =	simm.s32 $0x800;
	[tilespmem:s7+$0x6780] =	vst v36  }
0x31e: {  	s31 =	sand.u32 $0x70, s11;
	s0 =	sand.u32 $0x7FFFFC00, s9;
	s11 =	simm.s32 $0x880;
	[tilespmem:s1+$0x6480] =	vst v36  }
0x31f: {  	s10 =	simm.s32 $0x110;
	s2 =	sand.u32 $0x7FFFFC00, s20;
	v37 =	vld.idx.msk [tilespmem:v63+s23+$0x0], $0xffff;
	s7 =	sor.u32 s30, s19;
	[tilespmem:s26+$0x6480] =	vst v39  }
0x320: {  	s12 =	sand.u32 $0x7FFFFC00, s11;
	s20 =	sand.u32 $0x70, s3;
	s6 =	sor.u32 s22, s2;
	[tilespmem:s7+$0x6480] =	vst v39  }
0x321: {  	s11 =	simm.s32 $0x170;
	s17 =	sand.u32 $0x70, s10;
	s0 =	sor.u32 s20, s0;
	[tilespmem:s6+$0x6480] =	vst v39  }
0x322: {  	s10 =	simm.s32 $0xB00;
	s2 =	sor.u32 s17, s12;
	s1 =	sand.u32 $0x7FFFFC00, s16;
	[tilespmem:s0+$0x6480] =	vst v39  }
0x323: {  	s3 =	sand.u32 $0x7FFFFC00, s18;
	s19 =	simm.s32 $0xA00;
	s1 =	sor.u32 s31, s1;
	[tilespmem:s2+$0x6480] =	vst v39  }
0x324: {  	s5 =	sor.u32 s5, s3;
	s12 =	simm.s32 $0xB80;
	s23 =	sand.u32 $0x7FFFFC00, s19;
	[tilespmem:s1+$0x6480] =	vst v39  }
0x325: {  	s3 =	sand.u32 $0x7FFFFC00, s12;
	s9 =	sor.u32 s4, s23;
	s4 =	simm.s32 $0x160;
	[tilespmem:s5+$0x6480] =	vst v39  }
0x326: {  	s16 =	sand.u32 $0x70, s11;
	s18 =	sand.u32 $0x70, s4;
	s4 =	sand.u32 $0x7FFFFC00, s10;
	[tilespmem:s9+$0x6480] =	vst v39  }
0x327: {  	s19 =	simm.s32 $0x180;
	s23 =	simm.s32 $0xC00;
	s4 =	sor.u32 s18, s4;
	[tilespmem:s26+$0x6880] =	vst v39  }
0x328: {  	s3 =	sor.u32 s16, s3;
	s12 =	sand.u32 $0x70, s19;
	s29 =	sand.u32 $0x7FFFFC00, s23;
	[tilespmem:s4+$0x6480] =	vst v39  }
0x329: {  	s29 =	sor.u32 s12, s29;
	[tilespmem:s3+$0x6480] =	vst v39  }
0x32a: {  	[tilespmem:s29+$0x6480] =	vst v39  }
0x32b: {  	[tilespmem:s26+$0x6500] =	vst v39  }
0x32c: {  	[tilespmem:s7+$0x6500] =	vst v39  }
0x32d: {  	[tilespmem:s6+$0x6500] =	vst v39  }
0x32e: {  	[tilespmem:s0+$0x6500] =	vst v39  }
0x32f: {  	[tilespmem:s2+$0x6500] =	vst v39  }
0x330: {  	[tilespmem:s1+$0x6500] =	vst v39  }
0x331: {  	[tilespmem:s5+$0x6500] =	vst v39  }
0x332: {  	[tilespmem:s9+$0x6500] =	vst v39  }
0x333: {  	[tilespmem:s26+$0x6900] =	vst v39  }
0x334: {  	[tilespmem:s4+$0x6500] =	vst v39  }
0x335: {  	[tilespmem:s3+$0x6500] =	vst v39  }
0x336: {  	[tilespmem:s29+$0x6500] =	vst v39  }
0x337: {  	[tilespmem:s26+$0x6580] =	vst v39  }
0x338: {  	[tilespmem:s7+$0x6580] =	vst v39  }
0x339: {  	[tilespmem:s6+$0x6580] =	vst v39  }
0x33a: {  	[tilespmem:s0+$0x6580] =	vst v39  }
0x33b: {  	[tilespmem:s2+$0x6580] =	vst v39  }
0x33c: {  	[tilespmem:s1+$0x6580] =	vst v39  }
0x33d: {  	[tilespmem:s5+$0x6580] =	vst v39  }
0x33e: {  	[tilespmem:s9+$0x6580] =	vst v39  }
0x33f: {  	[tilespmem:s26+$0x6980] =	vst v39  }
0x340: {  	[tilespmem:s4+$0x6580] =	vst v39  }
0x341: {  	[tilespmem:s3+$0x6580] =	vst v39  }
0x342: {  	[tilespmem:s29+$0x6580] =	vst v39  }
0x343: {  	[tilespmem:s26+$0x6600] =	vst v39  }
0x344: {  	[tilespmem:s7+$0x6600] =	vst v39  }
0x345: {  	[tilespmem:s6+$0x6600] =	vst v39  }
0x346: {  	[tilespmem:s0+$0x6600] =	vst v39  }
0x347: {  	[tilespmem:s2+$0x6600] =	vst v39  }
0x348: {  	[tilespmem:s1+$0x6600] =	vst v39  }
0x349: {  	[tilespmem:s5+$0x6600] =	vst v39  }
0x34a: {  	[tilespmem:s9+$0x6600] =	vst v39  }
0x34b: {  	[tilespmem:s26+$0x6A00] =	vst v39  }
0x34c: {  	[tilespmem:s4+$0x6600] =	vst v39  }
0x34d: {  	[tilespmem:s3+$0x6600] =	vst v39  }
0x34e: {  	[tilespmem:s29+$0x6600] =	vst v39  }
0x34f: {  	[tilespmem:s26+$0x6680] =	vst v37  }
0x350: {  	[tilespmem:s7+$0x6680] =	vst v37  }
0x351: {  	[tilespmem:s6+$0x6680] =	vst v37  }
0x352: {  	[tilespmem:s0+$0x6680] =	vst v37  }
0x353: {  	[tilespmem:s2+$0x6680] =	vst v37  }
0x354: {  	[tilespmem:s1+$0x6680] =	vst v37  }
0x355: {  	[tilespmem:s5+$0x6680] =	vst v37  }
0x356: {  	[tilespmem:s9+$0x6680] =	vst v37  }
0x357: {  	[tilespmem:s26+$0x6A80] =	vst v37  }
0x358: {  	[tilespmem:s4+$0x6680] =	vst v37  }
0x359: {  	[tilespmem:s3+$0x6680] =	vst v37  }
0x35a: {  	[tilespmem:s29+$0x6680] =	vst v37  }
0x35b: {  	[tilespmem:s26+$0x6700] =	vst v37  }
0x35c: {  	[tilespmem:s7+$0x6700] =	vst v37  }
0x35d: {  	[tilespmem:s6+$0x6700] =	vst v37  }
0x35e: {  	[tilespmem:s0+$0x6700] =	vst v37  }
0x35f: {  	[tilespmem:s2+$0x6700] =	vst v37  }
0x360: {  	[tilespmem:s1+$0x6700] =	vst v37  }
0x361: {  	[tilespmem:s5+$0x6700] =	vst v37  }
0x362: {  	[tilespmem:s9+$0x6700] =	vst v37  }
0x363: {  	[tilespmem:s26+$0x6B00] =	vst v37  }
0x364: {  	[tilespmem:s4+$0x6700] =	vst v37  }
0x365: {  	[tilespmem:s3+$0x6700] =	vst v37  }
0x366: {  	[tilespmem:s29+$0x6700] =	vst v37  }
0x367: {  	[tilespmem:s26+$0x6780] =	vst v37  }
0x368: {  	[tilespmem:s7+$0x6780] =	vst v37  }
0x369: {  	s23 =	sld [smem:$0x7DB];
	_ =	sdelay $0x1  }
0x36a: {  	s19 =	simm.s32 $0x100  }
0x36b: {  	s10 =	sor.u32 s19, s23;
	s23 =	sld [smem:$0x7DC];
	_ =	sdelay $0x1  }
0x36c: {  	s19 =	simm.s32 $0x80  }
0x36d: {  	s7 =	sor.u32 s19, s23  }
0x36e: {  	[smem:$0x7E2] =	sst s7  }
0x36f: {  	s11 =	simm.s32 $0x180;
	[tilespmem:s6+$0x6780] =	vst v37  }
0x370: {  	s11 =	sor.u32 s11, s15;
	s15 =	simm.s32 $0x200;
	s23 =	sld [smem:$0x7DD]  }
0x371: {  	s15 =	sor.u32 s15, s14;
	s14 =	simm.s32 $0x280  }
0x372: {  	s13 =	sor.u32 s14, s13;
	s19 =	simm.s32 $0x300  }
0x373: {  	s14 =	sor.u32 s19, s23;
	s19 =	sld [smem:$0x7DE];
	s23 =	simm.s32 $0x480;
	[tilespmem:s0+$0x6780] =	vst v37  }
0x374: {  	s25 =	sor.u32 s23, s25;
	s23 =	sld [smem:$0x7DF]  }
0x375: {  	s7 =	simm.s32 $0x380  }
0x376: {  	s19 =	sor.u32 s7, s19;
	s7 =	simm.s32 $0x500  }
0x377: {  	[tilespmem:s2+$0x6780] =	vst v37;
	s2 =	simm.s32 $0x800;
	s23 =	sor.u32 s7, s23;
	s7 =	simm.s32 $0x680  }
0x378: {  	s8 =	sor.u32 s8, s7;
	s7 =	sor.u32 s2, s20;
	s20 =	simm.s32 $0x780  }
0x379: {  	s0 =	sor.u32 s20, s22  }
0x37a: {  	[dreg:$0x3] =	wrdreg s0  }
0x37b: {  	[tilespmem:s1+$0x6780] =	vst v37;
	s1 =	simm.s32 $0x700  }
0x37c: {  	s6 =	simm.s32 $0x580;
	s0 =	sor.u32 s1, s30  }
0x37d: {  	s24 =	sor.u32 s6, s24;
	[dreg:$0x4] =	wrdreg s0  }
0x37e: {  	s6 =	simm.s32 $0x880;
	s22 =	simm.s32 $0x900;
	s1 =	sld [smem:$0x7E0];
	[tilespmem:s5+$0x6780] =	vst v37  }
0x37f: {  	s6 =	sor.u32 s6, s17;
	s17 =	sor.u32 s22, s31;
	s22 =	sld [smem:$0x7E1];
	[tilespmem:s9+$0x6780] =	vst v37  }
0x380: {  	s15 =	sor.u32 $0x380, s15;
	[tilespmem:s26+$0x6B80] =	vst v37  }
0x381: {  	s13 =	sor.u32 $0x380, s13;
	s2 =	simm.s32 $0x980;
	s30 =	sor.u32 $0x380, s10;
	[tilespmem:s4+$0x6780] =	vst v37  }
0x382: {  	s5 =	simm.s32 $0xA00;
	s20 =	sor.u32 s2, s1;
	s9 =	simm.s32 $0xC00;
	[tilespmem:s3+$0x6780] =	vst v37  }
0x383: {  	s1 =	sor.u32 s9, s12;
	s12 =	sor.u32 $0x380, s11;
	s11 =	sld [smem:$0x7E2]  }
0x384: {  	s2 =	simm.s32 $0xB00;
	s22 =	sor.u32 s5, s22;
	s5 =	simm.s32 $0xB80  }
0x385: {  	s31 =	sor.u32 s2, s18;
	s18 =	simm.s32 $0x65;
	s2 =	sor.u32 s5, s16  }
0x386: {  	s16 =	sor.u32 $0x380, s14;
	s14 =	sor.u32 $0x380, s19;
	s19 =	sor.u32 $0x380, s11  }
0x387: {  	s4 =	sor.u32 $0x380, s23;
	s5 =	sor.u32 $0x380, s24;
	s11 =	sor.u32 $0x380, s25;
	[tilespmem:s19+$0x6480] =	vst v36  }
.LBB2_5:
0x388: {  	[dreg:$0x19] =	wrdreg s7  }
0x389: {  	[dreg:$0x15] =	wrdreg s17  }
0x38a: {  	[dreg:$0x14] =	wrdreg s22  }
0x38b: {  	[dreg:$0x12] =	wrdreg s6  }
0x38c: {  	[dreg:$0xf] =	wrdreg s2  }
0x38d: {  	[dreg:$0xe] =	wrdreg s1  }
0x38e: {  	[dreg:$0xa] =	wrdreg s20  }
0x38f: {  	[dreg:$0x8] =	wrdreg s31;
	s9 =	sshrl.u32 s18, $0x2  }
0x390: {  	s10 =	smov.u32 s28;
	s28 =	sadd.s32 $0xFFFFFFFF, s28;
	s3 =	smov.u32 s18  }
0x391: {  	s0 =	sadd.s32 $0x31, s18;
	s19 =	sor.u32 $0x380, s8;
	s6 =	simm.s32 $0x0  }
0x392: {  	[tilespmem:s30+$0x6480] =	vst v36;
	[dreg:$0x6] =	wrdreg s0;
	s3 =	sshll.u32 s9, $0x4;
	s9 =	sshll.u32 s9, $0x7  }
0x393: {  	v38 =	vmov s28;
	[tilespmem:s12+$0x6480] =	vst v36;
	s7 =	sand.u32 $0x70, s3;
	s24 =	sand.u32 $0xFC00, s9;
	s17 =	sadd.s32 $0x70, s3  }
0x394: {  	[tilespmem:s15+$0x6480] =	vst v36;
	s31 =	sadd.s32 $0x20, s3;
	s22 =	sadd.s32 $0x50, s3;
	s15 =	sadd.s32 $0x90, s3  }
0x395: {  	s8 =	sor.u32 s7, s9;
	[tilespmem:s13+$0x6480] =	vst v36;
	s13 =	sadd.s32 $0x10, s3;
	s23 =	sshll.u32 s17, $0x3  }
0x396: {  	s9 =	sadd.s32 $0xB0, s3;
	s30 =	sor.u32 s7, s24;
	s20 =	sand.u32 $0x70, s17;
	[tilespmem:s16+$0x6480] =	vst v36  }
0x397: {  	v39 =	vmov s10;
	s10 =	sshll.u32 s15, $0x3;
	s1 =	sshll.u32 s31, $0x3;
	s7 =	sadd.s32 $0x60, s3;
	[tilespmem:s14+$0x6480] =	vst v36  }
0x398: {  	s0 =	sand.u32 $0x70, s22;
	s31 =	sand.u32 $0x70, s31;
	s24 =	sshll.u32 s13, $0x3;
	v38 =	vld.idx.msk [tilespmem:v38+s6+$0x0], $0xffff;
	[tilespmem:s21+$0x6C00] =	vst v36  }
0x399: {  	s25 =	sshll.u32 s9, $0x3;
	s2 =	sand.u32 $0x7FFFFC00, s23;
	s17 =	sand.u32 $0x70, s7;
	[tilespmem:s11+$0x6480] =	vst v36  }
0x39a: {  	s12 =	sand.u32 $0x7FFFFC00, s24;
	s14 =	sadd.s32 $0x30, s3;
	s21 =	sshll.u32 s7, $0x3;
	[tilespmem:s4+$0x6480] =	vst v36  }
0x39b: {  	s16 =	sshll.u32 s14, $0x3;
	s4 =	sshll.u32 s22, $0x3;
	s22 =	sand.u32 $0x7FFFFC00, s21;
	[tilespmem:s5+$0x6480] =	vst v36;
	v36 =	vmov v37  }
0x39c: {  	s5 =	sand.u32 $0x7FFFFC00, s4;
	[tilespmem:s29+$0x6780] =	vst v36;
	s29 =	sand.u32 $0x70, s13;
	s13 =	sand.u32 $0x7FFFFC00, s1  }
0x39d: {  	v37 =	vld.idx.msk [tilespmem:v39+s6+$0x0], $0xffff;
	[tilespmem:s19+$0x6480] =	vst v36;
	s12 =	sor.u32 s29, s12;
	s11 =	sor.u32 s31, s13;
	s19 =	sadd.s32 $0x40, s3  }
0x39e: {  	s6 =	sand.u32 $0x70, s14;
	s14 =	sand.u32 $0x7FFFFC00, s16;
	s3 =	sadd.s32 $0xA0, s3;
	[tilespmem:s30+$0x6480] =	vst v38  }
0x39f: {  	s7 =	sshll.u32 s19, $0x3;
	s13 =	sor.u32 s6, s14;
	s19 =	sand.u32 $0x70, s19;
	[tilespmem:s12+$0x6480] =	vst v38  }
0x3a0: {  	s6 =	sor.u32 s16, s6;
	s16 =	sor.u32 s0, s5;
	s14 =	sand.u32 $0x7FFFFC00, s7;
	[tilespmem:s11+$0x6480] =	vst v38  }
0x3a1: {  	s5 =	sor.u32 s1, s31;
	s0 =	sor.u32 s4, s0;
	s14 =	sor.u32 s19, s14;
	[tilespmem:s13+$0x6480] =	vst v38  }
0x3a2: {  	s31 =	sor.u32 s24, s29;
	[dreg:$0x1c] =	wrdreg s6;
	s19 =	sor.u32 s7, s19;
	[tilespmem:s14+$0x6480] =	vst v38  }
0x3a3: {  	s4 =	sor.u32 s20, s2;
	[dreg:$0x1a] =	wrdreg s19;
	s19 =	sor.u32 s17, s22;
	[tilespmem:s16+$0x6480] =	vst v38  }
0x3a4: {  	s24 =	sor.u32 s23, s20;
	[dreg:$0x1b] =	wrdreg s0;
	s6 =	sand.u32 $0x70, s15;
	[tilespmem:s19+$0x6480] =	vst v38  }
0x3a5: {  	s15 =	sand.u32 $0x7FFFFC00, s10;
	s22 =	sor.u32 s21, s17;
	s17 =	sshll.u32 s3, $0x3;
	[tilespmem:s4+$0x6480] =	vst v38  }
0x3a6: {  	s0 =	sand.u32 $0x70, s3;
	s23 =	sor.u32 s6, s15;
	s20 =	sand.u32 $0x7FFFFC00, s17;
	[tilespmem:s30+$0x6880] =	vst v38  }
0x3a7: {  	s21 =	sand.u32 $0x70, s9;
	s9 =	sand.u32 $0x7FFFFC00, s25;
	s3 =	sor.u32 s0, s20;
	[tilespmem:s23+$0x6480] =	vst v38  }
0x3a8: {  	s29 =	sor.u32 s21, s9;
	[tilespmem:s3+$0x6480] =	vst v38  }
0x3a9: {  	[tilespmem:s29+$0x6480] =	vst v38  }
0x3aa: {  	[tilespmem:s30+$0x6500] =	vst v38  }
0x3ab: {  	[tilespmem:s12+$0x6500] =	vst v38  }
0x3ac: {  	[tilespmem:s11+$0x6500] =	vst v38  }
0x3ad: {  	[tilespmem:s13+$0x6500] =	vst v38  }
0x3ae: {  	[tilespmem:s14+$0x6500] =	vst v38  }
0x3af: {  	[tilespmem:s16+$0x6500] =	vst v38  }
0x3b0: {  	[tilespmem:s19+$0x6500] =	vst v38  }
0x3b1: {  	s25 =	sor.u32 s25, s21;
	s21 =	smov.u32 s26;
	s26 =	smov.u32 s30;
	[tilespmem:s4+$0x6500] =	vst v38  }
0x3b2: {  	[tilespmem:s26+$0x6900] =	vst v38  }
0x3b3: {  	[tilespmem:s23+$0x6500] =	vst v38  }
0x3b4: {  	[tilespmem:s3+$0x6500] =	vst v38  }
0x3b5: {  	[tilespmem:s29+$0x6500] =	vst v38  }
0x3b6: {  	[tilespmem:s26+$0x6580] =	vst v38  }
0x3b7: {  	[tilespmem:s12+$0x6580] =	vst v38  }
0x3b8: {  	[tilespmem:s11+$0x6580] =	vst v38  }
0x3b9: {  	[tilespmem:s13+$0x6580] =	vst v38  }
0x3ba: {  	[tilespmem:s14+$0x6580] =	vst v38  }
0x3bb: {  	[tilespmem:s16+$0x6580] =	vst v38  }
0x3bc: {  	[tilespmem:s19+$0x6580] =	vst v38  }
0x3bd: {  	[tilespmem:s4+$0x6580] =	vst v38  }
0x3be: {  	[tilespmem:s26+$0x6980] =	vst v38  }
0x3bf: {  	[tilespmem:s23+$0x6580] =	vst v38  }
0x3c0: {  	[tilespmem:s3+$0x6580] =	vst v38  }
0x3c1: {  	[tilespmem:s29+$0x6580] =	vst v38  }
0x3c2: {  	[tilespmem:s26+$0x6600] =	vst v38  }
0x3c3: {  	[tilespmem:s12+$0x6600] =	vst v38  }
0x3c4: {  	[tilespmem:s11+$0x6600] =	vst v38  }
0x3c5: {  	[tilespmem:s13+$0x6600] =	vst v38  }
0x3c6: {  	[tilespmem:s14+$0x6600] =	vst v38  }
0x3c7: {  	[tilespmem:s16+$0x6600] =	vst v38  }
0x3c8: {  	[tilespmem:s19+$0x6600] =	vst v38  }
0x3c9: {  	[tilespmem:s4+$0x6600] =	vst v38  }
0x3ca: {  	[tilespmem:s26+$0x6A00] =	vst v38  }
0x3cb: {  	[tilespmem:s23+$0x6600] =	vst v38  }
0x3cc: {  	[tilespmem:s3+$0x6600] =	vst v38  }
0x3cd: {  	[tilespmem:s29+$0x6600] =	vst v38  }
0x3ce: {  	[tilespmem:s26+$0x6680] =	vst v37  }
0x3cf: {  	[tilespmem:s12+$0x6680] =	vst v37  }
0x3d0: {  	[tilespmem:s11+$0x6680] =	vst v37  }
0x3d1: {  	[tilespmem:s13+$0x6680] =	vst v37  }
0x3d2: {  	[tilespmem:s14+$0x6680] =	vst v37  }
0x3d3: {  	[tilespmem:s16+$0x6680] =	vst v37  }
0x3d4: {  	[tilespmem:s19+$0x6680] =	vst v37  }
0x3d5: {  	[tilespmem:s4+$0x6680] =	vst v37  }
0x3d6: {  	[tilespmem:s26+$0x6A80] =	vst v37  }
0x3d7: {  	[tilespmem:s23+$0x6680] =	vst v37  }
0x3d8: {  	[tilespmem:s3+$0x6680] =	vst v37  }
0x3d9: {  	[tilespmem:s29+$0x6680] =	vst v37  }
0x3da: {  	[tilespmem:s26+$0x6700] =	vst v37  }
0x3db: {  	[tilespmem:s12+$0x6700] =	vst v37  }
0x3dc: {  	[tilespmem:s11+$0x6700] =	vst v37  }
0x3dd: {  	[tilespmem:s13+$0x6700] =	vst v37  }
0x3de: {  	[tilespmem:s14+$0x6700] =	vst v37  }
0x3df: {  	[tilespmem:s16+$0x6700] =	vst v37  }
0x3e0: {  	s2 =	rddreg [dreg:$0xa];
	[tilespmem:s19+$0x6700] =	vst v37  }
0x3e1: {  	s15 =	rddreg [dreg:$0x1c];
	[tilespmem:s4+$0x6700] =	vst v37  }
0x3e2: {  	s1 =	rddreg [dreg:$0x1b];
	[tilespmem:s26+$0x6B00] =	vst v37  }
0x3e3: {  	s9 =	sor.u32 s10, s6;
	s10 =	sor.u32 s17, s0;
	s17 =	rddreg [dreg:$0x12];
	[tilespmem:s23+$0x6700] =	vst v37  }
0x3e4: {  	p1 =	sne.s32 s18, $0x2E2;
	s18 =	rddreg [dreg:$0x1a];
	[tilespmem:s3+$0x6700] =	vst v37  }
0x3e5: {  	s20 =	rddreg [dreg:$0x15];
	[tilespmem:s29+$0x6700] =	vst v37  }
0x3e6: {  	s6 =	smov.u32 s18;
	s18 =	rddreg [dreg:$0x8];
	[tilespmem:s26+$0x6780] =	vst v37  }
0x3e7: {  	[tilespmem:s12+$0x6780] =	vst v37;
	s12 =	smov.u32 s5;
	s5 =	rddreg [dreg:$0x14]  }
0x3e8: {  	[tilespmem:s11+$0x6780] =	vst v37;
	s11 =	rddreg [dreg:$0x3]  }
0x3e9: {  	s7 =	smov.u32 s15;
	[dreg:$0x3] =	wrdreg s12;
	[tilespmem:s13+$0x6780] =	vst v37  }
0x3ea: {  	s15 =	sor.u32 $0x380, s17;
	s17 =	smov.u32 s1;
	s13 =	rddreg [dreg:$0x19];
	[tilespmem:s14+$0x6780] =	vst v37  }
0x3eb: {  	s1 =	smov.u32 s25;
	s30 =	sor.u32 $0x380, s11;
	s11 =	rddreg [dreg:$0x4];
	[tilespmem:s16+$0x6780] =	vst v37  }
0x3ec: {  	s12 =	sor.u32 $0x380, s13;
	s13 =	sor.u32 $0x380, s20;
	s20 =	smov.u32 s22;
	[tilespmem:s19+$0x6780] =	vst v37  }
.Ltmp4:
0x3ed: {  	s14 =	sor.u32 $0x380, s5;
	s22 =	smov.u32 s24;
	[tilespmem:s4+$0x6780] =	vst v37;
	(pc) =	sbr.rel @p1 .LBB2_5-.Ltmp4, $4  }
0x3ee: {  	s0 =	sor.u32 $0x380, s11;
	s11 =	sor.u32 $0x380, s18;
	s24 =	rddreg [dreg:$0xe];
	[tilespmem:s26+$0x6B80] =	vst v37  }
0x3ef: {  	s18 =	rddreg [dreg:$0x6];
	s16 =	sor.u32 $0x380, s2;
	s2 =	smov.u32 s10;
	[tilespmem:s23+$0x6780] =	vst v37  }
0x3f0: {  	s5 =	sor.u32 $0x380, s24;
	s19 =	smov.u32 s31;
	s23 =	rddreg [dreg:$0xf];
	[tilespmem:s3+$0x6780] =	vst v37  }
0x3f1: {  	s31 =	smov.u32 s9;
	[dreg:$0x4] =	wrdreg s19;
	s4 =	sor.u32 $0x380, s23;
	[tilespmem:s0+$0x6480] =	vst v36  }
.Ltmp5:
0x3f2: {  	_ = 	snop;
	(pc) =	sbr.rel .LBB2_6-.Ltmp5, $1  }
0x3f3: {  	_ =	sdelay $0x3  }
.LBB2_8:
0x3f4: {  	_ =	sfence.sel $0x180000  }
0x3f5: {  	[bflag:$0x0] =	sbarrier.arrive $0xFFFF  }
0x3f6: {  	_ =	strace $0x90000047  }
0x3f7: {  	s0 =	stileid.u32;
	[bflag:$0x2] =	sbarrier.arrive $0xFFFF  }
0x3f8: {  	p0 =	sne.s32 s0, $0x0;
	s0 =	rddreg [dreg:$0x2]  }
0x3f9: {  	s0 =	sadd.s32 @!p0 $0x100000, s0  }
0x3fa: {  	[sflag:s0] =	ssyncadd.tile.s32 @!p0 $0x1;
	_ =	shalt  }
.Lfunc_end2:
_tile_overlayer_lowered:
.L_overlay_start_2:
0x3fb: {  	(tag) =	ssettag $0x2  }
0x3fc: {  	s0 =	rddreg [dreg:$0x0];
	s2 =	stileid.u32  }
0x3fd: {  	s1 =	rddreg [dreg:$0x1];
	p0 =	sne.s32 s2, $0x0  }
0x3fe: {  	s3 =	rddreg [dreg:$0x2];
	[bflag:$0x3] =	sbarrier.arrive $0xFFFF;
	s2 =	simm.s32 @!p0 $0x1C03  }
0x3ff: {  	[timem:s3], [sflag:s2] =	dma.local @!p0 [hbm:s0], s1  }
0x400: {  	s0 =	simm.s32 @!p0 $0x3  }
0x401: {  	_ =	swait.ge @!p0 [sflag:s0], s1  }
0x402: {  	s1 =	ssub.s32 @!p0 $0x0, s1;
	[sflag:s0] =	ssyncset.done @!p0 $0x0  }
0x403: {  	[sflag:s0] =	ssyncadd.s32 @!p0 s1  }
0x404: {  	[bflag:$0x3] =	sbarrier.arrive $0xFFFF  }
0x405: {  	_ =	shalt  }

</sc_bundles>
